<compile_context>
chip_gen: v7x
topology: tpu7x:2x2x1
jax: 0.10.2.dev20260603
libtpu: 0.0.44.dev20260713+nightly
codegen_flags: <defaults>
</compile_context>

<pallas_src>
import functools

import jax
import jax.numpy as jnp
from jax import lax
from jax.experimental import pallas as pl
from jax.experimental.pallas import tpu as pltpu
from jax.experimental.pallas import tpu_sc as plsc

BATCH = 4096
NUM_FIELDS = 26
EMBED_DIM = 16
VOCAB = 1000000

NUM_CORES = 2
NUM_SUBCORES = 16
NW = NUM_CORES * NUM_SUBCORES
CHUNK = 128
NBLK = BATCH // CHUNK

RUN = 1024
NFULL = VOCAB // RUN
TAIL_ROWS = 512
LAST64 = VOCAB - NFULL * RUN - TAIL_ROWS
RPW = NFULL // NW
NFREM = NFULL % NW

_mesh = plsc.VectorSubcoreMesh(core_axis_name="c", subcore_axis_name="s")


@functools.partial(
    pl.kernel,
    mesh=_mesh,
    out_type=jax.ShapeDtypeStruct((VOCAB * EMBED_DIM,), jnp.float32),
    scratch_types=[
        pltpu.VMEM((EMBED_DIM, RUN + 8), jnp.float32),
        pltpu.VMEM((EMBED_DIM, RUN + 8), jnp.float32),
        pltpu.VMEM((RUN * EMBED_DIM,), jnp.float32),
        pltpu.VMEM((RUN * EMBED_DIM,), jnp.float32),
        pltpu.SemaphoreType.DMA,
        pltpu.SemaphoreType.DMA,
        pltpu.SemaphoreType.DMA,
    ],
    compiler_params=pltpu.CompilerParams(use_tc_tiling_on_sc=True,
                                         needs_layout_passes=False),
)
def _transpose_kernel(tab_hbm, tail_hbm, out_hbm, in_a, in_b, ob_a, ob_b,
                      sem_a, sem_b, sem_o):
    w = lax.axis_index("s") * NUM_CORES + lax.axis_index("c")
    nruns = jnp.where(w < NFREM, RPW + 1, RPW)

    iota = lax.iota(jnp.int32, 16)

    def fire_load(k, ibuf, sem):
        r0 = (w + k * NW) * RUN
        return [
            pltpu.async_copy(tab_hbm.at[pl.ds(0, 8), pl.ds(r0, RUN)],
                             ibuf.at[pl.ds(0, 8), pl.ds(0, RUN)], sem),
            pltpu.async_copy(tab_hbm.at[pl.ds(8, 8), pl.ds(r0, RUN)],
                             ibuf.at[pl.ds(8, 8), pl.ds(0, RUN)], sem),
        ]

    i8 = iota & 7
    hi = iota >> 3
    vst_base = hi * EMBED_DIM + i8

    def transpose_run(ibuf, obuf, nrows):
        iota16x = iota * EMBED_DIM

        def body(i, _):
            base = i * (16 * EMBED_DIM)
            for cl in range(EMBED_DIM):
                v = ibuf[cl, pl.ds(i * 16, 16)]
                plsc.store_scatter(obuf, [iota16x + (base + cl)], v)
            return 0

        lax.fori_loop(0, nrows // 16, body, 0, unroll=2)

    def write_run(k, obuf, nrows):
        r0 = (w + k * NW) * RUN
        cp = pltpu.async_copy(
            obuf.at[pl.ds(0, nrows * EMBED_DIM)],
            out_hbm.at[pl.ds(r0 * EMBED_DIM, nrows * EMBED_DIM)],
            sem_o)
        cp.wait()

    def half(k, ibuf, obuf, sem_cur, ibuf_nxt, sem_nxt):
        @pl.when(k + 1 < nruns)
        def _():
            fire_load(k + 1, ibuf_nxt, sem_nxt)

        @pl.when(k < nruns)
        def _():
            pltpu.make_async_copy(
                tab_hbm.at[pl.ds(0, 8), pl.ds(0, RUN)],
                ibuf.at[pl.ds(0, 8), pl.ds(0, RUN)], sem_cur).wait()
            pltpu.make_async_copy(
                tab_hbm.at[pl.ds(8, 8), pl.ds(0, RUN)],
                ibuf.at[pl.ds(8, 8), pl.ds(0, RUN)], sem_cur).wait()
            transpose_run(ibuf, obuf, RUN)
            write_run(k, obuf, RUN)

    fire_load(0, in_a, sem_a)

    def loop(i, _):
        k = i * 2
        half(k, in_a, ob_a, sem_a, in_b, sem_b)
        half(k + 1, in_b, ob_b, sem_b, in_a, sem_a)
        return 0

    lax.fori_loop(0, (RPW + 2) // 2, loop, 0)

    @pl.when(w == NW - 1)
    def _tail():
        r0 = NFULL * RUN
        cps = [
            pltpu.async_copy(
                tab_hbm.at[pl.ds(0, 8), pl.ds(r0, TAIL_ROWS)],
                in_a.at[pl.ds(0, 8), pl.ds(0, TAIL_ROWS)], sem_a),
            pltpu.async_copy(
                tab_hbm.at[pl.ds(8, 8), pl.ds(r0, TAIL_ROWS)],
                in_a.at[pl.ds(8, 8), pl.ds(0, TAIL_ROWS)], sem_a),
        ]
        for cp in cps:
            cp.wait()
        transpose_run(in_a, ob_a, TAIL_ROWS)
        cp = pltpu.async_copy(
            ob_a.at[pl.ds(0, TAIL_ROWS * EMBED_DIM)],
            out_hbm.at[pl.ds(r0 * EMBED_DIM, TAIL_ROWS * EMBED_DIM)],
            sem_o)
        cp.wait()
        pltpu.sync_copy(tail_hbm, ob_b.at[pl.ds(0, LAST64 * EMBED_DIM)])
        pltpu.sync_copy(
            ob_b.at[pl.ds(0, LAST64 * EMBED_DIM)],
            out_hbm.at[pl.ds((VOCAB - LAST64) * EMBED_DIM,
                             LAST64 * EMBED_DIM)])


@functools.partial(
    pl.kernel,
    mesh=_mesh,
    out_type=jax.ShapeDtypeStruct((NUM_FIELDS, 2, NBLK, 8, CHUNK),
                                  jnp.float32),
    scratch_types=[
        pltpu.VMEM((NUM_FIELDS, CHUNK), jnp.int32),
        pltpu.VMEM((NUM_FIELDS, CHUNK, EMBED_DIM), jnp.float32),
        pltpu.VMEM((EMBED_DIM, CHUNK), jnp.float32),
        pltpu.SemaphoreType.DMA,
        pltpu.SemaphoreType.DMA,
    ],
    compiler_params=pltpu.CompilerParams(use_tc_tiling_on_sc=False,
                                         needs_layout_passes=False),
)
def _gather_kernel(idx_hbm, table_hbm, out_hbm,
                   idx_all, rows_all, obuf, sem_i, sem_g):
    w = lax.axis_index("s") * NUM_CORES + lax.axis_index("c")
    col = w * CHUNK

    idx_copies = [
        pltpu.async_copy(idx_hbm.at[f, pl.ds(col, CHUNK)],
                         idx_all.at[f], sem_i)
        for f in range(NUM_FIELDS)
    ]
    for cp in idx_copies:
        cp.wait()

    row_copies = [
        pltpu.async_copy(table_hbm.at[idx_all.at[f]],
                         rows_all.at[f], sem_g)
        for f in range(NUM_FIELDS)
    ]
    for cp in row_copies:
        cp.wait()

    lanes = lax.iota(jnp.int32, 16)

    def field_body(f, _):
        def col_body(c, _):
            cvec = jnp.zeros((16,), jnp.int32) + c
            for k in range(CHUNK // 16):
                v = plsc.load_gather(rows_all.at[f],
                                     [k * 16 + lanes, cvec])
                obuf[c, pl.ds(k * 16, 16)] = v
            return 0
        lax.fori_loop(0, EMBED_DIM, col_body, 0)
        pltpu.sync_copy(obuf.at[pl.ds(0, 8)], out_hbm.at[f, 0, w])
        pltpu.sync_copy(obuf.at[pl.ds(8, 8)], out_hbm.at[f, 1, w])
        return 0

    lax.fori_loop(0, NUM_FIELDS, field_body, 0)


def kernel(sparse_input, table):
    tail_flat = table[VOCAB - LAST64:].reshape(LAST64 * EMBED_DIM)
    table_rm = _transpose_kernel(table.T, tail_flat).reshape(VOCAB,
                                                             EMBED_DIM)
    idx_t = sparse_input.T
    out6 = _gather_kernel(idx_t, table_rm)
    return out6.transpose(2, 4, 0, 1, 3).reshape(BATCH, NUM_FIELDS,
                                                 EMBED_DIM)

# --- scband reference (transcript-rebuilt; emitter-appended) ---
"""Pipeline reference for scband-base-ctr-41463614275915 (READ-ONLY COPY).

The authoritative reference and input builder live on the scoring server;
editing this copy changes nothing except your own understanding.
"""

import jax, jax.numpy as jnp
import numpy as np

BATCH = 4096
NUM_FIELDS = 26
VOCAB = 1000000
EMBED_DIM = 16


def setup_inputs(seed: int = 0) -> dict:
    key = jax.random.key(seed)
    k_idx, k_tab = jax.random.split(key)
    sparse_input = jax.random.randint(k_idx, (BATCH, NUM_FIELDS), 0, VOCAB, dtype=jnp.int64 if jax.config.jax_enable_x64 else jnp.int32).astype(jnp.int32)
    table = jax.random.normal(k_tab, (VOCAB, EMBED_DIM), dtype=jnp.float32) * 0.01
    return {"sparse_input": sparse_input, "table": table}


def reference(sparse_input, table):
    # BaseCTR.forward_embed: dense_input = self.embedding_layer(sparse_input)
    # Embedding lookup per (batch, field) index into the shared table ->
    # output shape [B, num_fields, embedding_dim]
    dense_input = jnp.take(table, sparse_input, axis=0)
    return dense_input

if __name__ == "__main__":
    import jax
    _d = setup_inputs()
    print(jax.jit(kernel)(*tuple(_d.values())))

</pallas_src>

<mosaic_0001>
#map = affine_map<(d0, d1) -> (0, 0)>
#map1 = affine_map<(d0, d1) -> (0, 0, 0, 0, 0)>
module attributes {stable_mosaic.version = 14 : i64} {
  func.func @_gather_kernel(%arg0: i32, %arg1: i32, %arg2: memref<26x4096xi32, #tpu.memory_space<hbm>>, %arg3: memref<1000000x16xf32, #tpu.memory_space<hbm>>, %arg4: memref<26x2x32x8x128xf32, #tpu.memory_space<hbm>>, %arg5: memref<26x128xi32, #tpu.memory_space<vmem>>, %arg6: memref<26x128x16xf32, #tpu.memory_space<vmem>>, %arg7: memref<16x128xf32, #tpu.memory_space<vmem>>, %arg8: memref<!tpu.dma_semaphore, #tpu.memory_space<semaphore_mem>>, %arg9: memref<!tpu.dma_semaphore, #tpu.memory_space<semaphore_mem>>) attributes {dimension_semantics = [#tpu.dimension_semantics<core_parallel>, #tpu.dimension_semantics<subcore_parallel>], iteration_bounds = array<i64: 2, 16>, scalar_prefetch = 0 : i64, scratch_operands = 5 : i64, tpu.core_type = #tpu.core_type<sc_vector_subcore>, window_params = [{transform_indices = #map}, {transform_indices = #map}, {transform_indices = #map1}]} {
    %mul3A = arith.constant 2 : i32
    %mul3A_0 = arith.muli %arg1, %mul3A : i32
    %add3A = arith.addi %mul3A_0, %arg0 : i32
    %mul3A_1 = arith.constant 128 : i32
    %mul3A_2 = arith.muli %add3A, %mul3A_1 : i32
    %dma_start3A = arith.constant 0 : i32
    %dma_start3A_3 = arith.constant 0 : i32
    %dma_start3A_4 = arith.constant 0 : i32
    %dma_start3A_5 = tpu.memref_slice %arg5[%dma_start3A_3, %dma_start3A_4] : memref<26x128xi32, #tpu.memory_space<vmem>> -> memref<1x128xi32, #tpu.memory_space<vmem>>
    %dma_start3A_6 = tpu.memref_squeeze %dma_start3A_5 : memref<1x128xi32, #tpu.memory_space<vmem>> -> memref<128xi32, #tpu.memory_space<vmem>>
    %dma_start3A_7 = tpu.memref_slice %arg2[%dma_start3A, %mul3A_2] : memref<26x4096xi32, #tpu.memory_space<hbm>> -> memref<1x128xi32, #tpu.memory_space<hbm>>
    %dma_start3A_8 = tpu.memref_squeeze %dma_start3A_7 : memref<1x128xi32, #tpu.memory_space<hbm>> -> memref<128xi32, #tpu.memory_space<hbm>>
    %dma_start3A_9 = arith.constant 0 : i32
    %dma_start3A_10 = tpu.memref_slice %arg5[%dma_start3A_3, %dma_start3A_9] : memref<26x128xi32, #tpu.memory_space<vmem>> -> memref<1x128xi32, #tpu.memory_space<vmem>>
    %dma_start3A_11 = tpu.memref_squeeze %dma_start3A_10 : memref<1x128xi32, #tpu.memory_space<vmem>> -> memref<128xi32, #tpu.memory_space<vmem>>
    %dma_start3A_12 = tpu.memref_slice %arg2[%dma_start3A, %mul3A_2] : memref<26x4096xi32, #tpu.memory_space<hbm>> -> memref<1x128xi32, #tpu.memory_space<hbm>>
    %dma_start3A_13 = tpu.memref_squeeze %dma_start3A_12 : memref<1x128xi32, #tpu.memory_space<hbm>> -> memref<128xi32, #tpu.memory_space<hbm>>
    tpu.enqueue_dma source(%dma_start3A_13 : memref<128xi32, #tpu.memory_space<hbm>>) target(%dma_start3A_11 : memref<128xi32, #tpu.memory_space<vmem>>) target_semaphore(%arg8 : memref<!tpu.dma_semaphore, #tpu.memory_space<semaphore_mem>>)
    %dma_start3A_14 = arith.constant 1 : i32
    %dma_start3A_15 = arith.constant 1 : i32
    %dma_start3A_16 = arith.constant 0 : i32
    %dma_start3A_17 = tpu.memref_slice %arg5[%dma_start3A_15, %dma_start3A_16] : memref<26x128xi32, #tpu.memory_space<vmem>> -> memref<1x128xi32, #tpu.memory_space<vmem>>
    %dma_start3A_18 = tpu.memref_squeeze %dma_start3A_17 : memref<1x128xi32, #tpu.memory_space<vmem>> -> memref<128xi32, #tpu.memory_space<vmem>>
    %dma_start3A_19 = tpu.memref_slice %arg2[%dma_start3A_14, %mul3A_2] : memref<26x4096xi32, #tpu.memory_space<hbm>> -> memref<1x128xi32, #tpu.memory_space<hbm>>
    %dma_start3A_20 = tpu.memref_squeeze %dma_start3A_19 : memref<1x128xi32, #tpu.memory_space<hbm>> -> memref<128xi32, #tpu.memory_space<hbm>>
    %dma_start3A_21 = arith.constant 0 : i32
    %dma_start3A_22 = tpu.memref_slice %arg5[%dma_start3A_15, %dma_start3A_21] : memref<26x128xi32, #tpu.memory_space<vmem>> -> memref<1x128xi32, #tpu.memory_space<vmem>>
    %dma_start3A_23 = tpu.memref_squeeze %dma_start3A_22 : memref<1x128xi32, #tpu.memory_space<vmem>> -> memref<128xi32, #tpu.memory_space<vmem>>
    %dma_start3A_24 = tpu.memref_slice %arg2[%dma_start3A_14, %mul3A_2] : memref<26x4096xi32, #tpu.memory_space<hbm>> -> memref<1x128xi32, #tpu.memory_space<hbm>>
    %dma_start3A_25 = tpu.memref_squeeze %dma_start3A_24 : memref<1x128xi32, #tpu.memory_space<hbm>> -> memref<128xi32, #tpu.memory_space<hbm>>
    tpu.enqueue_dma source(%dma_start3A_25 : memref<128xi32, #tpu.memory_space<hbm>>) target(%dma_start3A_23 : memref<128xi32, #tpu.memory_space<vmem>>) target_semaphore(%arg8 : memref<!tpu.dma_semaphore, #tpu.memory_space<semaphore_mem>>)
    %dma_start3A_26 = arith.constant 2 : i32
    %dma_start3A_27 = arith.constant 2 : i32
    %dma_start3A_28 = arith.constant 0 : i32
    %dma_start3A_29 = tpu.memref_slice %arg5[%dma_start3A_27, %dma_start3A_28] : memref<26x128xi32, #tpu.memory_space<vmem>> -> memref<1x128xi32, #tpu.memory_space<vmem>>
    %dma_start3A_30 = tpu.memref_squeeze %dma_start3A_29 : memref<1x128xi32, #tpu.memory_space<vmem>> -> memref<128xi32, #tpu.memory_space<vmem>>
    %dma_start3A_31 = tpu.memref_slice %arg2[%dma_start3A_26, %mul3A_2] : memref<26x4096xi32, #tpu.memory_space<hbm>> -> memref<1x128xi32, #tpu.memory_space<hbm>>
    %dma_start3A_32 = tpu.memref_squeeze %dma_start3A_31 : memref<1x128xi32, #tpu.memory_space<hbm>> -> memref<128xi32, #tpu.memory_space<hbm>>
    %dma_start3A_33 = arith.constant 0 : i32
    %dma_start3A_34 = tpu.memref_slice %arg5[%dma_start3A_27, %dma_start3A_33] : memref<26x128xi32, #tpu.memory_space<vmem>> -> memref<1x128xi32, #tpu.memory_space<vmem>>
    %dma_start3A_35 = tpu.memref_squeeze %dma_start3A_34 : memref<1x128xi32, #tpu.memory_space<vmem>> -> memref<128xi32, #tpu.memory_space<vmem>>
    %dma_start3A_36 = tpu.memref_slice %arg2[%dma_start3A_26, %mul3A_2] : memref<26x4096xi32, #tpu.memory_space<hbm>> -> memref<1x128xi32, #tpu.memory_space<hbm>>
    %dma_start3A_37 = tpu.memref_squeeze %dma_start3A_36 : memref<1x128xi32, #tpu.memory_space<hbm>> -> memref<128xi32, #tpu.memory_space<hbm>>
    tpu.enqueue_dma source(%dma_start3A_37 : memref<128xi32, #tpu.memory_space<hbm>>) target(%dma_start3A_35 : memref<128xi32, #tpu.memory_space<vmem>>) target_semaphore(%arg8 : memref<!tpu.dma_semaphore, #tpu.memory_space<semaphore_mem>>)
    %dma_start3A_38 = arith.constant 3 : i32
    %dma_start3A_39 = arith.constant 3 : i32
    %dma_start3A_40 = arith.constant 0 : i32
    %dma_start3A_41 = tpu.memref_slice %arg5[%dma_start3A_39, %dma_start3A_40] : memref<26x128xi32, #tpu.memory_space<vmem>> -> memref<1x128xi32, #tpu.memory_space<vmem>>
    %dma_start3A_42 = tpu.memref_squeeze %dma_start3A_41 : memref<1x128xi32, #tpu.memory_space<vmem>> -> memref<128xi32, #tpu.memory_space<vmem>>
    %dma_start3A_43 = tpu.memref_slice %arg2[%dma_start3A_38, %mul3A_2] : memref<26x4096xi32, #tpu.memory_space<hbm>> -> memref<1x128xi32, #tpu.memory_space<hbm>>
    %dma_start3A_44 = tpu.memref_squeeze %dma_start3A_43 : memref<1x128xi32, #tpu.memory_space<hbm>> -> memref<128xi32, #tpu.memory_space<hbm>>
    %dma_start3A_45 = arith.constant 0 : i32
    %dma_start3A_46 = tpu.memref_slice %arg5[%dma_start3A_39, %dma_start3A_45] : memref<26x128xi32, #tpu.memory_space<vmem>> -> memref<1x128xi32, #tpu.memory_space<vmem>>
    %dma_start3A_47 = tpu.memref_squeeze %dma_start3A_46 : memref<1x128xi32, #tpu.memory_space<vmem>> -> memref<128xi32, #tpu.memory_space<vmem>>
    %dma_start3A_48 = tpu.memref_slice %arg2[%dma_start3A_38, %mul3A_2] : memref<26x4096xi32, #tpu.memory_space<hbm>> -> memref<1x128xi32, #tpu.memory_space<hbm>>
    %dma_start3A_49 = tpu.memref_squeeze %dma_start3A_48 : memref<1x128xi32, #tpu.memory_space<hbm>> -> memref<128xi32, #tpu.memory_space<hbm>>
    tpu.enqueue_dma source(%dma_start3A_49 : memref<128xi32, #tpu.memory_space<hbm>>) target(%dma_start3A_47 : memref<128xi32, #tpu.memory_space<vmem>>) target_semaphore(%arg8 : memref<!tpu.dma_semaphore, #tpu.memory_space<semaphore_mem>>)
    %dma_start3A_50 = arith.constant 4 : i32
    %dma_start3A_51 = arith.constant 4 : i32
    %dma_start3A_52 = arith.constant 0 : i32
    %dma_start3A_53 = tpu.memref_slice %arg5[%dma_start3A_51, %dma_start3A_52] : memref<26x128xi32, #tpu.memory_space<vmem>> -> memref<1x128xi32, #tpu.memory_space<vmem>>
    %dma_start3A_54 = tpu.memref_squeeze %dma_start3A_53 : memref<1x128xi32, #tpu.memory_space<vmem>> -> memref<128xi32, #tpu.memory_space<vmem>>
    %dma_start3A_55 = tpu.memref_slice %arg2[%dma_start3A_50, %mul3A_2] : memref<26x4096xi32, #tpu.memory_space<hbm>> -> memref<1x128xi32, #tpu.memory_space<hbm>>
    %dma_start3A_56 = tpu.memref_squeeze %dma_start3A_55 : memref<1x128xi32, #tpu.memory_space<hbm>> -> memref<128xi32, #tpu.memory_space<hbm>>
    %dma_start3A_57 = arith.constant 0 : i32
    %dma_start3A_58 = tpu.memref_slice %arg5[%dma_start3A_51, %dma_start3A_57] : memref<26x128xi32, #tpu.memory_space<vmem>> -> memref<1x128xi32, #tpu.memory_space<vmem>>
    %dma_start3A_59 = tpu.memref_squeeze %dma_start3A_58 : memref<1x128xi32, #tpu.memory_space<vmem>> -> memref<128xi32, #tpu.memory_space<vmem>>
    %dma_start3A_60 = tpu.memref_slice %arg2[%dma_start3A_50, %mul3A_2] : memref<26x4096xi32, #tpu.memory_space<hbm>> -> memref<1x128xi32, #tpu.memory_space<hbm>>
    %dma_start3A_61 = tpu.memref_squeeze %dma_start3A_60 : memref<1x128xi32, #tpu.memory_space<hbm>> -> memref<128xi32, #tpu.memory_space<hbm>>
    tpu.enqueue_dma source(%dma_start3A_61 : memref<128xi32, #tpu.memory_space<hbm>>) target(%dma_start3A_59 : memref<128xi32, #tpu.memory_space<vmem>>) target_semaphore(%arg8 : memref<!tpu.dma_semaphore, #tpu.memory_space<semaphore_mem>>)
    %dma_start3A_62 = arith.constant 5 : i32
    %dma_start3A_63 = arith.constant 5 : i32
    %dma_start3A_64 = arith.constant 0 : i32
    %dma_start3A_65 = tpu.memref_slice %arg5[%dma_start3A_63, %dma_start3A_64] : memref<26x128xi32, #tpu.memory_space<vmem>> -> memref<1x128xi32, #tpu.memory_space<vmem>>
    %dma_start3A_66 = tpu.memref_squeeze %dma_start3A_65 : memref<1x128xi32, #tpu.memory_space<vmem>> -> memref<128xi32, #tpu.memory_space<vmem>>
    %dma_start3A_67 = tpu.memref_slice %arg2[%dma_start3A_62, %mul3A_2] : memref<26x4096xi32, #tpu.memory_space<hbm>> -> memref<1x128xi32, #tpu.memory_space<hbm>>
    %dma_start3A_68 = tpu.memref_squeeze %dma_start3A_67 : memref<1x128xi32, #tpu.memory_space<hbm>> -> memref<128xi32, #tpu.memory_space<hbm>>
    %dma_start3A_69 = arith.constant 0 : i32
    %dma_start3A_70 = tpu.memref_slice %arg5[%dma_start3A_63, %dma_start3A_69] : memref<26x128xi32, #tpu.memory_space<vmem>> -> memref<1x128xi32, #tpu.memory_space<vmem>>
    %dma_start3A_71 = tpu.memref_squeeze %dma_start3A_70 : memref<1x128xi32, #tpu.memory_space<vmem>> -> memref<128xi32, #tpu.memory_space<vmem>>
    %dma_start3A_72 = tpu.memref_slice %arg2[%dma_start3A_62, %mul3A_2] : memref<26x4096xi32, #tpu.memory_space<hbm>> -> memref<1x128xi32, #tpu.memory_space<hbm>>
    %dma_start3A_73 = tpu.memref_squeeze %dma_start3A_72 : memref<1x128xi32, #tpu.memory_space<hbm>> -> memref<128xi32, #tpu.memory_space<hbm>>
    tpu.enqueue_dma source(%dma_start3A_73 : memref<128xi32, #tpu.memory_space<hbm>>) target(%dma_start3A_71 : memref<128xi32, #tpu.memory_space<vmem>>) target_semaphore(%arg8 : memref<!tpu.dma_semaphore, #tpu.memory_space<semaphore_mem>>)
    %dma_start3A_74 = arith.constant 6 : i32
    %dma_start3A_75 = arith.constant 6 : i32
    %dma_start3A_76 = arith.constant 0 : i32
    %dma_start3A_77 = tpu.memref_slice %arg5[%dma_start3A_75, %dma_start3A_76] : memref<26x128xi32, #tpu.memory_space<vmem>> -> memref<1x128xi32, #tpu.memory_space<vmem>>
    %dma_start3A_78 = tpu.memref_squeeze %dma_start3A_77 : memref<1x128xi32, #tpu.memory_space<vmem>> -> memref<128xi32, #tpu.memory_space<vmem>>
    %dma_start3A_79 = tpu.memref_slice %arg2[%dma_start3A_74, %mul3A_2] : memref<26x4096xi32, #tpu.memory_space<hbm>> -> memref<1x128xi32, #tpu.memory_space<hbm>>
    %dma_start3A_80 = tpu.memref_squeeze %dma_start3A_79 : memref<1x128xi32, #tpu.memory_space<hbm>> -> memref<128xi32, #tpu.memory_space<hbm>>
    %dma_start3A_81 = arith.constant 0 : i32
    %dma_start3A_82 = tpu.memref_slice %arg5[%dma_start3A_75, %dma_start3A_81] : memref<26x128xi32, #tpu.memory_space<vmem>> -> memref<1x128xi32, #tpu.memory_space<vmem>>
    %dma_start3A_83 = tpu.memref_squeeze %dma_start3A_82 : memref<1x128xi32, #tpu.memory_space<vmem>> -> memref<128xi32, #tpu.memory_space<vmem>>
    %dma_start3A_84 = tpu.memref_slice %arg2[%dma_start3A_74, %mul3A_2] : memref<26x4096xi32, #tpu.memory_space<hbm>> -> memref<1x128xi32, #tpu.memory_space<hbm>>
    %dma_start3A_85 = tpu.memref_squeeze %dma_start3A_84 : memref<1x128xi32, #tpu.memory_space<hbm>> -> memref<128xi32, #tpu.memory_space<hbm>>
    tpu.enqueue_dma source(%dma_start3A_85 : memref<128xi32, #tpu.memory_space<hbm>>) target(%dma_start3A_83 : memref<128xi32, #tpu.memory_space<vmem>>) target_semaphore(%arg8 : memref<!tpu.dma_semaphore, #tpu.memory_space<semaphore_mem>>)
    %dma_start3A_86 = arith.constant 7 : i32
    %dma_start3A_87 = arith.constant 7 : i32
    %dma_start3A_88 = arith.constant 0 : i32
    %dma_start3A_89 = tpu.memref_slice %arg5[%dma_start3A_87, %dma_start3A_88] : memref<26x128xi32, #tpu.memory_space<vmem>> -> memref<1x128xi32, #tpu.memory_space<vmem>>
    %dma_start3A_90 = tpu.memref_squeeze %dma_start3A_89 : memref<1x128xi32, #tpu.memory_space<vmem>> -> memref<128xi32, #tpu.memory_space<vmem>>
    %dma_start3A_91 = tpu.memref_slice %arg2[%dma_start3A_86, %mul3A_2] : memref<26x4096xi32, #tpu.memory_space<hbm>> -> memref<1x128xi32, #tpu.memory_space<hbm>>
    %dma_start3A_92 = tpu.memref_squeeze %dma_start3A_91 : memref<1x128xi32, #tpu.memory_space<hbm>> -> memref<128xi32, #tpu.memory_space<hbm>>
    %dma_start3A_93 = arith.constant 0 : i32
    %dma_start3A_94 = tpu.memref_slice %arg5[%dma_start3A_87, %dma_start3A_93] : memref<26x128xi32, #tpu.memory_space<vmem>> -> memref<1x128xi32, #tpu.memory_space<vmem>>
    %dma_start3A_95 = tpu.memref_squeeze %dma_start3A_94 : memref<1x128xi32, #tpu.memory_space<vmem>> -> memref<128xi32, #tpu.memory_space<vmem>>
    %dma_start3A_96 = tpu.memref_slice %arg2[%dma_start3A_86, %mul3A_2] : memref<26x4096xi32, #tpu.memory_space<hbm>> -> memref<1x128xi32, #tpu.memory_space<hbm>>
    %dma_start3A_97 = tpu.memref_squeeze %dma_start3A_96 : memref<1x128xi32, #tpu.memory_space<hbm>> -> memref<128xi32, #tpu.memory_space<hbm>>
    tpu.enqueue_dma source(%dma_start3A_97 : memref<128xi32, #tpu.memory_space<hbm>>) target(%dma_start3A_95 : memref<128xi32, #tpu.memory_space<vmem>>) target_semaphore(%arg8 : memref<!tpu.dma_semaphore, #tpu.memory_space<semaphore_mem>>)
    %dma_start3A_98 = arith.constant 8 : i32
    %dma_start3A_99 = arith.constant 8 : i32
    %dma_start3A_100 = arith.constant 0 : i32
    %dma_start3A_101 = tpu.memref_slice %arg5[%dma_start3A_99, %dma_start3A_100] : memref<26x128xi32, #tpu.memory_space<vmem>> -> memref<1x128xi32, #tpu.memory_space<vmem>>
    %dma_start3A_102 = tpu.memref_squeeze %dma_start3A_101 : memref<1x128xi32, #tpu.memory_space<vmem>> -> memref<128xi32, #tpu.memory_space<vmem>>
    %dma_start3A_103 = tpu.memref_slice %arg2[%dma_start3A_98, %mul3A_2] : memref<26x4096xi32, #tpu.memory_space<hbm>> -> memref<1x128xi32, #tpu.memory_space<hbm>>
    %dma_start3A_104 = tpu.memref_squeeze %dma_start3A_103 : memref<1x128xi32, #tpu.memory_space<hbm>> -> memref<128xi32, #tpu.memory_space<hbm>>
    %dma_start3A_105 = arith.constant 0 : i32
    %dma_start3A_106 = tpu.memref_slice %arg5[%dma_start3A_99, %dma_start3A_105] : memref<26x128xi32, #tpu.memory_space<vmem>> -> memref<1x128xi32, #tpu.memory_space<vmem>>
    %dma_start3A_107 = tpu.memref_squeeze %dma_start3A_106 : memref<1x128xi32, #tpu.memory_space<vmem>> -> memref<128xi32, #tpu.memory_space<vmem>>
    %dma_start3A_108 = tpu.memref_slice %arg2[%dma_start3A_98, %mul3A_2] : memref<26x4096xi32, #tpu.memory_space<hbm>> -> memref<1x128xi32, #tpu.memory_space<hbm>>
    %dma_start3A_109 = tpu.memref_squeeze %dma_start3A_108 : memref<1x128xi32, #tpu.memory_space<hbm>> -> memref<128xi32, #tpu.memory_space<hbm>>
    tpu.enqueue_dma source(%dma_start3A_109 : memref<128xi32, #tpu.memory_space<hbm>>) target(%dma_start3A_107 : memref<128xi32, #tpu.memory_space<vmem>>) target_semaphore(%arg8 : memref<!tpu.dma_semaphore, #tpu.memory_space<semaphore_mem>>)
    %dma_start3A_110 = arith.constant 9 : i32
    %dma_start3A_111 = arith.constant 9 : i32
    %dma_start3A_112 = arith.constant 0 : i32
    %dma_start3A_113 = tpu.memref_slice %arg5[%dma_start3A_111, %dma_start3A_112] : memref<26x128xi32, #tpu.memory_space<vmem>> -> memref<1x128xi32, #tpu.memory_space<vmem>>
    %dma_start3A_114 = tpu.memref_squeeze %dma_start3A_113 : memref<1x128xi32, #tpu.memory_space<vmem>> -> memref<128xi32, #tpu.memory_space<vmem>>
    %dma_start3A_115 = tpu.memref_slice %arg2[%dma_start3A_110, %mul3A_2] : memref<26x4096xi32, #tpu.memory_space<hbm>> -> memref<1x128xi32, #tpu.memory_space<hbm>>
    %dma_start3A_116 = tpu.memref_squeeze %dma_start3A_115 : memref<1x128xi32, #tpu.memory_space<hbm>> -> memref<128xi32, #tpu.memory_space<hbm>>
    %dma_start3A_117 = arith.constant 0 : i32
    %dma_start3A_118 = tpu.memref_slice %arg5[%dma_start3A_111, %dma_start3A_117] : memref<26x128xi32, #tpu.memory_space<vmem>> -> memref<1x128xi32, #tpu.memory_space<vmem>>
    %dma_start3A_119 = tpu.memref_squeeze %dma_start3A_118 : memref<1x128xi32, #tpu.memory_space<vmem>> -> memref<128xi32, #tpu.memory_space<vmem>>
    %dma_start3A_120 = tpu.memref_slice %arg2[%dma_start3A_110, %mul3A_2] : memref<26x4096xi32, #tpu.memory_space<hbm>> -> memref<1x128xi32, #tpu.memory_space<hbm>>
    %dma_start3A_121 = tpu.memref_squeeze %dma_start3A_120 : memref<1x128xi32, #tpu.memory_space<hbm>> -> memref<128xi32, #tpu.memory_space<hbm>>
    tpu.enqueue_dma source(%dma_start3A_121 : memref<128xi32, #tpu.memory_space<hbm>>) target(%dma_start3A_119 : memref<128xi32, #tpu.memory_space<vmem>>) target_semaphore(%arg8 : memref<!tpu.dma_semaphore, #tpu.memory_space<semaphore_mem>>)
    %dma_start3A_122 = arith.constant 10 : i32
    %dma_start3A_123 = arith.constant 10 : i32
    %dma_start3A_124 = arith.constant 0 : i32
    %dma_start3A_125 = tpu.memref_slice %arg5[%dma_start3A_123, %dma_start3A_124] : memref<26x128xi32, #tpu.memory_space<vmem>> -> memref<1x128xi32, #tpu.memory_space<vmem>>
    %dma_start3A_126 = tpu.memref_squeeze %dma_start3A_125 : memref<1x128xi32, #tpu.memory_space<vmem>> -> memref<128xi32, #tpu.memory_space<vmem>>
    %dma_start3A_127 = tpu.memref_slice %arg2[%dma_start3A_122, %mul3A_2] : memref<26x4096xi32, #tpu.memory_space<hbm>> -> memref<1x128xi32, #tpu.memory_space<hbm>>
    %dma_start3A_128 = tpu.memref_squeeze %dma_start3A_127 : memref<1x128xi32, #tpu.memory_space<hbm>> -> memref<128xi32, #tpu.memory_space<hbm>>
    %dma_start3A_129 = arith.constant 0 : i32
    %dma_start3A_130 = tpu.memref_slice %arg5[%dma_start3A_123, %dma_start3A_129] : memref<26x128xi32, #tpu.memory_space<vmem>> -> memref<1x128xi32, #tpu.memory_space<vmem>>
    %dma_start3A_131 = tpu.memref_squeeze %dma_start3A_130 : memref<1x128xi32, #tpu.memory_space<vmem>> -> memref<128xi32, #tpu.memory_space<vmem>>
    %dma_start3A_132 = tpu.memref_slice %arg2[%dma_start3A_122, %mul3A_2] : memref<26x4096xi32, #tpu.memory_space<hbm>> -> memref<1x128xi32, #tpu.memory_space<hbm>>
    %dma_start3A_133 = tpu.memref_squeeze %dma_start3A_132 : memref<1x128xi32, #tpu.memory_space<hbm>> -> memref<128xi32, #tpu.memory_space<hbm>>
    tpu.enqueue_dma source(%dma_start3A_133 : memref<128xi32, #tpu.memory_space<hbm>>) target(%dma_start3A_131 : memref<128xi32, #tpu.memory_space<vmem>>) target_semaphore(%arg8 : memref<!tpu.dma_semaphore, #tpu.memory_space<semaphore_mem>>)
    %dma_start3A_134 = arith.constant 11 : i32
    %dma_start3A_135 = arith.constant 11 : i32
    %dma_start3A_136 = arith.constant 0 : i32
    %dma_start3A_137 = tpu.memref_slice %arg5[%dma_start3A_135, %dma_start3A_136] : memref<26x128xi32, #tpu.memory_space<vmem>> -> memref<1x128xi32, #tpu.memory_space<vmem>>
    %dma_start3A_138 = tpu.memref_squeeze %dma_start3A_137 : memref<1x128xi32, #tpu.memory_space<vmem>> -> memref<128xi32, #tpu.memory_space<vmem>>
    %dma_start3A_139 = tpu.memref_slice %arg2[%dma_start3A_134, %mul3A_2] : memref<26x4096xi32, #tpu.memory_space<hbm>> -> memref<1x128xi32, #tpu.memory_space<hbm>>
    %dma_start3A_140 = tpu.memref_squeeze %dma_start3A_139 : memref<1x128xi32, #tpu.memory_space<hbm>> -> memref<128xi32, #tpu.memory_space<hbm>>
    %dma_start3A_141 = arith.constant 0 : i32
    %dma_start3A_142 = tpu.memref_slice %arg5[%dma_start3A_135, %dma_start3A_141] : memref<26x128xi32, #tpu.memory_space<vmem>> -> memref<1x128xi32, #tpu.memory_space<vmem>>
    %dma_start3A_143 = tpu.memref_squeeze %dma_start3A_142 : memref<1x128xi32, #tpu.memory_space<vmem>> -> memref<128xi32, #tpu.memory_space<vmem>>
    %dma_start3A_144 = tpu.memref_slice %arg2[%dma_start3A_134, %mul3A_2] : memref<26x4096xi32, #tpu.memory_space<hbm>> -> memref<1x128xi32, #tpu.memory_space<hbm>>
    %dma_start3A_145 = tpu.memref_squeeze %dma_start3A_144 : memref<1x128xi32, #tpu.memory_space<hbm>> -> memref<128xi32, #tpu.memory_space<hbm>>
    tpu.enqueue_dma source(%dma_start3A_145 : memref<128xi32, #tpu.memory_space<hbm>>) target(%dma_start3A_143 : memref<128xi32, #tpu.memory_space<vmem>>) target_semaphore(%arg8 : memref<!tpu.dma_semaphore, #tpu.memory_space<semaphore_mem>>)
    %dma_start3A_146 = arith.constant 12 : i32
    %dma_start3A_147 = arith.constant 12 : i32
    %dma_start3A_148 = arith.constant 0 : i32
    %dma_start3A_149 = tpu.memref_slice %arg5[%dma_start3A_147, %dma_start3A_148] : memref<26x128xi32, #tpu.memory_space<vmem>> -> memref<1x128xi32, #tpu.memory_space<vmem>>
    %dma_start3A_150 = tpu.memref_squeeze %dma_start3A_149 : memref<1x128xi32, #tpu.memory_space<vmem>> -> memref<128xi32, #tpu.memory_space<vmem>>
    %dma_start3A_151 = tpu.memref_slice %arg2[%dma_start3A_146, %mul3A_2] : memref<26x4096xi32, #tpu.memory_space<hbm>> -> memref<1x128xi32, #tpu.memory_space<hbm>>
    %dma_start3A_152 = tpu.memref_squeeze %dma_start3A_151 : memref<1x128xi32, #tpu.memory_space<hbm>> -> memref<128xi32, #tpu.memory_space<hbm>>
    %dma_start3A_153 = arith.constant 0 : i32
    %dma_start3A_154 = tpu.memref_slice %arg5[%dma_start3A_147, %dma_start3A_153] : memref<26x128xi32, #tpu.memory_space<vmem>> -> memref<1x128xi32, #tpu.memory_space<vmem>>
    %dma_start3A_155 = tpu.memref_squeeze %dma_start3A_154 : memref<1x128xi32, #tpu.memory_space<vmem>> -> memref<128xi32, #tpu.memory_space<vmem>>
    %dma_start3A_156 = tpu.memref_slice %arg2[%dma_start3A_146, %mul3A_2] : memref<26x4096xi32, #tpu.memory_space<hbm>> -> memref<1x128xi32, #tpu.memory_space<hbm>>
    %dma_start3A_157 = tpu.memref_squeeze %dma_start3A_156 : memref<1x128xi32, #tpu.memory_space<hbm>> -> memref<128xi32, #tpu.memory_space<hbm>>
    tpu.enqueue_dma source(%dma_start3A_157 : memref<128xi32, #tpu.memory_space<hbm>>) target(%dma_start3A_155 : memref<128xi32, #tpu.memory_space<vmem>>) target_semaphore(%arg8 : memref<!tpu.dma_semaphore, #tpu.memory_space<semaphore_mem>>)
    %dma_start3A_158 = arith.constant 13 : i32
    %dma_start3A_159 = arith.constant 13 : i32
    %dma_start3A_160 = arith.constant 0 : i32
    %dma_start3A_161 = tpu.memref_slice %arg5[%dma_start3A_159, %dma_start3A_160] : memref<26x128xi32, #tpu.memory_space<vmem>> -> memref<1x128xi32, #tpu.memory_space<vmem>>
    %dma_start3A_162 = tpu.memref_squeeze %dma_start3A_161 : memref<1x128xi32, #tpu.memory_space<vmem>> -> memref<128xi32, #tpu.memory_space<vmem>>
    %dma_start3A_163 = tpu.memref_slice %arg2[%dma_start3A_158, %mul3A_2] : memref<26x4096xi32, #tpu.memory_space<hbm>> -> memref<1x128xi32, #tpu.memory_space<hbm>>
    %dma_start3A_164 = tpu.memref_squeeze %dma_start3A_163 : memref<1x128xi32, #tpu.memory_space<hbm>> -> memref<128xi32, #tpu.memory_space<hbm>>
    %dma_start3A_165 = arith.constant 0 : i32
    %dma_start3A_166 = tpu.memref_slice %arg5[%dma_start3A_159, %dma_start3A_165] : memref<26x128xi32, #tpu.memory_space<vmem>> -> memref<1x128xi32, #tpu.memory_space<vmem>>
    %dma_start3A_167 = tpu.memref_squeeze %dma_start3A_166 : memref<1x128xi32, #tpu.memory_space<vmem>> -> memref<128xi32, #tpu.memory_space<vmem>>
    %dma_start3A_168 = tpu.memref_slice %arg2[%dma_start3A_158, %mul3A_2] : memref<26x4096xi32, #tpu.memory_space<hbm>> -> memref<1x128xi32, #tpu.memory_space<hbm>>
    %dma_start3A_169 = tpu.memref_squeeze %dma_start3A_168 : memref<1x128xi32, #tpu.memory_space<hbm>> -> memref<128xi32, #tpu.memory_space<hbm>>
    tpu.enqueue_dma source(%dma_start3A_169 : memref<128xi32, #tpu.memory_space<hbm>>) target(%dma_start3A_167 : memref<128xi32, #tpu.memory_space<vmem>>) target_semaphore(%arg8 : memref<!tpu.dma_semaphore, #tpu.memory_space<semaphore_mem>>)
    %dma_start3A_170 = arith.constant 14 : i32
    %dma_start3A_171 = arith.constant 14 : i32
    %dma_start3A_172 = arith.constant 0 : i32
    %dma_start3A_173 = tpu.memref_slice %arg5[%dma_start3A_171, %dma_start3A_172] : memref<26x128xi32, #tpu.memory_space<vmem>> -> memref<1x128xi32, #tpu.memory_space<vmem>>
    %dma_start3A_174 = tpu.memref_squeeze %dma_start3A_173 : memref<1x128xi32, #tpu.memory_space<vmem>> -> memref<128xi32, #tpu.memory_space<vmem>>
    %dma_start3A_175 = tpu.memref_slice %arg2[%dma_start3A_170, %mul3A_2] : memref<26x4096xi32, #tpu.memory_space<hbm>> -> memref<1x128xi32, #tpu.memory_space<hbm>>
    %dma_start3A_176 = tpu.memref_squeeze %dma_start3A_175 : memref<1x128xi32, #tpu.memory_space<hbm>> -> memref<128xi32, #tpu.memory_space<hbm>>
    %dma_start3A_177 = arith.constant 0 : i32
    %dma_start3A_178 = tpu.memref_slice %arg5[%dma_start3A_171, %dma_start3A_177] : memref<26x128xi32, #tpu.memory_space<vmem>> -> memref<1x128xi32, #tpu.memory_space<vmem>>
    %dma_start3A_179 = tpu.memref_squeeze %dma_start3A_178 : memref<1x128xi32, #tpu.memory_space<vmem>> -> memref<128xi32, #tpu.memory_space<vmem>>
    %dma_start3A_180 = tpu.memref_slice %arg2[%dma_start3A_170, %mul3A_2] : memref<26x4096xi32, #tpu.memory_space<hbm>> -> memref<1x128xi32, #tpu.memory_space<hbm>>
    %dma_start3A_181 = tpu.memref_squeeze %dma_start3A_180 : memref<1x128xi32, #tpu.memory_space<hbm>> -> memref<128xi32, #tpu.memory_space<hbm>>
    tpu.enqueue_dma source(%dma_start3A_181 : memref<128xi32, #tpu.memory_space<hbm>>) target(%dma_start3A_179 : memref<128xi32, #tpu.memory_space<vmem>>) target_semaphore(%arg8 : memref<!tpu.dma_semaphore, #tpu.memory_space<semaphore_mem>>)
    %dma_start3A_182 = arith.constant 15 : i32
    %dma_start3A_183 = arith.constant 15 : i32
    %dma_start3A_184 = arith.constant 0 : i32
    %dma_start3A_185 = tpu.memref_slice %arg5[%dma_start3A_183, %dma_start3A_184] : memref<26x128xi32, #tpu.memory_space<vmem>> -> memref<1x128xi32, #tpu.memory_space<vmem>>
    %dma_start3A_186 = tpu.memref_squeeze %dma_start3A_185 : memref<1x128xi32, #tpu.memory_space<vmem>> -> memref<128xi32, #tpu.memory_space<vmem>>
    %dma_start3A_187 = tpu.memref_slice %arg2[%dma_start3A_182, %mul3A_2] : memref<26x4096xi32, #tpu.memory_space<hbm>> -> memref<1x128xi32, #tpu.memory_space<hbm>>
    %dma_start3A_188 = tpu.memref_squeeze %dma_start3A_187 : memref<1x128xi32, #tpu.memory_space<hbm>> -> memref<128xi32, #tpu.memory_space<hbm>>
    %dma_start3A_189 = arith.constant 0 : i32
    %dma_start3A_190 = tpu.memref_slice %arg5[%dma_start3A_183, %dma_start3A_189] : memref<26x128xi32, #tpu.memory_space<vmem>> -> memref<1x128xi32, #tpu.memory_space<vmem>>
    %dma_start3A_191 = tpu.memref_squeeze %dma_start3A_190 : memref<1x128xi32, #tpu.memory_space<vmem>> -> memref<128xi32, #tpu.memory_space<vmem>>
    %dma_start3A_192 = tpu.memref_slice %arg2[%dma_start3A_182, %mul3A_2] : memref<26x4096xi32, #tpu.memory_space<hbm>> -> memref<1x128xi32, #tpu.memory_space<hbm>>
    %dma_start3A_193 = tpu.memref_squeeze %dma_start3A_192 : memref<1x128xi32, #tpu.memory_space<hbm>> -> memref<128xi32, #tpu.memory_space<hbm>>
    tpu.enqueue_dma source(%dma_start3A_193 : memref<128xi32, #tpu.memory_space<hbm>>) target(%dma_start3A_191 : memref<128xi32, #tpu.memory_space<vmem>>) target_semaphore(%arg8 : memref<!tpu.dma_semaphore, #tpu.memory_space<semaphore_mem>>)
    %dma_start3A_194 = arith.constant 16 : i32
    %dma_start3A_195 = arith.constant 16 : i32
    %dma_start3A_196 = arith.constant 0 : i32
    %dma_start3A_197 = tpu.memref_slice %arg5[%dma_start3A_195, %dma_start3A_196] : memref<26x128xi32, #tpu.memory_space<vmem>> -> memref<1x128xi32, #tpu.memory_space<vmem>>
    %dma_start3A_198 = tpu.memref_squeeze %dma_start3A_197 : memref<1x128xi32, #tpu.memory_space<vmem>> -> memref<128xi32, #tpu.memory_space<vmem>>
    %dma_start3A_199 = tpu.memref_slice %arg2[%dma_start3A_194, %mul3A_2] : memref<26x4096xi32, #tpu.memory_space<hbm>> -> memref<1x128xi32, #tpu.memory_space<hbm>>
    %dma_start3A_200 = tpu.memref_squeeze %dma_start3A_199 : memref<1x128xi32, #tpu.memory_space<hbm>> -> memref<128xi32, #tpu.memory_space<hbm>>
    %dma_start3A_201 = arith.constant 0 : i32
    %dma_start3A_202 = tpu.memref_slice %arg5[%dma_start3A_195, %dma_start3A_201] : memref<26x128xi32, #tpu.memory_space<vmem>> -> memref<1x128xi32, #tpu.memory_space<vmem>>
    %dma_start3A_203 = tpu.memref_squeeze %dma_start3A_202 : memref<1x128xi32, #tpu.memory_space<vmem>> -> memref<128xi32, #tpu.memory_space<vmem>>
    %dma_start3A_204 = tpu.memref_slice %arg2[%dma_start3A_194, %mul3A_2] : memref<26x4096xi32, #tpu.memory_space<hbm>> -> memref<1x128xi32, #tpu.memory_space<hbm>>
    %dma_start3A_205 = tpu.memref_squeeze %dma_start3A_204 : memref<1x128xi32, #tpu.memory_space<hbm>> -> memref<128xi32, #tpu.memory_space<hbm>>
    tpu.enqueue_dma source(%dma_start3A_205 : memref<128xi32, #tpu.memory_space<hbm>>) target(%dma_start3A_203 : memref<128xi32, #tpu.memory_space<vmem>>) target_semaphore(%arg8 : memref<!tpu.dma_semaphore, #tpu.memory_space<semaphore_mem>>)
    %dma_start3A_206 = arith.constant 17 : i32
    %dma_start3A_207 = arith.constant 17 : i32
    %dma_start3A_208 = arith.constant 0 : i32
    %dma_start3A_209 = tpu.memref_slice %arg5[%dma_start3A_207, %dma_start3A_208] : memref<26x128xi32, #tpu.memory_space<vmem>> -> memref<1x128xi32, #tpu.memory_space<vmem>>
    %dma_start3A_210 = tpu.memref_squeeze %dma_start3A_209 : memref<1x128xi32, #tpu.memory_space<vmem>> -> memref<128xi32, #tpu.memory_space<vmem>>
    %dma_start3A_211 = tpu.memref_slice %arg2[%dma_start3A_206, %mul3A_2] : memref<26x4096xi32, #tpu.memory_space<hbm>> -> memref<1x128xi32, #tpu.memory_space<hbm>>
    %dma_start3A_212 = tpu.memref_squeeze %dma_start3A_211 : memref<1x128xi32, #tpu.memory_space<hbm>> -> memref<128xi32, #tpu.memory_space<hbm>>
    %dma_start3A_213 = arith.constant 0 : i32
    %dma_start3A_214 = tpu.memref_slice %arg5[%dma_start3A_207, %dma_start3A_213] : memref<26x128xi32, #tpu.memory_space<vmem>> -> memref<1x128xi32, #tpu.memory_space<vmem>>
    %dma_start3A_215 = tpu.memref_squeeze %dma_start3A_214 : memref<1x128xi32, #tpu.memory_space<vmem>> -> memref<128xi32, #tpu.memory_space<vmem>>
    %dma_start3A_216 = tpu.memref_slice %arg2[%dma_start3A_206, %mul3A_2] : memref<26x4096xi32, #tpu.memory_space<hbm>> -> memref<1x128xi32, #tpu.memory_space<hbm>>
    %dma_start3A_217 = tpu.memref_squeeze %dma_start3A_216 : memref<1x128xi32, #tpu.memory_space<hbm>> -> memref<128xi32, #tpu.memory_space<hbm>>
    tpu.enqueue_dma source(%dma_start3A_217 : memref<128xi32, #tpu.memory_space<hbm>>) target(%dma_start3A_215 : memref<128xi32, #tpu.memory_space<vmem>>) target_semaphore(%arg8 : memref<!tpu.dma_semaphore, #tpu.memory_space<semaphore_mem>>)
    %dma_start3A_218 = arith.constant 18 : i32
    %dma_start3A_219 = arith.constant 18 : i32
    %dma_start3A_220 = arith.constant 0 : i32
    %dma_start3A_221 = tpu.memref_slice %arg5[%dma_start3A_219, %dma_start3A_220] : memref<26x128xi32, #tpu.memory_space<vmem>> -> memref<1x128xi32, #tpu.memory_space<vmem>>
    %dma_start3A_222 = tpu.memref_squeeze %dma_start3A_221 : memref<1x128xi32, #tpu.memory_space<vmem>> -> memref<128xi32, #tpu.memory_space<vmem>>
    %dma_start3A_223 = tpu.memref_slice %arg2[%dma_start3A_218, %mul3A_2] : memref<26x4096xi32, #tpu.memory_space<hbm>> -> memref<1x128xi32, #tpu.memory_space<hbm>>
    %dma_start3A_224 = tpu.memref_squeeze %dma_start3A_223 : memref<1x128xi32, #tpu.memory_space<hbm>> -> memref<128xi32, #tpu.memory_space<hbm>>
    %dma_start3A_225 = arith.constant 0 : i32
    %dma_start3A_226 = tpu.memref_slice %arg5[%dma_start3A_219, %dma_start3A_225] : memref<26x128xi32, #tpu.memory_space<vmem>> -> memref<1x128xi32, #tpu.memory_space<vmem>>
    %dma_start3A_227 = tpu.memref_squeeze %dma_start3A_226 : memref<1x128xi32, #tpu.memory_space<vmem>> -> memref<128xi32, #tpu.memory_space<vmem>>
    %dma_start3A_228 = tpu.memref_slice %arg2[%dma_start3A_218, %mul3A_2] : memref<26x4096xi32, #tpu.memory_space<hbm>> -> memref<1x128xi32, #tpu.memory_space<hbm>>
    %dma_start3A_229 = tpu.memref_squeeze %dma_start3A_228 : memref<1x128xi32, #tpu.memory_space<hbm>> -> memref<128xi32, #tpu.memory_space<hbm>>
    tpu.enqueue_dma source(%dma_start3A_229 : memref<128xi32, #tpu.memory_space<hbm>>) target(%dma_start3A_227 : memref<128xi32, #tpu.memory_space<vmem>>) target_semaphore(%arg8 : memref<!tpu.dma_semaphore, #tpu.memory_space<semaphore_mem>>)
    %dma_start3A_230 = arith.constant 19 : i32
    %dma_start3A_231 = arith.constant 19 : i32
    %dma_start3A_232 = arith.constant 0 : i32
    %dma_start3A_233 = tpu.memref_slice %arg5[%dma_start3A_231, %dma_start3A_232] : memref<26x128xi32, #tpu.memory_space<vmem>> -> memref<1x128xi32, #tpu.memory_space<vmem>>
    %dma_start3A_234 = tpu.memref_squeeze %dma_start3A_233 : memref<1x128xi32, #tpu.memory_space<vmem>> -> memref<128xi32, #tpu.memory_space<vmem>>
    %dma_start3A_235 = tpu.memref_slice %arg2[%dma_start3A_230, %mul3A_2] : memref<26x4096xi32, #tpu.memory_space<hbm>> -> memref<1x128xi32, #tpu.memory_space<hbm>>
    %dma_start3A_236 = tpu.memref_squeeze %dma_start3A_235 : memref<1x128xi32, #tpu.memory_space<hbm>> -> memref<128xi32, #tpu.memory_space<hbm>>
    %dma_start3A_237 = arith.constant 0 : i32
    %dma_start3A_238 = tpu.memref_slice %arg5[%dma_start3A_231, %dma_start3A_237] : memref<26x128xi32, #tpu.memory_space<vmem>> -> memref<1x128xi32, #tpu.memory_space<vmem>>
    %dma_start3A_239 = tpu.memref_squeeze %dma_start3A_238 : memref<1x128xi32, #tpu.memory_space<vmem>> -> memref<128xi32, #tpu.memory_space<vmem>>
    %dma_start3A_240 = tpu.memref_slice %arg2[%dma_start3A_230, %mul3A_2] : memref<26x4096xi32, #tpu.memory_space<hbm>> -> memref<1x128xi32, #tpu.memory_space<hbm>>
    %dma_start3A_241 = tpu.memref_squeeze %dma_start3A_240 : memref<1x128xi32, #tpu.memory_space<hbm>> -> memref<128xi32, #tpu.memory_space<hbm>>
    tpu.enqueue_dma source(%dma_start3A_241 : memref<128xi32, #tpu.memory_space<hbm>>) target(%dma_start3A_239 : memref<128xi32, #tpu.memory_space<vmem>>) target_semaphore(%arg8 : memref<!tpu.dma_semaphore, #tpu.memory_space<semaphore_mem>>)
    %dma_start3A_242 = arith.constant 20 : i32
    %dma_start3A_243 = arith.constant 20 : i32
    %dma_start3A_244 = arith.constant 0 : i32
    %dma_start3A_245 = tpu.memref_slice %arg5[%dma_start3A_243, %dma_start3A_244] : memref<26x128xi32, #tpu.memory_space<vmem>> -> memref<1x128xi32, #tpu.memory_space<vmem>>
    %dma_start3A_246 = tpu.memref_squeeze %dma_start3A_245 : memref<1x128xi32, #tpu.memory_space<vmem>> -> memref<128xi32, #tpu.memory_space<vmem>>
    %dma_start3A_247 = tpu.memref_slice %arg2[%dma_start3A_242, %mul3A_2] : memref<26x4096xi32, #tpu.memory_space<hbm>> -> memref<1x128xi32, #tpu.memory_space<hbm>>
    %dma_start3A_248 = tpu.memref_squeeze %dma_start3A_247 : memref<1x128xi32, #tpu.memory_space<hbm>> -> memref<128xi32, #tpu.memory_space<hbm>>
    %dma_start3A_249 = arith.constant 0 : i32
    %dma_start3A_250 = tpu.memref_slice %arg5[%dma_start3A_243, %dma_start3A_249] : memref<26x128xi32, #tpu.memory_space<vmem>> -> memref<1x128xi32, #tpu.memory_space<vmem>>
    %dma_start3A_251 = tpu.memref_squeeze %dma_start3A_250 : memref<1x128xi32, #tpu.memory_space<vmem>> -> memref<128xi32, #tpu.memory_space<vmem>>
    %dma_start3A_252 = tpu.memref_slice %arg2[%dma_start3A_242, %mul3A_2] : memref<26x4096xi32, #tpu.memory_space<hbm>> -> memref<1x128xi32, #tpu.memory_space<hbm>>
    %dma_start3A_253 = tpu.memref_squeeze %dma_start3A_252 : memref<1x128xi32, #tpu.memory_space<hbm>> -> memref<128xi32, #tpu.memory_space<hbm>>
    tpu.enqueue_dma source(%dma_start3A_253 : memref<128xi32, #tpu.memory_space<hbm>>) target(%dma_start3A_251 : memref<128xi32, #tpu.memory_space<vmem>>) target_semaphore(%arg8 : memref<!tpu.dma_semaphore, #tpu.memory_space<semaphore_mem>>)
    %dma_start3A_254 = arith.constant 21 : i32
    %dma_start3A_255 = arith.constant 21 : i32
    %dma_start3A_256 = arith.constant 0 : i32
    %dma_start3A_257 = tpu.memref_slice %arg5[%dma_start3A_255, %dma_start3A_256] : memref<26x128xi32, #tpu.memory_space<vmem>> -> memref<1x128xi32, #tpu.memory_space<vmem>>
    %dma_start3A_258 = tpu.memref_squeeze %dma_start3A_257 : memref<1x128xi32, #tpu.memory_space<vmem>> -> memref<128xi32, #tpu.memory_space<vmem>>
    %dma_start3A_259 = tpu.memref_slice %arg2[%dma_start3A_254, %mul3A_2] : memref<26x4096xi32, #tpu.memory_space<hbm>> -> memref<1x128xi32, #tpu.memory_space<hbm>>
    %dma_start3A_260 = tpu.memref_squeeze %dma_start3A_259 : memref<1x128xi32, #tpu.memory_space<hbm>> -> memref<128xi32, #tpu.memory_space<hbm>>
    %dma_start3A_261 = arith.constant 0 : i32
    %dma_start3A_262 = tpu.memref_slice %arg5[%dma_start3A_255, %dma_start3A_261] : memref<26x128xi32, #tpu.memory_space<vmem>> -> memref<1x128xi32, #tpu.memory_space<vmem>>
    %dma_start3A_263 = tpu.memref_squeeze %dma_start3A_262 : memref<1x128xi32, #tpu.memory_space<vmem>> -> memref<128xi32, #tpu.memory_space<vmem>>
    %dma_start3A_264 = tpu.memref_slice %arg2[%dma_start3A_254, %mul3A_2] : memref<26x4096xi32, #tpu.memory_space<hbm>> -> memref<1x128xi32, #tpu.memory_space<hbm>>
    %dma_start3A_265 = tpu.memref_squeeze %dma_start3A_264 : memref<1x128xi32, #tpu.memory_space<hbm>> -> memref<128xi32, #tpu.memory_space<hbm>>
    tpu.enqueue_dma source(%dma_start3A_265 : memref<128xi32, #tpu.memory_space<hbm>>) target(%dma_start3A_263 : memref<128xi32, #tpu.memory_space<vmem>>) target_semaphore(%arg8 : memref<!tpu.dma_semaphore, #tpu.memory_space<semaphore_mem>>)
    %dma_start3A_266 = arith.constant 22 : i32
    %dma_start3A_267 = arith.constant 22 : i32
    %dma_start3A_268 = arith.constant 0 : i32
    %dma_start3A_269 = tpu.memref_slice %arg5[%dma_start3A_267, %dma_start3A_268] : memref<26x128xi32, #tpu.memory_space<vmem>> -> memref<1x128xi32, #tpu.memory_space<vmem>>
    %dma_start3A_270 = tpu.memref_squeeze %dma_start3A_269 : memref<1x128xi32, #tpu.memory_space<vmem>> -> memref<128xi32, #tpu.memory_space<vmem>>
    %dma_start3A_271 = tpu.memref_slice %arg2[%dma_start3A_266, %mul3A_2] : memref<26x4096xi32, #tpu.memory_space<hbm>> -> memref<1x128xi32, #tpu.memory_space<hbm>>
    %dma_start3A_272 = tpu.memref_squeeze %dma_start3A_271 : memref<1x128xi32, #tpu.memory_space<hbm>> -> memref<128xi32, #tpu.memory_space<hbm>>
    %dma_start3A_273 = arith.constant 0 : i32
    %dma_start3A_274 = tpu.memref_slice %arg5[%dma_start3A_267, %dma_start3A_273] : memref<26x128xi32, #tpu.memory_space<vmem>> -> memref<1x128xi32, #tpu.memory_space<vmem>>
    %dma_start3A_275 = tpu.memref_squeeze %dma_start3A_274 : memref<1x128xi32, #tpu.memory_space<vmem>> -> memref<128xi32, #tpu.memory_space<vmem>>
    %dma_start3A_276 = tpu.memref_slice %arg2[%dma_start3A_266, %mul3A_2] : memref<26x4096xi32, #tpu.memory_space<hbm>> -> memref<1x128xi32, #tpu.memory_space<hbm>>
    %dma_start3A_277 = tpu.memref_squeeze %dma_start3A_276 : memref<1x128xi32, #tpu.memory_space<hbm>> -> memref<128xi32, #tpu.memory_space<hbm>>
    tpu.enqueue_dma source(%dma_start3A_277 : memref<128xi32, #tpu.memory_space<hbm>>) target(%dma_start3A_275 : memref<128xi32, #tpu.memory_space<vmem>>) target_semaphore(%arg8 : memref<!tpu.dma_semaphore, #tpu.memory_space<semaphore_mem>>)
    %dma_start3A_278 = arith.constant 23 : i32
    %dma_start3A_279 = arith.constant 23 : i32
    %dma_start3A_280 = arith.constant 0 : i32
    %dma_start3A_281 = tpu.memref_slice %arg5[%dma_start3A_279, %dma_start3A_280] : memref<26x128xi32, #tpu.memory_space<vmem>> -> memref<1x128xi32, #tpu.memory_space<vmem>>
    %dma_start3A_282 = tpu.memref_squeeze %dma_start3A_281 : memref<1x128xi32, #tpu.memory_space<vmem>> -> memref<128xi32, #tpu.memory_space<vmem>>
    %dma_start3A_283 = tpu.memref_slice %arg2[%dma_start3A_278, %mul3A_2] : memref<26x4096xi32, #tpu.memory_space<hbm>> -> memref<1x128xi32, #tpu.memory_space<hbm>>
    %dma_start3A_284 = tpu.memref_squeeze %dma_start3A_283 : memref<1x128xi32, #tpu.memory_space<hbm>> -> memref<128xi32, #tpu.memory_space<hbm>>
    %dma_start3A_285 = arith.constant 0 : i32
    %dma_start3A_286 = tpu.memref_slice %arg5[%dma_start3A_279, %dma_start3A_285] : memref<26x128xi32, #tpu.memory_space<vmem>> -> memref<1x128xi32, #tpu.memory_space<vmem>>
    %dma_start3A_287 = tpu.memref_squeeze %dma_start3A_286 : memref<1x128xi32, #tpu.memory_space<vmem>> -> memref<128xi32, #tpu.memory_space<vmem>>
    %dma_start3A_288 = tpu.memref_slice %arg2[%dma_start3A_278, %mul3A_2] : memref<26x4096xi32, #tpu.memory_space<hbm>> -> memref<1x128xi32, #tpu.memory_space<hbm>>
    %dma_start3A_289 = tpu.memref_squeeze %dma_start3A_288 : memref<1x128xi32, #tpu.memory_space<hbm>> -> memref<128xi32, #tpu.memory_space<hbm>>
    tpu.enqueue_dma source(%dma_start3A_289 : memref<128xi32, #tpu.memory_space<hbm>>) target(%dma_start3A_287 : memref<128xi32, #tpu.memory_space<vmem>>) target_semaphore(%arg8 : memref<!tpu.dma_semaphore, #tpu.memory_space<semaphore_mem>>)
    %dma_start3A_290 = arith.constant 24 : i32
    %dma_start3A_291 = arith.constant 24 : i32
    %dma_start3A_292 = arith.constant 0 : i32
    %dma_start3A_293 = tpu.memref_slice %arg5[%dma_start3A_291, %dma_start3A_292] : memref<26x128xi32, #tpu.memory_space<vmem>> -> memref<1x128xi32, #tpu.memory_space<vmem>>
    %dma_start3A_294 = tpu.memref_squeeze %dma_start3A_293 : memref<1x128xi32, #tpu.memory_space<vmem>> -> memref<128xi32, #tpu.memory_space<vmem>>
    %dma_start3A_295 = tpu.memref_slice %arg2[%dma_start3A_290, %mul3A_2] : memref<26x4096xi32, #tpu.memory_space<hbm>> -> memref<1x128xi32, #tpu.memory_space<hbm>>
    %dma_start3A_296 = tpu.memref_squeeze %dma_start3A_295 : memref<1x128xi32, #tpu.memory_space<hbm>> -> memref<128xi32, #tpu.memory_space<hbm>>
    %dma_start3A_297 = arith.constant 0 : i32
    %dma_start3A_298 = tpu.memref_slice %arg5[%dma_start3A_291, %dma_start3A_297] : memref<26x128xi32, #tpu.memory_space<vmem>> -> memref<1x128xi32, #tpu.memory_space<vmem>>
    %dma_start3A_299 = tpu.memref_squeeze %dma_start3A_298 : memref<1x128xi32, #tpu.memory_space<vmem>> -> memref<128xi32, #tpu.memory_space<vmem>>
    %dma_start3A_300 = tpu.memref_slice %arg2[%dma_start3A_290, %mul3A_2] : memref<26x4096xi32, #tpu.memory_space<hbm>> -> memref<1x128xi32, #tpu.memory_space<hbm>>
    %dma_start3A_301 = tpu.memref_squeeze %dma_start3A_300 : memref<1x128xi32, #tpu.memory_space<hbm>> -> memref<128xi32, #tpu.memory_space<hbm>>
    tpu.enqueue_dma source(%dma_start3A_301 : memref<128xi32, #tpu.memory_space<hbm>>) target(%dma_start3A_299 : memref<128xi32, #tpu.memory_space<vmem>>) target_semaphore(%arg8 : memref<!tpu.dma_semaphore, #tpu.memory_space<semaphore_mem>>)
    %dma_start3A_302 = arith.constant 25 : i32
    %dma_start3A_303 = arith.constant 25 : i32
    %dma_start3A_304 = arith.constant 0 : i32
    %dma_start3A_305 = tpu.memref_slice %arg5[%dma_start3A_303, %dma_start3A_304] : memref<26x128xi32, #tpu.memory_space<vmem>> -> memref<1x128xi32, #tpu.memory_space<vmem>>
    %dma_start3A_306 = tpu.memref_squeeze %dma_start3A_305 : memref<1x128xi32, #tpu.memory_space<vmem>> -> memref<128xi32, #tpu.memory_space<vmem>>
    %dma_start3A_307 = tpu.memref_slice %arg2[%dma_start3A_302, %mul3A_2] : memref<26x4096xi32, #tpu.memory_space<hbm>> -> memref<1x128xi32, #tpu.memory_space<hbm>>
    %dma_start3A_308 = tpu.memref_squeeze %dma_start3A_307 : memref<1x128xi32, #tpu.memory_space<hbm>> -> memref<128xi32, #tpu.memory_space<hbm>>
    %dma_start3A_309 = arith.constant 0 : i32
    %dma_start3A_310 = tpu.memref_slice %arg5[%dma_start3A_303, %dma_start3A_309] : memref<26x128xi32, #tpu.memory_space<vmem>> -> memref<1x128xi32, #tpu.memory_space<vmem>>
    %dma_start3A_311 = tpu.memref_squeeze %dma_start3A_310 : memref<1x128xi32, #tpu.memory_space<vmem>> -> memref<128xi32, #tpu.memory_space<vmem>>
    %dma_start3A_312 = tpu.memref_slice %arg2[%dma_start3A_302, %mul3A_2] : memref<26x4096xi32, #tpu.memory_space<hbm>> -> memref<1x128xi32, #tpu.memory_space<hbm>>
    %dma_start3A_313 = tpu.memref_squeeze %dma_start3A_312 : memref<1x128xi32, #tpu.memory_space<hbm>> -> memref<128xi32, #tpu.memory_space<hbm>>
    tpu.enqueue_dma source(%dma_start3A_313 : memref<128xi32, #tpu.memory_space<hbm>>) target(%dma_start3A_311 : memref<128xi32, #tpu.memory_space<vmem>>) target_semaphore(%arg8 : memref<!tpu.dma_semaphore, #tpu.memory_space<semaphore_mem>>)
    %dma_wait3A = arith.constant 0 : i32
    %dma_wait3A_314 = arith.constant 0 : i32
    %dma_wait3A_315 = arith.constant 0 : i32
    %dma_wait3A_316 = tpu.memref_slice %arg5[%dma_wait3A_314, %dma_wait3A_315] : memref<26x128xi32, #tpu.memory_space<vmem>> -> memref<1x128xi32, #tpu.memory_space<vmem>>
    %dma_wait3A_317 = tpu.memref_squeeze %dma_wait3A_316 : memref<1x128xi32, #tpu.memory_space<vmem>> -> memref<128xi32, #tpu.memory_space<vmem>>
    %dma_wait3A_318 = tpu.memref_slice %arg2[%dma_wait3A, %mul3A_2] : memref<26x4096xi32, #tpu.memory_space<hbm>> -> memref<1x128xi32, #tpu.memory_space<hbm>>
    %dma_wait3A_319 = tpu.memref_squeeze %dma_wait3A_318 : memref<1x128xi32, #tpu.memory_space<hbm>> -> memref<128xi32, #tpu.memory_space<hbm>>
    %dma_wait3A_320 = arith.constant 0 : i32
    %dma_wait3A_321 = tpu.memref_slice %arg5[%dma_wait3A_314, %dma_wait3A_320] : memref<26x128xi32, #tpu.memory_space<vmem>> -> memref<1x128xi32, #tpu.memory_space<vmem>>
    %dma_wait3A_322 = tpu.memref_squeeze %dma_wait3A_321 : memref<1x128xi32, #tpu.memory_space<vmem>> -> memref<128xi32, #tpu.memory_space<vmem>>
    %dma_wait3A_323 = tpu.memref_slice %arg2[%dma_wait3A, %mul3A_2] : memref<26x4096xi32, #tpu.memory_space<hbm>> -> memref<1x128xi32, #tpu.memory_space<hbm>>
    %dma_wait3A_324 = tpu.memref_squeeze %dma_wait3A_323 : memref<1x128xi32, #tpu.memory_space<hbm>> -> memref<128xi32, #tpu.memory_space<hbm>>
    tpu.wait_dma2 semaphore(%arg8 : memref<!tpu.dma_semaphore, #tpu.memory_space<semaphore_mem>>) src(%dma_wait3A_324 : memref<128xi32, #tpu.memory_space<hbm>>) dst(%dma_wait3A_322 : memref<128xi32, #tpu.memory_space<vmem>>)
    %dma_wait3A_325 = arith.constant 1 : i32
    %dma_wait3A_326 = arith.constant 1 : i32
    %dma_wait3A_327 = arith.constant 0 : i32
    %dma_wait3A_328 = tpu.memref_slice %arg5[%dma_wait3A_326, %dma_wait3A_327] : memref<26x128xi32, #tpu.memory_space<vmem>> -> memref<1x128xi32, #tpu.memory_space<vmem>>
    %dma_wait3A_329 = tpu.memref_squeeze %dma_wait3A_328 : memref<1x128xi32, #tpu.memory_space<vmem>> -> memref<128xi32, #tpu.memory_space<vmem>>
    %dma_wait3A_330 = tpu.memref_slice %arg2[%dma_wait3A_325, %mul3A_2] : memref<26x4096xi32, #tpu.memory_space<hbm>> -> memref<1x128xi32, #tpu.memory_space<hbm>>
    %dma_wait3A_331 = tpu.memref_squeeze %dma_wait3A_330 : memref<1x128xi32, #tpu.memory_space<hbm>> -> memref<128xi32, #tpu.memory_space<hbm>>
    %dma_wait3A_332 = arith.constant 0 : i32
    %dma_wait3A_333 = tpu.memref_slice %arg5[%dma_wait3A_326, %dma_wait3A_332] : memref<26x128xi32, #tpu.memory_space<vmem>> -> memref<1x128xi32, #tpu.memory_space<vmem>>
    %dma_wait3A_334 = tpu.memref_squeeze %dma_wait3A_333 : memref<1x128xi32, #tpu.memory_space<vmem>> -> memref<128xi32, #tpu.memory_space<vmem>>
    %dma_wait3A_335 = tpu.memref_slice %arg2[%dma_wait3A_325, %mul3A_2] : memref<26x4096xi32, #tpu.memory_space<hbm>> -> memref<1x128xi32, #tpu.memory_space<hbm>>
    %dma_wait3A_336 = tpu.memref_squeeze %dma_wait3A_335 : memref<1x128xi32, #tpu.memory_space<hbm>> -> memref<128xi32, #tpu.memory_space<hbm>>
    tpu.wait_dma2 semaphore(%arg8 : memref<!tpu.dma_semaphore, #tpu.memory_space<semaphore_mem>>) src(%dma_wait3A_336 : memref<128xi32, #tpu.memory_space<hbm>>) dst(%dma_wait3A_334 : memref<128xi32, #tpu.memory_space<vmem>>)
    %dma_wait3A_337 = arith.constant 2 : i32
    %dma_wait3A_338 = arith.constant 2 : i32
    %dma_wait3A_339 = arith.constant 0 : i32
    %dma_wait3A_340 = tpu.memref_slice %arg5[%dma_wait3A_338, %dma_wait3A_339] : memref<26x128xi32, #tpu.memory_space<vmem>> -> memref<1x128xi32, #tpu.memory_space<vmem>>
    %dma_wait3A_341 = tpu.memref_squeeze %dma_wait3A_340 : memref<1x128xi32, #tpu.memory_space<vmem>> -> memref<128xi32, #tpu.memory_space<vmem>>
    %dma_wait3A_342 = tpu.memref_slice %arg2[%dma_wait3A_337, %mul3A_2] : memref<26x4096xi32, #tpu.memory_space<hbm>> -> memref<1x128xi32, #tpu.memory_space<hbm>>
    %dma_wait3A_343 = tpu.memref_squeeze %dma_wait3A_342 : memref<1x128xi32, #tpu.memory_space<hbm>> -> memref<128xi32, #tpu.memory_space<hbm>>
    %dma_wait3A_344 = arith.constant 0 : i32
    %dma_wait3A_345 = tpu.memref_slice %arg5[%dma_wait3A_338, %dma_wait3A_344] : memref<26x128xi32, #tpu.memory_space<vmem>> -> memref<1x128xi32, #tpu.memory_space<vmem>>
    %dma_wait3A_346 = tpu.memref_squeeze %dma_wait3A_345 : memref<1x128xi32, #tpu.memory_space<vmem>> -> memref<128xi32, #tpu.memory_space<vmem>>
    %dma_wait3A_347 = tpu.memref_slice %arg2[%dma_wait3A_337, %mul3A_2] : memref<26x4096xi32, #tpu.memory_space<hbm>> -> memref<1x128xi32, #tpu.memory_space<hbm>>
    %dma_wait3A_348 = tpu.memref_squeeze %dma_wait3A_347 : memref<1x128xi32, #tpu.memory_space<hbm>> -> memref<128xi32, #tpu.memory_space<hbm>>
    tpu.wait_dma2 semaphore(%arg8 : memref<!tpu.dma_semaphore, #tpu.memory_space<semaphore_mem>>) src(%dma_wait3A_348 : memref<128xi32, #tpu.memory_space<hbm>>) dst(%dma_wait3A_346 : memref<128xi32, #tpu.memory_space<vmem>>)
    %dma_wait3A_349 = arith.constant 3 : i32
    %dma_wait3A_350 = arith.constant 3 : i32
    %dma_wait3A_351 = arith.constant 0 : i32
    %dma_wait3A_352 = tpu.memref_slice %arg5[%dma_wait3A_350, %dma_wait3A_351] : memref<26x128xi32, #tpu.memory_space<vmem>> -> memref<1x128xi32, #tpu.memory_space<vmem>>
    %dma_wait3A_353 = tpu.memref_squeeze %dma_wait3A_352 : memref<1x128xi32, #tpu.memory_space<vmem>> -> memref<128xi32, #tpu.memory_space<vmem>>
    %dma_wait3A_354 = tpu.memref_slice %arg2[%dma_wait3A_349, %mul3A_2] : memref<26x4096xi32, #tpu.memory_space<hbm>> -> memref<1x128xi32, #tpu.memory_space<hbm>>
    %dma_wait3A_355 = tpu.memref_squeeze %dma_wait3A_354 : memref<1x128xi32, #tpu.memory_space<hbm>> -> memref<128xi32, #tpu.memory_space<hbm>>
    %dma_wait3A_356 = arith.constant 0 : i32
    %dma_wait3A_357 = tpu.memref_slice %arg5[%dma_wait3A_350, %dma_wait3A_356] : memref<26x128xi32, #tpu.memory_space<vmem>> -> memref<1x128xi32, #tpu.memory_space<vmem>>
    %dma_wait3A_358 = tpu.memref_squeeze %dma_wait3A_357 : memref<1x128xi32, #tpu.memory_space<vmem>> -> memref<128xi32, #tpu.memory_space<vmem>>
    %dma_wait3A_359 = tpu.memref_slice %arg2[%dma_wait3A_349, %mul3A_2] : memref<26x4096xi32, #tpu.memory_space<hbm>> -> memref<1x128xi32, #tpu.memory_space<hbm>>
    %dma_wait3A_360 = tpu.memref_squeeze %dma_wait3A_359 : memref<1x128xi32, #tpu.memory_space<hbm>> -> memref<128xi32, #tpu.memory_space<hbm>>
    tpu.wait_dma2 semaphore(%arg8 : memref<!tpu.dma_semaphore, #tpu.memory_space<semaphore_mem>>) src(%dma_wait3A_360 : memref<128xi32, #tpu.memory_space<hbm>>) dst(%dma_wait3A_358 : memref<128xi32, #tpu.memory_space<vmem>>)
    %dma_wait3A_361 = arith.constant 4 : i32
    %dma_wait3A_362 = arith.constant 4 : i32
    %dma_wait3A_363 = arith.constant 0 : i32
    %dma_wait3A_364 = tpu.memref_slice %arg5[%dma_wait3A_362, %dma_wait3A_363] : memref<26x128xi32, #tpu.memory_space<vmem>> -> memref<1x128xi32, #tpu.memory_space<vmem>>
    %dma_wait3A_365 = tpu.memref_squeeze %dma_wait3A_364 : memref<1x128xi32, #tpu.memory_space<vmem>> -> memref<128xi32, #tpu.memory_space<vmem>>
    %dma_wait3A_366 = tpu.memref_slice %arg2[%dma_wait3A_361, %mul3A_2] : memref<26x4096xi32, #tpu.memory_space<hbm>> -> memref<1x128xi32, #tpu.memory_space<hbm>>
    %dma_wait3A_367 = tpu.memref_squeeze %dma_wait3A_366 : memref<1x128xi32, #tpu.memory_space<hbm>> -> memref<128xi32, #tpu.memory_space<hbm>>
    %dma_wait3A_368 = arith.constant 0 : i32
    %dma_wait3A_369 = tpu.memref_slice %arg5[%dma_wait3A_362, %dma_wait3A_368] : memref<26x128xi32, #tpu.memory_space<vmem>> -> memref<1x128xi32, #tpu.memory_space<vmem>>
    %dma_wait3A_370 = tpu.memref_squeeze %dma_wait3A_369 : memref<1x128xi32, #tpu.memory_space<vmem>> -> memref<128xi32, #tpu.memory_space<vmem>>
    %dma_wait3A_371 = tpu.memref_slice %arg2[%dma_wait3A_361, %mul3A_2] : memref<26x4096xi32, #tpu.memory_space<hbm>> -> memref<1x128xi32, #tpu.memory_space<hbm>>
    %dma_wait3A_372 = tpu.memref_squeeze %dma_wait3A_371 : memref<1x128xi32, #tpu.memory_space<hbm>> -> memref<128xi32, #tpu.memory_space<hbm>>
    tpu.wait_dma2 semaphore(%arg8 : memref<!tpu.dma_semaphore, #tpu.memory_space<semaphore_mem>>) src(%dma_wait3A_372 : memref<128xi32, #tpu.memory_space<hbm>>) dst(%dma_wait3A_370 : memref<128xi32, #tpu.memory_space<vmem>>)
    %dma_wait3A_373 = arith.constant 5 : i32
    %dma_wait3A_374 = arith.constant 5 : i32
    %dma_wait3A_375 = arith.constant 0 : i32
    %dma_wait3A_376 = tpu.memref_slice %arg5[%dma_wait3A_374, %dma_wait3A_375] : memref<26x128xi32, #tpu.memory_space<vmem>> -> memref<1x128xi32, #tpu.memory_space<vmem>>
    %dma_wait3A_377 = tpu.memref_squeeze %dma_wait3A_376 : memref<1x128xi32, #tpu.memory_space<vmem>> -> memref<128xi32, #tpu.memory_space<vmem>>
    %dma_wait3A_378 = tpu.memref_slice %arg2[%dma_wait3A_373, %mul3A_2] : memref<26x4096xi32, #tpu.memory_space<hbm>> -> memref<1x128xi32, #tpu.memory_space<hbm>>
    %dma_wait3A_379 = tpu.memref_squeeze %dma_wait3A_378 : memref<1x128xi32, #tpu.memory_space<hbm>> -> memref<128xi32, #tpu.memory_space<hbm>>
    %dma_wait3A_380 = arith.constant 0 : i32
    %dma_wait3A_381 = tpu.memref_slice %arg5[%dma_wait3A_374, %dma_wait3A_380] : memref<26x128xi32, #tpu.memory_space<vmem>> -> memref<1x128xi32, #tpu.memory_space<vmem>>
    %dma_wait3A_382 = tpu.memref_squeeze %dma_wait3A_381 : memref<1x128xi32, #tpu.memory_space<vmem>> -> memref<128xi32, #tpu.memory_space<vmem>>
    %dma_wait3A_383 = tpu.memref_slice %arg2[%dma_wait3A_373, %mul3A_2] : memref<26x4096xi32, #tpu.memory_space<hbm>> -> memref<1x128xi32, #tpu.memory_space<hbm>>
    %dma_wait3A_384 = tpu.memref_squeeze %dma_wait3A_383 : memref<1x128xi32, #tpu.memory_space<hbm>> -> memref<128xi32, #tpu.memory_space<hbm>>
    tpu.wait_dma2 semaphore(%arg8 : memref<!tpu.dma_semaphore, #tpu.memory_space<semaphore_mem>>) src(%dma_wait3A_384 : memref<128xi32, #tpu.memory_space<hbm>>) dst(%dma_wait3A_382 : memref<128xi32, #tpu.memory_space<vmem>>)
    %dma_wait3A_385 = arith.constant 6 : i32
    %dma_wait3A_386 = arith.constant 6 : i32
    %dma_wait3A_387 = arith.constant 0 : i32
    %dma_wait3A_388 = tpu.memref_slice %arg5[%dma_wait3A_386, %dma_wait3A_387] : memref<26x128xi32, #tpu.memory_space<vmem>> -> memref<1x128xi32, #tpu.memory_space<vmem>>
    %dma_wait3A_389 = tpu.memref_squeeze %dma_wait3A_388 : memref<1x128xi32, #tpu.memory_space<vmem>> -> memref<128xi32, #tpu.memory_space<vmem>>
    %dma_wait3A_390 = tpu.memref_slice %arg2[%dma_wait3A_385, %mul3A_2] : memref<26x4096xi32, #tpu.memory_space<hbm>> -> memref<1x128xi32, #tpu.memory_space<hbm>>
    %dma_wait3A_391 = tpu.memref_squeeze %dma_wait3A_390 : memref<1x128xi32, #tpu.memory_space<hbm>> -> memref<128xi32, #tpu.memory_space<hbm>>
    %dma_wait3A_392 = arith.constant 0 : i32
    %dma_wait3A_393 = tpu.memref_slice %arg5[%dma_wait3A_386, %dma_wait3A_392] : memref<26x128xi32, #tpu.memory_space<vmem>> -> memref<1x128xi32, #tpu.memory_space<vmem>>
    %dma_wait3A_394 = tpu.memref_squeeze %dma_wait3A_393 : memref<1x128xi32, #tpu.memory_space<vmem>> -> memref<128xi32, #tpu.memory_space<vmem>>
    %dma_wait3A_395 = tpu.memref_slice %arg2[%dma_wait3A_385, %mul3A_2] : memref<26x4096xi32, #tpu.memory_space<hbm>> -> memref<1x128xi32, #tpu.memory_space<hbm>>
    %dma_wait3A_396 = tpu.memref_squeeze %dma_wait3A_395 : memref<1x128xi32, #tpu.memory_space<hbm>> -> memref<128xi32, #tpu.memory_space<hbm>>
    tpu.wait_dma2 semaphore(%arg8 : memref<!tpu.dma_semaphore, #tpu.memory_space<semaphore_mem>>) src(%dma_wait3A_396 : memref<128xi32, #tpu.memory_space<hbm>>) dst(%dma_wait3A_394 : memref<128xi32, #tpu.memory_space<vmem>>)
    %dma_wait3A_397 = arith.constant 7 : i32
    %dma_wait3A_398 = arith.constant 7 : i32
    %dma_wait3A_399 = arith.constant 0 : i32
    %dma_wait3A_400 = tpu.memref_slice %arg5[%dma_wait3A_398, %dma_wait3A_399] : memref<26x128xi32, #tpu.memory_space<vmem>> -> memref<1x128xi32, #tpu.memory_space<vmem>>
    %dma_wait3A_401 = tpu.memref_squeeze %dma_wait3A_400 : memref<1x128xi32, #tpu.memory_space<vmem>> -> memref<128xi32, #tpu.memory_space<vmem>>
    %dma_wait3A_402 = tpu.memref_slice %arg2[%dma_wait3A_397, %mul3A_2] : memref<26x4096xi32, #tpu.memory_space<hbm>> -> memref<1x128xi32, #tpu.memory_space<hbm>>
    %dma_wait3A_403 = tpu.memref_squeeze %dma_wait3A_402 : memref<1x128xi32, #tpu.memory_space<hbm>> -> memref<128xi32, #tpu.memory_space<hbm>>
    %dma_wait3A_404 = arith.constant 0 : i32
    %dma_wait3A_405 = tpu.memref_slice %arg5[%dma_wait3A_398, %dma_wait3A_404] : memref<26x128xi32, #tpu.memory_space<vmem>> -> memref<1x128xi32, #tpu.memory_space<vmem>>
    %dma_wait3A_406 = tpu.memref_squeeze %dma_wait3A_405 : memref<1x128xi32, #tpu.memory_space<vmem>> -> memref<128xi32, #tpu.memory_space<vmem>>
    %dma_wait3A_407 = tpu.memref_slice %arg2[%dma_wait3A_397, %mul3A_2] : memref<26x4096xi32, #tpu.memory_space<hbm>> -> memref<1x128xi32, #tpu.memory_space<hbm>>
    %dma_wait3A_408 = tpu.memref_squeeze %dma_wait3A_407 : memref<1x128xi32, #tpu.memory_space<hbm>> -> memref<128xi32, #tpu.memory_space<hbm>>
    tpu.wait_dma2 semaphore(%arg8 : memref<!tpu.dma_semaphore, #tpu.memory_space<semaphore_mem>>) src(%dma_wait3A_408 : memref<128xi32, #tpu.memory_space<hbm>>) dst(%dma_wait3A_406 : memref<128xi32, #tpu.memory_space<vmem>>)
    %dma_wait3A_409 = arith.constant 8 : i32
    %dma_wait3A_410 = arith.constant 8 : i32
    %dma_wait3A_411 = arith.constant 0 : i32
    %dma_wait3A_412 = tpu.memref_slice %arg5[%dma_wait3A_410, %dma_wait3A_411] : memref<26x128xi32, #tpu.memory_space<vmem>> -> memref<1x128xi32, #tpu.memory_space<vmem>>
    %dma_wait3A_413 = tpu.memref_squeeze %dma_wait3A_412 : memref<1x128xi32, #tpu.memory_space<vmem>> -> memref<128xi32, #tpu.memory_space<vmem>>
    %dma_wait3A_414 = tpu.memref_slice %arg2[%dma_wait3A_409, %mul3A_2] : memref<26x4096xi32, #tpu.memory_space<hbm>> -> memref<1x128xi32, #tpu.memory_space<hbm>>
    %dma_wait3A_415 = tpu.memref_squeeze %dma_wait3A_414 : memref<1x128xi32, #tpu.memory_space<hbm>> -> memref<128xi32, #tpu.memory_space<hbm>>
    %dma_wait3A_416 = arith.constant 0 : i32
    %dma_wait3A_417 = tpu.memref_slice %arg5[%dma_wait3A_410, %dma_wait3A_416] : memref<26x128xi32, #tpu.memory_space<vmem>> -> memref<1x128xi32, #tpu.memory_space<vmem>>
    %dma_wait3A_418 = tpu.memref_squeeze %dma_wait3A_417 : memref<1x128xi32, #tpu.memory_space<vmem>> -> memref<128xi32, #tpu.memory_space<vmem>>
    %dma_wait3A_419 = tpu.memref_slice %arg2[%dma_wait3A_409, %mul3A_2] : memref<26x4096xi32, #tpu.memory_space<hbm>> -> memref<1x128xi32, #tpu.memory_space<hbm>>
    %dma_wait3A_420 = tpu.memref_squeeze %dma_wait3A_419 : memref<1x128xi32, #tpu.memory_space<hbm>> -> memref<128xi32, #tpu.memory_space<hbm>>
    tpu.wait_dma2 semaphore(%arg8 : memref<!tpu.dma_semaphore, #tpu.memory_space<semaphore_mem>>) src(%dma_wait3A_420 : memref<128xi32, #tpu.memory_space<hbm>>) dst(%dma_wait3A_418 : memref<128xi32, #tpu.memory_space<vmem>>)
    %dma_wait3A_421 = arith.constant 9 : i32
    %dma_wait3A_422 = arith.constant 9 : i32
    %dma_wait3A_423 = arith.constant 0 : i32
    %dma_wait3A_424 = tpu.memref_slice %arg5[%dma_wait3A_422, %dma_wait3A_423] : memref<26x128xi32, #tpu.memory_space<vmem>> -> memref<1x128xi32, #tpu.memory_space<vmem>>
    %dma_wait3A_425 = tpu.memref_squeeze %dma_wait3A_424 : memref<1x128xi32, #tpu.memory_space<vmem>> -> memref<128xi32, #tpu.memory_space<vmem>>
    %dma_wait3A_426 = tpu.memref_slice %arg2[%dma_wait3A_421, %mul3A_2] : memref<26x4096xi32, #tpu.memory_space<hbm>> -> memref<1x128xi32, #tpu.memory_space<hbm>>
    %dma_wait3A_427 = tpu.memref_squeeze %dma_wait3A_426 : memref<1x128xi32, #tpu.memory_space<hbm>> -> memref<128xi32, #tpu.memory_space<hbm>>
    %dma_wait3A_428 = arith.constant 0 : i32
    %dma_wait3A_429 = tpu.memref_slice %arg5[%dma_wait3A_422, %dma_wait3A_428] : memref<26x128xi32, #tpu.memory_space<vmem>> -> memref<1x128xi32, #tpu.memory_space<vmem>>
    %dma_wait3A_430 = tpu.memref_squeeze %dma_wait3A_429 : memref<1x128xi32, #tpu.memory_space<vmem>> -> memref<128xi32, #tpu.memory_space<vmem>>
    %dma_wait3A_431 = tpu.memref_slice %arg2[%dma_wait3A_421, %mul3A_2] : memref<26x4096xi32, #tpu.memory_space<hbm>> -> memref<1x128xi32, #tpu.memory_space<hbm>>
    %dma_wait3A_432 = tpu.memref_squeeze %dma_wait3A_431 : memref<1x128xi32, #tpu.memory_space<hbm>> -> memref<128xi32, #tpu.memory_space<hbm>>
    tpu.wait_dma2 semaphore(%arg8 : memref<!tpu.dma_semaphore, #tpu.memory_space<semaphore_mem>>) src(%dma_wait3A_432 : memref<128xi32, #tpu.memory_space<hbm>>) dst(%dma_wait3A_430 : memref<128xi32, #tpu.memory_space<vmem>>)
    %dma_wait3A_433 = arith.constant 10 : i32
    %dma_wait3A_434 = arith.constant 10 : i32
    %dma_wait3A_435 = arith.constant 0 : i32
    %dma_wait3A_436 = tpu.memref_slice %arg5[%dma_wait3A_434, %dma_wait3A_435] : memref<26x128xi32, #tpu.memory_space<vmem>> -> memref<1x128xi32, #tpu.memory_space<vmem>>
    %dma_wait3A_437 = tpu.memref_squeeze %dma_wait3A_436 : memref<1x128xi32, #tpu.memory_space<vmem>> -> memref<128xi32, #tpu.memory_space<vmem>>
    %dma_wait3A_438 = tpu.memref_slice %arg2[%dma_wait3A_433, %mul3A_2] : memref<26x4096xi32, #tpu.memory_space<hbm>> -> memref<1x128xi32, #tpu.memory_space<hbm>>
    %dma_wait3A_439 = tpu.memref_squeeze %dma_wait3A_438 : memref<1x128xi32, #tpu.memory_space<hbm>> -> memref<128xi32, #tpu.memory_space<hbm>>
    %dma_wait3A_440 = arith.constant 0 : i32
    %dma_wait3A_441 = tpu.memref_slice %arg5[%dma_wait3A_434, %dma_wait3A_440] : memref<26x128xi32, #tpu.memory_space<vmem>> -> memref<1x128xi32, #tpu.memory_space<vmem>>
    %dma_wait3A_442 = tpu.memref_squeeze %dma_wait3A_441 : memref<1x128xi32, #tpu.memory_space<vmem>> -> memref<128xi32, #tpu.memory_space<vmem>>
    %dma_wait3A_443 = tpu.memref_slice %arg2[%dma_wait3A_433, %mul3A_2] : memref<26x4096xi32, #tpu.memory_space<hbm>> -> memref<1x128xi32, #tpu.memory_space<hbm>>
    %dma_wait3A_444 = tpu.memref_squeeze %dma_wait3A_443 : memref<1x128xi32, #tpu.memory_space<hbm>> -> memref<128xi32, #tpu.memory_space<hbm>>
    tpu.wait_dma2 semaphore(%arg8 : memref<!tpu.dma_semaphore, #tpu.memory_space<semaphore_mem>>) src(%dma_wait3A_444 : memref<128xi32, #tpu.memory_space<hbm>>) dst(%dma_wait3A_442 : memref<128xi32, #tpu.memory_space<vmem>>)
    %dma_wait3A_445 = arith.constant 11 : i32
    %dma_wait3A_446 = arith.constant 11 : i32
    %dma_wait3A_447 = arith.constant 0 : i32
    %dma_wait3A_448 = tpu.memref_slice %arg5[%dma_wait3A_446, %dma_wait3A_447] : memref<26x128xi32, #tpu.memory_space<vmem>> -> memref<1x128xi32, #tpu.memory_space<vmem>>
    %dma_wait3A_449 = tpu.memref_squeeze %dma_wait3A_448 : memref<1x128xi32, #tpu.memory_space<vmem>> -> memref<128xi32, #tpu.memory_space<vmem>>
    %dma_wait3A_450 = tpu.memref_slice %arg2[%dma_wait3A_445, %mul3A_2] : memref<26x4096xi32, #tpu.memory_space<hbm>> -> memref<1x128xi32, #tpu.memory_space<hbm>>
    %dma_wait3A_451 = tpu.memref_squeeze %dma_wait3A_450 : memref<1x128xi32, #tpu.memory_space<hbm>> -> memref<128xi32, #tpu.memory_space<hbm>>
    %dma_wait3A_452 = arith.constant 0 : i32
    %dma_wait3A_453 = tpu.memref_slice %arg5[%dma_wait3A_446, %dma_wait3A_452] : memref<26x128xi32, #tpu.memory_space<vmem>> -> memref<1x128xi32, #tpu.memory_space<vmem>>
    %dma_wait3A_454 = tpu.memref_squeeze %dma_wait3A_453 : memref<1x128xi32, #tpu.memory_space<vmem>> -> memref<128xi32, #tpu.memory_space<vmem>>
    %dma_wait3A_455 = tpu.memref_slice %arg2[%dma_wait3A_445, %mul3A_2] : memref<26x4096xi32, #tpu.memory_space<hbm>> -> memref<1x128xi32, #tpu.memory_space<hbm>>
    %dma_wait3A_456 = tpu.memref_squeeze %dma_wait3A_455 : memref<1x128xi32, #tpu.memory_space<hbm>> -> memref<128xi32, #tpu.memory_space<hbm>>
    tpu.wait_dma2 semaphore(%arg8 : memref<!tpu.dma_semaphore, #tpu.memory_space<semaphore_mem>>) src(%dma_wait3A_456 : memref<128xi32, #tpu.memory_space<hbm>>) dst(%dma_wait3A_454 : memref<128xi32, #tpu.memory_space<vmem>>)
    %dma_wait3A_457 = arith.constant 12 : i32
    %dma_wait3A_458 = arith.constant 12 : i32
    %dma_wait3A_459 = arith.constant 0 : i32
    %dma_wait3A_460 = tpu.memref_slice %arg5[%dma_wait3A_458, %dma_wait3A_459] : memref<26x128xi32, #tpu.memory_space<vmem>> -> memref<1x128xi32, #tpu.memory_space<vmem>>
    %dma_wait3A_461 = tpu.memref_squeeze %dma_wait3A_460 : memref<1x128xi32, #tpu.memory_space<vmem>> -> memref<128xi32, #tpu.memory_space<vmem>>
    %dma_wait3A_462 = tpu.memref_slice %arg2[%dma_wait3A_457, %mul3A_2] : memref<26x4096xi32, #tpu.memory_space<hbm>> -> memref<1x128xi32, #tpu.memory_space<hbm>>
    %dma_wait3A_463 = tpu.memref_squeeze %dma_wait3A_462 : memref<1x128xi32, #tpu.memory_space<hbm>> -> memref<128xi32, #tpu.memory_space<hbm>>
    %dma_wait3A_464 = arith.constant 0 : i32
    %dma_wait3A_465 = tpu.memref_slice %arg5[%dma_wait3A_458, %dma_wait3A_464] : memref<26x128xi32, #tpu.memory_space<vmem>> -> memref<1x128xi32, #tpu.memory_space<vmem>>
    %dma_wait3A_466 = tpu.memref_squeeze %dma_wait3A_465 : memref<1x128xi32, #tpu.memory_space<vmem>> -> memref<128xi32, #tpu.memory_space<vmem>>
    %dma_wait3A_467 = tpu.memref_slice %arg2[%dma_wait3A_457, %mul3A_2] : memref<26x4096xi32, #tpu.memory_space<hbm>> -> memref<1x128xi32, #tpu.memory_space<hbm>>
    %dma_wait3A_468 = tpu.memref_squeeze %dma_wait3A_467 : memref<1x128xi32, #tpu.memory_space<hbm>> -> memref<128xi32, #tpu.memory_space<hbm>>
    tpu.wait_dma2 semaphore(%arg8 : memref<!tpu.dma_semaphore, #tpu.memory_space<semaphore_mem>>) src(%dma_wait3A_468 : memref<128xi32, #tpu.memory_space<hbm>>) dst(%dma_wait3A_466 : memref<128xi32, #tpu.memory_space<vmem>>)
    %dma_wait3A_469 = arith.constant 13 : i32
    %dma_wait3A_470 = arith.constant 13 : i32
    %dma_wait3A_471 = arith.constant 0 : i32
    %dma_wait3A_472 = tpu.memref_slice %arg5[%dma_wait3A_470, %dma_wait3A_471] : memref<26x128xi32, #tpu.memory_space<vmem>> -> memref<1x128xi32, #tpu.memory_space<vmem>>
    %dma_wait3A_473 = tpu.memref_squeeze %dma_wait3A_472 : memref<1x128xi32, #tpu.memory_space<vmem>> -> memref<128xi32, #tpu.memory_space<vmem>>
    %dma_wait3A_474 = tpu.memref_slice %arg2[%dma_wait3A_469, %mul3A_2] : memref<26x4096xi32, #tpu.memory_space<hbm>> -> memref<1x128xi32, #tpu.memory_space<hbm>>
    %dma_wait3A_475 = tpu.memref_squeeze %dma_wait3A_474 : memref<1x128xi32, #tpu.memory_space<hbm>> -> memref<128xi32, #tpu.memory_space<hbm>>
    %dma_wait3A_476 = arith.constant 0 : i32
    %dma_wait3A_477 = tpu.memref_slice %arg5[%dma_wait3A_470, %dma_wait3A_476] : memref<26x128xi32, #tpu.memory_space<vmem>> -> memref<1x128xi32, #tpu.memory_space<vmem>>
    %dma_wait3A_478 = tpu.memref_squeeze %dma_wait3A_477 : memref<1x128xi32, #tpu.memory_space<vmem>> -> memref<128xi32, #tpu.memory_space<vmem>>
    %dma_wait3A_479 = tpu.memref_slice %arg2[%dma_wait3A_469, %mul3A_2] : memref<26x4096xi32, #tpu.memory_space<hbm>> -> memref<1x128xi32, #tpu.memory_space<hbm>>
    %dma_wait3A_480 = tpu.memref_squeeze %dma_wait3A_479 : memref<1x128xi32, #tpu.memory_space<hbm>> -> memref<128xi32, #tpu.memory_space<hbm>>
    tpu.wait_dma2 semaphore(%arg8 : memref<!tpu.dma_semaphore, #tpu.memory_space<semaphore_mem>>) src(%dma_wait3A_480 : memref<128xi32, #tpu.memory_space<hbm>>) dst(%dma_wait3A_478 : memref<128xi32, #tpu.memory_space<vmem>>)
    %dma_wait3A_481 = arith.constant 14 : i32
    %dma_wait3A_482 = arith.constant 14 : i32
    %dma_wait3A_483 = arith.constant 0 : i32
    %dma_wait3A_484 = tpu.memref_slice %arg5[%dma_wait3A_482, %dma_wait3A_483] : memref<26x128xi32, #tpu.memory_space<vmem>> -> memref<1x128xi32, #tpu.memory_space<vmem>>
    %dma_wait3A_485 = tpu.memref_squeeze %dma_wait3A_484 : memref<1x128xi32, #tpu.memory_space<vmem>> -> memref<128xi32, #tpu.memory_space<vmem>>
    %dma_wait3A_486 = tpu.memref_slice %arg2[%dma_wait3A_481, %mul3A_2] : memref<26x4096xi32, #tpu.memory_space<hbm>> -> memref<1x128xi32, #tpu.memory_space<hbm>>
    %dma_wait3A_487 = tpu.memref_squeeze %dma_wait3A_486 : memref<1x128xi32, #tpu.memory_space<hbm>> -> memref<128xi32, #tpu.memory_space<hbm>>
    %dma_wait3A_488 = arith.constant 0 : i32
    %dma_wait3A_489 = tpu.memref_slice %arg5[%dma_wait3A_482, %dma_wait3A_488] : memref<26x128xi32, #tpu.memory_space<vmem>> -> memref<1x128xi32, #tpu.memory_space<vmem>>
    %dma_wait3A_490 = tpu.memref_squeeze %dma_wait3A_489 : memref<1x128xi32, #tpu.memory_space<vmem>> -> memref<128xi32, #tpu.memory_space<vmem>>
    %dma_wait3A_491 = tpu.memref_slice %arg2[%dma_wait3A_481, %mul3A_2] : memref<26x4096xi32, #tpu.memory_space<hbm>> -> memref<1x128xi32, #tpu.memory_space<hbm>>
    %dma_wait3A_492 = tpu.memref_squeeze %dma_wait3A_491 : memref<1x128xi32, #tpu.memory_space<hbm>> -> memref<128xi32, #tpu.memory_space<hbm>>
    tpu.wait_dma2 semaphore(%arg8 : memref<!tpu.dma_semaphore, #tpu.memory_space<semaphore_mem>>) src(%dma_wait3A_492 : memref<128xi32, #tpu.memory_space<hbm>>) dst(%dma_wait3A_490 : memref<128xi32, #tpu.memory_space<vmem>>)
    %dma_wait3A_493 = arith.constant 15 : i32
    %dma_wait3A_494 = arith.constant 15 : i32
    %dma_wait3A_495 = arith.constant 0 : i32
    %dma_wait3A_496 = tpu.memref_slice %arg5[%dma_wait3A_494, %dma_wait3A_495] : memref<26x128xi32, #tpu.memory_space<vmem>> -> memref<1x128xi32, #tpu.memory_space<vmem>>
    %dma_wait3A_497 = tpu.memref_squeeze %dma_wait3A_496 : memref<1x128xi32, #tpu.memory_space<vmem>> -> memref<128xi32, #tpu.memory_space<vmem>>
    %dma_wait3A_498 = tpu.memref_slice %arg2[%dma_wait3A_493, %mul3A_2] : memref<26x4096xi32, #tpu.memory_space<hbm>> -> memref<1x128xi32, #tpu.memory_space<hbm>>
    %dma_wait3A_499 = tpu.memref_squeeze %dma_wait3A_498 : memref<1x128xi32, #tpu.memory_space<hbm>> -> memref<128xi32, #tpu.memory_space<hbm>>
    %dma_wait3A_500 = arith.constant 0 : i32
    %dma_wait3A_501 = tpu.memref_slice %arg5[%dma_wait3A_494, %dma_wait3A_500] : memref<26x128xi32, #tpu.memory_space<vmem>> -> memref<1x128xi32, #tpu.memory_space<vmem>>
    %dma_wait3A_502 = tpu.memref_squeeze %dma_wait3A_501 : memref<1x128xi32, #tpu.memory_space<vmem>> -> memref<128xi32, #tpu.memory_space<vmem>>
    %dma_wait3A_503 = tpu.memref_slice %arg2[%dma_wait3A_493, %mul3A_2] : memref<26x4096xi32, #tpu.memory_space<hbm>> -> memref<1x128xi32, #tpu.memory_space<hbm>>
    %dma_wait3A_504 = tpu.memref_squeeze %dma_wait3A_503 : memref<1x128xi32, #tpu.memory_space<hbm>> -> memref<128xi32, #tpu.memory_space<hbm>>
    tpu.wait_dma2 semaphore(%arg8 : memref<!tpu.dma_semaphore, #tpu.memory_space<semaphore_mem>>) src(%dma_wait3A_504 : memref<128xi32, #tpu.memory_space<hbm>>) dst(%dma_wait3A_502 : memref<128xi32, #tpu.memory_space<vmem>>)
    %dma_wait3A_505 = arith.constant 16 : i32
    %dma_wait3A_506 = arith.constant 16 : i32
    %dma_wait3A_507 = arith.constant 0 : i32
    %dma_wait3A_508 = tpu.memref_slice %arg5[%dma_wait3A_506, %dma_wait3A_507] : memref<26x128xi32, #tpu.memory_space<vmem>> -> memref<1x128xi32, #tpu.memory_space<vmem>>
    %dma_wait3A_509 = tpu.memref_squeeze %dma_wait3A_508 : memref<1x128xi32, #tpu.memory_space<vmem>> -> memref<128xi32, #tpu.memory_space<vmem>>
    %dma_wait3A_510 = tpu.memref_slice %arg2[%dma_wait3A_505, %mul3A_2] : memref<26x4096xi32, #tpu.memory_space<hbm>> -> memref<1x128xi32, #tpu.memory_space<hbm>>
    %dma_wait3A_511 = tpu.memref_squeeze %dma_wait3A_510 : memref<1x128xi32, #tpu.memory_space<hbm>> -> memref<128xi32, #tpu.memory_space<hbm>>
    %dma_wait3A_512 = arith.constant 0 : i32
    %dma_wait3A_513 = tpu.memref_slice %arg5[%dma_wait3A_506, %dma_wait3A_512] : memref<26x128xi32, #tpu.memory_space<vmem>> -> memref<1x128xi32, #tpu.memory_space<vmem>>
    %dma_wait3A_514 = tpu.memref_squeeze %dma_wait3A_513 : memref<1x128xi32, #tpu.memory_space<vmem>> -> memref<128xi32, #tpu.memory_space<vmem>>
    %dma_wait3A_515 = tpu.memref_slice %arg2[%dma_wait3A_505, %mul3A_2] : memref<26x4096xi32, #tpu.memory_space<hbm>> -> memref<1x128xi32, #tpu.memory_space<hbm>>
    %dma_wait3A_516 = tpu.memref_squeeze %dma_wait3A_515 : memref<1x128xi32, #tpu.memory_space<hbm>> -> memref<128xi32, #tpu.memory_space<hbm>>
    tpu.wait_dma2 semaphore(%arg8 : memref<!tpu.dma_semaphore, #tpu.memory_space<semaphore_mem>>) src(%dma_wait3A_516 : memref<128xi32, #tpu.memory_space<hbm>>) dst(%dma_wait3A_514 : memref<128xi32, #tpu.memory_space<vmem>>)
    %dma_wait3A_517 = arith.constant 17 : i32
    %dma_wait3A_518 = arith.constant 17 : i32
    %dma_wait3A_519 = arith.constant 0 : i32
    %dma_wait3A_520 = tpu.memref_slice %arg5[%dma_wait3A_518, %dma_wait3A_519] : memref<26x128xi32, #tpu.memory_space<vmem>> -> memref<1x128xi32, #tpu.memory_space<vmem>>
    %dma_wait3A_521 = tpu.memref_squeeze %dma_wait3A_520 : memref<1x128xi32, #tpu.memory_space<vmem>> -> memref<128xi32, #tpu.memory_space<vmem>>
    %dma_wait3A_522 = tpu.memref_slice %arg2[%dma_wait3A_517, %mul3A_2] : memref<26x4096xi32, #tpu.memory_space<hbm>> -> memref<1x128xi32, #tpu.memory_space<hbm>>
    %dma_wait3A_523 = tpu.memref_squeeze %dma_wait3A_522 : memref<1x128xi32, #tpu.memory_space<hbm>> -> memref<128xi32, #tpu.memory_space<hbm>>
    %dma_wait3A_524 = arith.constant 0 : i32
    %dma_wait3A_525 = tpu.memref_slice %arg5[%dma_wait3A_518, %dma_wait3A_524] : memref<26x128xi32, #tpu.memory_space<vmem>> -> memref<1x128xi32, #tpu.memory_space<vmem>>
    %dma_wait3A_526 = tpu.memref_squeeze %dma_wait3A_525 : memref<1x128xi32, #tpu.memory_space<vmem>> -> memref<128xi32, #tpu.memory_space<vmem>>
    %dma_wait3A_527 = tpu.memref_slice %arg2[%dma_wait3A_517, %mul3A_2] : memref<26x4096xi32, #tpu.memory_space<hbm>> -> memref<1x128xi32, #tpu.memory_space<hbm>>
    %dma_wait3A_528 = tpu.memref_squeeze %dma_wait3A_527 : memref<1x128xi32, #tpu.memory_space<hbm>> -> memref<128xi32, #tpu.memory_space<hbm>>
    tpu.wait_dma2 semaphore(%arg8 : memref<!tpu.dma_semaphore, #tpu.memory_space<semaphore_mem>>) src(%dma_wait3A_528 : memref<128xi32, #tpu.memory_space<hbm>>) dst(%dma_wait3A_526 : memref<128xi32, #tpu.memory_space<vmem>>)
    %dma_wait3A_529 = arith.constant 18 : i32
    %dma_wait3A_530 = arith.constant 18 : i32
    %dma_wait3A_531 = arith.constant 0 : i32
    %dma_wait3A_532 = tpu.memref_slice %arg5[%dma_wait3A_530, %dma_wait3A_531] : memref<26x128xi32, #tpu.memory_space<vmem>> -> memref<1x128xi32, #tpu.memory_space<vmem>>
    %dma_wait3A_533 = tpu.memref_squeeze %dma_wait3A_532 : memref<1x128xi32, #tpu.memory_space<vmem>> -> memref<128xi32, #tpu.memory_space<vmem>>
    %dma_wait3A_534 = tpu.memref_slice %arg2[%dma_wait3A_529, %mul3A_2] : memref<26x4096xi32, #tpu.memory_space<hbm>> -> memref<1x128xi32, #tpu.memory_space<hbm>>
    %dma_wait3A_535 = tpu.memref_squeeze %dma_wait3A_534 : memref<1x128xi32, #tpu.memory_space<hbm>> -> memref<128xi32, #tpu.memory_space<hbm>>
    %dma_wait3A_536 = arith.constant 0 : i32
    %dma_wait3A_537 = tpu.memref_slice %arg5[%dma_wait3A_530, %dma_wait3A_536] : memref<26x128xi32, #tpu.memory_space<vmem>> -> memref<1x128xi32, #tpu.memory_space<vmem>>
    %dma_wait3A_538 = tpu.memref_squeeze %dma_wait3A_537 : memref<1x128xi32, #tpu.memory_space<vmem>> -> memref<128xi32, #tpu.memory_space<vmem>>
    %dma_wait3A_539 = tpu.memref_slice %arg2[%dma_wait3A_529, %mul3A_2] : memref<26x4096xi32, #tpu.memory_space<hbm>> -> memref<1x128xi32, #tpu.memory_space<hbm>>
    %dma_wait3A_540 = tpu.memref_squeeze %dma_wait3A_539 : memref<1x128xi32, #tpu.memory_space<hbm>> -> memref<128xi32, #tpu.memory_space<hbm>>
    tpu.wait_dma2 semaphore(%arg8 : memref<!tpu.dma_semaphore, #tpu.memory_space<semaphore_mem>>) src(%dma_wait3A_540 : memref<128xi32, #tpu.memory_space<hbm>>) dst(%dma_wait3A_538 : memref<128xi32, #tpu.memory_space<vmem>>)
    %dma_wait3A_541 = arith.constant 19 : i32
    %dma_wait3A_542 = arith.constant 19 : i32
    %dma_wait3A_543 = arith.constant 0 : i32
    %dma_wait3A_544 = tpu.memref_slice %arg5[%dma_wait3A_542, %dma_wait3A_543] : memref<26x128xi32, #tpu.memory_space<vmem>> -> memref<1x128xi32, #tpu.memory_space<vmem>>
    %dma_wait3A_545 = tpu.memref_squeeze %dma_wait3A_544 : memref<1x128xi32, #tpu.memory_space<vmem>> -> memref<128xi32, #tpu.memory_space<vmem>>
    %dma_wait3A_546 = tpu.memref_slice %arg2[%dma_wait3A_541, %mul3A_2] : memref<26x4096xi32, #tpu.memory_space<hbm>> -> memref<1x128xi32, #tpu.memory_space<hbm>>
    %dma_wait3A_547 = tpu.memref_squeeze %dma_wait3A_546 : memref<1x128xi32, #tpu.memory_space<hbm>> -> memref<128xi32, #tpu.memory_space<hbm>>
    %dma_wait3A_548 = arith.constant 0 : i32
    %dma_wait3A_549 = tpu.memref_slice %arg5[%dma_wait3A_542, %dma_wait3A_548] : memref<26x128xi32, #tpu.memory_space<vmem>> -> memref<1x128xi32, #tpu.memory_space<vmem>>
    %dma_wait3A_550 = tpu.memref_squeeze %dma_wait3A_549 : memref<1x128xi32, #tpu.memory_space<vmem>> -> memref<128xi32, #tpu.memory_space<vmem>>
    %dma_wait3A_551 = tpu.memref_slice %arg2[%dma_wait3A_541, %mul3A_2] : memref<26x4096xi32, #tpu.memory_space<hbm>> -> memref<1x128xi32, #tpu.memory_space<hbm>>
    %dma_wait3A_552 = tpu.memref_squeeze %dma_wait3A_551 : memref<1x128xi32, #tpu.memory_space<hbm>> -> memref<128xi32, #tpu.memory_space<hbm>>
    tpu.wait_dma2 semaphore(%arg8 : memref<!tpu.dma_semaphore, #tpu.memory_space<semaphore_mem>>) src(%dma_wait3A_552 : memref<128xi32, #tpu.memory_space<hbm>>) dst(%dma_wait3A_550 : memref<128xi32, #tpu.memory_space<vmem>>)
    %dma_wait3A_553 = arith.constant 20 : i32
    %dma_wait3A_554 = arith.constant 20 : i32
    %dma_wait3A_555 = arith.constant 0 : i32
    %dma_wait3A_556 = tpu.memref_slice %arg5[%dma_wait3A_554, %dma_wait3A_555] : memref<26x128xi32, #tpu.memory_space<vmem>> -> memref<1x128xi32, #tpu.memory_space<vmem>>
    %dma_wait3A_557 = tpu.memref_squeeze %dma_wait3A_556 : memref<1x128xi32, #tpu.memory_space<vmem>> -> memref<128xi32, #tpu.memory_space<vmem>>
    %dma_wait3A_558 = tpu.memref_slice %arg2[%dma_wait3A_553, %mul3A_2] : memref<26x4096xi32, #tpu.memory_space<hbm>> -> memref<1x128xi32, #tpu.memory_space<hbm>>
    %dma_wait3A_559 = tpu.memref_squeeze %dma_wait3A_558 : memref<1x128xi32, #tpu.memory_space<hbm>> -> memref<128xi32, #tpu.memory_space<hbm>>
    %dma_wait3A_560 = arith.constant 0 : i32
    %dma_wait3A_561 = tpu.memref_slice %arg5[%dma_wait3A_554, %dma_wait3A_560] : memref<26x128xi32, #tpu.memory_space<vmem>> -> memref<1x128xi32, #tpu.memory_space<vmem>>
    %dma_wait3A_562 = tpu.memref_squeeze %dma_wait3A_561 : memref<1x128xi32, #tpu.memory_space<vmem>> -> memref<128xi32, #tpu.memory_space<vmem>>
    %dma_wait3A_563 = tpu.memref_slice %arg2[%dma_wait3A_553, %mul3A_2] : memref<26x4096xi32, #tpu.memory_space<hbm>> -> memref<1x128xi32, #tpu.memory_space<hbm>>
    %dma_wait3A_564 = tpu.memref_squeeze %dma_wait3A_563 : memref<1x128xi32, #tpu.memory_space<hbm>> -> memref<128xi32, #tpu.memory_space<hbm>>
    tpu.wait_dma2 semaphore(%arg8 : memref<!tpu.dma_semaphore, #tpu.memory_space<semaphore_mem>>) src(%dma_wait3A_564 : memref<128xi32, #tpu.memory_space<hbm>>) dst(%dma_wait3A_562 : memref<128xi32, #tpu.memory_space<vmem>>)
    %dma_wait3A_565 = arith.constant 21 : i32
    %dma_wait3A_566 = arith.constant 21 : i32
    %dma_wait3A_567 = arith.constant 0 : i32
    %dma_wait3A_568 = tpu.memref_slice %arg5[%dma_wait3A_566, %dma_wait3A_567] : memref<26x128xi32, #tpu.memory_space<vmem>> -> memref<1x128xi32, #tpu.memory_space<vmem>>
    %dma_wait3A_569 = tpu.memref_squeeze %dma_wait3A_568 : memref<1x128xi32, #tpu.memory_space<vmem>> -> memref<128xi32, #tpu.memory_space<vmem>>
    %dma_wait3A_570 = tpu.memref_slice %arg2[%dma_wait3A_565, %mul3A_2] : memref<26x4096xi32, #tpu.memory_space<hbm>> -> memref<1x128xi32, #tpu.memory_space<hbm>>
    %dma_wait3A_571 = tpu.memref_squeeze %dma_wait3A_570 : memref<1x128xi32, #tpu.memory_space<hbm>> -> memref<128xi32, #tpu.memory_space<hbm>>
    %dma_wait3A_572 = arith.constant 0 : i32
    %dma_wait3A_573 = tpu.memref_slice %arg5[%dma_wait3A_566, %dma_wait3A_572] : memref<26x128xi32, #tpu.memory_space<vmem>> -> memref<1x128xi32, #tpu.memory_space<vmem>>
    %dma_wait3A_574 = tpu.memref_squeeze %dma_wait3A_573 : memref<1x128xi32, #tpu.memory_space<vmem>> -> memref<128xi32, #tpu.memory_space<vmem>>
    %dma_wait3A_575 = tpu.memref_slice %arg2[%dma_wait3A_565, %mul3A_2] : memref<26x4096xi32, #tpu.memory_space<hbm>> -> memref<1x128xi32, #tpu.memory_space<hbm>>
    %dma_wait3A_576 = tpu.memref_squeeze %dma_wait3A_575 : memref<1x128xi32, #tpu.memory_space<hbm>> -> memref<128xi32, #tpu.memory_space<hbm>>
    tpu.wait_dma2 semaphore(%arg8 : memref<!tpu.dma_semaphore, #tpu.memory_space<semaphore_mem>>) src(%dma_wait3A_576 : memref<128xi32, #tpu.memory_space<hbm>>) dst(%dma_wait3A_574 : memref<128xi32, #tpu.memory_space<vmem>>)
    %dma_wait3A_577 = arith.constant 22 : i32
    %dma_wait3A_578 = arith.constant 22 : i32
    %dma_wait3A_579 = arith.constant 0 : i32
    %dma_wait3A_580 = tpu.memref_slice %arg5[%dma_wait3A_578, %dma_wait3A_579] : memref<26x128xi32, #tpu.memory_space<vmem>> -> memref<1x128xi32, #tpu.memory_space<vmem>>
    %dma_wait3A_581 = tpu.memref_squeeze %dma_wait3A_580 : memref<1x128xi32, #tpu.memory_space<vmem>> -> memref<128xi32, #tpu.memory_space<vmem>>
    %dma_wait3A_582 = tpu.memref_slice %arg2[%dma_wait3A_577, %mul3A_2] : memref<26x4096xi32, #tpu.memory_space<hbm>> -> memref<1x128xi32, #tpu.memory_space<hbm>>
    %dma_wait3A_583 = tpu.memref_squeeze %dma_wait3A_582 : memref<1x128xi32, #tpu.memory_space<hbm>> -> memref<128xi32, #tpu.memory_space<hbm>>
    %dma_wait3A_584 = arith.constant 0 : i32
    %dma_wait3A_585 = tpu.memref_slice %arg5[%dma_wait3A_578, %dma_wait3A_584] : memref<26x128xi32, #tpu.memory_space<vmem>> -> memref<1x128xi32, #tpu.memory_space<vmem>>
    %dma_wait3A_586 = tpu.memref_squeeze %dma_wait3A_585 : memref<1x128xi32, #tpu.memory_space<vmem>> -> memref<128xi32, #tpu.memory_space<vmem>>
    %dma_wait3A_587 = tpu.memref_slice %arg2[%dma_wait3A_577, %mul3A_2] : memref<26x4096xi32, #tpu.memory_space<hbm>> -> memref<1x128xi32, #tpu.memory_space<hbm>>
    %dma_wait3A_588 = tpu.memref_squeeze %dma_wait3A_587 : memref<1x128xi32, #tpu.memory_space<hbm>> -> memref<128xi32, #tpu.memory_space<hbm>>
    tpu.wait_dma2 semaphore(%arg8 : memref<!tpu.dma_semaphore, #tpu.memory_space<semaphore_mem>>) src(%dma_wait3A_588 : memref<128xi32, #tpu.memory_space<hbm>>) dst(%dma_wait3A_586 : memref<128xi32, #tpu.memory_space<vmem>>)
    %dma_wait3A_589 = arith.constant 23 : i32
    %dma_wait3A_590 = arith.constant 23 : i32
    %dma_wait3A_591 = arith.constant 0 : i32
    %dma_wait3A_592 = tpu.memref_slice %arg5[%dma_wait3A_590, %dma_wait3A_591] : memref<26x128xi32, #tpu.memory_space<vmem>> -> memref<1x128xi32, #tpu.memory_space<vmem>>
    %dma_wait3A_593 = tpu.memref_squeeze %dma_wait3A_592 : memref<1x128xi32, #tpu.memory_space<vmem>> -> memref<128xi32, #tpu.memory_space<vmem>>
    %dma_wait3A_594 = tpu.memref_slice %arg2[%dma_wait3A_589, %mul3A_2] : memref<26x4096xi32, #tpu.memory_space<hbm>> -> memref<1x128xi32, #tpu.memory_space<hbm>>
    %dma_wait3A_595 = tpu.memref_squeeze %dma_wait3A_594 : memref<1x128xi32, #tpu.memory_space<hbm>> -> memref<128xi32, #tpu.memory_space<hbm>>
    %dma_wait3A_596 = arith.constant 0 : i32
    %dma_wait3A_597 = tpu.memref_slice %arg5[%dma_wait3A_590, %dma_wait3A_596] : memref<26x128xi32, #tpu.memory_space<vmem>> -> memref<1x128xi32, #tpu.memory_space<vmem>>
    %dma_wait3A_598 = tpu.memref_squeeze %dma_wait3A_597 : memref<1x128xi32, #tpu.memory_space<vmem>> -> memref<128xi32, #tpu.memory_space<vmem>>
    %dma_wait3A_599 = tpu.memref_slice %arg2[%dma_wait3A_589, %mul3A_2] : memref<26x4096xi32, #tpu.memory_space<hbm>> -> memref<1x128xi32, #tpu.memory_space<hbm>>
    %dma_wait3A_600 = tpu.memref_squeeze %dma_wait3A_599 : memref<1x128xi32, #tpu.memory_space<hbm>> -> memref<128xi32, #tpu.memory_space<hbm>>
    tpu.wait_dma2 semaphore(%arg8 : memref<!tpu.dma_semaphore, #tpu.memory_space<semaphore_mem>>) src(%dma_wait3A_600 : memref<128xi32, #tpu.memory_space<hbm>>) dst(%dma_wait3A_598 : memref<128xi32, #tpu.memory_space<vmem>>)
    %dma_wait3A_601 = arith.constant 24 : i32
    %dma_wait3A_602 = arith.constant 24 : i32
    %dma_wait3A_603 = arith.constant 0 : i32
    %dma_wait3A_604 = tpu.memref_slice %arg5[%dma_wait3A_602, %dma_wait3A_603] : memref<26x128xi32, #tpu.memory_space<vmem>> -> memref<1x128xi32, #tpu.memory_space<vmem>>
    %dma_wait3A_605 = tpu.memref_squeeze %dma_wait3A_604 : memref<1x128xi32, #tpu.memory_space<vmem>> -> memref<128xi32, #tpu.memory_space<vmem>>
    %dma_wait3A_606 = tpu.memref_slice %arg2[%dma_wait3A_601, %mul3A_2] : memref<26x4096xi32, #tpu.memory_space<hbm>> -> memref<1x128xi32, #tpu.memory_space<hbm>>
    %dma_wait3A_607 = tpu.memref_squeeze %dma_wait3A_606 : memref<1x128xi32, #tpu.memory_space<hbm>> -> memref<128xi32, #tpu.memory_space<hbm>>
    %dma_wait3A_608 = arith.constant 0 : i32
    %dma_wait3A_609 = tpu.memref_slice %arg5[%dma_wait3A_602, %dma_wait3A_608] : memref<26x128xi32, #tpu.memory_space<vmem>> -> memref<1x128xi32, #tpu.memory_space<vmem>>
    %dma_wait3A_610 = tpu.memref_squeeze %dma_wait3A_609 : memref<1x128xi32, #tpu.memory_space<vmem>> -> memref<128xi32, #tpu.memory_space<vmem>>
    %dma_wait3A_611 = tpu.memref_slice %arg2[%dma_wait3A_601, %mul3A_2] : memref<26x4096xi32, #tpu.memory_space<hbm>> -> memref<1x128xi32, #tpu.memory_space<hbm>>
    %dma_wait3A_612 = tpu.memref_squeeze %dma_wait3A_611 : memref<1x128xi32, #tpu.memory_space<hbm>> -> memref<128xi32, #tpu.memory_space<hbm>>
    tpu.wait_dma2 semaphore(%arg8 : memref<!tpu.dma_semaphore, #tpu.memory_space<semaphore_mem>>) src(%dma_wait3A_612 : memref<128xi32, #tpu.memory_space<hbm>>) dst(%dma_wait3A_610 : memref<128xi32, #tpu.memory_space<vmem>>)
    %dma_wait3A_613 = arith.constant 25 : i32
    %dma_wait3A_614 = arith.constant 25 : i32
    %dma_wait3A_615 = arith.constant 0 : i32
    %dma_wait3A_616 = tpu.memref_slice %arg5[%dma_wait3A_614, %dma_wait3A_615] : memref<26x128xi32, #tpu.memory_space<vmem>> -> memref<1x128xi32, #tpu.memory_space<vmem>>
    %dma_wait3A_617 = tpu.memref_squeeze %dma_wait3A_616 : memref<1x128xi32, #tpu.memory_space<vmem>> -> memref<128xi32, #tpu.memory_space<vmem>>
    %dma_wait3A_618 = tpu.memref_slice %arg2[%dma_wait3A_613, %mul3A_2] : memref<26x4096xi32, #tpu.memory_space<hbm>> -> memref<1x128xi32, #tpu.memory_space<hbm>>
    %dma_wait3A_619 = tpu.memref_squeeze %dma_wait3A_618 : memref<1x128xi32, #tpu.memory_space<hbm>> -> memref<128xi32, #tpu.memory_space<hbm>>
    %dma_wait3A_620 = arith.constant 0 : i32
    %dma_wait3A_621 = tpu.memref_slice %arg5[%dma_wait3A_614, %dma_wait3A_620] : memref<26x128xi32, #tpu.memory_space<vmem>> -> memref<1x128xi32, #tpu.memory_space<vmem>>
    %dma_wait3A_622 = tpu.memref_squeeze %dma_wait3A_621 : memref<1x128xi32, #tpu.memory_space<vmem>> -> memref<128xi32, #tpu.memory_space<vmem>>
    %dma_wait3A_623 = tpu.memref_slice %arg2[%dma_wait3A_613, %mul3A_2] : memref<26x4096xi32, #tpu.memory_space<hbm>> -> memref<1x128xi32, #tpu.memory_space<hbm>>
    %dma_wait3A_624 = tpu.memref_squeeze %dma_wait3A_623 : memref<1x128xi32, #tpu.memory_space<hbm>> -> memref<128xi32, #tpu.memory_space<hbm>>
    tpu.wait_dma2 semaphore(%arg8 : memref<!tpu.dma_semaphore, #tpu.memory_space<semaphore_mem>>) src(%dma_wait3A_624 : memref<128xi32, #tpu.memory_space<hbm>>) dst(%dma_wait3A_622 : memref<128xi32, #tpu.memory_space<vmem>>)
    %dma_start3A_625 = arith.constant 0 : i32
    %dma_start3A_626 = arith.constant 0 : i32
    %dma_start3A_627 = arith.constant 0 : i32
    %dma_start3A_628 = arith.constant 0 : i32
    %dma_start3A_629 = tpu.memref_slice %arg6[%dma_start3A_626, %dma_start3A_627, %dma_start3A_628] : memref<26x128x16xf32, #tpu.memory_space<vmem>> -> memref<1x128x16xf32, #tpu.memory_space<vmem>>
    %dma_start3A_630 = tpu.memref_squeeze %dma_start3A_629 : memref<1x128x16xf32, #tpu.memory_space<vmem>> -> memref<128x16xf32, #tpu.memory_space<vmem>>
    %dma_start3A_631 = arith.constant 0 : i32
    %dma_start3A_632 = tpu.memref_slice %arg5[%dma_start3A_625, %dma_start3A_631] : memref<26x128xi32, #tpu.memory_space<vmem>> -> memref<1x128xi32, #tpu.memory_space<vmem>>
    %dma_start3A_633 = tpu.memref_squeeze %dma_start3A_632 : memref<1x128xi32, #tpu.memory_space<vmem>> -> memref<128xi32, #tpu.memory_space<vmem>>
    %dma_start3A_634 = arith.constant 0 : i32
    %dma_start3A_635 = arith.constant 0 : i32
    %dma_start3A_636 = tpu.memref_slice %arg3[%dma_start3A_634, %dma_start3A_635] : memref<1000000x16xf32, #tpu.memory_space<hbm>> -> memref<1000000x16xf32, #tpu.memory_space<hbm>>
    tpu.enqueue_indirect_dma source(%dma_start3A_636 : memref<1000000x16xf32, #tpu.memory_space<hbm>>) target(%dma_start3A_630 : memref<128x16xf32, #tpu.memory_space<vmem>>) offsets(%dma_start3A_633 : memref<128xi32, #tpu.memory_space<vmem>>) semaphore(%arg9 : memref<!tpu.dma_semaphore, #tpu.memory_space<semaphore_mem>>)
    %dma_start3A_637 = arith.constant 1 : i32
    %dma_start3A_638 = arith.constant 1 : i32
    %dma_start3A_639 = arith.constant 0 : i32
    %dma_start3A_640 = arith.constant 0 : i32
    %dma_start3A_641 = tpu.memref_slice %arg6[%dma_start3A_638, %dma_start3A_639, %dma_start3A_640] : memref<26x128x16xf32, #tpu.memory_space<vmem>> -> memref<1x128x16xf32, #tpu.memory_space<vmem>>
    %dma_start3A_642 = tpu.memref_squeeze %dma_start3A_641 : memref<1x128x16xf32, #tpu.memory_space<vmem>> -> memref<128x16xf32, #tpu.memory_space<vmem>>
    %dma_start3A_643 = arith.constant 0 : i32
    %dma_start3A_644 = tpu.memref_slice %arg5[%dma_start3A_637, %dma_start3A_643] : memref<26x128xi32, #tpu.memory_space<vmem>> -> memref<1x128xi32, #tpu.memory_space<vmem>>
    %dma_start3A_645 = tpu.memref_squeeze %dma_start3A_644 : memref<1x128xi32, #tpu.memory_space<vmem>> -> memref<128xi32, #tpu.memory_space<vmem>>
    %dma_start3A_646 = arith.constant 0 : i32
    %dma_start3A_647 = arith.constant 0 : i32
    %dma_start3A_648 = tpu.memref_slice %arg3[%dma_start3A_646, %dma_start3A_647] : memref<1000000x16xf32, #tpu.memory_space<hbm>> -> memref<1000000x16xf32, #tpu.memory_space<hbm>>
    tpu.enqueue_indirect_dma source(%dma_start3A_648 : memref<1000000x16xf32, #tpu.memory_space<hbm>>) target(%dma_start3A_642 : memref<128x16xf32, #tpu.memory_space<vmem>>) offsets(%dma_start3A_645 : memref<128xi32, #tpu.memory_space<vmem>>) semaphore(%arg9 : memref<!tpu.dma_semaphore, #tpu.memory_space<semaphore_mem>>)
    %dma_start3A_649 = arith.constant 2 : i32
    %dma_start3A_650 = arith.constant 2 : i32
    %dma_start3A_651 = arith.constant 0 : i32
    %dma_start3A_652 = arith.constant 0 : i32
    %dma_start3A_653 = tpu.memref_slice %arg6[%dma_start3A_650, %dma_start3A_651, %dma_start3A_652] : memref<26x128x16xf32, #tpu.memory_space<vmem>> -> memref<1x128x16xf32, #tpu.memory_space<vmem>>
    %dma_start3A_654 = tpu.memref_squeeze %dma_start3A_653 : memref<1x128x16xf32, #tpu.memory_space<vmem>> -> memref<128x16xf32, #tpu.memory_space<vmem>>
    %dma_start3A_655 = arith.constant 0 : i32
    %dma_start3A_656 = tpu.memref_slice %arg5[%dma_start3A_649, %dma_start3A_655] : memref<26x128xi32, #tpu.memory_space<vmem>> -> memref<1x128xi32, #tpu.memory_space<vmem>>
    %dma_start3A_657 = tpu.memref_squeeze %dma_start3A_656 : memref<1x128xi32, #tpu.memory_space<vmem>> -> memref<128xi32, #tpu.memory_space<vmem>>
    %dma_start3A_658 = arith.constant 0 : i32
    %dma_start3A_659 = arith.constant 0 : i32
    %dma_start3A_660 = tpu.memref_slice %arg3[%dma_start3A_658, %dma_start3A_659] : memref<1000000x16xf32, #tpu.memory_space<hbm>> -> memref<1000000x16xf32, #tpu.memory_space<hbm>>
    tpu.enqueue_indirect_dma source(%dma_start3A_660 : memref<1000000x16xf32, #tpu.memory_space<hbm>>) target(%dma_start3A_654 : memref<128x16xf32, #tpu.memory_space<vmem>>) offsets(%dma_start3A_657 : memref<128xi32, #tpu.memory_space<vmem>>) semaphore(%arg9 : memref<!tpu.dma_semaphore, #tpu.memory_space<semaphore_mem>>)
    %dma_start3A_661 = arith.constant 3 : i32
    %dma_start3A_662 = arith.constant 3 : i32
    %dma_start3A_663 = arith.constant 0 : i32
    %dma_start3A_664 = arith.constant 0 : i32
    %dma_start3A_665 = tpu.memref_slice %arg6[%dma_start3A_662, %dma_start3A_663, %dma_start3A_664] : memref<26x128x16xf32, #tpu.memory_space<vmem>> -> memref<1x128x16xf32, #tpu.memory_space<vmem>>
    %dma_start3A_666 = tpu.memref_squeeze %dma_start3A_665 : memref<1x128x16xf32, #tpu.memory_space<vmem>> -> memref<128x16xf32, #tpu.memory_space<vmem>>
    %dma_start3A_667 = arith.constant 0 : i32
    %dma_start3A_668 = tpu.memref_slice %arg5[%dma_start3A_661, %dma_start3A_667] : memref<26x128xi32, #tpu.memory_space<vmem>> -> memref<1x128xi32, #tpu.memory_space<vmem>>
    %dma_start3A_669 = tpu.memref_squeeze %dma_start3A_668 : memref<1x128xi32, #tpu.memory_space<vmem>> -> memref<128xi32, #tpu.memory_space<vmem>>
    %dma_start3A_670 = arith.constant 0 : i32
    %dma_start3A_671 = arith.constant 0 : i32
    %dma_start3A_672 = tpu.memref_slice %arg3[%dma_start3A_670, %dma_start3A_671] : memref<1000000x16xf32, #tpu.memory_space<hbm>> -> memref<1000000x16xf32, #tpu.memory_space<hbm>>
    tpu.enqueue_indirect_dma source(%dma_start3A_672 : memref<1000000x16xf32, #tpu.memory_space<hbm>>) target(%dma_start3A_666 : memref<128x16xf32, #tpu.memory_space<vmem>>) offsets(%dma_start3A_669 : memref<128xi32, #tpu.memory_space<vmem>>) semaphore(%arg9 : memref<!tpu.dma_semaphore, #tpu.memory_space<semaphore_mem>>)
    %dma_start3A_673 = arith.constant 4 : i32
    %dma_start3A_674 = arith.constant 4 : i32
    %dma_start3A_675 = arith.constant 0 : i32
    %dma_start3A_676 = arith.constant 0 : i32
    %dma_start3A_677 = tpu.memref_slice %arg6[%dma_start3A_674, %dma_start3A_675, %dma_start3A_676] : memref<26x128x16xf32, #tpu.memory_space<vmem>> -> memref<1x128x16xf32, #tpu.memory_space<vmem>>
    %dma_start3A_678 = tpu.memref_squeeze %dma_start3A_677 : memref<1x128x16xf32, #tpu.memory_space<vmem>> -> memref<128x16xf32, #tpu.memory_space<vmem>>
    %dma_start3A_679 = arith.constant 0 : i32
    %dma_start3A_680 = tpu.memref_slice %arg5[%dma_start3A_673, %dma_start3A_679] : memref<26x128xi32, #tpu.memory_space<vmem>> -> memref<1x128xi32, #tpu.memory_space<vmem>>
    %dma_start3A_681 = tpu.memref_squeeze %dma_start3A_680 : memref<1x128xi32, #tpu.memory_space<vmem>> -> memref<128xi32, #tpu.memory_space<vmem>>
    %dma_start3A_682 = arith.constant 0 : i32
    %dma_start3A_683 = arith.constant 0 : i32
    %dma_start3A_684 = tpu.memref_slice %arg3[%dma_start3A_682, %dma_start3A_683] : memref<1000000x16xf32, #tpu.memory_space<hbm>> -> memref<1000000x16xf32, #tpu.memory_space<hbm>>
    tpu.enqueue_indirect_dma source(%dma_start3A_684 : memref<1000000x16xf32, #tpu.memory_space<hbm>>) target(%dma_start3A_678 : memref<128x16xf32, #tpu.memory_space<vmem>>) offsets(%dma_start3A_681 : memref<128xi32, #tpu.memory_space<vmem>>) semaphore(%arg9 : memref<!tpu.dma_semaphore, #tpu.memory_space<semaphore_mem>>)
    %dma_start3A_685 = arith.constant 5 : i32
    %dma_start3A_686 = arith.constant 5 : i32
    %dma_start3A_687 = arith.constant 0 : i32
    %dma_start3A_688 = arith.constant 0 : i32
    %dma_start3A_689 = tpu.memref_slice %arg6[%dma_start3A_686, %dma_start3A_687, %dma_start3A_688] : memref<26x128x16xf32, #tpu.memory_space<vmem>> -> memref<1x128x16xf32, #tpu.memory_space<vmem>>
    %dma_start3A_690 = tpu.memref_squeeze %dma_start3A_689 : memref<1x128x16xf32, #tpu.memory_space<vmem>> -> memref<128x16xf32, #tpu.memory_space<vmem>>
    %dma_start3A_691 = arith.constant 0 : i32
    %dma_start3A_692 = tpu.memref_slice %arg5[%dma_start3A_685, %dma_start3A_691] : memref<26x128xi32, #tpu.memory_space<vmem>> -> memref<1x128xi32, #tpu.memory_space<vmem>>
    %dma_start3A_693 = tpu.memref_squeeze %dma_start3A_692 : memref<1x128xi32, #tpu.memory_space<vmem>> -> memref<128xi32, #tpu.memory_space<vmem>>
    %dma_start3A_694 = arith.constant 0 : i32
    %dma_start3A_695 = arith.constant 0 : i32
    %dma_start3A_696 = tpu.memref_slice %arg3[%dma_start3A_694, %dma_start3A_695] : memref<1000000x16xf32, #tpu.memory_space<hbm>> -> memref<1000000x16xf32, #tpu.memory_space<hbm>>
    tpu.enqueue_indirect_dma source(%dma_start3A_696 : memref<1000000x16xf32, #tpu.memory_space<hbm>>) target(%dma_start3A_690 : memref<128x16xf32, #tpu.memory_space<vmem>>) offsets(%dma_start3A_693 : memref<128xi32, #tpu.memory_space<vmem>>) semaphore(%arg9 : memref<!tpu.dma_semaphore, #tpu.memory_space<semaphore_mem>>)
    %dma_start3A_697 = arith.constant 6 : i32
    %dma_start3A_698 = arith.constant 6 : i32
    %dma_start3A_699 = arith.constant 0 : i32
    %dma_start3A_700 = arith.constant 0 : i32
    %dma_start3A_701 = tpu.memref_slice %arg6[%dma_start3A_698, %dma_start3A_699, %dma_start3A_700] : memref<26x128x16xf32, #tpu.memory_space<vmem>> -> memref<1x128x16xf32, #tpu.memory_space<vmem>>
    %dma_start3A_702 = tpu.memref_squeeze %dma_start3A_701 : memref<1x128x16xf32, #tpu.memory_space<vmem>> -> memref<128x16xf32, #tpu.memory_space<vmem>>
    %dma_start3A_703 = arith.constant 0 : i32
    %dma_start3A_704 = tpu.memref_slice %arg5[%dma_start3A_697, %dma_start3A_703] : memref<26x128xi32, #tpu.memory_space<vmem>> -> memref<1x128xi32, #tpu.memory_space<vmem>>
    %dma_start3A_705 = tpu.memref_squeeze %dma_start3A_704 : memref<1x128xi32, #tpu.memory_space<vmem>> -> memref<128xi32, #tpu.memory_space<vmem>>
    %dma_start3A_706 = arith.constant 0 : i32
    %dma_start3A_707 = arith.constant 0 : i32
    %dma_start3A_708 = tpu.memref_slice %arg3[%dma_start3A_706, %dma_start3A_707] : memref<1000000x16xf32, #tpu.memory_space<hbm>> -> memref<1000000x16xf32, #tpu.memory_space<hbm>>
    tpu.enqueue_indirect_dma source(%dma_start3A_708 : memref<1000000x16xf32, #tpu.memory_space<hbm>>) target(%dma_start3A_702 : memref<128x16xf32, #tpu.memory_space<vmem>>) offsets(%dma_start3A_705 : memref<128xi32, #tpu.memory_space<vmem>>) semaphore(%arg9 : memref<!tpu.dma_semaphore, #tpu.memory_space<semaphore_mem>>)
    %dma_start3A_709 = arith.constant 7 : i32
    %dma_start3A_710 = arith.constant 7 : i32
    %dma_start3A_711 = arith.constant 0 : i32
    %dma_start3A_712 = arith.constant 0 : i32
    %dma_start3A_713 = tpu.memref_slice %arg6[%dma_start3A_710, %dma_start3A_711, %dma_start3A_712] : memref<26x128x16xf32, #tpu.memory_space<vmem>> -> memref<1x128x16xf32, #tpu.memory_space<vmem>>
    %dma_start3A_714 = tpu.memref_squeeze %dma_start3A_713 : memref<1x128x16xf32, #tpu.memory_space<vmem>> -> memref<128x16xf32, #tpu.memory_space<vmem>>
    %dma_start3A_715 = arith.constant 0 : i32
    %dma_start3A_716 = tpu.memref_slice %arg5[%dma_start3A_709, %dma_start3A_715] : memref<26x128xi32, #tpu.memory_space<vmem>> -> memref<1x128xi32, #tpu.memory_space<vmem>>
    %dma_start3A_717 = tpu.memref_squeeze %dma_start3A_716 : memref<1x128xi32, #tpu.memory_space<vmem>> -> memref<128xi32, #tpu.memory_space<vmem>>
    %dma_start3A_718 = arith.constant 0 : i32
    %dma_start3A_719 = arith.constant 0 : i32
    %dma_start3A_720 = tpu.memref_slice %arg3[%dma_start3A_718, %dma_start3A_719] : memref<1000000x16xf32, #tpu.memory_space<hbm>> -> memref<1000000x16xf32, #tpu.memory_space<hbm>>
    tpu.enqueue_indirect_dma source(%dma_start3A_720 : memref<1000000x16xf32, #tpu.memory_space<hbm>>) target(%dma_start3A_714 : memref<128x16xf32, #tpu.memory_space<vmem>>) offsets(%dma_start3A_717 : memref<128xi32, #tpu.memory_space<vmem>>) semaphore(%arg9 : memref<!tpu.dma_semaphore, #tpu.memory_space<semaphore_mem>>)
    %dma_start3A_721 = arith.constant 8 : i32
    %dma_start3A_722 = arith.constant 8 : i32
    %dma_start3A_723 = arith.constant 0 : i32
    %dma_start3A_724 = arith.constant 0 : i32
    %dma_start3A_725 = tpu.memref_slice %arg6[%dma_start3A_722, %dma_start3A_723, %dma_start3A_724] : memref<26x128x16xf32, #tpu.memory_space<vmem>> -> memref<1x128x16xf32, #tpu.memory_space<vmem>>
    %dma_start3A_726 = tpu.memref_squeeze %dma_start3A_725 : memref<1x128x16xf32, #tpu.memory_space<vmem>> -> memref<128x16xf32, #tpu.memory_space<vmem>>
    %dma_start3A_727 = arith.constant 0 : i32
    %dma_start3A_728 = tpu.memref_slice %arg5[%dma_start3A_721, %dma_start3A_727] : memref<26x128xi32, #tpu.memory_space<vmem>> -> memref<1x128xi32, #tpu.memory_space<vmem>>
    %dma_start3A_729 = tpu.memref_squeeze %dma_start3A_728 : memref<1x128xi32, #tpu.memory_space<vmem>> -> memref<128xi32, #tpu.memory_space<vmem>>
    %dma_start3A_730 = arith.constant 0 : i32
    %dma_start3A_731 = arith.constant 0 : i32
    %dma_start3A_732 = tpu.memref_slice %arg3[%dma_start3A_730, %dma_start3A_731] : memref<1000000x16xf32, #tpu.memory_space<hbm>> -> memref<1000000x16xf32, #tpu.memory_space<hbm>>
    tpu.enqueue_indirect_dma source(%dma_start3A_732 : memref<1000000x16xf32, #tpu.memory_space<hbm>>) target(%dma_start3A_726 : memref<128x16xf32, #tpu.memory_space<vmem>>) offsets(%dma_start3A_729 : memref<128xi32, #tpu.memory_space<vmem>>) semaphore(%arg9 : memref<!tpu.dma_semaphore, #tpu.memory_space<semaphore_mem>>)
    %dma_start3A_733 = arith.constant 9 : i32
    %dma_start3A_734 = arith.constant 9 : i32
    %dma_start3A_735 = arith.constant 0 : i32
    %dma_start3A_736 = arith.constant 0 : i32
    %dma_start3A_737 = tpu.memref_slice %arg6[%dma_start3A_734, %dma_start3A_735, %dma_start3A_736] : memref<26x128x16xf32, #tpu.memory_space<vmem>> -> memref<1x128x16xf32, #tpu.memory_space<vmem>>
    %dma_start3A_738 = tpu.memref_squeeze %dma_start3A_737 : memref<1x128x16xf32, #tpu.memory_space<vmem>> -> memref<128x16xf32, #tpu.memory_space<vmem>>
    %dma_start3A_739 = arith.constant 0 : i32
    %dma_start3A_740 = tpu.memref_slice %arg5[%dma_start3A_733, %dma_start3A_739] : memref<26x128xi32, #tpu.memory_space<vmem>> -> memref<1x128xi32, #tpu.memory_space<vmem>>
    %dma_start3A_741 = tpu.memref_squeeze %dma_start3A_740 : memref<1x128xi32, #tpu.memory_space<vmem>> -> memref<128xi32, #tpu.memory_space<vmem>>
    %dma_start3A_742 = arith.constant 0 : i32
    %dma_start3A_743 = arith.constant 0 : i32
    %dma_start3A_744 = tpu.memref_slice %arg3[%dma_start3A_742, %dma_start3A_743] : memref<1000000x16xf32, #tpu.memory_space<hbm>> -> memref<1000000x16xf32, #tpu.memory_space<hbm>>
    tpu.enqueue_indirect_dma source(%dma_start3A_744 : memref<1000000x16xf32, #tpu.memory_space<hbm>>) target(%dma_start3A_738 : memref<128x16xf32, #tpu.memory_space<vmem>>) offsets(%dma_start3A_741 : memref<128xi32, #tpu.memory_space<vmem>>) semaphore(%arg9 : memref<!tpu.dma_semaphore, #tpu.memory_space<semaphore_mem>>)
    %dma_start3A_745 = arith.constant 10 : i32
    %dma_start3A_746 = arith.constant 10 : i32
    %dma_start3A_747 = arith.constant 0 : i32
    %dma_start3A_748 = arith.constant 0 : i32
    %dma_start3A_749 = tpu.memref_slice %arg6[%dma_start3A_746, %dma_start3A_747, %dma_start3A_748] : memref<26x128x16xf32, #tpu.memory_space<vmem>> -> memref<1x128x16xf32, #tpu.memory_space<vmem>>
    %dma_start3A_750 = tpu.memref_squeeze %dma_start3A_749 : memref<1x128x16xf32, #tpu.memory_space<vmem>> -> memref<128x16xf32, #tpu.memory_space<vmem>>
    %dma_start3A_751 = arith.constant 0 : i32
    %dma_start3A_752 = tpu.memref_slice %arg5[%dma_start3A_745, %dma_start3A_751] : memref<26x128xi32, #tpu.memory_space<vmem>> -> memref<1x128xi32, #tpu.memory_space<vmem>>
    %dma_start3A_753 = tpu.memref_squeeze %dma_start3A_752 : memref<1x128xi32, #tpu.memory_space<vmem>> -> memref<128xi32, #tpu.memory_space<vmem>>
    %dma_start3A_754 = arith.constant 0 : i32
    %dma_start3A_755 = arith.constant 0 : i32
    %dma_start3A_756 = tpu.memref_slice %arg3[%dma_start3A_754, %dma_start3A_755] : memref<1000000x16xf32, #tpu.memory_space<hbm>> -> memref<1000000x16xf32, #tpu.memory_space<hbm>>
    tpu.enqueue_indirect_dma source(%dma_start3A_756 : memref<1000000x16xf32, #tpu.memory_space<hbm>>) target(%dma_start3A_750 : memref<128x16xf32, #tpu.memory_space<vmem>>) offsets(%dma_start3A_753 : memref<128xi32, #tpu.memory_space<vmem>>) semaphore(%arg9 : memref<!tpu.dma_semaphore, #tpu.memory_space<semaphore_mem>>)
    %dma_start3A_757 = arith.constant 11 : i32
    %dma_start3A_758 = arith.constant 11 : i32
    %dma_start3A_759 = arith.constant 0 : i32
    %dma_start3A_760 = arith.constant 0 : i32
    %dma_start3A_761 = tpu.memref_slice %arg6[%dma_start3A_758, %dma_start3A_759, %dma_start3A_760] : memref<26x128x16xf32, #tpu.memory_space<vmem>> -> memref<1x128x16xf32, #tpu.memory_space<vmem>>
    %dma_start3A_762 = tpu.memref_squeeze %dma_start3A_761 : memref<1x128x16xf32, #tpu.memory_space<vmem>> -> memref<128x16xf32, #tpu.memory_space<vmem>>
    %dma_start3A_763 = arith.constant 0 : i32
    %dma_start3A_764 = tpu.memref_slice %arg5[%dma_start3A_757, %dma_start3A_763] : memref<26x128xi32, #tpu.memory_space<vmem>> -> memref<1x128xi32, #tpu.memory_space<vmem>>
    %dma_start3A_765 = tpu.memref_squeeze %dma_start3A_764 : memref<1x128xi32, #tpu.memory_space<vmem>> -> memref<128xi32, #tpu.memory_space<vmem>>
    %dma_start3A_766 = arith.constant 0 : i32
    %dma_start3A_767 = arith.constant 0 : i32
    %dma_start3A_768 = tpu.memref_slice %arg3[%dma_start3A_766, %dma_start3A_767] : memref<1000000x16xf32, #tpu.memory_space<hbm>> -> memref<1000000x16xf32, #tpu.memory_space<hbm>>
    tpu.enqueue_indirect_dma source(%dma_start3A_768 : memref<1000000x16xf32, #tpu.memory_space<hbm>>) target(%dma_start3A_762 : memref<128x16xf32, #tpu.memory_space<vmem>>) offsets(%dma_start3A_765 : memref<128xi32, #tpu.memory_space<vmem>>) semaphore(%arg9 : memref<!tpu.dma_semaphore, #tpu.memory_space<semaphore_mem>>)
    %dma_start3A_769 = arith.constant 12 : i32
    %dma_start3A_770 = arith.constant 12 : i32
    %dma_start3A_771 = arith.constant 0 : i32
    %dma_start3A_772 = arith.constant 0 : i32
    %dma_start3A_773 = tpu.memref_slice %arg6[%dma_start3A_770, %dma_start3A_771, %dma_start3A_772] : memref<26x128x16xf32, #tpu.memory_space<vmem>> -> memref<1x128x16xf32, #tpu.memory_space<vmem>>
    %dma_start3A_774 = tpu.memref_squeeze %dma_start3A_773 : memref<1x128x16xf32, #tpu.memory_space<vmem>> -> memref<128x16xf32, #tpu.memory_space<vmem>>
    %dma_start3A_775 = arith.constant 0 : i32
    %dma_start3A_776 = tpu.memref_slice %arg5[%dma_start3A_769, %dma_start3A_775] : memref<26x128xi32, #tpu.memory_space<vmem>> -> memref<1x128xi32, #tpu.memory_space<vmem>>
    %dma_start3A_777 = tpu.memref_squeeze %dma_start3A_776 : memref<1x128xi32, #tpu.memory_space<vmem>> -> memref<128xi32, #tpu.memory_space<vmem>>
    %dma_start3A_778 = arith.constant 0 : i32
    %dma_start3A_779 = arith.constant 0 : i32
    %dma_start3A_780 = tpu.memref_slice %arg3[%dma_start3A_778, %dma_start3A_779] : memref<1000000x16xf32, #tpu.memory_space<hbm>> -> memref<1000000x16xf32, #tpu.memory_space<hbm>>
    tpu.enqueue_indirect_dma source(%dma_start3A_780 : memref<1000000x16xf32, #tpu.memory_space<hbm>>) target(%dma_start3A_774 : memref<128x16xf32, #tpu.memory_space<vmem>>) offsets(%dma_start3A_777 : memref<128xi32, #tpu.memory_space<vmem>>) semaphore(%arg9 : memref<!tpu.dma_semaphore, #tpu.memory_space<semaphore_mem>>)
    %dma_start3A_781 = arith.constant 13 : i32
    %dma_start3A_782 = arith.constant 13 : i32
    %dma_start3A_783 = arith.constant 0 : i32
    %dma_start3A_784 = arith.constant 0 : i32
    %dma_start3A_785 = tpu.memref_slice %arg6[%dma_start3A_782, %dma_start3A_783, %dma_start3A_784] : memref<26x128x16xf32, #tpu.memory_space<vmem>> -> memref<1x128x16xf32, #tpu.memory_space<vmem>>
    %dma_start3A_786 = tpu.memref_squeeze %dma_start3A_785 : memref<1x128x16xf32, #tpu.memory_space<vmem>> -> memref<128x16xf32, #tpu.memory_space<vmem>>
    %dma_start3A_787 = arith.constant 0 : i32
    %dma_start3A_788 = tpu.memref_slice %arg5[%dma_start3A_781, %dma_start3A_787] : memref<26x128xi32, #tpu.memory_space<vmem>> -> memref<1x128xi32, #tpu.memory_space<vmem>>
    %dma_start3A_789 = tpu.memref_squeeze %dma_start3A_788 : memref<1x128xi32, #tpu.memory_space<vmem>> -> memref<128xi32, #tpu.memory_space<vmem>>
    %dma_start3A_790 = arith.constant 0 : i32
    %dma_start3A_791 = arith.constant 0 : i32
    %dma_start3A_792 = tpu.memref_slice %arg3[%dma_start3A_790, %dma_start3A_791] : memref<1000000x16xf32, #tpu.memory_space<hbm>> -> memref<1000000x16xf32, #tpu.memory_space<hbm>>
    tpu.enqueue_indirect_dma source(%dma_start3A_792 : memref<1000000x16xf32, #tpu.memory_space<hbm>>) target(%dma_start3A_786 : memref<128x16xf32, #tpu.memory_space<vmem>>) offsets(%dma_start3A_789 : memref<128xi32, #tpu.memory_space<vmem>>) semaphore(%arg9 : memref<!tpu.dma_semaphore, #tpu.memory_space<semaphore_mem>>)
    %dma_start3A_793 = arith.constant 14 : i32
    %dma_start3A_794 = arith.constant 14 : i32
    %dma_start3A_795 = arith.constant 0 : i32
    %dma_start3A_796 = arith.constant 0 : i32
    %dma_start3A_797 = tpu.memref_slice %arg6[%dma_start3A_794, %dma_start3A_795, %dma_start3A_796] : memref<26x128x16xf32, #tpu.memory_space<vmem>> -> memref<1x128x16xf32, #tpu.memory_space<vmem>>
    %dma_start3A_798 = tpu.memref_squeeze %dma_start3A_797 : memref<1x128x16xf32, #tpu.memory_space<vmem>> -> memref<128x16xf32, #tpu.memory_space<vmem>>
    %dma_start3A_799 = arith.constant 0 : i32
    %dma_start3A_800 = tpu.memref_slice %arg5[%dma_start3A_793, %dma_start3A_799] : memref<26x128xi32, #tpu.memory_space<vmem>> -> memref<1x128xi32, #tpu.memory_space<vmem>>
    %dma_start3A_801 = tpu.memref_squeeze %dma_start3A_800 : memref<1x128xi32, #tpu.memory_space<vmem>> -> memref<128xi32, #tpu.memory_space<vmem>>
    %dma_start3A_802 = arith.constant 0 : i32
    %dma_start3A_803 = arith.constant 0 : i32
    %dma_start3A_804 = tpu.memref_slice %arg3[%dma_start3A_802, %dma_start3A_803] : memref<1000000x16xf32, #tpu.memory_space<hbm>> -> memref<1000000x16xf32, #tpu.memory_space<hbm>>
    tpu.enqueue_indirect_dma source(%dma_start3A_804 : memref<1000000x16xf32, #tpu.memory_space<hbm>>) target(%dma_start3A_798 : memref<128x16xf32, #tpu.memory_space<vmem>>) offsets(%dma_start3A_801 : memref<128xi32, #tpu.memory_space<vmem>>) semaphore(%arg9 : memref<!tpu.dma_semaphore, #tpu.memory_space<semaphore_mem>>)
    %dma_start3A_805 = arith.constant 15 : i32
    %dma_start3A_806 = arith.constant 15 : i32
    %dma_start3A_807 = arith.constant 0 : i32
    %dma_start3A_808 = arith.constant 0 : i32
    %dma_start3A_809 = tpu.memref_slice %arg6[%dma_start3A_806, %dma_start3A_807, %dma_start3A_808] : memref<26x128x16xf32, #tpu.memory_space<vmem>> -> memref<1x128x16xf32, #tpu.memory_space<vmem>>
    %dma_start3A_810 = tpu.memref_squeeze %dma_start3A_809 : memref<1x128x16xf32, #tpu.memory_space<vmem>> -> memref<128x16xf32, #tpu.memory_space<vmem>>
    %dma_start3A_811 = arith.constant 0 : i32
    %dma_start3A_812 = tpu.memref_slice %arg5[%dma_start3A_805, %dma_start3A_811] : memref<26x128xi32, #tpu.memory_space<vmem>> -> memref<1x128xi32, #tpu.memory_space<vmem>>
    %dma_start3A_813 = tpu.memref_squeeze %dma_start3A_812 : memref<1x128xi32, #tpu.memory_space<vmem>> -> memref<128xi32, #tpu.memory_space<vmem>>
    %dma_start3A_814 = arith.constant 0 : i32
    %dma_start3A_815 = arith.constant 0 : i32
    %dma_start3A_816 = tpu.memref_slice %arg3[%dma_start3A_814, %dma_start3A_815] : memref<1000000x16xf32, #tpu.memory_space<hbm>> -> memref<1000000x16xf32, #tpu.memory_space<hbm>>
    tpu.enqueue_indirect_dma source(%dma_start3A_816 : memref<1000000x16xf32, #tpu.memory_space<hbm>>) target(%dma_start3A_810 : memref<128x16xf32, #tpu.memory_space<vmem>>) offsets(%dma_start3A_813 : memref<128xi32, #tpu.memory_space<vmem>>) semaphore(%arg9 : memref<!tpu.dma_semaphore, #tpu.memory_space<semaphore_mem>>)
    %dma_start3A_817 = arith.constant 16 : i32
    %dma_start3A_818 = arith.constant 16 : i32
    %dma_start3A_819 = arith.constant 0 : i32
    %dma_start3A_820 = arith.constant 0 : i32
    %dma_start3A_821 = tpu.memref_slice %arg6[%dma_start3A_818, %dma_start3A_819, %dma_start3A_820] : memref<26x128x16xf32, #tpu.memory_space<vmem>> -> memref<1x128x16xf32, #tpu.memory_space<vmem>>
    %dma_start3A_822 = tpu.memref_squeeze %dma_start3A_821 : memref<1x128x16xf32, #tpu.memory_space<vmem>> -> memref<128x16xf32, #tpu.memory_space<vmem>>
    %dma_start3A_823 = arith.constant 0 : i32
    %dma_start3A_824 = tpu.memref_slice %arg5[%dma_start3A_817, %dma_start3A_823] : memref<26x128xi32, #tpu.memory_space<vmem>> -> memref<1x128xi32, #tpu.memory_space<vmem>>
    %dma_start3A_825 = tpu.memref_squeeze %dma_start3A_824 : memref<1x128xi32, #tpu.memory_space<vmem>> -> memref<128xi32, #tpu.memory_space<vmem>>
    %dma_start3A_826 = arith.constant 0 : i32
    %dma_start3A_827 = arith.constant 0 : i32
    %dma_start3A_828 = tpu.memref_slice %arg3[%dma_start3A_826, %dma_start3A_827] : memref<1000000x16xf32, #tpu.memory_space<hbm>> -> memref<1000000x16xf32, #tpu.memory_space<hbm>>
    tpu.enqueue_indirect_dma source(%dma_start3A_828 : memref<1000000x16xf32, #tpu.memory_space<hbm>>) target(%dma_start3A_822 : memref<128x16xf32, #tpu.memory_space<vmem>>) offsets(%dma_start3A_825 : memref<128xi32, #tpu.memory_space<vmem>>) semaphore(%arg9 : memref<!tpu.dma_semaphore, #tpu.memory_space<semaphore_mem>>)
    %dma_start3A_829 = arith.constant 17 : i32
    %dma_start3A_830 = arith.constant 17 : i32
    %dma_start3A_831 = arith.constant 0 : i32
    %dma_start3A_832 = arith.constant 0 : i32
    %dma_start3A_833 = tpu.memref_slice %arg6[%dma_start3A_830, %dma_start3A_831, %dma_start3A_832] : memref<26x128x16xf32, #tpu.memory_space<vmem>> -> memref<1x128x16xf32, #tpu.memory_space<vmem>>
    %dma_start3A_834 = tpu.memref_squeeze %dma_start3A_833 : memref<1x128x16xf32, #tpu.memory_space<vmem>> -> memref<128x16xf32, #tpu.memory_space<vmem>>
    %dma_start3A_835 = arith.constant 0 : i32
    %dma_start3A_836 = tpu.memref_slice %arg5[%dma_start3A_829, %dma_start3A_835] : memref<26x128xi32, #tpu.memory_space<vmem>> -> memref<1x128xi32, #tpu.memory_space<vmem>>
    %dma_start3A_837 = tpu.memref_squeeze %dma_start3A_836 : memref<1x128xi32, #tpu.memory_space<vmem>> -> memref<128xi32, #tpu.memory_space<vmem>>
    %dma_start3A_838 = arith.constant 0 : i32
    %dma_start3A_839 = arith.constant 0 : i32
    %dma_start3A_840 = tpu.memref_slice %arg3[%dma_start3A_838, %dma_start3A_839] : memref<1000000x16xf32, #tpu.memory_space<hbm>> -> memref<1000000x16xf32, #tpu.memory_space<hbm>>
    tpu.enqueue_indirect_dma source(%dma_start3A_840 : memref<1000000x16xf32, #tpu.memory_space<hbm>>) target(%dma_start3A_834 : memref<128x16xf32, #tpu.memory_space<vmem>>) offsets(%dma_start3A_837 : memref<128xi32, #tpu.memory_space<vmem>>) semaphore(%arg9 : memref<!tpu.dma_semaphore, #tpu.memory_space<semaphore_mem>>)
    %dma_start3A_841 = arith.constant 18 : i32
    %dma_start3A_842 = arith.constant 18 : i32
    %dma_start3A_843 = arith.constant 0 : i32
    %dma_start3A_844 = arith.constant 0 : i32
    %dma_start3A_845 = tpu.memref_slice %arg6[%dma_start3A_842, %dma_start3A_843, %dma_start3A_844] : memref<26x128x16xf32, #tpu.memory_space<vmem>> -> memref<1x128x16xf32, #tpu.memory_space<vmem>>
    %dma_start3A_846 = tpu.memref_squeeze %dma_start3A_845 : memref<1x128x16xf32, #tpu.memory_space<vmem>> -> memref<128x16xf32, #tpu.memory_space<vmem>>
    %dma_start3A_847 = arith.constant 0 : i32
    %dma_start3A_848 = tpu.memref_slice %arg5[%dma_start3A_841, %dma_start3A_847] : memref<26x128xi32, #tpu.memory_space<vmem>> -> memref<1x128xi32, #tpu.memory_space<vmem>>
    %dma_start3A_849 = tpu.memref_squeeze %dma_start3A_848 : memref<1x128xi32, #tpu.memory_space<vmem>> -> memref<128xi32, #tpu.memory_space<vmem>>
    %dma_start3A_850 = arith.constant 0 : i32
    %dma_start3A_851 = arith.constant 0 : i32
    %dma_start3A_852 = tpu.memref_slice %arg3[%dma_start3A_850, %dma_start3A_851] : memref<1000000x16xf32, #tpu.memory_space<hbm>> -> memref<1000000x16xf32, #tpu.memory_space<hbm>>
    tpu.enqueue_indirect_dma source(%dma_start3A_852 : memref<1000000x16xf32, #tpu.memory_space<hbm>>) target(%dma_start3A_846 : memref<128x16xf32, #tpu.memory_space<vmem>>) offsets(%dma_start3A_849 : memref<128xi32, #tpu.memory_space<vmem>>) semaphore(%arg9 : memref<!tpu.dma_semaphore, #tpu.memory_space<semaphore_mem>>)
    %dma_start3A_853 = arith.constant 19 : i32
    %dma_start3A_854 = arith.constant 19 : i32
    %dma_start3A_855 = arith.constant 0 : i32
    %dma_start3A_856 = arith.constant 0 : i32
    %dma_start3A_857 = tpu.memref_slice %arg6[%dma_start3A_854, %dma_start3A_855, %dma_start3A_856] : memref<26x128x16xf32, #tpu.memory_space<vmem>> -> memref<1x128x16xf32, #tpu.memory_space<vmem>>
    %dma_start3A_858 = tpu.memref_squeeze %dma_start3A_857 : memref<1x128x16xf32, #tpu.memory_space<vmem>> -> memref<128x16xf32, #tpu.memory_space<vmem>>
    %dma_start3A_859 = arith.constant 0 : i32
    %dma_start3A_860 = tpu.memref_slice %arg5[%dma_start3A_853, %dma_start3A_859] : memref<26x128xi32, #tpu.memory_space<vmem>> -> memref<1x128xi32, #tpu.memory_space<vmem>>
    %dma_start3A_861 = tpu.memref_squeeze %dma_start3A_860 : memref<1x128xi32, #tpu.memory_space<vmem>> -> memref<128xi32, #tpu.memory_space<vmem>>
    %dma_start3A_862 = arith.constant 0 : i32
    %dma_start3A_863 = arith.constant 0 : i32
    %dma_start3A_864 = tpu.memref_slice %arg3[%dma_start3A_862, %dma_start3A_863] : memref<1000000x16xf32, #tpu.memory_space<hbm>> -> memref<1000000x16xf32, #tpu.memory_space<hbm>>
    tpu.enqueue_indirect_dma source(%dma_start3A_864 : memref<1000000x16xf32, #tpu.memory_space<hbm>>) target(%dma_start3A_858 : memref<128x16xf32, #tpu.memory_space<vmem>>) offsets(%dma_start3A_861 : memref<128xi32, #tpu.memory_space<vmem>>) semaphore(%arg9 : memref<!tpu.dma_semaphore, #tpu.memory_space<semaphore_mem>>)
    %dma_start3A_865 = arith.constant 20 : i32
    %dma_start3A_866 = arith.constant 20 : i32
    %dma_start3A_867 = arith.constant 0 : i32
    %dma_start3A_868 = arith.constant 0 : i32
    %dma_start3A_869 = tpu.memref_slice %arg6[%dma_start3A_866, %dma_start3A_867, %dma_start3A_868] : memref<26x128x16xf32, #tpu.memory_space<vmem>> -> memref<1x128x16xf32, #tpu.memory_space<vmem>>
    %dma_start3A_870 = tpu.memref_squeeze %dma_start3A_869 : memref<1x128x16xf32, #tpu.memory_space<vmem>> -> memref<128x16xf32, #tpu.memory_space<vmem>>
    %dma_start3A_871 = arith.constant 0 : i32
    %dma_start3A_872 = tpu.memref_slice %arg5[%dma_start3A_865, %dma_start3A_871] : memref<26x128xi32, #tpu.memory_space<vmem>> -> memref<1x128xi32, #tpu.memory_space<vmem>>
    %dma_start3A_873 = tpu.memref_squeeze %dma_start3A_872 : memref<1x128xi32, #tpu.memory_space<vmem>> -> memref<128xi32, #tpu.memory_space<vmem>>
    %dma_start3A_874 = arith.constant 0 : i32
    %dma_start3A_875 = arith.constant 0 : i32
    %dma_start3A_876 = tpu.memref_slice %arg3[%dma_start3A_874, %dma_start3A_875] : memref<1000000x16xf32, #tpu.memory_space<hbm>> -> memref<1000000x16xf32, #tpu.memory_space<hbm>>
    tpu.enqueue_indirect_dma source(%dma_start3A_876 : memref<1000000x16xf32, #tpu.memory_space<hbm>>) target(%dma_start3A_870 : memref<128x16xf32, #tpu.memory_space<vmem>>) offsets(%dma_start3A_873 : memref<128xi32, #tpu.memory_space<vmem>>) semaphore(%arg9 : memref<!tpu.dma_semaphore, #tpu.memory_space<semaphore_mem>>)
    %dma_start3A_877 = arith.constant 21 : i32
    %dma_start3A_878 = arith.constant 21 : i32
    %dma_start3A_879 = arith.constant 0 : i32
    %dma_start3A_880 = arith.constant 0 : i32
    %dma_start3A_881 = tpu.memref_slice %arg6[%dma_start3A_878, %dma_start3A_879, %dma_start3A_880] : memref<26x128x16xf32, #tpu.memory_space<vmem>> -> memref<1x128x16xf32, #tpu.memory_space<vmem>>
    %dma_start3A_882 = tpu.memref_squeeze %dma_start3A_881 : memref<1x128x16xf32, #tpu.memory_space<vmem>> -> memref<128x16xf32, #tpu.memory_space<vmem>>
    %dma_start3A_883 = arith.constant 0 : i32
    %dma_start3A_884 = tpu.memref_slice %arg5[%dma_start3A_877, %dma_start3A_883] : memref<26x128xi32, #tpu.memory_space<vmem>> -> memref<1x128xi32, #tpu.memory_space<vmem>>
    %dma_start3A_885 = tpu.memref_squeeze %dma_start3A_884 : memref<1x128xi32, #tpu.memory_space<vmem>> -> memref<128xi32, #tpu.memory_space<vmem>>
    %dma_start3A_886 = arith.constant 0 : i32
    %dma_start3A_887 = arith.constant 0 : i32
    %dma_start3A_888 = tpu.memref_slice %arg3[%dma_start3A_886, %dma_start3A_887] : memref<1000000x16xf32, #tpu.memory_space<hbm>> -> memref<1000000x16xf32, #tpu.memory_space<hbm>>
    tpu.enqueue_indirect_dma source(%dma_start3A_888 : memref<1000000x16xf32, #tpu.memory_space<hbm>>) target(%dma_start3A_882 : memref<128x16xf32, #tpu.memory_space<vmem>>) offsets(%dma_start3A_885 : memref<128xi32, #tpu.memory_space<vmem>>) semaphore(%arg9 : memref<!tpu.dma_semaphore, #tpu.memory_space<semaphore_mem>>)
    %dma_start3A_889 = arith.constant 22 : i32
    %dma_start3A_890 = arith.constant 22 : i32
    %dma_start3A_891 = arith.constant 0 : i32
    %dma_start3A_892 = arith.constant 0 : i32
    %dma_start3A_893 = tpu.memref_slice %arg6[%dma_start3A_890, %dma_start3A_891, %dma_start3A_892] : memref<26x128x16xf32, #tpu.memory_space<vmem>> -> memref<1x128x16xf32, #tpu.memory_space<vmem>>
    %dma_start3A_894 = tpu.memref_squeeze %dma_start3A_893 : memref<1x128x16xf32, #tpu.memory_space<vmem>> -> memref<128x16xf32, #tpu.memory_space<vmem>>
    %dma_start3A_895 = arith.constant 0 : i32
    %dma_start3A_896 = tpu.memref_slice %arg5[%dma_start3A_889, %dma_start3A_895] : memref<26x128xi32, #tpu.memory_space<vmem>> -> memref<1x128xi32, #tpu.memory_space<vmem>>
    %dma_start3A_897 = tpu.memref_squeeze %dma_start3A_896 : memref<1x128xi32, #tpu.memory_space<vmem>> -> memref<128xi32, #tpu.memory_space<vmem>>
    %dma_start3A_898 = arith.constant 0 : i32
    %dma_start3A_899 = arith.constant 0 : i32
    %dma_start3A_900 = tpu.memref_slice %arg3[%dma_start3A_898, %dma_start3A_899] : memref<1000000x16xf32, #tpu.memory_space<hbm>> -> memref<1000000x16xf32, #tpu.memory_space<hbm>>
    tpu.enqueue_indirect_dma source(%dma_start3A_900 : memref<1000000x16xf32, #tpu.memory_space<hbm>>) target(%dma_start3A_894 : memref<128x16xf32, #tpu.memory_space<vmem>>) offsets(%dma_start3A_897 : memref<128xi32, #tpu.memory_space<vmem>>) semaphore(%arg9 : memref<!tpu.dma_semaphore, #tpu.memory_space<semaphore_mem>>)
    %dma_start3A_901 = arith.constant 23 : i32
    %dma_start3A_902 = arith.constant 23 : i32
    %dma_start3A_903 = arith.constant 0 : i32
    %dma_start3A_904 = arith.constant 0 : i32
    %dma_start3A_905 = tpu.memref_slice %arg6[%dma_start3A_902, %dma_start3A_903, %dma_start3A_904] : memref<26x128x16xf32, #tpu.memory_space<vmem>> -> memref<1x128x16xf32, #tpu.memory_space<vmem>>
    %dma_start3A_906 = tpu.memref_squeeze %dma_start3A_905 : memref<1x128x16xf32, #tpu.memory_space<vmem>> -> memref<128x16xf32, #tpu.memory_space<vmem>>
    %dma_start3A_907 = arith.constant 0 : i32
    %dma_start3A_908 = tpu.memref_slice %arg5[%dma_start3A_901, %dma_start3A_907] : memref<26x128xi32, #tpu.memory_space<vmem>> -> memref<1x128xi32, #tpu.memory_space<vmem>>
    %dma_start3A_909 = tpu.memref_squeeze %dma_start3A_908 : memref<1x128xi32, #tpu.memory_space<vmem>> -> memref<128xi32, #tpu.memory_space<vmem>>
    %dma_start3A_910 = arith.constant 0 : i32
    %dma_start3A_911 = arith.constant 0 : i32
    %dma_start3A_912 = tpu.memref_slice %arg3[%dma_start3A_910, %dma_start3A_911] : memref<1000000x16xf32, #tpu.memory_space<hbm>> -> memref<1000000x16xf32, #tpu.memory_space<hbm>>
    tpu.enqueue_indirect_dma source(%dma_start3A_912 : memref<1000000x16xf32, #tpu.memory_space<hbm>>) target(%dma_start3A_906 : memref<128x16xf32, #tpu.memory_space<vmem>>) offsets(%dma_start3A_909 : memref<128xi32, #tpu.memory_space<vmem>>) semaphore(%arg9 : memref<!tpu.dma_semaphore, #tpu.memory_space<semaphore_mem>>)
    %dma_start3A_913 = arith.constant 24 : i32
    %dma_start3A_914 = arith.constant 24 : i32
    %dma_start3A_915 = arith.constant 0 : i32
    %dma_start3A_916 = arith.constant 0 : i32
    %dma_start3A_917 = tpu.memref_slice %arg6[%dma_start3A_914, %dma_start3A_915, %dma_start3A_916] : memref<26x128x16xf32, #tpu.memory_space<vmem>> -> memref<1x128x16xf32, #tpu.memory_space<vmem>>
    %dma_start3A_918 = tpu.memref_squeeze %dma_start3A_917 : memref<1x128x16xf32, #tpu.memory_space<vmem>> -> memref<128x16xf32, #tpu.memory_space<vmem>>
    %dma_start3A_919 = arith.constant 0 : i32
    %dma_start3A_920 = tpu.memref_slice %arg5[%dma_start3A_913, %dma_start3A_919] : memref<26x128xi32, #tpu.memory_space<vmem>> -> memref<1x128xi32, #tpu.memory_space<vmem>>
    %dma_start3A_921 = tpu.memref_squeeze %dma_start3A_920 : memref<1x128xi32, #tpu.memory_space<vmem>> -> memref<128xi32, #tpu.memory_space<vmem>>
    %dma_start3A_922 = arith.constant 0 : i32
    %dma_start3A_923 = arith.constant 0 : i32
    %dma_start3A_924 = tpu.memref_slice %arg3[%dma_start3A_922, %dma_start3A_923] : memref<1000000x16xf32, #tpu.memory_space<hbm>> -> memref<1000000x16xf32, #tpu.memory_space<hbm>>
    tpu.enqueue_indirect_dma source(%dma_start3A_924 : memref<1000000x16xf32, #tpu.memory_space<hbm>>) target(%dma_start3A_918 : memref<128x16xf32, #tpu.memory_space<vmem>>) offsets(%dma_start3A_921 : memref<128xi32, #tpu.memory_space<vmem>>) semaphore(%arg9 : memref<!tpu.dma_semaphore, #tpu.memory_space<semaphore_mem>>)
    %dma_start3A_925 = arith.constant 25 : i32
    %dma_start3A_926 = arith.constant 25 : i32
    %dma_start3A_927 = arith.constant 0 : i32
    %dma_start3A_928 = arith.constant 0 : i32
    %dma_start3A_929 = tpu.memref_slice %arg6[%dma_start3A_926, %dma_start3A_927, %dma_start3A_928] : memref<26x128x16xf32, #tpu.memory_space<vmem>> -> memref<1x128x16xf32, #tpu.memory_space<vmem>>
    %dma_start3A_930 = tpu.memref_squeeze %dma_start3A_929 : memref<1x128x16xf32, #tpu.memory_space<vmem>> -> memref<128x16xf32, #tpu.memory_space<vmem>>
    %dma_start3A_931 = arith.constant 0 : i32
    %dma_start3A_932 = tpu.memref_slice %arg5[%dma_start3A_925, %dma_start3A_931] : memref<26x128xi32, #tpu.memory_space<vmem>> -> memref<1x128xi32, #tpu.memory_space<vmem>>
    %dma_start3A_933 = tpu.memref_squeeze %dma_start3A_932 : memref<1x128xi32, #tpu.memory_space<vmem>> -> memref<128xi32, #tpu.memory_space<vmem>>
    %dma_start3A_934 = arith.constant 0 : i32
    %dma_start3A_935 = arith.constant 0 : i32
    %dma_start3A_936 = tpu.memref_slice %arg3[%dma_start3A_934, %dma_start3A_935] : memref<1000000x16xf32, #tpu.memory_space<hbm>> -> memref<1000000x16xf32, #tpu.memory_space<hbm>>
    tpu.enqueue_indirect_dma source(%dma_start3A_936 : memref<1000000x16xf32, #tpu.memory_space<hbm>>) target(%dma_start3A_930 : memref<128x16xf32, #tpu.memory_space<vmem>>) offsets(%dma_start3A_933 : memref<128xi32, #tpu.memory_space<vmem>>) semaphore(%arg9 : memref<!tpu.dma_semaphore, #tpu.memory_space<semaphore_mem>>)
    %dma_wait3A_937 = arith.constant 0 : i32
    %dma_wait3A_938 = arith.constant 0 : i32
    %dma_wait3A_939 = arith.constant 0 : i32
    %dma_wait3A_940 = arith.constant 0 : i32
    %dma_wait3A_941 = tpu.memref_slice %arg6[%dma_wait3A_938, %dma_wait3A_939, %dma_wait3A_940] : memref<26x128x16xf32, #tpu.memory_space<vmem>> -> memref<1x128x16xf32, #tpu.memory_space<vmem>>
    %dma_wait3A_942 = tpu.memref_squeeze %dma_wait3A_941 : memref<1x128x16xf32, #tpu.memory_space<vmem>> -> memref<128x16xf32, #tpu.memory_space<vmem>>
    %dma_wait3A_943 = arith.constant 0 : i32
    %dma_wait3A_944 = tpu.memref_slice %arg5[%dma_wait3A_937, %dma_wait3A_943] : memref<26x128xi32, #tpu.memory_space<vmem>> -> memref<1x128xi32, #tpu.memory_space<vmem>>
    %dma_wait3A_945 = tpu.memref_squeeze %dma_wait3A_944 : memref<1x128xi32, #tpu.memory_space<vmem>> -> memref<128xi32, #tpu.memory_space<vmem>>
    %dma_wait3A_946 = arith.constant 0 : i32
    %dma_wait3A_947 = arith.constant 0 : i32
    %dma_wait3A_948 = tpu.memref_slice %arg3[%dma_wait3A_946, %dma_wait3A_947] : memref<1000000x16xf32, #tpu.memory_space<hbm>> -> memref<1000000x16xf32, #tpu.memory_space<hbm>>
    tpu.wait_indirect_dma semaphore(%arg9 : memref<!tpu.dma_semaphore, #tpu.memory_space<semaphore_mem>>) src(%dma_wait3A_948 : memref<1000000x16xf32, #tpu.memory_space<hbm>>) dst(%dma_wait3A_942 : memref<128x16xf32, #tpu.memory_space<vmem>>)
    %dma_wait3A_949 = arith.constant 1 : i32
    %dma_wait3A_950 = arith.constant 1 : i32
    %dma_wait3A_951 = arith.constant 0 : i32
    %dma_wait3A_952 = arith.constant 0 : i32
    %dma_wait3A_953 = tpu.memref_slice %arg6[%dma_wait3A_950, %dma_wait3A_951, %dma_wait3A_952] : memref<26x128x16xf32, #tpu.memory_space<vmem>> -> memref<1x128x16xf32, #tpu.memory_space<vmem>>
    %dma_wait3A_954 = tpu.memref_squeeze %dma_wait3A_953 : memref<1x128x16xf32, #tpu.memory_space<vmem>> -> memref<128x16xf32, #tpu.memory_space<vmem>>
    %dma_wait3A_955 = arith.constant 0 : i32
    %dma_wait3A_956 = tpu.memref_slice %arg5[%dma_wait3A_949, %dma_wait3A_955] : memref<26x128xi32, #tpu.memory_space<vmem>> -> memref<1x128xi32, #tpu.memory_space<vmem>>
    %dma_wait3A_957 = tpu.memref_squeeze %dma_wait3A_956 : memref<1x128xi32, #tpu.memory_space<vmem>> -> memref<128xi32, #tpu.memory_space<vmem>>
    %dma_wait3A_958 = arith.constant 0 : i32
    %dma_wait3A_959 = arith.constant 0 : i32
    %dma_wait3A_960 = tpu.memref_slice %arg3[%dma_wait3A_958, %dma_wait3A_959] : memref<1000000x16xf32, #tpu.memory_space<hbm>> -> memref<1000000x16xf32, #tpu.memory_space<hbm>>
    tpu.wait_indirect_dma semaphore(%arg9 : memref<!tpu.dma_semaphore, #tpu.memory_space<semaphore_mem>>) src(%dma_wait3A_960 : memref<1000000x16xf32, #tpu.memory_space<hbm>>) dst(%dma_wait3A_954 : memref<128x16xf32, #tpu.memory_space<vmem>>)
    %dma_wait3A_961 = arith.constant 2 : i32
    %dma_wait3A_962 = arith.constant 2 : i32
    %dma_wait3A_963 = arith.constant 0 : i32
    %dma_wait3A_964 = arith.constant 0 : i32
    %dma_wait3A_965 = tpu.memref_slice %arg6[%dma_wait3A_962, %dma_wait3A_963, %dma_wait3A_964] : memref<26x128x16xf32, #tpu.memory_space<vmem>> -> memref<1x128x16xf32, #tpu.memory_space<vmem>>
    %dma_wait3A_966 = tpu.memref_squeeze %dma_wait3A_965 : memref<1x128x16xf32, #tpu.memory_space<vmem>> -> memref<128x16xf32, #tpu.memory_space<vmem>>
    %dma_wait3A_967 = arith.constant 0 : i32
    %dma_wait3A_968 = tpu.memref_slice %arg5[%dma_wait3A_961, %dma_wait3A_967] : memref<26x128xi32, #tpu.memory_space<vmem>> -> memref<1x128xi32, #tpu.memory_space<vmem>>
    %dma_wait3A_969 = tpu.memref_squeeze %dma_wait3A_968 : memref<1x128xi32, #tpu.memory_space<vmem>> -> memref<128xi32, #tpu.memory_space<vmem>>
    %dma_wait3A_970 = arith.constant 0 : i32
    %dma_wait3A_971 = arith.constant 0 : i32
    %dma_wait3A_972 = tpu.memref_slice %arg3[%dma_wait3A_970, %dma_wait3A_971] : memref<1000000x16xf32, #tpu.memory_space<hbm>> -> memref<1000000x16xf32, #tpu.memory_space<hbm>>
    tpu.wait_indirect_dma semaphore(%arg9 : memref<!tpu.dma_semaphore, #tpu.memory_space<semaphore_mem>>) src(%dma_wait3A_972 : memref<1000000x16xf32, #tpu.memory_space<hbm>>) dst(%dma_wait3A_966 : memref<128x16xf32, #tpu.memory_space<vmem>>)
    %dma_wait3A_973 = arith.constant 3 : i32
    %dma_wait3A_974 = arith.constant 3 : i32
    %dma_wait3A_975 = arith.constant 0 : i32
    %dma_wait3A_976 = arith.constant 0 : i32
    %dma_wait3A_977 = tpu.memref_slice %arg6[%dma_wait3A_974, %dma_wait3A_975, %dma_wait3A_976] : memref<26x128x16xf32, #tpu.memory_space<vmem>> -> memref<1x128x16xf32, #tpu.memory_space<vmem>>
    %dma_wait3A_978 = tpu.memref_squeeze %dma_wait3A_977 : memref<1x128x16xf32, #tpu.memory_space<vmem>> -> memref<128x16xf32, #tpu.memory_space<vmem>>
    %dma_wait3A_979 = arith.constant 0 : i32
    %dma_wait3A_980 = tpu.memref_slice %arg5[%dma_wait3A_973, %dma_wait3A_979] : memref<26x128xi32, #tpu.memory_space<vmem>> -> memref<1x128xi32, #tpu.memory_space<vmem>>
    %dma_wait3A_981 = tpu.memref_squeeze %dma_wait3A_980 : memref<1x128xi32, #tpu.memory_space<vmem>> -> memref<128xi32, #tpu.memory_space<vmem>>
    %dma_wait3A_982 = arith.constant 0 : i32
    %dma_wait3A_983 = arith.constant 0 : i32
    %dma_wait3A_984 = tpu.memref_slice %arg3[%dma_wait3A_982, %dma_wait3A_983] : memref<1000000x16xf32, #tpu.memory_space<hbm>> -> memref<1000000x16xf32, #tpu.memory_space<hbm>>
    tpu.wait_indirect_dma semaphore(%arg9 : memref<!tpu.dma_semaphore, #tpu.memory_space<semaphore_mem>>) src(%dma_wait3A_984 : memref<1000000x16xf32, #tpu.memory_space<hbm>>) dst(%dma_wait3A_978 : memref<128x16xf32, #tpu.memory_space<vmem>>)
    %dma_wait3A_985 = arith.constant 4 : i32
    %dma_wait3A_986 = arith.constant 4 : i32
    %dma_wait3A_987 = arith.constant 0 : i32
    %dma_wait3A_988 = arith.constant 0 : i32
    %dma_wait3A_989 = tpu.memref_slice %arg6[%dma_wait3A_986, %dma_wait3A_987, %dma_wait3A_988] : memref<26x128x16xf32, #tpu.memory_space<vmem>> -> memref<1x128x16xf32, #tpu.memory_space<vmem>>
    %dma_wait3A_990 = tpu.memref_squeeze %dma_wait3A_989 : memref<1x128x16xf32, #tpu.memory_space<vmem>> -> memref<128x16xf32, #tpu.memory_space<vmem>>
    %dma_wait3A_991 = arith.constant 0 : i32
    %dma_wait3A_992 = tpu.memref_slice %arg5[%dma_wait3A_985, %dma_wait3A_991] : memref<26x128xi32, #tpu.memory_space<vmem>> -> memref<1x128xi32, #tpu.memory_space<vmem>>
    %dma_wait3A_993 = tpu.memref_squeeze %dma_wait3A_992 : memref<1x128xi32, #tpu.memory_space<vmem>> -> memref<128xi32, #tpu.memory_space<vmem>>
    %dma_wait3A_994 = arith.constant 0 : i32
    %dma_wait3A_995 = arith.constant 0 : i32
    %dma_wait3A_996 = tpu.memref_slice %arg3[%dma_wait3A_994, %dma_wait3A_995] : memref<1000000x16xf32, #tpu.memory_space<hbm>> -> memref<1000000x16xf32, #tpu.memory_space<hbm>>
    tpu.wait_indirect_dma semaphore(%arg9 : memref<!tpu.dma_semaphore, #tpu.memory_space<semaphore_mem>>) src(%dma_wait3A_996 : memref<1000000x16xf32, #tpu.memory_space<hbm>>) dst(%dma_wait3A_990 : memref<128x16xf32, #tpu.memory_space<vmem>>)
    %dma_wait3A_997 = arith.constant 5 : i32
    %dma_wait3A_998 = arith.constant 5 : i32
    %dma_wait3A_999 = arith.constant 0 : i32
    %dma_wait3A_1000 = arith.constant 0 : i32
    %dma_wait3A_1001 = tpu.memref_slice %arg6[%dma_wait3A_998, %dma_wait3A_999, %dma_wait3A_1000] : memref<26x128x16xf32, #tpu.memory_space<vmem>> -> memref<1x128x16xf32, #tpu.memory_space<vmem>>
    %dma_wait3A_1002 = tpu.memref_squeeze %dma_wait3A_1001 : memref<1x128x16xf32, #tpu.memory_space<vmem>> -> memref<128x16xf32, #tpu.memory_space<vmem>>
    %dma_wait3A_1003 = arith.constant 0 : i32
    %dma_wait3A_1004 = tpu.memref_slice %arg5[%dma_wait3A_997, %dma_wait3A_1003] : memref<26x128xi32, #tpu.memory_space<vmem>> -> memref<1x128xi32, #tpu.memory_space<vmem>>
    %dma_wait3A_1005 = tpu.memref_squeeze %dma_wait3A_1004 : memref<1x128xi32, #tpu.memory_space<vmem>> -> memref<128xi32, #tpu.memory_space<vmem>>
    %dma_wait3A_1006 = arith.constant 0 : i32
    %dma_wait3A_1007 = arith.constant 0 : i32
    %dma_wait3A_1008 = tpu.memref_slice %arg3[%dma_wait3A_1006, %dma_wait3A_1007] : memref<1000000x16xf32, #tpu.memory_space<hbm>> -> memref<1000000x16xf32, #tpu.memory_space<hbm>>
    tpu.wait_indirect_dma semaphore(%arg9 : memref<!tpu.dma_semaphore, #tpu.memory_space<semaphore_mem>>) src(%dma_wait3A_1008 : memref<1000000x16xf32, #tpu.memory_space<hbm>>) dst(%dma_wait3A_1002 : memref<128x16xf32, #tpu.memory_space<vmem>>)
    %dma_wait3A_1009 = arith.constant 6 : i32
    %dma_wait3A_1010 = arith.constant 6 : i32
    %dma_wait3A_1011 = arith.constant 0 : i32
    %dma_wait3A_1012 = arith.constant 0 : i32
    %dma_wait3A_1013 = tpu.memref_slice %arg6[%dma_wait3A_1010, %dma_wait3A_1011, %dma_wait3A_1012] : memref<26x128x16xf32, #tpu.memory_space<vmem>> -> memref<1x128x16xf32, #tpu.memory_space<vmem>>
    %dma_wait3A_1014 = tpu.memref_squeeze %dma_wait3A_1013 : memref<1x128x16xf32, #tpu.memory_space<vmem>> -> memref<128x16xf32, #tpu.memory_space<vmem>>
    %dma_wait3A_1015 = arith.constant 0 : i32
    %dma_wait3A_1016 = tpu.memref_slice %arg5[%dma_wait3A_1009, %dma_wait3A_1015] : memref<26x128xi32, #tpu.memory_space<vmem>> -> memref<1x128xi32, #tpu.memory_space<vmem>>
    %dma_wait3A_1017 = tpu.memref_squeeze %dma_wait3A_1016 : memref<1x128xi32, #tpu.memory_space<vmem>> -> memref<128xi32, #tpu.memory_space<vmem>>
    %dma_wait3A_1018 = arith.constant 0 : i32
    %dma_wait3A_1019 = arith.constant 0 : i32
    %dma_wait3A_1020 = tpu.memref_slice %arg3[%dma_wait3A_1018, %dma_wait3A_1019] : memref<1000000x16xf32, #tpu.memory_space<hbm>> -> memref<1000000x16xf32, #tpu.memory_space<hbm>>
    tpu.wait_indirect_dma semaphore(%arg9 : memref<!tpu.dma_semaphore, #tpu.memory_space<semaphore_mem>>) src(%dma_wait3A_1020 : memref<1000000x16xf32, #tpu.memory_space<hbm>>) dst(%dma_wait3A_1014 : memref<128x16xf32, #tpu.memory_space<vmem>>)
    %dma_wait3A_1021 = arith.constant 7 : i32
    %dma_wait3A_1022 = arith.constant 7 : i32
    %dma_wait3A_1023 = arith.constant 0 : i32
    %dma_wait3A_1024 = arith.constant 0 : i32
    %dma_wait3A_1025 = tpu.memref_slice %arg6[%dma_wait3A_1022, %dma_wait3A_1023, %dma_wait3A_1024] : memref<26x128x16xf32, #tpu.memory_space<vmem>> -> memref<1x128x16xf32, #tpu.memory_space<vmem>>
    %dma_wait3A_1026 = tpu.memref_squeeze %dma_wait3A_1025 : memref<1x128x16xf32, #tpu.memory_space<vmem>> -> memref<128x16xf32, #tpu.memory_space<vmem>>
    %dma_wait3A_1027 = arith.constant 0 : i32
    %dma_wait3A_1028 = tpu.memref_slice %arg5[%dma_wait3A_1021, %dma_wait3A_1027] : memref<26x128xi32, #tpu.memory_space<vmem>> -> memref<1x128xi32, #tpu.memory_space<vmem>>
    %dma_wait3A_1029 = tpu.memref_squeeze %dma_wait3A_1028 : memref<1x128xi32, #tpu.memory_space<vmem>> -> memref<128xi32, #tpu.memory_space<vmem>>
    %dma_wait3A_1030 = arith.constant 0 : i32
    %dma_wait3A_1031 = arith.constant 0 : i32
    %dma_wait3A_1032 = tpu.memref_slice %arg3[%dma_wait3A_1030, %dma_wait3A_1031] : memref<1000000x16xf32, #tpu.memory_space<hbm>> -> memref<1000000x16xf32, #tpu.memory_space<hbm>>
    tpu.wait_indirect_dma semaphore(%arg9 : memref<!tpu.dma_semaphore, #tpu.memory_space<semaphore_mem>>) src(%dma_wait3A_1032 : memref<1000000x16xf32, #tpu.memory_space<hbm>>) dst(%dma_wait3A_1026 : memref<128x16xf32, #tpu.memory_space<vmem>>)
    %dma_wait3A_1033 = arith.constant 8 : i32
    %dma_wait3A_1034 = arith.constant 8 : i32
    %dma_wait3A_1035 = arith.constant 0 : i32
    %dma_wait3A_1036 = arith.constant 0 : i32
    %dma_wait3A_1037 = tpu.memref_slice %arg6[%dma_wait3A_1034, %dma_wait3A_1035, %dma_wait3A_1036] : memref<26x128x16xf32, #tpu.memory_space<vmem>> -> memref<1x128x16xf32, #tpu.memory_space<vmem>>
    %dma_wait3A_1038 = tpu.memref_squeeze %dma_wait3A_1037 : memref<1x128x16xf32, #tpu.memory_space<vmem>> -> memref<128x16xf32, #tpu.memory_space<vmem>>
    %dma_wait3A_1039 = arith.constant 0 : i32
    %dma_wait3A_1040 = tpu.memref_slice %arg5[%dma_wait3A_1033, %dma_wait3A_1039] : memref<26x128xi32, #tpu.memory_space<vmem>> -> memref<1x128xi32, #tpu.memory_space<vmem>>
    %dma_wait3A_1041 = tpu.memref_squeeze %dma_wait3A_1040 : memref<1x128xi32, #tpu.memory_space<vmem>> -> memref<128xi32, #tpu.memory_space<vmem>>
    %dma_wait3A_1042 = arith.constant 0 : i32
    %dma_wait3A_1043 = arith.constant 0 : i32
    %dma_wait3A_1044 = tpu.memref_slice %arg3[%dma_wait3A_1042, %dma_wait3A_1043] : memref<1000000x16xf32, #tpu.memory_space<hbm>> -> memref<1000000x16xf32, #tpu.memory_space<hbm>>
    tpu.wait_indirect_dma semaphore(%arg9 : memref<!tpu.dma_semaphore, #tpu.memory_space<semaphore_mem>>) src(%dma_wait3A_1044 : memref<1000000x16xf32, #tpu.memory_space<hbm>>) dst(%dma_wait3A_1038 : memref<128x16xf32, #tpu.memory_space<vmem>>)
    %dma_wait3A_1045 = arith.constant 9 : i32
    %dma_wait3A_1046 = arith.constant 9 : i32
    %dma_wait3A_1047 = arith.constant 0 : i32
    %dma_wait3A_1048 = arith.constant 0 : i32
    %dma_wait3A_1049 = tpu.memref_slice %arg6[%dma_wait3A_1046, %dma_wait3A_1047, %dma_wait3A_1048] : memref<26x128x16xf32, #tpu.memory_space<vmem>> -> memref<1x128x16xf32, #tpu.memory_space<vmem>>
    %dma_wait3A_1050 = tpu.memref_squeeze %dma_wait3A_1049 : memref<1x128x16xf32, #tpu.memory_space<vmem>> -> memref<128x16xf32, #tpu.memory_space<vmem>>
    %dma_wait3A_1051 = arith.constant 0 : i32
    %dma_wait3A_1052 = tpu.memref_slice %arg5[%dma_wait3A_1045, %dma_wait3A_1051] : memref<26x128xi32, #tpu.memory_space<vmem>> -> memref<1x128xi32, #tpu.memory_space<vmem>>
    %dma_wait3A_1053 = tpu.memref_squeeze %dma_wait3A_1052 : memref<1x128xi32, #tpu.memory_space<vmem>> -> memref<128xi32, #tpu.memory_space<vmem>>
    %dma_wait3A_1054 = arith.constant 0 : i32
    %dma_wait3A_1055 = arith.constant 0 : i32
    %dma_wait3A_1056 = tpu.memref_slice %arg3[%dma_wait3A_1054, %dma_wait3A_1055] : memref<1000000x16xf32, #tpu.memory_space<hbm>> -> memref<1000000x16xf32, #tpu.memory_space<hbm>>
    tpu.wait_indirect_dma semaphore(%arg9 : memref<!tpu.dma_semaphore, #tpu.memory_space<semaphore_mem>>) src(%dma_wait3A_1056 : memref<1000000x16xf32, #tpu.memory_space<hbm>>) dst(%dma_wait3A_1050 : memref<128x16xf32, #tpu.memory_space<vmem>>)
    %dma_wait3A_1057 = arith.constant 10 : i32
    %dma_wait3A_1058 = arith.constant 10 : i32
    %dma_wait3A_1059 = arith.constant 0 : i32
    %dma_wait3A_1060 = arith.constant 0 : i32
    %dma_wait3A_1061 = tpu.memref_slice %arg6[%dma_wait3A_1058, %dma_wait3A_1059, %dma_wait3A_1060] : memref<26x128x16xf32, #tpu.memory_space<vmem>> -> memref<1x128x16xf32, #tpu.memory_space<vmem>>
    %dma_wait3A_1062 = tpu.memref_squeeze %dma_wait3A_1061 : memref<1x128x16xf32, #tpu.memory_space<vmem>> -> memref<128x16xf32, #tpu.memory_space<vmem>>
    %dma_wait3A_1063 = arith.constant 0 : i32
    %dma_wait3A_1064 = tpu.memref_slice %arg5[%dma_wait3A_1057, %dma_wait3A_1063] : memref<26x128xi32, #tpu.memory_space<vmem>> -> memref<1x128xi32, #tpu.memory_space<vmem>>
    %dma_wait3A_1065 = tpu.memref_squeeze %dma_wait3A_1064 : memref<1x128xi32, #tpu.memory_space<vmem>> -> memref<128xi32, #tpu.memory_space<vmem>>
    %dma_wait3A_1066 = arith.constant 0 : i32
    %dma_wait3A_1067 = arith.constant 0 : i32
    %dma_wait3A_1068 = tpu.memref_slice %arg3[%dma_wait3A_1066, %dma_wait3A_1067] : memref<1000000x16xf32, #tpu.memory_space<hbm>> -> memref<1000000x16xf32, #tpu.memory_space<hbm>>
    tpu.wait_indirect_dma semaphore(%arg9 : memref<!tpu.dma_semaphore, #tpu.memory_space<semaphore_mem>>) src(%dma_wait3A_1068 : memref<1000000x16xf32, #tpu.memory_space<hbm>>) dst(%dma_wait3A_1062 : memref<128x16xf32, #tpu.memory_space<vmem>>)
    %dma_wait3A_1069 = arith.constant 11 : i32
    %dma_wait3A_1070 = arith.constant 11 : i32
    %dma_wait3A_1071 = arith.constant 0 : i32
    %dma_wait3A_1072 = arith.constant 0 : i32
    %dma_wait3A_1073 = tpu.memref_slice %arg6[%dma_wait3A_1070, %dma_wait3A_1071, %dma_wait3A_1072] : memref<26x128x16xf32, #tpu.memory_space<vmem>> -> memref<1x128x16xf32, #tpu.memory_space<vmem>>
    %dma_wait3A_1074 = tpu.memref_squeeze %dma_wait3A_1073 : memref<1x128x16xf32, #tpu.memory_space<vmem>> -> memref<128x16xf32, #tpu.memory_space<vmem>>
    %dma_wait3A_1075 = arith.constant 0 : i32
    %dma_wait3A_1076 = tpu.memref_slice %arg5[%dma_wait3A_1069, %dma_wait3A_1075] : memref<26x128xi32, #tpu.memory_space<vmem>> -> memref<1x128xi32, #tpu.memory_space<vmem>>
    %dma_wait3A_1077 = tpu.memref_squeeze %dma_wait3A_1076 : memref<1x128xi32, #tpu.memory_space<vmem>> -> memref<128xi32, #tpu.memory_space<vmem>>
    %dma_wait3A_1078 = arith.constant 0 : i32
    %dma_wait3A_1079 = arith.constant 0 : i32
    %dma_wait3A_1080 = tpu.memref_slice %arg3[%dma_wait3A_1078, %dma_wait3A_1079] : memref<1000000x16xf32, #tpu.memory_space<hbm>> -> memref<1000000x16xf32, #tpu.memory_space<hbm>>
    tpu.wait_indirect_dma semaphore(%arg9 : memref<!tpu.dma_semaphore, #tpu.memory_space<semaphore_mem>>) src(%dma_wait3A_1080 : memref<1000000x16xf32, #tpu.memory_space<hbm>>) dst(%dma_wait3A_1074 : memref<128x16xf32, #tpu.memory_space<vmem>>)
    %dma_wait3A_1081 = arith.constant 12 : i32
    %dma_wait3A_1082 = arith.constant 12 : i32
    %dma_wait3A_1083 = arith.constant 0 : i32
    %dma_wait3A_1084 = arith.constant 0 : i32
    %dma_wait3A_1085 = tpu.memref_slice %arg6[%dma_wait3A_1082, %dma_wait3A_1083, %dma_wait3A_1084] : memref<26x128x16xf32, #tpu.memory_space<vmem>> -> memref<1x128x16xf32, #tpu.memory_space<vmem>>
    %dma_wait3A_1086 = tpu.memref_squeeze %dma_wait3A_1085 : memref<1x128x16xf32, #tpu.memory_space<vmem>> -> memref<128x16xf32, #tpu.memory_space<vmem>>
    %dma_wait3A_1087 = arith.constant 0 : i32
    %dma_wait3A_1088 = tpu.memref_slice %arg5[%dma_wait3A_1081, %dma_wait3A_1087] : memref<26x128xi32, #tpu.memory_space<vmem>> -> memref<1x128xi32, #tpu.memory_space<vmem>>
    %dma_wait3A_1089 = tpu.memref_squeeze %dma_wait3A_1088 : memref<1x128xi32, #tpu.memory_space<vmem>> -> memref<128xi32, #tpu.memory_space<vmem>>
    %dma_wait3A_1090 = arith.constant 0 : i32
    %dma_wait3A_1091 = arith.constant 0 : i32
    %dma_wait3A_1092 = tpu.memref_slice %arg3[%dma_wait3A_1090, %dma_wait3A_1091] : memref<1000000x16xf32, #tpu.memory_space<hbm>> -> memref<1000000x16xf32, #tpu.memory_space<hbm>>
    tpu.wait_indirect_dma semaphore(%arg9 : memref<!tpu.dma_semaphore, #tpu.memory_space<semaphore_mem>>) src(%dma_wait3A_1092 : memref<1000000x16xf32, #tpu.memory_space<hbm>>) dst(%dma_wait3A_1086 : memref<128x16xf32, #tpu.memory_space<vmem>>)
    %dma_wait3A_1093 = arith.constant 13 : i32
    %dma_wait3A_1094 = arith.constant 13 : i32
    %dma_wait3A_1095 = arith.constant 0 : i32
    %dma_wait3A_1096 = arith.constant 0 : i32
    %dma_wait3A_1097 = tpu.memref_slice %arg6[%dma_wait3A_1094, %dma_wait3A_1095, %dma_wait3A_1096] : memref<26x128x16xf32, #tpu.memory_space<vmem>> -> memref<1x128x16xf32, #tpu.memory_space<vmem>>
    %dma_wait3A_1098 = tpu.memref_squeeze %dma_wait3A_1097 : memref<1x128x16xf32, #tpu.memory_space<vmem>> -> memref<128x16xf32, #tpu.memory_space<vmem>>
    %dma_wait3A_1099 = arith.constant 0 : i32
    %dma_wait3A_1100 = tpu.memref_slice %arg5[%dma_wait3A_1093, %dma_wait3A_1099] : memref<26x128xi32, #tpu.memory_space<vmem>> -> memref<1x128xi32, #tpu.memory_space<vmem>>
    %dma_wait3A_1101 = tpu.memref_squeeze %dma_wait3A_1100 : memref<1x128xi32, #tpu.memory_space<vmem>> -> memref<128xi32, #tpu.memory_space<vmem>>
    %dma_wait3A_1102 = arith.constant 0 : i32
    %dma_wait3A_1103 = arith.constant 0 : i32
    %dma_wait3A_1104 = tpu.memref_slice %arg3[%dma_wait3A_1102, %dma_wait3A_1103] : memref<1000000x16xf32, #tpu.memory_space<hbm>> -> memref<1000000x16xf32, #tpu.memory_space<hbm>>
    tpu.wait_indirect_dma semaphore(%arg9 : memref<!tpu.dma_semaphore, #tpu.memory_space<semaphore_mem>>) src(%dma_wait3A_1104 : memref<1000000x16xf32, #tpu.memory_space<hbm>>) dst(%dma_wait3A_1098 : memref<128x16xf32, #tpu.memory_space<vmem>>)
    %dma_wait3A_1105 = arith.constant 14 : i32
    %dma_wait3A_1106 = arith.constant 14 : i32
    %dma_wait3A_1107 = arith.constant 0 : i32
    %dma_wait3A_1108 = arith.constant 0 : i32
    %dma_wait3A_1109 = tpu.memref_slice %arg6[%dma_wait3A_1106, %dma_wait3A_1107, %dma_wait3A_1108] : memref<26x128x16xf32, #tpu.memory_space<vmem>> -> memref<1x128x16xf32, #tpu.memory_space<vmem>>
    %dma_wait3A_1110 = tpu.memref_squeeze %dma_wait3A_1109 : memref<1x128x16xf32, #tpu.memory_space<vmem>> -> memref<128x16xf32, #tpu.memory_space<vmem>>
    %dma_wait3A_1111 = arith.constant 0 : i32
    %dma_wait3A_1112 = tpu.memref_slice %arg5[%dma_wait3A_1105, %dma_wait3A_1111] : memref<26x128xi32, #tpu.memory_space<vmem>> -> memref<1x128xi32, #tpu.memory_space<vmem>>
    %dma_wait3A_1113 = tpu.memref_squeeze %dma_wait3A_1112 : memref<1x128xi32, #tpu.memory_space<vmem>> -> memref<128xi32, #tpu.memory_space<vmem>>
    %dma_wait3A_1114 = arith.constant 0 : i32
    %dma_wait3A_1115 = arith.constant 0 : i32
    %dma_wait3A_1116 = tpu.memref_slice %arg3[%dma_wait3A_1114, %dma_wait3A_1115] : memref<1000000x16xf32, #tpu.memory_space<hbm>> -> memref<1000000x16xf32, #tpu.memory_space<hbm>>
    tpu.wait_indirect_dma semaphore(%arg9 : memref<!tpu.dma_semaphore, #tpu.memory_space<semaphore_mem>>) src(%dma_wait3A_1116 : memref<1000000x16xf32, #tpu.memory_space<hbm>>) dst(%dma_wait3A_1110 : memref<128x16xf32, #tpu.memory_space<vmem>>)
    %dma_wait3A_1117 = arith.constant 15 : i32
    %dma_wait3A_1118 = arith.constant 15 : i32
    %dma_wait3A_1119 = arith.constant 0 : i32
    %dma_wait3A_1120 = arith.constant 0 : i32
    %dma_wait3A_1121 = tpu.memref_slice %arg6[%dma_wait3A_1118, %dma_wait3A_1119, %dma_wait3A_1120] : memref<26x128x16xf32, #tpu.memory_space<vmem>> -> memref<1x128x16xf32, #tpu.memory_space<vmem>>
    %dma_wait3A_1122 = tpu.memref_squeeze %dma_wait3A_1121 : memref<1x128x16xf32, #tpu.memory_space<vmem>> -> memref<128x16xf32, #tpu.memory_space<vmem>>
    %dma_wait3A_1123 = arith.constant 0 : i32
    %dma_wait3A_1124 = tpu.memref_slice %arg5[%dma_wait3A_1117, %dma_wait3A_1123] : memref<26x128xi32, #tpu.memory_space<vmem>> -> memref<1x128xi32, #tpu.memory_space<vmem>>
    %dma_wait3A_1125 = tpu.memref_squeeze %dma_wait3A_1124 : memref<1x128xi32, #tpu.memory_space<vmem>> -> memref<128xi32, #tpu.memory_space<vmem>>
    %dma_wait3A_1126 = arith.constant 0 : i32
    %dma_wait3A_1127 = arith.constant 0 : i32
    %dma_wait3A_1128 = tpu.memref_slice %arg3[%dma_wait3A_1126, %dma_wait3A_1127] : memref<1000000x16xf32, #tpu.memory_space<hbm>> -> memref<1000000x16xf32, #tpu.memory_space<hbm>>
    tpu.wait_indirect_dma semaphore(%arg9 : memref<!tpu.dma_semaphore, #tpu.memory_space<semaphore_mem>>) src(%dma_wait3A_1128 : memref<1000000x16xf32, #tpu.memory_space<hbm>>) dst(%dma_wait3A_1122 : memref<128x16xf32, #tpu.memory_space<vmem>>)
    %dma_wait3A_1129 = arith.constant 16 : i32
    %dma_wait3A_1130 = arith.constant 16 : i32
    %dma_wait3A_1131 = arith.constant 0 : i32
    %dma_wait3A_1132 = arith.constant 0 : i32
    %dma_wait3A_1133 = tpu.memref_slice %arg6[%dma_wait3A_1130, %dma_wait3A_1131, %dma_wait3A_1132] : memref<26x128x16xf32, #tpu.memory_space<vmem>> -> memref<1x128x16xf32, #tpu.memory_space<vmem>>
    %dma_wait3A_1134 = tpu.memref_squeeze %dma_wait3A_1133 : memref<1x128x16xf32, #tpu.memory_space<vmem>> -> memref<128x16xf32, #tpu.memory_space<vmem>>
    %dma_wait3A_1135 = arith.constant 0 : i32
    %dma_wait3A_1136 = tpu.memref_slice %arg5[%dma_wait3A_1129, %dma_wait3A_1135] : memref<26x128xi32, #tpu.memory_space<vmem>> -> memref<1x128xi32, #tpu.memory_space<vmem>>
    %dma_wait3A_1137 = tpu.memref_squeeze %dma_wait3A_1136 : memref<1x128xi32, #tpu.memory_space<vmem>> -> memref<128xi32, #tpu.memory_space<vmem>>
    %dma_wait3A_1138 = arith.constant 0 : i32
    %dma_wait3A_1139 = arith.constant 0 : i32
    %dma_wait3A_1140 = tpu.memref_slice %arg3[%dma_wait3A_1138, %dma_wait3A_1139] : memref<1000000x16xf32, #tpu.memory_space<hbm>> -> memref<1000000x16xf32, #tpu.memory_space<hbm>>
    tpu.wait_indirect_dma semaphore(%arg9 : memref<!tpu.dma_semaphore, #tpu.memory_space<semaphore_mem>>) src(%dma_wait3A_1140 : memref<1000000x16xf32, #tpu.memory_space<hbm>>) dst(%dma_wait3A_1134 : memref<128x16xf32, #tpu.memory_space<vmem>>)
    %dma_wait3A_1141 = arith.constant 17 : i32
    %dma_wait3A_1142 = arith.constant 17 : i32
    %dma_wait3A_1143 = arith.constant 0 : i32
    %dma_wait3A_1144 = arith.constant 0 : i32
    %dma_wait3A_1145 = tpu.memref_slice %arg6[%dma_wait3A_1142, %dma_wait3A_1143, %dma_wait3A_1144] : memref<26x128x16xf32, #tpu.memory_space<vmem>> -> memref<1x128x16xf32, #tpu.memory_space<vmem>>
    %dma_wait3A_1146 = tpu.memref_squeeze %dma_wait3A_1145 : memref<1x128x16xf32, #tpu.memory_space<vmem>> -> memref<128x16xf32, #tpu.memory_space<vmem>>
    %dma_wait3A_1147 = arith.constant 0 : i32
    %dma_wait3A_1148 = tpu.memref_slice %arg5[%dma_wait3A_1141, %dma_wait3A_1147] : memref<26x128xi32, #tpu.memory_space<vmem>> -> memref<1x128xi32, #tpu.memory_space<vmem>>
    %dma_wait3A_1149 = tpu.memref_squeeze %dma_wait3A_1148 : memref<1x128xi32, #tpu.memory_space<vmem>> -> memref<128xi32, #tpu.memory_space<vmem>>
    %dma_wait3A_1150 = arith.constant 0 : i32
    %dma_wait3A_1151 = arith.constant 0 : i32
    %dma_wait3A_1152 = tpu.memref_slice %arg3[%dma_wait3A_1150, %dma_wait3A_1151] : memref<1000000x16xf32, #tpu.memory_space<hbm>> -> memref<1000000x16xf32, #tpu.memory_space<hbm>>
    tpu.wait_indirect_dma semaphore(%arg9 : memref<!tpu.dma_semaphore, #tpu.memory_space<semaphore_mem>>) src(%dma_wait3A_1152 : memref<1000000x16xf32, #tpu.memory_space<hbm>>) dst(%dma_wait3A_1146 : memref<128x16xf32, #tpu.memory_space<vmem>>)
    %dma_wait3A_1153 = arith.constant 18 : i32
    %dma_wait3A_1154 = arith.constant 18 : i32
    %dma_wait3A_1155 = arith.constant 0 : i32
    %dma_wait3A_1156 = arith.constant 0 : i32
    %dma_wait3A_1157 = tpu.memref_slice %arg6[%dma_wait3A_1154, %dma_wait3A_1155, %dma_wait3A_1156] : memref<26x128x16xf32, #tpu.memory_space<vmem>> -> memref<1x128x16xf32, #tpu.memory_space<vmem>>
    %dma_wait3A_1158 = tpu.memref_squeeze %dma_wait3A_1157 : memref<1x128x16xf32, #tpu.memory_space<vmem>> -> memref<128x16xf32, #tpu.memory_space<vmem>>
    %dma_wait3A_1159 = arith.constant 0 : i32
    %dma_wait3A_1160 = tpu.memref_slice %arg5[%dma_wait3A_1153, %dma_wait3A_1159] : memref<26x128xi32, #tpu.memory_space<vmem>> -> memref<1x128xi32, #tpu.memory_space<vmem>>
    %dma_wait3A_1161 = tpu.memref_squeeze %dma_wait3A_1160 : memref<1x128xi32, #tpu.memory_space<vmem>> -> memref<128xi32, #tpu.memory_space<vmem>>
    %dma_wait3A_1162 = arith.constant 0 : i32
    %dma_wait3A_1163 = arith.constant 0 : i32
    %dma_wait3A_1164 = tpu.memref_slice %arg3[%dma_wait3A_1162, %dma_wait3A_1163] : memref<1000000x16xf32, #tpu.memory_space<hbm>> -> memref<1000000x16xf32, #tpu.memory_space<hbm>>
    tpu.wait_indirect_dma semaphore(%arg9 : memref<!tpu.dma_semaphore, #tpu.memory_space<semaphore_mem>>) src(%dma_wait3A_1164 : memref<1000000x16xf32, #tpu.memory_space<hbm>>) dst(%dma_wait3A_1158 : memref<128x16xf32, #tpu.memory_space<vmem>>)
    %dma_wait3A_1165 = arith.constant 19 : i32
    %dma_wait3A_1166 = arith.constant 19 : i32
    %dma_wait3A_1167 = arith.constant 0 : i32
    %dma_wait3A_1168 = arith.constant 0 : i32
    %dma_wait3A_1169 = tpu.memref_slice %arg6[%dma_wait3A_1166, %dma_wait3A_1167, %dma_wait3A_1168] : memref<26x128x16xf32, #tpu.memory_space<vmem>> -> memref<1x128x16xf32, #tpu.memory_space<vmem>>
    %dma_wait3A_1170 = tpu.memref_squeeze %dma_wait3A_1169 : memref<1x128x16xf32, #tpu.memory_space<vmem>> -> memref<128x16xf32, #tpu.memory_space<vmem>>
    %dma_wait3A_1171 = arith.constant 0 : i32
    %dma_wait3A_1172 = tpu.memref_slice %arg5[%dma_wait3A_1165, %dma_wait3A_1171] : memref<26x128xi32, #tpu.memory_space<vmem>> -> memref<1x128xi32, #tpu.memory_space<vmem>>
    %dma_wait3A_1173 = tpu.memref_squeeze %dma_wait3A_1172 : memref<1x128xi32, #tpu.memory_space<vmem>> -> memref<128xi32, #tpu.memory_space<vmem>>
    %dma_wait3A_1174 = arith.constant 0 : i32
    %dma_wait3A_1175 = arith.constant 0 : i32
    %dma_wait3A_1176 = tpu.memref_slice %arg3[%dma_wait3A_1174, %dma_wait3A_1175] : memref<1000000x16xf32, #tpu.memory_space<hbm>> -> memref<1000000x16xf32, #tpu.memory_space<hbm>>
    tpu.wait_indirect_dma semaphore(%arg9 : memref<!tpu.dma_semaphore, #tpu.memory_space<semaphore_mem>>) src(%dma_wait3A_1176 : memref<1000000x16xf32, #tpu.memory_space<hbm>>) dst(%dma_wait3A_1170 : memref<128x16xf32, #tpu.memory_space<vmem>>)
    %dma_wait3A_1177 = arith.constant 20 : i32
    %dma_wait3A_1178 = arith.constant 20 : i32
    %dma_wait3A_1179 = arith.constant 0 : i32
    %dma_wait3A_1180 = arith.constant 0 : i32
    %dma_wait3A_1181 = tpu.memref_slice %arg6[%dma_wait3A_1178, %dma_wait3A_1179, %dma_wait3A_1180] : memref<26x128x16xf32, #tpu.memory_space<vmem>> -> memref<1x128x16xf32, #tpu.memory_space<vmem>>
    %dma_wait3A_1182 = tpu.memref_squeeze %dma_wait3A_1181 : memref<1x128x16xf32, #tpu.memory_space<vmem>> -> memref<128x16xf32, #tpu.memory_space<vmem>>
    %dma_wait3A_1183 = arith.constant 0 : i32
    %dma_wait3A_1184 = tpu.memref_slice %arg5[%dma_wait3A_1177, %dma_wait3A_1183] : memref<26x128xi32, #tpu.memory_space<vmem>> -> memref<1x128xi32, #tpu.memory_space<vmem>>
    %dma_wait3A_1185 = tpu.memref_squeeze %dma_wait3A_1184 : memref<1x128xi32, #tpu.memory_space<vmem>> -> memref<128xi32, #tpu.memory_space<vmem>>
    %dma_wait3A_1186 = arith.constant 0 : i32
    %dma_wait3A_1187 = arith.constant 0 : i32
    %dma_wait3A_1188 = tpu.memref_slice %arg3[%dma_wait3A_1186, %dma_wait3A_1187] : memref<1000000x16xf32, #tpu.memory_space<hbm>> -> memref<1000000x16xf32, #tpu.memory_space<hbm>>
    tpu.wait_indirect_dma semaphore(%arg9 : memref<!tpu.dma_semaphore, #tpu.memory_space<semaphore_mem>>) src(%dma_wait3A_1188 : memref<1000000x16xf32, #tpu.memory_space<hbm>>) dst(%dma_wait3A_1182 : memref<128x16xf32, #tpu.memory_space<vmem>>)
    %dma_wait3A_1189 = arith.constant 21 : i32
    %dma_wait3A_1190 = arith.constant 21 : i32
    %dma_wait3A_1191 = arith.constant 0 : i32
    %dma_wait3A_1192 = arith.constant 0 : i32
    %dma_wait3A_1193 = tpu.memref_slice %arg6[%dma_wait3A_1190, %dma_wait3A_1191, %dma_wait3A_1192] : memref<26x128x16xf32, #tpu.memory_space<vmem>> -> memref<1x128x16xf32, #tpu.memory_space<vmem>>
    %dma_wait3A_1194 = tpu.memref_squeeze %dma_wait3A_1193 : memref<1x128x16xf32, #tpu.memory_space<vmem>> -> memref<128x16xf32, #tpu.memory_space<vmem>>
    %dma_wait3A_1195 = arith.constant 0 : i32
    %dma_wait3A_1196 = tpu.memref_slice %arg5[%dma_wait3A_1189, %dma_wait3A_1195] : memref<26x128xi32, #tpu.memory_space<vmem>> -> memref<1x128xi32, #tpu.memory_space<vmem>>
    %dma_wait3A_1197 = tpu.memref_squeeze %dma_wait3A_1196 : memref<1x128xi32, #tpu.memory_space<vmem>> -> memref<128xi32, #tpu.memory_space<vmem>>
    %dma_wait3A_1198 = arith.constant 0 : i32
    %dma_wait3A_1199 = arith.constant 0 : i32
    %dma_wait3A_1200 = tpu.memref_slice %arg3[%dma_wait3A_1198, %dma_wait3A_1199] : memref<1000000x16xf32, #tpu.memory_space<hbm>> -> memref<1000000x16xf32, #tpu.memory_space<hbm>>
    tpu.wait_indirect_dma semaphore(%arg9 : memref<!tpu.dma_semaphore, #tpu.memory_space<semaphore_mem>>) src(%dma_wait3A_1200 : memref<1000000x16xf32, #tpu.memory_space<hbm>>) dst(%dma_wait3A_1194 : memref<128x16xf32, #tpu.memory_space<vmem>>)
    %dma_wait3A_1201 = arith.constant 22 : i32
    %dma_wait3A_1202 = arith.constant 22 : i32
    %dma_wait3A_1203 = arith.constant 0 : i32
    %dma_wait3A_1204 = arith.constant 0 : i32
    %dma_wait3A_1205 = tpu.memref_slice %arg6[%dma_wait3A_1202, %dma_wait3A_1203, %dma_wait3A_1204] : memref<26x128x16xf32, #tpu.memory_space<vmem>> -> memref<1x128x16xf32, #tpu.memory_space<vmem>>
    %dma_wait3A_1206 = tpu.memref_squeeze %dma_wait3A_1205 : memref<1x128x16xf32, #tpu.memory_space<vmem>> -> memref<128x16xf32, #tpu.memory_space<vmem>>
    %dma_wait3A_1207 = arith.constant 0 : i32
    %dma_wait3A_1208 = tpu.memref_slice %arg5[%dma_wait3A_1201, %dma_wait3A_1207] : memref<26x128xi32, #tpu.memory_space<vmem>> -> memref<1x128xi32, #tpu.memory_space<vmem>>
    %dma_wait3A_1209 = tpu.memref_squeeze %dma_wait3A_1208 : memref<1x128xi32, #tpu.memory_space<vmem>> -> memref<128xi32, #tpu.memory_space<vmem>>
    %dma_wait3A_1210 = arith.constant 0 : i32
    %dma_wait3A_1211 = arith.constant 0 : i32
    %dma_wait3A_1212 = tpu.memref_slice %arg3[%dma_wait3A_1210, %dma_wait3A_1211] : memref<1000000x16xf32, #tpu.memory_space<hbm>> -> memref<1000000x16xf32, #tpu.memory_space<hbm>>
    tpu.wait_indirect_dma semaphore(%arg9 : memref<!tpu.dma_semaphore, #tpu.memory_space<semaphore_mem>>) src(%dma_wait3A_1212 : memref<1000000x16xf32, #tpu.memory_space<hbm>>) dst(%dma_wait3A_1206 : memref<128x16xf32, #tpu.memory_space<vmem>>)
    %dma_wait3A_1213 = arith.constant 23 : i32
    %dma_wait3A_1214 = arith.constant 23 : i32
    %dma_wait3A_1215 = arith.constant 0 : i32
    %dma_wait3A_1216 = arith.constant 0 : i32
    %dma_wait3A_1217 = tpu.memref_slice %arg6[%dma_wait3A_1214, %dma_wait3A_1215, %dma_wait3A_1216] : memref<26x128x16xf32, #tpu.memory_space<vmem>> -> memref<1x128x16xf32, #tpu.memory_space<vmem>>
    %dma_wait3A_1218 = tpu.memref_squeeze %dma_wait3A_1217 : memref<1x128x16xf32, #tpu.memory_space<vmem>> -> memref<128x16xf32, #tpu.memory_space<vmem>>
    %dma_wait3A_1219 = arith.constant 0 : i32
    %dma_wait3A_1220 = tpu.memref_slice %arg5[%dma_wait3A_1213, %dma_wait3A_1219] : memref<26x128xi32, #tpu.memory_space<vmem>> -> memref<1x128xi32, #tpu.memory_space<vmem>>
    %dma_wait3A_1221 = tpu.memref_squeeze %dma_wait3A_1220 : memref<1x128xi32, #tpu.memory_space<vmem>> -> memref<128xi32, #tpu.memory_space<vmem>>
    %dma_wait3A_1222 = arith.constant 0 : i32
    %dma_wait3A_1223 = arith.constant 0 : i32
    %dma_wait3A_1224 = tpu.memref_slice %arg3[%dma_wait3A_1222, %dma_wait3A_1223] : memref<1000000x16xf32, #tpu.memory_space<hbm>> -> memref<1000000x16xf32, #tpu.memory_space<hbm>>
    tpu.wait_indirect_dma semaphore(%arg9 : memref<!tpu.dma_semaphore, #tpu.memory_space<semaphore_mem>>) src(%dma_wait3A_1224 : memref<1000000x16xf32, #tpu.memory_space<hbm>>) dst(%dma_wait3A_1218 : memref<128x16xf32, #tpu.memory_space<vmem>>)
    %dma_wait3A_1225 = arith.constant 24 : i32
    %dma_wait3A_1226 = arith.constant 24 : i32
    %dma_wait3A_1227 = arith.constant 0 : i32
    %dma_wait3A_1228 = arith.constant 0 : i32
    %dma_wait3A_1229 = tpu.memref_slice %arg6[%dma_wait3A_1226, %dma_wait3A_1227, %dma_wait3A_1228] : memref<26x128x16xf32, #tpu.memory_space<vmem>> -> memref<1x128x16xf32, #tpu.memory_space<vmem>>
    %dma_wait3A_1230 = tpu.memref_squeeze %dma_wait3A_1229 : memref<1x128x16xf32, #tpu.memory_space<vmem>> -> memref<128x16xf32, #tpu.memory_space<vmem>>
    %dma_wait3A_1231 = arith.constant 0 : i32
    %dma_wait3A_1232 = tpu.memref_slice %arg5[%dma_wait3A_1225, %dma_wait3A_1231] : memref<26x128xi32, #tpu.memory_space<vmem>> -> memref<1x128xi32, #tpu.memory_space<vmem>>
    %dma_wait3A_1233 = tpu.memref_squeeze %dma_wait3A_1232 : memref<1x128xi32, #tpu.memory_space<vmem>> -> memref<128xi32, #tpu.memory_space<vmem>>
    %dma_wait3A_1234 = arith.constant 0 : i32
    %dma_wait3A_1235 = arith.constant 0 : i32
    %dma_wait3A_1236 = tpu.memref_slice %arg3[%dma_wait3A_1234, %dma_wait3A_1235] : memref<1000000x16xf32, #tpu.memory_space<hbm>> -> memref<1000000x16xf32, #tpu.memory_space<hbm>>
    tpu.wait_indirect_dma semaphore(%arg9 : memref<!tpu.dma_semaphore, #tpu.memory_space<semaphore_mem>>) src(%dma_wait3A_1236 : memref<1000000x16xf32, #tpu.memory_space<hbm>>) dst(%dma_wait3A_1230 : memref<128x16xf32, #tpu.memory_space<vmem>>)
    %dma_wait3A_1237 = arith.constant 25 : i32
    %dma_wait3A_1238 = arith.constant 25 : i32
    %dma_wait3A_1239 = arith.constant 0 : i32
    %dma_wait3A_1240 = arith.constant 0 : i32
    %dma_wait3A_1241 = tpu.memref_slice %arg6[%dma_wait3A_1238, %dma_wait3A_1239, %dma_wait3A_1240] : memref<26x128x16xf32, #tpu.memory_space<vmem>> -> memref<1x128x16xf32, #tpu.memory_space<vmem>>
    %dma_wait3A_1242 = tpu.memref_squeeze %dma_wait3A_1241 : memref<1x128x16xf32, #tpu.memory_space<vmem>> -> memref<128x16xf32, #tpu.memory_space<vmem>>
    %dma_wait3A_1243 = arith.constant 0 : i32
    %dma_wait3A_1244 = tpu.memref_slice %arg5[%dma_wait3A_1237, %dma_wait3A_1243] : memref<26x128xi32, #tpu.memory_space<vmem>> -> memref<1x128xi32, #tpu.memory_space<vmem>>
    %dma_wait3A_1245 = tpu.memref_squeeze %dma_wait3A_1244 : memref<1x128xi32, #tpu.memory_space<vmem>> -> memref<128xi32, #tpu.memory_space<vmem>>
    %dma_wait3A_1246 = arith.constant 0 : i32
    %dma_wait3A_1247 = arith.constant 0 : i32
    %dma_wait3A_1248 = tpu.memref_slice %arg3[%dma_wait3A_1246, %dma_wait3A_1247] : memref<1000000x16xf32, #tpu.memory_space<hbm>> -> memref<1000000x16xf32, #tpu.memory_space<hbm>>
    tpu.wait_indirect_dma semaphore(%arg9 : memref<!tpu.dma_semaphore, #tpu.memory_space<semaphore_mem>>) src(%dma_wait3A_1248 : memref<1000000x16xf32, #tpu.memory_space<hbm>>) dst(%dma_wait3A_1242 : memref<128x16xf32, #tpu.memory_space<vmem>>)
    %iota3A = tpu.iota {dimensions = array<i32: 0>} : vector<16xi32>
    %scan3A = arith.constant 0 : i32
    %scan3A_1249 = arith.constant 0 : i32
    %scan3A_1250 = arith.constant 26 : i32
    %scan3A_1251 = arith.addi %scan3A_1249, %scan3A_1250 : i32
    %scan3A_1252 = arith.constant 1 : i32
    %scan3A_1253 = scf.for %scan3A_1255 = %scan3A_1249 to %scan3A_1251 step %scan3A_1252 iter_args(%scan3A_1256 = %scan3A) -> (i32)  : i32 {
      %scan3A_1257 = arith.constant 0 : i32
      %scan3A_1258 = arith.constant 0 : i32
      %scan3A_1259 = arith.constant 16 : i32
      %scan3A_1260 = arith.addi %scan3A_1258, %scan3A_1259 : i32
      %scan3A_1261 = arith.constant 1 : i32
      %scan3A_1262 = scf.for %scan3A_1266 = %scan3A_1258 to %scan3A_1260 step %scan3A_1261 iter_args(%scan3A_1267 = %scan3A_1257) -> (i32)  : i32 {
        %broadcast_in_dim3A = arith.constant 0 : i32
        %broadcast_in_dim3A_1268 = vector.broadcast %broadcast_in_dim3A : i32 to vector<16xi32>
        %add3A_1269 = vector.broadcast %scan3A_1266 : i32 to vector<16xi32>
        %add3A_1270 = arith.addi %broadcast_in_dim3A_1268, %add3A_1269 : vector<16xi32>
        %add3A_1271 = arith.constant 0 : i32
        %add3A_1272 = vector.broadcast %add3A_1271 : i32 to vector<16xi32>
        %add3A_1273 = arith.addi %add3A_1272, %iota3A : vector<16xi32>
        %gather3A = arith.constant 0 : i32
        %gather3A_1274 = arith.constant 0 : i32
        %gather3A_1275 = tpu.memref_slice %arg6[%scan3A_1255, %gather3A, %gather3A_1274] : memref<26x128x16xf32, #tpu.memory_space<vmem>> -> memref<1x128x16xf32, #tpu.memory_space<vmem>>
        %gather3A_1276 = tpu.memref_squeeze %gather3A_1275 : memref<1x128x16xf32, #tpu.memory_space<vmem>> -> memref<128x16xf32, #tpu.memory_space<vmem>>
        %gather3A_1277 = tpu.vector_load_idx %gather3A_1276[%add3A_1273, %add3A_1270] : memref<128x16xf32, #tpu.memory_space<vmem>>[vector<16xi32>, vector<16xi32>], vector<16xf32>,
        %swap3A = arith.index_cast %scan3A_1266 : i32 to index
        %swap3A_1278 = arith.constant 0 : index
        %swap3A_1279 = tpu.vector_load %arg7[%swap3A, %swap3A_1278] {strides = array<i32>} : memref<16x128xf32, #tpu.memory_space<vmem>>, vector<16xf32>,
        tpu.vector_store %arg7[%swap3A, %swap3A_1278], %gather3A_1277 {strides = array<i32>} : memref<16x128xf32, #tpu.memory_space<vmem>>, vector<16xf32>,
        %add3A_1280 = arith.constant 16 : i32
        %add3A_1281 = vector.broadcast %add3A_1280 : i32 to vector<16xi32>
        %add3A_1282 = arith.addi %add3A_1281, %iota3A : vector<16xi32>
        %gather3A_1283 = arith.constant 0 : i32
        %gather3A_1284 = arith.constant 0 : i32
        %gather3A_1285 = tpu.memref_slice %arg6[%scan3A_1255, %gather3A_1283, %gather3A_1284] : memref<26x128x16xf32, #tpu.memory_space<vmem>> -> memref<1x128x16xf32, #tpu.memory_space<vmem>>
        %gather3A_1286 = tpu.memref_squeeze %gather3A_1285 : memref<1x128x16xf32, #tpu.memory_space<vmem>> -> memref<128x16xf32, #tpu.memory_space<vmem>>
        %gather3A_1287 = tpu.vector_load_idx %gather3A_1286[%add3A_1282, %add3A_1270] : memref<128x16xf32, #tpu.memory_space<vmem>>[vector<16xi32>, vector<16xi32>], vector<16xf32>,
        %swap3A_1288 = arith.index_cast %scan3A_1266 : i32 to index
        %swap3A_1289 = arith.constant 16 : index
        %swap3A_1290 = tpu.vector_load %arg7[%swap3A_1288, %swap3A_1289] {strides = array<i32>} : memref<16x128xf32, #tpu.memory_space<vmem>>, vector<16xf32>,
        tpu.vector_store %arg7[%swap3A_1288, %swap3A_1289], %gather3A_1287 {strides = array<i32>} : memref<16x128xf32, #tpu.memory_space<vmem>>, vector<16xf32>,
        %add3A_1291 = arith.constant 32 : i32
        %add3A_1292 = vector.broadcast %add3A_1291 : i32 to vector<16xi32>
        %add3A_1293 = arith.addi %add3A_1292, %iota3A : vector<16xi32>
        %gather3A_1294 = arith.constant 0 : i32
        %gather3A_1295 = arith.constant 0 : i32
        %gather3A_1296 = tpu.memref_slice %arg6[%scan3A_1255, %gather3A_1294, %gather3A_1295] : memref<26x128x16xf32, #tpu.memory_space<vmem>> -> memref<1x128x16xf32, #tpu.memory_space<vmem>>
        %gather3A_1297 = tpu.memref_squeeze %gather3A_1296 : memref<1x128x16xf32, #tpu.memory_space<vmem>> -> memref<128x16xf32, #tpu.memory_space<vmem>>
        %gather3A_1298 = tpu.vector_load_idx %gather3A_1297[%add3A_1293, %add3A_1270] : memref<128x16xf32, #tpu.memory_space<vmem>>[vector<16xi32>, vector<16xi32>], vector<16xf32>,
        %swap3A_1299 = arith.index_cast %scan3A_1266 : i32 to index
        %swap3A_1300 = arith.constant 32 : index
        %swap3A_1301 = tpu.vector_load %arg7[%swap3A_1299, %swap3A_1300] {strides = array<i32>} : memref<16x128xf32, #tpu.memory_space<vmem>>, vector<16xf32>,
        tpu.vector_store %arg7[%swap3A_1299, %swap3A_1300], %gather3A_1298 {strides = array<i32>} : memref<16x128xf32, #tpu.memory_space<vmem>>, vector<16xf32>,
        %add3A_1302 = arith.constant 48 : i32
        %add3A_1303 = vector.broadcast %add3A_1302 : i32 to vector<16xi32>
        %add3A_1304 = arith.addi %add3A_1303, %iota3A : vector<16xi32>
        %gather3A_1305 = arith.constant 0 : i32
        %gather3A_1306 = arith.constant 0 : i32
        %gather3A_1307 = tpu.memref_slice %arg6[%scan3A_1255, %gather3A_1305, %gather3A_1306] : memref<26x128x16xf32, #tpu.memory_space<vmem>> -> memref<1x128x16xf32, #tpu.memory_space<vmem>>
        %gather3A_1308 = tpu.memref_squeeze %gather3A_1307 : memref<1x128x16xf32, #tpu.memory_space<vmem>> -> memref<128x16xf32, #tpu.memory_space<vmem>>
        %gather3A_1309 = tpu.vector_load_idx %gather3A_1308[%add3A_1304, %add3A_1270] : memref<128x16xf32, #tpu.memory_space<vmem>>[vector<16xi32>, vector<16xi32>], vector<16xf32>,
        %swap3A_1310 = arith.index_cast %scan3A_1266 : i32 to index
        %swap3A_1311 = arith.constant 48 : index
        %swap3A_1312 = tpu.vector_load %arg7[%swap3A_1310, %swap3A_1311] {strides = array<i32>} : memref<16x128xf32, #tpu.memory_space<vmem>>, vector<16xf32>,
        tpu.vector_store %arg7[%swap3A_1310, %swap3A_1311], %gather3A_1309 {strides = array<i32>} : memref<16x128xf32, #tpu.memory_space<vmem>>, vector<16xf32>,
        %add3A_1313 = arith.constant 64 : i32
        %add3A_1314 = vector.broadcast %add3A_1313 : i32 to vector<16xi32>
        %add3A_1315 = arith.addi %add3A_1314, %iota3A : vector<16xi32>
        %gather3A_1316 = arith.constant 0 : i32
        %gather3A_1317 = arith.constant 0 : i32
        %gather3A_1318 = tpu.memref_slice %arg6[%scan3A_1255, %gather3A_1316, %gather3A_1317] : memref<26x128x16xf32, #tpu.memory_space<vmem>> -> memref<1x128x16xf32, #tpu.memory_space<vmem>>
        %gather3A_1319 = tpu.memref_squeeze %gather3A_1318 : memref<1x128x16xf32, #tpu.memory_space<vmem>> -> memref<128x16xf32, #tpu.memory_space<vmem>>
        %gather3A_1320 = tpu.vector_load_idx %gather3A_1319[%add3A_1315, %add3A_1270] : memref<128x16xf32, #tpu.memory_space<vmem>>[vector<16xi32>, vector<16xi32>], vector<16xf32>,
        %swap3A_1321 = arith.index_cast %scan3A_1266 : i32 to index
        %swap3A_1322 = arith.constant 64 : index
        %swap3A_1323 = tpu.vector_load %arg7[%swap3A_1321, %swap3A_1322] {strides = array<i32>} : memref<16x128xf32, #tpu.memory_space<vmem>>, vector<16xf32>,
        tpu.vector_store %arg7[%swap3A_1321, %swap3A_1322], %gather3A_1320 {strides = array<i32>} : memref<16x128xf32, #tpu.memory_space<vmem>>, vector<16xf32>,
        %add3A_1324 = arith.constant 80 : i32
        %add3A_1325 = vector.broadcast %add3A_1324 : i32 to vector<16xi32>
        %add3A_1326 = arith.addi %add3A_1325, %iota3A : vector<16xi32>
        %gather3A_1327 = arith.constant 0 : i32
        %gather3A_1328 = arith.constant 0 : i32
        %gather3A_1329 = tpu.memref_slice %arg6[%scan3A_1255, %gather3A_1327, %gather3A_1328] : memref<26x128x16xf32, #tpu.memory_space<vmem>> -> memref<1x128x16xf32, #tpu.memory_space<vmem>>
        %gather3A_1330 = tpu.memref_squeeze %gather3A_1329 : memref<1x128x16xf32, #tpu.memory_space<vmem>> -> memref<128x16xf32, #tpu.memory_space<vmem>>
        %gather3A_1331 = tpu.vector_load_idx %gather3A_1330[%add3A_1326, %add3A_1270] : memref<128x16xf32, #tpu.memory_space<vmem>>[vector<16xi32>, vector<16xi32>], vector<16xf32>,
        %swap3A_1332 = arith.index_cast %scan3A_1266 : i32 to index
        %swap3A_1333 = arith.constant 80 : index
        %swap3A_1334 = tpu.vector_load %arg7[%swap3A_1332, %swap3A_1333] {strides = array<i32>} : memref<16x128xf32, #tpu.memory_space<vmem>>, vector<16xf32>,
        tpu.vector_store %arg7[%swap3A_1332, %swap3A_1333], %gather3A_1331 {strides = array<i32>} : memref<16x128xf32, #tpu.memory_space<vmem>>, vector<16xf32>,
        %add3A_1335 = arith.constant 96 : i32
        %add3A_1336 = vector.broadcast %add3A_1335 : i32 to vector<16xi32>
        %add3A_1337 = arith.addi %add3A_1336, %iota3A : vector<16xi32>
        %gather3A_1338 = arith.constant 0 : i32
        %gather3A_1339 = arith.constant 0 : i32
        %gather3A_1340 = tpu.memref_slice %arg6[%scan3A_1255, %gather3A_1338, %gather3A_1339] : memref<26x128x16xf32, #tpu.memory_space<vmem>> -> memref<1x128x16xf32, #tpu.memory_space<vmem>>
        %gather3A_1341 = tpu.memref_squeeze %gather3A_1340 : memref<1x128x16xf32, #tpu.memory_space<vmem>> -> memref<128x16xf32, #tpu.memory_space<vmem>>
        %gather3A_1342 = tpu.vector_load_idx %gather3A_1341[%add3A_1337, %add3A_1270] : memref<128x16xf32, #tpu.memory_space<vmem>>[vector<16xi32>, vector<16xi32>], vector<16xf32>,
        %swap3A_1343 = arith.index_cast %scan3A_1266 : i32 to index
        %swap3A_1344 = arith.constant 96 : index
        %swap3A_1345 = tpu.vector_load %arg7[%swap3A_1343, %swap3A_1344] {strides = array<i32>} : memref<16x128xf32, #tpu.memory_space<vmem>>, vector<16xf32>,
        tpu.vector_store %arg7[%swap3A_1343, %swap3A_1344], %gather3A_1342 {strides = array<i32>} : memref<16x128xf32, #tpu.memory_space<vmem>>, vector<16xf32>,
        %add3A_1346 = arith.constant 112 : i32
        %add3A_1347 = vector.broadcast %add3A_1346 : i32 to vector<16xi32>
        %add3A_1348 = arith.addi %add3A_1347, %iota3A : vector<16xi32>
        %gather3A_1349 = arith.constant 0 : i32
        %gather3A_1350 = arith.constant 0 : i32
        %gather3A_1351 = tpu.memref_slice %arg6[%scan3A_1255, %gather3A_1349, %gather3A_1350] : memref<26x128x16xf32, #tpu.memory_space<vmem>> -> memref<1x128x16xf32, #tpu.memory_space<vmem>>
        %gather3A_1352 = tpu.memref_squeeze %gather3A_1351 : memref<1x128x16xf32, #tpu.memory_space<vmem>> -> memref<128x16xf32, #tpu.memory_space<vmem>>
        %gather3A_1353 = tpu.vector_load_idx %gather3A_1352[%add3A_1348, %add3A_1270] : memref<128x16xf32, #tpu.memory_space<vmem>>[vector<16xi32>, vector<16xi32>], vector<16xf32>,
        %swap3A_1354 = arith.index_cast %scan3A_1266 : i32 to index
        %swap3A_1355 = arith.constant 112 : index
        %swap3A_1356 = tpu.vector_load %arg7[%swap3A_1354, %swap3A_1355] {strides = array<i32>} : memref<16x128xf32, #tpu.memory_space<vmem>>, vector<16xf32>,
        tpu.vector_store %arg7[%swap3A_1354, %swap3A_1355], %gather3A_1353 {strides = array<i32>} : memref<16x128xf32, #tpu.memory_space<vmem>>, vector<16xf32>,
        %scan3A_1357 = arith.constant 0 : i32
        scf.yield %scan3A_1357 : i32
      }
      %scan3A_1263 = arith.constant 16 : i32
      %run_scoped3A = arith.constant 0 : i32
      "tpu.region"() ({
        %run_scoped3A_1266 = tpu.sem_alloc : memref<!tpu.dma_semaphore, #tpu.memory_space<semaphore_mem>>
        %dma_start3A_1267 = arith.constant 0 : i32
        %dma_start3A_1268 = arith.constant 0 : i32
        %dma_start3A_1269 = tpu.memref_slice %arg7[%dma_start3A_1267, %dma_start3A_1268] : memref<16x128xf32, #tpu.memory_space<vmem>> -> memref<8x128xf32, #tpu.memory_space<vmem>>
        %dma_start3A_1270 = arith.constant 0 : i32
        %dma_start3A_1271 = arith.constant 0 : i32
        %dma_start3A_1272 = tpu.memref_slice %arg4[%scan3A_1255, %run_scoped3A, %add3A, %dma_start3A_1270, %dma_start3A_1271] : memref<26x2x32x8x128xf32, #tpu.memory_space<hbm>> -> memref<1x1x1x8x128xf32, #tpu.memory_space<hbm>>
        %dma_start3A_1273 = tpu.memref_squeeze %dma_start3A_1272 : memref<1x1x1x8x128xf32, #tpu.memory_space<hbm>> -> memref<8x128xf32, #tpu.memory_space<hbm>>
        %dma_start3A_1274 = arith.constant 0 : i32
        %dma_start3A_1275 = arith.constant 0 : i32
        %dma_start3A_1276 = tpu.memref_slice %arg4[%scan3A_1255, %run_scoped3A, %add3A, %dma_start3A_1274, %dma_start3A_1275] : memref<26x2x32x8x128xf32, #tpu.memory_space<hbm>> -> memref<1x1x1x8x128xf32, #tpu.memory_space<hbm>>
        %dma_start3A_1277 = tpu.memref_squeeze %dma_start3A_1276 : memref<1x1x1x8x128xf32, #tpu.memory_space<hbm>> -> memref<8x128xf32, #tpu.memory_space<hbm>>
        %dma_start3A_1278 = arith.constant 0 : i32
        %dma_start3A_1279 = arith.constant 0 : i32
        %dma_start3A_1280 = tpu.memref_slice %arg7[%dma_start3A_1278, %dma_start3A_1279] : memref<16x128xf32, #tpu.memory_space<vmem>> -> memref<8x128xf32, #tpu.memory_space<vmem>>
        tpu.enqueue_dma source(%dma_start3A_1280 : memref<8x128xf32, #tpu.memory_space<vmem>>) target(%dma_start3A_1277 : memref<8x128xf32, #tpu.memory_space<hbm>>) target_semaphore(%run_scoped3A_1266 : memref<!tpu.dma_semaphore, #tpu.memory_space<semaphore_mem>>)
        %dma_wait3A_1281 = arith.constant 0 : i32
        %dma_wait3A_1282 = arith.constant 0 : i32
        %dma_wait3A_1283 = tpu.memref_slice %arg7[%dma_wait3A_1281, %dma_wait3A_1282] : memref<16x128xf32, #tpu.memory_space<vmem>> -> memref<8x128xf32, #tpu.memory_space<vmem>>
        %dma_wait3A_1284 = arith.constant 0 : i32
        %dma_wait3A_1285 = arith.constant 0 : i32
        %dma_wait3A_1286 = tpu.memref_slice %arg4[%scan3A_1255, %run_scoped3A, %add3A, %dma_wait3A_1284, %dma_wait3A_1285] : memref<26x2x32x8x128xf32, #tpu.memory_space<hbm>> -> memref<1x1x1x8x128xf32, #tpu.memory_space<hbm>>
        %dma_wait3A_1287 = tpu.memref_squeeze %dma_wait3A_1286 : memref<1x1x1x8x128xf32, #tpu.memory_space<hbm>> -> memref<8x128xf32, #tpu.memory_space<hbm>>
        %dma_wait3A_1288 = arith.constant 0 : i32
        %dma_wait3A_1289 = arith.constant 0 : i32
        %dma_wait3A_1290 = tpu.memref_slice %arg4[%scan3A_1255, %run_scoped3A, %add3A, %dma_wait3A_1288, %dma_wait3A_1289] : memref<26x2x32x8x128xf32, #tpu.memory_space<hbm>> -> memref<1x1x1x8x128xf32, #tpu.memory_space<hbm>>
        %dma_wait3A_1291 = tpu.memref_squeeze %dma_wait3A_1290 : memref<1x1x1x8x128xf32, #tpu.memory_space<hbm>> -> memref<8x128xf32, #tpu.memory_space<hbm>>
        %dma_wait3A_1292 = arith.constant 0 : i32
        %dma_wait3A_1293 = arith.constant 0 : i32
        %dma_wait3A_1294 = tpu.memref_slice %arg7[%dma_wait3A_1292, %dma_wait3A_1293] : memref<16x128xf32, #tpu.memory_space<vmem>> -> memref<8x128xf32, #tpu.memory_space<vmem>>
        tpu.wait_dma2 semaphore(%run_scoped3A_1266 : memref<!tpu.dma_semaphore, #tpu.memory_space<semaphore_mem>>) src(%dma_wait3A_1294 : memref<8x128xf32, #tpu.memory_space<vmem>>) dst(%dma_wait3A_1291 : memref<8x128xf32, #tpu.memory_space<hbm>>)
        tpu.yield
      }) : () -> ()
      %run_scoped3A_1264 = arith.constant 1 : i32
      "tpu.region"() ({
        %run_scoped3A_1266 = tpu.sem_alloc : memref<!tpu.dma_semaphore, #tpu.memory_space<semaphore_mem>>
        %dma_start3A_1267 = arith.constant 8 : i32
        %dma_start3A_1268 = arith.constant 0 : i32
        %dma_start3A_1269 = tpu.memref_slice %arg7[%dma_start3A_1267, %dma_start3A_1268] : memref<16x128xf32, #tpu.memory_space<vmem>> -> memref<8x128xf32, #tpu.memory_space<vmem>>
        %dma_start3A_1270 = arith.constant 0 : i32
        %dma_start3A_1271 = arith.constant 0 : i32
        %dma_start3A_1272 = tpu.memref_slice %arg4[%scan3A_1255, %run_scoped3A_1264, %add3A, %dma_start3A_1270, %dma_start3A_1271] : memref<26x2x32x8x128xf32, #tpu.memory_space<hbm>> -> memref<1x1x1x8x128xf32, #tpu.memory_space<hbm>>
        %dma_start3A_1273 = tpu.memref_squeeze %dma_start3A_1272 : memref<1x1x1x8x128xf32, #tpu.memory_space<hbm>> -> memref<8x128xf32, #tpu.memory_space<hbm>>
        %dma_start3A_1274 = arith.constant 0 : i32
        %dma_start3A_1275 = arith.constant 0 : i32
        %dma_start3A_1276 = tpu.memref_slice %arg4[%scan3A_1255, %run_scoped3A_1264, %add3A, %dma_start3A_1274, %dma_start3A_1275] : memref<26x2x32x8x128xf32, #tpu.memory_space<hbm>> -> memref<1x1x1x8x128xf32, #tpu.memory_space<hbm>>
        %dma_start3A_1277 = tpu.memref_squeeze %dma_start3A_1276 : memref<1x1x1x8x128xf32, #tpu.memory_space<hbm>> -> memref<8x128xf32, #tpu.memory_space<hbm>>
        %dma_start3A_1278 = arith.constant 8 : i32
        %dma_start3A_1279 = arith.constant 0 : i32
        %dma_start3A_1280 = tpu.memref_slice %arg7[%dma_start3A_1278, %dma_start3A_1279] : memref<16x128xf32, #tpu.memory_space<vmem>> -> memref<8x128xf32, #tpu.memory_space<vmem>>
        tpu.enqueue_dma source(%dma_start3A_1280 : memref<8x128xf32, #tpu.memory_space<vmem>>) target(%dma_start3A_1277 : memref<8x128xf32, #tpu.memory_space<hbm>>) target_semaphore(%run_scoped3A_1266 : memref<!tpu.dma_semaphore, #tpu.memory_space<semaphore_mem>>)
        %dma_wait3A_1281 = arith.constant 8 : i32
        %dma_wait3A_1282 = arith.constant 0 : i32
        %dma_wait3A_1283 = tpu.memref_slice %arg7[%dma_wait3A_1281, %dma_wait3A_1282] : memref<16x128xf32, #tpu.memory_space<vmem>> -> memref<8x128xf32, #tpu.memory_space<vmem>>
        %dma_wait3A_1284 = arith.constant 0 : i32
        %dma_wait3A_1285 = arith.constant 0 : i32
        %dma_wait3A_1286 = tpu.memref_slice %arg4[%scan3A_1255, %run_scoped3A_1264, %add3A, %dma_wait3A_1284, %dma_wait3A_1285] : memref<26x2x32x8x128xf32, #tpu.memory_space<hbm>> -> memref<1x1x1x8x128xf32, #tpu.memory_space<hbm>>
        %dma_wait3A_1287 = tpu.memref_squeeze %dma_wait3A_1286 : memref<1x1x1x8x128xf32, #tpu.memory_space<hbm>> -> memref<8x128xf32, #tpu.memory_space<hbm>>
        %dma_wait3A_1288 = arith.constant 0 : i32
        %dma_wait3A_1289 = arith.constant 0 : i32
        %dma_wait3A_1290 = tpu.memref_slice %arg4[%scan3A_1255, %run_scoped3A_1264, %add3A, %dma_wait3A_1288, %dma_wait3A_1289] : memref<26x2x32x8x128xf32, #tpu.memory_space<hbm>> -> memref<1x1x1x8x128xf32, #tpu.memory_space<hbm>>
        %dma_wait3A_1291 = tpu.memref_squeeze %dma_wait3A_1290 : memref<1x1x1x8x128xf32, #tpu.memory_space<hbm>> -> memref<8x128xf32, #tpu.memory_space<hbm>>
        %dma_wait3A_1292 = arith.constant 8 : i32
        %dma_wait3A_1293 = arith.constant 0 : i32
        %dma_wait3A_1294 = tpu.memref_slice %arg7[%dma_wait3A_1292, %dma_wait3A_1293] : memref<16x128xf32, #tpu.memory_space<vmem>> -> memref<8x128xf32, #tpu.memory_space<vmem>>
        tpu.wait_dma2 semaphore(%run_scoped3A_1266 : memref<!tpu.dma_semaphore, #tpu.memory_space<semaphore_mem>>) src(%dma_wait3A_1294 : memref<8x128xf32, #tpu.memory_space<vmem>>) dst(%dma_wait3A_1291 : memref<8x128xf32, #tpu.memory_space<hbm>>)
        tpu.yield
      }) : () -> ()
      %scan3A_1265 = arith.constant 0 : i32
      scf.yield %scan3A_1265 : i32
    }
    %scan3A_1254 = arith.constant 26 : i32
    return
  }
}

#map = affine_map<(d0, d1) -> (0, 0)>
#map1 = affine_map<(d0, d1) -> (0)>
module attributes {stable_mosaic.version = 14 : i64} {
  func.func @_transpose_kernel(%arg0: i32, %arg1: i32, %arg2: memref<16x1000000xf32, #tpu.memory_space<hbm>>, %arg3: memref<1024xf32, #tpu.memory_space<hbm>>, %arg4: memref<16000000xf32, #tpu.memory_space<hbm>>, %arg5: memref<16x1032xf32, #tpu.memory_space<vmem>>, %arg6: memref<16x1032xf32, #tpu.memory_space<vmem>>, %arg7: memref<16384xf32, #tpu.memory_space<vmem>>, %arg8: memref<16384xf32, #tpu.memory_space<vmem>>, %arg9: memref<!tpu.dma_semaphore, #tpu.memory_space<semaphore_mem>>, %arg10: memref<!tpu.dma_semaphore, #tpu.memory_space<semaphore_mem>>, %arg11: memref<!tpu.dma_semaphore, #tpu.memory_space<semaphore_mem>>) attributes {dimension_semantics = [#tpu.dimension_semantics<core_parallel>, #tpu.dimension_semantics<subcore_parallel>], iteration_bounds = array<i64: 2, 16>, scalar_prefetch = 0 : i64, scratch_operands = 7 : i64, tpu.core_type = #tpu.core_type<sc_vector_subcore>, window_params = [{transform_indices = #map}, {transform_indices = #map1}, {transform_indices = #map1}]} {
    %mul3A = arith.constant 2 : i32
    %mul3A_0 = arith.muli %arg1, %mul3A : i32
    %add3A = arith.addi %mul3A_0, %arg0 : i32
    %lt3A = arith.constant 16 : i32
    %lt3A_1 = arith.cmpi slt, %add3A, %lt3A : i32
    %jit3A = arith.constant 31 : i32
    %jit3A_2 = arith.constant 30 : i32
    %select_n3A = arith.select %lt3A_1, %jit3A, %jit3A_2 : i32
    %iota3A = tpu.iota {dimensions = array<i32: 0>} : vector<16xi32>
    %and3A = arith.constant 7 : i32
    %and3A_3 = vector.broadcast %and3A : i32 to vector<16xi32>
    %and3A_4 = arith.andi %iota3A, %and3A_3 : vector<16xi32>
    %shift_right_arithmetic3A = arith.constant 3 : i32
    %shift_right_arithmetic3A_5 = vector.broadcast %shift_right_arithmetic3A : i32 to vector<16xi32>
    %shift_right_arithmetic3A_6 = arith.shrsi %iota3A, %shift_right_arithmetic3A_5 : vector<16xi32>
    %mul3A_7 = arith.constant 16 : i32
    %mul3A_8 = vector.broadcast %mul3A_7 : i32 to vector<16xi32>
    %mul3A_9 = arith.muli %shift_right_arithmetic3A_6, %mul3A_8 : vector<16xi32>
    %add3A_10 = arith.addi %mul3A_9, %and3A_4 : vector<16xi32>
    %add3A_11 = arith.constant 0 : i32
    %add3A_12 = arith.addi %add3A, %add3A_11 : i32
    %mul3A_13 = arith.constant 1024 : i32
    %mul3A_14 = arith.muli %add3A_12, %mul3A_13 : i32
    %dma_start3A = arith.constant 0 : i32
    %dma_start3A_15 = arith.constant 0 : i32
    %dma_start3A_16 = tpu.memref_slice %arg5[%dma_start3A, %dma_start3A_15] : memref<16x1032xf32, #tpu.memory_space<vmem>> -> memref<8x1024xf32, #tpu.memory_space<vmem>>
    %dma_start3A_17 = arith.constant 0 : i32
    %dma_start3A_18 = tpu.memref_slice %arg2[%dma_start3A_17, %mul3A_14] : memref<16x1000000xf32, #tpu.memory_space<hbm>> -> memref<8x1024xf32, #tpu.memory_space<hbm>>
    %dma_start3A_19 = arith.constant 0 : i32
    %dma_start3A_20 = arith.constant 0 : i32
    %dma_start3A_21 = tpu.memref_slice %arg5[%dma_start3A_19, %dma_start3A_20] : memref<16x1032xf32, #tpu.memory_space<vmem>> -> memref<8x1024xf32, #tpu.memory_space<vmem>>
    %dma_start3A_22 = arith.constant 0 : i32
    %dma_start3A_23 = tpu.memref_slice %arg2[%dma_start3A_22, %mul3A_14] : memref<16x1000000xf32, #tpu.memory_space<hbm>> -> memref<8x1024xf32, #tpu.memory_space<hbm>>
    tpu.enqueue_dma source(%dma_start3A_23 : memref<8x1024xf32, #tpu.memory_space<hbm>>) target(%dma_start3A_21 : memref<8x1024xf32, #tpu.memory_space<vmem>>) target_semaphore(%arg9 : memref<!tpu.dma_semaphore, #tpu.memory_space<semaphore_mem>>)
    %dma_start3A_24 = arith.constant 8 : i32
    %dma_start3A_25 = arith.constant 0 : i32
    %dma_start3A_26 = tpu.memref_slice %arg5[%dma_start3A_24, %dma_start3A_25] : memref<16x1032xf32, #tpu.memory_space<vmem>> -> memref<8x1024xf32, #tpu.memory_space<vmem>>
    %dma_start3A_27 = arith.constant 8 : i32
    %dma_start3A_28 = tpu.memref_slice %arg2[%dma_start3A_27, %mul3A_14] : memref<16x1000000xf32, #tpu.memory_space<hbm>> -> memref<8x1024xf32, #tpu.memory_space<hbm>>
    %dma_start3A_29 = arith.constant 8 : i32
    %dma_start3A_30 = arith.constant 0 : i32
    %dma_start3A_31 = tpu.memref_slice %arg5[%dma_start3A_29, %dma_start3A_30] : memref<16x1032xf32, #tpu.memory_space<vmem>> -> memref<8x1024xf32, #tpu.memory_space<vmem>>
    %dma_start3A_32 = arith.constant 8 : i32
    %dma_start3A_33 = tpu.memref_slice %arg2[%dma_start3A_32, %mul3A_14] : memref<16x1000000xf32, #tpu.memory_space<hbm>> -> memref<8x1024xf32, #tpu.memory_space<hbm>>
    tpu.enqueue_dma source(%dma_start3A_33 : memref<8x1024xf32, #tpu.memory_space<hbm>>) target(%dma_start3A_31 : memref<8x1024xf32, #tpu.memory_space<vmem>>) target_semaphore(%arg9 : memref<!tpu.dma_semaphore, #tpu.memory_space<semaphore_mem>>)
    %scan3A = arith.constant 0 : i32
    %scan3A_34 = arith.constant 0 : i32
    %scan3A_35 = arith.constant 16 : i32
    %scan3A_36 = arith.addi %scan3A_34, %scan3A_35 : i32
    %scan3A_37 = arith.constant 1 : i32
    %scan3A_38 = scf.for %scan3A_42 = %scan3A_34 to %scan3A_36 step %scan3A_37 iter_args(%scan3A_43 = %scan3A) -> (i32)  : i32 {
      %mul3A_44 = arith.constant 2 : i32
      %mul3A_45 = arith.muli %scan3A_42, %mul3A_44 : i32
      %add3A_46 = arith.constant 1 : i32
      %add3A_47 = arith.addi %mul3A_45, %add3A_46 : i32
      %lt3A_48 = arith.cmpi slt, %add3A_47, %select_n3A : i32
      %convert_element_type3A_49 = arith.extui %lt3A_48 : i1 to i32
      %cond3A_50 = arith.constant 0 : i32
      %cond3A_51 = arith.cmpi ne, %convert_element_type3A_49, %cond3A_50 : i32
      scf.if %cond3A_51 {
        %add3A_69 = arith.constant 1 : i32
        %add3A_70 = arith.addi %mul3A_45, %add3A_69 : i32
        %mul3A_71 = arith.constant 32 : i32
        %mul3A_72 = arith.muli %add3A_70, %mul3A_71 : i32
        %add3A_73 = arith.addi %add3A, %mul3A_72 : i32
        %mul3A_74 = arith.constant 1024 : i32
        %mul3A_75 = arith.muli %add3A_73, %mul3A_74 : i32
        %dma_start3A_76 = arith.constant 0 : i32
        %dma_start3A_77 = arith.constant 0 : i32
        %dma_start3A_78 = tpu.memref_slice %arg6[%dma_start3A_76, %dma_start3A_77] : memref<16x1032xf32, #tpu.memory_space<vmem>> -> memref<8x1024xf32, #tpu.memory_space<vmem>>
        %dma_start3A_79 = arith.constant 0 : i32
        %dma_start3A_80 = tpu.memref_slice %arg2[%dma_start3A_79, %mul3A_75] : memref<16x1000000xf32, #tpu.memory_space<hbm>> -> memref<8x1024xf32, #tpu.memory_space<hbm>>
        %dma_start3A_81 = arith.constant 0 : i32
        %dma_start3A_82 = arith.constant 0 : i32
        %dma_start3A_83 = tpu.memref_slice %arg6[%dma_start3A_81, %dma_start3A_82] : memref<16x1032xf32, #tpu.memory_space<vmem>> -> memref<8x1024xf32, #tpu.memory_space<vmem>>
        %dma_start3A_84 = arith.constant 0 : i32
        %dma_start3A_85 = tpu.memref_slice %arg2[%dma_start3A_84, %mul3A_75] : memref<16x1000000xf32, #tpu.memory_space<hbm>> -> memref<8x1024xf32, #tpu.memory_space<hbm>>
        tpu.enqueue_dma source(%dma_start3A_85 : memref<8x1024xf32, #tpu.memory_space<hbm>>) target(%dma_start3A_83 : memref<8x1024xf32, #tpu.memory_space<vmem>>) target_semaphore(%arg10 : memref<!tpu.dma_semaphore, #tpu.memory_space<semaphore_mem>>)
        %dma_start3A_86 = arith.constant 8 : i32
        %dma_start3A_87 = arith.constant 0 : i32
        %dma_start3A_88 = tpu.memref_slice %arg6[%dma_start3A_86, %dma_start3A_87] : memref<16x1032xf32, #tpu.memory_space<vmem>> -> memref<8x1024xf32, #tpu.memory_space<vmem>>
        %dma_start3A_89 = arith.constant 8 : i32
        %dma_start3A_90 = tpu.memref_slice %arg2[%dma_start3A_89, %mul3A_75] : memref<16x1000000xf32, #tpu.memory_space<hbm>> -> memref<8x1024xf32, #tpu.memory_space<hbm>>
        %dma_start3A_91 = arith.constant 8 : i32
        %dma_start3A_92 = arith.constant 0 : i32
        %dma_start3A_93 = tpu.memref_slice %arg6[%dma_start3A_91, %dma_start3A_92] : memref<16x1032xf32, #tpu.memory_space<vmem>> -> memref<8x1024xf32, #tpu.memory_space<vmem>>
        %dma_start3A_94 = arith.constant 8 : i32
        %dma_start3A_95 = tpu.memref_slice %arg2[%dma_start3A_94, %mul3A_75] : memref<16x1000000xf32, #tpu.memory_space<hbm>> -> memref<8x1024xf32, #tpu.memory_space<hbm>>
        tpu.enqueue_dma source(%dma_start3A_95 : memref<8x1024xf32, #tpu.memory_space<hbm>>) target(%dma_start3A_93 : memref<8x1024xf32, #tpu.memory_space<vmem>>) target_semaphore(%arg10 : memref<!tpu.dma_semaphore, #tpu.memory_space<semaphore_mem>>)
      } else {
      }
      %lt3A_52 = arith.cmpi slt, %mul3A_45, %select_n3A : i32
      %convert_element_type3A_53 = arith.extui %lt3A_52 : i1 to i32
      %cond3A_54 = arith.constant 0 : i32
      %cond3A_55 = arith.cmpi ne, %convert_element_type3A_53, %cond3A_54 : i32
      scf.if %cond3A_55 {
        %dma_wait3A = arith.constant 0 : i32
        %dma_wait3A_69 = arith.constant 0 : i32
        %dma_wait3A_70 = tpu.memref_slice %arg5[%dma_wait3A, %dma_wait3A_69] : memref<16x1032xf32, #tpu.memory_space<vmem>> -> memref<8x1024xf32, #tpu.memory_space<vmem>>
        %dma_wait3A_71 = arith.constant 0 : i32
        %dma_wait3A_72 = arith.constant 0 : i32
        %dma_wait3A_73 = tpu.memref_slice %arg2[%dma_wait3A_71, %dma_wait3A_72] : memref<16x1000000xf32, #tpu.memory_space<hbm>> -> memref<8x1024xf32, #tpu.memory_space<hbm>>
        %dma_wait3A_74 = arith.constant 0 : i32
        %dma_wait3A_75 = arith.constant 0 : i32
        %dma_wait3A_76 = tpu.memref_slice %arg5[%dma_wait3A_74, %dma_wait3A_75] : memref<16x1032xf32, #tpu.memory_space<vmem>> -> memref<8x1024xf32, #tpu.memory_space<vmem>>
        %dma_wait3A_77 = arith.constant 0 : i32
        %dma_wait3A_78 = arith.constant 0 : i32
        %dma_wait3A_79 = tpu.memref_slice %arg2[%dma_wait3A_77, %dma_wait3A_78] : memref<16x1000000xf32, #tpu.memory_space<hbm>> -> memref<8x1024xf32, #tpu.memory_space<hbm>>
        tpu.wait_dma2 semaphore(%arg9 : memref<!tpu.dma_semaphore, #tpu.memory_space<semaphore_mem>>) src(%dma_wait3A_79 : memref<8x1024xf32, #tpu.memory_space<hbm>>) dst(%dma_wait3A_76 : memref<8x1024xf32, #tpu.memory_space<vmem>>)
        %dma_wait3A_80 = arith.constant 8 : i32
        %dma_wait3A_81 = arith.constant 0 : i32
        %dma_wait3A_82 = tpu.memref_slice %arg5[%dma_wait3A_80, %dma_wait3A_81] : memref<16x1032xf32, #tpu.memory_space<vmem>> -> memref<8x1024xf32, #tpu.memory_space<vmem>>
        %dma_wait3A_83 = arith.constant 8 : i32
        %dma_wait3A_84 = arith.constant 0 : i32
        %dma_wait3A_85 = tpu.memref_slice %arg2[%dma_wait3A_83, %dma_wait3A_84] : memref<16x1000000xf32, #tpu.memory_space<hbm>> -> memref<8x1024xf32, #tpu.memory_space<hbm>>
        %dma_wait3A_86 = arith.constant 8 : i32
        %dma_wait3A_87 = arith.constant 0 : i32
        %dma_wait3A_88 = tpu.memref_slice %arg5[%dma_wait3A_86, %dma_wait3A_87] : memref<16x1032xf32, #tpu.memory_space<vmem>> -> memref<8x1024xf32, #tpu.memory_space<vmem>>
        %dma_wait3A_89 = arith.constant 8 : i32
        %dma_wait3A_90 = arith.constant 0 : i32
        %dma_wait3A_91 = tpu.memref_slice %arg2[%dma_wait3A_89, %dma_wait3A_90] : memref<16x1000000xf32, #tpu.memory_space<hbm>> -> memref<8x1024xf32, #tpu.memory_space<hbm>>
        tpu.wait_dma2 semaphore(%arg9 : memref<!tpu.dma_semaphore, #tpu.memory_space<semaphore_mem>>) src(%dma_wait3A_91 : memref<8x1024xf32, #tpu.memory_space<hbm>>) dst(%dma_wait3A_88 : memref<8x1024xf32, #tpu.memory_space<vmem>>)
        %mul3A_92 = arith.constant 16 : i32
        %mul3A_93 = vector.broadcast %mul3A_92 : i32 to vector<16xi32>
        %mul3A_94 = arith.muli %iota3A, %mul3A_93 : vector<16xi32>
        %scan3A_95 = arith.constant 0 : i32
        %scan3A_96 = arith.constant 0 : i32
        %scan3A_97 = arith.constant 64 : i32
        %scan3A_98 = arith.addi %scan3A_96, %scan3A_97 : i32
        %scan3A_99 = arith.constant 2 : i32
        %scan3A_100 = scf.for %scan3A_121 = %scan3A_96 to %scan3A_98 step %scan3A_99 iter_args(%scan3A_122 = %scan3A_95) -> (i32)  : i32 {
          %mul3A_123 = arith.constant 256 : i32
          %mul3A_124 = arith.muli %scan3A_121, %mul3A_123 : i32
          %mul3A_125 = arith.constant 16 : i32
          %mul3A_126 = arith.muli %scan3A_121, %mul3A_125 : i32
          %get3A = arith.constant 0 : i32
          %get3A_127 = arith.index_cast %get3A : i32 to index
          %get3A_128 = arith.index_cast %mul3A_126 : i32 to index
          %get3A_129 = tpu.vector_load %arg5[%get3A_127, %get3A_128] {strides = array<i32>} : memref<16x1032xf32, #tpu.memory_space<vmem>>, vector<16xf32>,
          %add3A_130 = arith.constant 0 : i32
          %add3A_131 = arith.addi %mul3A_124, %add3A_130 : i32
          %add3A_132 = vector.broadcast %add3A_131 : i32 to vector<16xi32>
          %add3A_133 = arith.addi %mul3A_94, %add3A_132 : vector<16xi32>
          tpu.vector_store_idx %arg7[%add3A_133], %get3A_129 : memref<16384xf32, #tpu.memory_space<vmem>>[vector<16xi32>], vector<16xf32>,
          %mul3A_134 = arith.constant 16 : i32
          %mul3A_135 = arith.muli %scan3A_121, %mul3A_134 : i32
          %get3A_136 = arith.constant 1 : i32
          %get3A_137 = arith.index_cast %get3A_136 : i32 to index
          %get3A_138 = arith.index_cast %mul3A_135 : i32 to index
          %get3A_139 = tpu.vector_load %arg5[%get3A_137, %get3A_138] {strides = array<i32>} : memref<16x1032xf32, #tpu.memory_space<vmem>>, vector<16xf32>,
          %add3A_140 = arith.constant 1 : i32
          %add3A_141 = arith.addi %mul3A_124, %add3A_140 : i32
          %add3A_142 = vector.broadcast %add3A_141 : i32 to vector<16xi32>
          %add3A_143 = arith.addi %mul3A_94, %add3A_142 : vector<16xi32>
          tpu.vector_store_idx %arg7[%add3A_143], %get3A_139 : memref<16384xf32, #tpu.memory_space<vmem>>[vector<16xi32>], vector<16xf32>,
          %mul3A_144 = arith.constant 16 : i32
          %mul3A_145 = arith.muli %scan3A_121, %mul3A_144 : i32
          %get3A_146 = arith.constant 2 : i32
          %get3A_147 = arith.index_cast %get3A_146 : i32 to index
          %get3A_148 = arith.index_cast %mul3A_145 : i32 to index
          %get3A_149 = tpu.vector_load %arg5[%get3A_147, %get3A_148] {strides = array<i32>} : memref<16x1032xf32, #tpu.memory_space<vmem>>, vector<16xf32>,
          %add3A_150 = arith.constant 2 : i32
          %add3A_151 = arith.addi %mul3A_124, %add3A_150 : i32
          %add3A_152 = vector.broadcast %add3A_151 : i32 to vector<16xi32>
          %add3A_153 = arith.addi %mul3A_94, %add3A_152 : vector<16xi32>
          tpu.vector_store_idx %arg7[%add3A_153], %get3A_149 : memref<16384xf32, #tpu.memory_space<vmem>>[vector<16xi32>], vector<16xf32>,
          %mul3A_154 = arith.constant 16 : i32
          %mul3A_155 = arith.muli %scan3A_121, %mul3A_154 : i32
          %get3A_156 = arith.constant 3 : i32
          %get3A_157 = arith.index_cast %get3A_156 : i32 to index
          %get3A_158 = arith.index_cast %mul3A_155 : i32 to index
          %get3A_159 = tpu.vector_load %arg5[%get3A_157, %get3A_158] {strides = array<i32>} : memref<16x1032xf32, #tpu.memory_space<vmem>>, vector<16xf32>,
          %add3A_160 = arith.constant 3 : i32
          %add3A_161 = arith.addi %mul3A_124, %add3A_160 : i32
          %add3A_162 = vector.broadcast %add3A_161 : i32 to vector<16xi32>
          %add3A_163 = arith.addi %mul3A_94, %add3A_162 : vector<16xi32>
          tpu.vector_store_idx %arg7[%add3A_163], %get3A_159 : memref<16384xf32, #tpu.memory_space<vmem>>[vector<16xi32>], vector<16xf32>,
          %mul3A_164 = arith.constant 16 : i32
          %mul3A_165 = arith.muli %scan3A_121, %mul3A_164 : i32
          %get3A_166 = arith.constant 4 : i32
          %get3A_167 = arith.index_cast %get3A_166 : i32 to index
          %get3A_168 = arith.index_cast %mul3A_165 : i32 to index
          %get3A_169 = tpu.vector_load %arg5[%get3A_167, %get3A_168] {strides = array<i32>} : memref<16x1032xf32, #tpu.memory_space<vmem>>, vector<16xf32>,
          %add3A_170 = arith.constant 4 : i32
          %add3A_171 = arith.addi %mul3A_124, %add3A_170 : i32
          %add3A_172 = vector.broadcast %add3A_171 : i32 to vector<16xi32>
          %add3A_173 = arith.addi %mul3A_94, %add3A_172 : vector<16xi32>
          tpu.vector_store_idx %arg7[%add3A_173], %get3A_169 : memref<16384xf32, #tpu.memory_space<vmem>>[vector<16xi32>], vector<16xf32>,
          %mul3A_174 = arith.constant 16 : i32
          %mul3A_175 = arith.muli %scan3A_121, %mul3A_174 : i32
          %get3A_176 = arith.constant 5 : i32
          %get3A_177 = arith.index_cast %get3A_176 : i32 to index
          %get3A_178 = arith.index_cast %mul3A_175 : i32 to index
          %get3A_179 = tpu.vector_load %arg5[%get3A_177, %get3A_178] {strides = array<i32>} : memref<16x1032xf32, #tpu.memory_space<vmem>>, vector<16xf32>,
          %add3A_180 = arith.constant 5 : i32
          %add3A_181 = arith.addi %mul3A_124, %add3A_180 : i32
          %add3A_182 = vector.broadcast %add3A_181 : i32 to vector<16xi32>
          %add3A_183 = arith.addi %mul3A_94, %add3A_182 : vector<16xi32>
          tpu.vector_store_idx %arg7[%add3A_183], %get3A_179 : memref<16384xf32, #tpu.memory_space<vmem>>[vector<16xi32>], vector<16xf32>,
          %mul3A_184 = arith.constant 16 : i32
          %mul3A_185 = arith.muli %scan3A_121, %mul3A_184 : i32
          %get3A_186 = arith.constant 6 : i32
          %get3A_187 = arith.index_cast %get3A_186 : i32 to index
          %get3A_188 = arith.index_cast %mul3A_185 : i32 to index
          %get3A_189 = tpu.vector_load %arg5[%get3A_187, %get3A_188] {strides = array<i32>} : memref<16x1032xf32, #tpu.memory_space<vmem>>, vector<16xf32>,
          %add3A_190 = arith.constant 6 : i32
          %add3A_191 = arith.addi %mul3A_124, %add3A_190 : i32
          %add3A_192 = vector.broadcast %add3A_191 : i32 to vector<16xi32>
          %add3A_193 = arith.addi %mul3A_94, %add3A_192 : vector<16xi32>
          tpu.vector_store_idx %arg7[%add3A_193], %get3A_189 : memref<16384xf32, #tpu.memory_space<vmem>>[vector<16xi32>], vector<16xf32>,
          %mul3A_194 = arith.constant 16 : i32
          %mul3A_195 = arith.muli %scan3A_121, %mul3A_194 : i32
          %get3A_196 = arith.constant 7 : i32
          %get3A_197 = arith.index_cast %get3A_196 : i32 to index
          %get3A_198 = arith.index_cast %mul3A_195 : i32 to index
          %get3A_199 = tpu.vector_load %arg5[%get3A_197, %get3A_198] {strides = array<i32>} : memref<16x1032xf32, #tpu.memory_space<vmem>>, vector<16xf32>,
          %add3A_200 = arith.constant 7 : i32
          %add3A_201 = arith.addi %mul3A_124, %add3A_200 : i32
          %add3A_202 = vector.broadcast %add3A_201 : i32 to vector<16xi32>
          %add3A_203 = arith.addi %mul3A_94, %add3A_202 : vector<16xi32>
          tpu.vector_store_idx %arg7[%add3A_203], %get3A_199 : memref<16384xf32, #tpu.memory_space<vmem>>[vector<16xi32>], vector<16xf32>,
          %mul3A_204 = arith.constant 16 : i32
          %mul3A_205 = arith.muli %scan3A_121, %mul3A_204 : i32
          %get3A_206 = arith.constant 8 : i32
          %get3A_207 = arith.index_cast %get3A_206 : i32 to index
          %get3A_208 = arith.index_cast %mul3A_205 : i32 to index
          %get3A_209 = tpu.vector_load %arg5[%get3A_207, %get3A_208] {strides = array<i32>} : memref<16x1032xf32, #tpu.memory_space<vmem>>, vector<16xf32>,
          %add3A_210 = arith.constant 8 : i32
          %add3A_211 = arith.addi %mul3A_124, %add3A_210 : i32
          %add3A_212 = vector.broadcast %add3A_211 : i32 to vector<16xi32>
          %add3A_213 = arith.addi %mul3A_94, %add3A_212 : vector<16xi32>
          tpu.vector_store_idx %arg7[%add3A_213], %get3A_209 : memref<16384xf32, #tpu.memory_space<vmem>>[vector<16xi32>], vector<16xf32>,
          %mul3A_214 = arith.constant 16 : i32
          %mul3A_215 = arith.muli %scan3A_121, %mul3A_214 : i32
          %get3A_216 = arith.constant 9 : i32
          %get3A_217 = arith.index_cast %get3A_216 : i32 to index
          %get3A_218 = arith.index_cast %mul3A_215 : i32 to index
          %get3A_219 = tpu.vector_load %arg5[%get3A_217, %get3A_218] {strides = array<i32>} : memref<16x1032xf32, #tpu.memory_space<vmem>>, vector<16xf32>,
          %add3A_220 = arith.constant 9 : i32
          %add3A_221 = arith.addi %mul3A_124, %add3A_220 : i32
          %add3A_222 = vector.broadcast %add3A_221 : i32 to vector<16xi32>
          %add3A_223 = arith.addi %mul3A_94, %add3A_222 : vector<16xi32>
          tpu.vector_store_idx %arg7[%add3A_223], %get3A_219 : memref<16384xf32, #tpu.memory_space<vmem>>[vector<16xi32>], vector<16xf32>,
          %mul3A_224 = arith.constant 16 : i32
          %mul3A_225 = arith.muli %scan3A_121, %mul3A_224 : i32
          %get3A_226 = arith.constant 10 : i32
          %get3A_227 = arith.index_cast %get3A_226 : i32 to index
          %get3A_228 = arith.index_cast %mul3A_225 : i32 to index
          %get3A_229 = tpu.vector_load %arg5[%get3A_227, %get3A_228] {strides = array<i32>} : memref<16x1032xf32, #tpu.memory_space<vmem>>, vector<16xf32>,
          %add3A_230 = arith.constant 10 : i32
          %add3A_231 = arith.addi %mul3A_124, %add3A_230 : i32
          %add3A_232 = vector.broadcast %add3A_231 : i32 to vector<16xi32>
          %add3A_233 = arith.addi %mul3A_94, %add3A_232 : vector<16xi32>
          tpu.vector_store_idx %arg7[%add3A_233], %get3A_229 : memref<16384xf32, #tpu.memory_space<vmem>>[vector<16xi32>], vector<16xf32>,
          %mul3A_234 = arith.constant 16 : i32
          %mul3A_235 = arith.muli %scan3A_121, %mul3A_234 : i32
          %get3A_236 = arith.constant 11 : i32
          %get3A_237 = arith.index_cast %get3A_236 : i32 to index
          %get3A_238 = arith.index_cast %mul3A_235 : i32 to index
          %get3A_239 = tpu.vector_load %arg5[%get3A_237, %get3A_238] {strides = array<i32>} : memref<16x1032xf32, #tpu.memory_space<vmem>>, vector<16xf32>,
          %add3A_240 = arith.constant 11 : i32
          %add3A_241 = arith.addi %mul3A_124, %add3A_240 : i32
          %add3A_242 = vector.broadcast %add3A_241 : i32 to vector<16xi32>
          %add3A_243 = arith.addi %mul3A_94, %add3A_242 : vector<16xi32>
          tpu.vector_store_idx %arg7[%add3A_243], %get3A_239 : memref<16384xf32, #tpu.memory_space<vmem>>[vector<16xi32>], vector<16xf32>,
          %mul3A_244 = arith.constant 16 : i32
          %mul3A_245 = arith.muli %scan3A_121, %mul3A_244 : i32
          %get3A_246 = arith.constant 12 : i32
          %get3A_247 = arith.index_cast %get3A_246 : i32 to index
          %get3A_248 = arith.index_cast %mul3A_245 : i32 to index
          %get3A_249 = tpu.vector_load %arg5[%get3A_247, %get3A_248] {strides = array<i32>} : memref<16x1032xf32, #tpu.memory_space<vmem>>, vector<16xf32>,
          %add3A_250 = arith.constant 12 : i32
          %add3A_251 = arith.addi %mul3A_124, %add3A_250 : i32
          %add3A_252 = vector.broadcast %add3A_251 : i32 to vector<16xi32>
          %add3A_253 = arith.addi %mul3A_94, %add3A_252 : vector<16xi32>
          tpu.vector_store_idx %arg7[%add3A_253], %get3A_249 : memref<16384xf32, #tpu.memory_space<vmem>>[vector<16xi32>], vector<16xf32>,
          %mul3A_254 = arith.constant 16 : i32
          %mul3A_255 = arith.muli %scan3A_121, %mul3A_254 : i32
          %get3A_256 = arith.constant 13 : i32
          %get3A_257 = arith.index_cast %get3A_256 : i32 to index
          %get3A_258 = arith.index_cast %mul3A_255 : i32 to index
          %get3A_259 = tpu.vector_load %arg5[%get3A_257, %get3A_258] {strides = array<i32>} : memref<16x1032xf32, #tpu.memory_space<vmem>>, vector<16xf32>,
          %add3A_260 = arith.constant 13 : i32
          %add3A_261 = arith.addi %mul3A_124, %add3A_260 : i32
          %add3A_262 = vector.broadcast %add3A_261 : i32 to vector<16xi32>
          %add3A_263 = arith.addi %mul3A_94, %add3A_262 : vector<16xi32>
          tpu.vector_store_idx %arg7[%add3A_263], %get3A_259 : memref<16384xf32, #tpu.memory_space<vmem>>[vector<16xi32>], vector<16xf32>,
          %mul3A_264 = arith.constant 16 : i32
          %mul3A_265 = arith.muli %scan3A_121, %mul3A_264 : i32
          %get3A_266 = arith.constant 14 : i32
          %get3A_267 = arith.index_cast %get3A_266 : i32 to index
          %get3A_268 = arith.index_cast %mul3A_265 : i32 to index
          %get3A_269 = tpu.vector_load %arg5[%get3A_267, %get3A_268] {strides = array<i32>} : memref<16x1032xf32, #tpu.memory_space<vmem>>, vector<16xf32>,
          %add3A_270 = arith.constant 14 : i32
          %add3A_271 = arith.addi %mul3A_124, %add3A_270 : i32
          %add3A_272 = vector.broadcast %add3A_271 : i32 to vector<16xi32>
          %add3A_273 = arith.addi %mul3A_94, %add3A_272 : vector<16xi32>
          tpu.vector_store_idx %arg7[%add3A_273], %get3A_269 : memref<16384xf32, #tpu.memory_space<vmem>>[vector<16xi32>], vector<16xf32>,
          %mul3A_274 = arith.constant 16 : i32
          %mul3A_275 = arith.muli %scan3A_121, %mul3A_274 : i32
          %get3A_276 = arith.constant 15 : i32
          %get3A_277 = arith.index_cast %get3A_276 : i32 to index
          %get3A_278 = arith.index_cast %mul3A_275 : i32 to index
          %get3A_279 = tpu.vector_load %arg5[%get3A_277, %get3A_278] {strides = array<i32>} : memref<16x1032xf32, #tpu.memory_space<vmem>>, vector<16xf32>,
          %add3A_280 = arith.constant 15 : i32
          %add3A_281 = arith.addi %mul3A_124, %add3A_280 : i32
          %add3A_282 = vector.broadcast %add3A_281 : i32 to vector<16xi32>
          %add3A_283 = arith.addi %mul3A_94, %add3A_282 : vector<16xi32>
          tpu.vector_store_idx %arg7[%add3A_283], %get3A_279 : memref<16384xf32, #tpu.memory_space<vmem>>[vector<16xi32>], vector<16xf32>,
          %scan3A_284 = arith.constant 0 : i32
          %scan3A_285 = arith.constant 1 : i32
          %scan3A_286 = arith.addi %scan3A_121, %scan3A_285 : i32
          %mul3A_287 = arith.constant 256 : i32
          %mul3A_288 = arith.muli %scan3A_286, %mul3A_287 : i32
          %mul3A_289 = arith.constant 16 : i32
          %mul3A_290 = arith.muli %scan3A_286, %mul3A_289 : i32
          %get3A_291 = arith.constant 0 : i32
          %get3A_292 = arith.index_cast %get3A_291 : i32 to index
          %get3A_293 = arith.index_cast %mul3A_290 : i32 to index
          %get3A_294 = tpu.vector_load %arg5[%get3A_292, %get3A_293] {strides = array<i32>} : memref<16x1032xf32, #tpu.memory_space<vmem>>, vector<16xf32>,
          %add3A_295 = arith.constant 0 : i32
          %add3A_296 = arith.addi %mul3A_288, %add3A_295 : i32
          %add3A_297 = vector.broadcast %add3A_296 : i32 to vector<16xi32>
          %add3A_298 = arith.addi %mul3A_94, %add3A_297 : vector<16xi32>
          tpu.vector_store_idx %arg7[%add3A_298], %get3A_294 : memref<16384xf32, #tpu.memory_space<vmem>>[vector<16xi32>], vector<16xf32>,
          %mul3A_299 = arith.constant 16 : i32
          %mul3A_300 = arith.muli %scan3A_286, %mul3A_299 : i32
          %get3A_301 = arith.constant 1 : i32
          %get3A_302 = arith.index_cast %get3A_301 : i32 to index
          %get3A_303 = arith.index_cast %mul3A_300 : i32 to index
          %get3A_304 = tpu.vector_load %arg5[%get3A_302, %get3A_303] {strides = array<i32>} : memref<16x1032xf32, #tpu.memory_space<vmem>>, vector<16xf32>,
          %add3A_305 = arith.constant 1 : i32
          %add3A_306 = arith.addi %mul3A_288, %add3A_305 : i32
          %add3A_307 = vector.broadcast %add3A_306 : i32 to vector<16xi32>
          %add3A_308 = arith.addi %mul3A_94, %add3A_307 : vector<16xi32>
          tpu.vector_store_idx %arg7[%add3A_308], %get3A_304 : memref<16384xf32, #tpu.memory_space<vmem>>[vector<16xi32>], vector<16xf32>,
          %mul3A_309 = arith.constant 16 : i32
          %mul3A_310 = arith.muli %scan3A_286, %mul3A_309 : i32
          %get3A_311 = arith.constant 2 : i32
          %get3A_312 = arith.index_cast %get3A_311 : i32 to index
          %get3A_313 = arith.index_cast %mul3A_310 : i32 to index
          %get3A_314 = tpu.vector_load %arg5[%get3A_312, %get3A_313] {strides = array<i32>} : memref<16x1032xf32, #tpu.memory_space<vmem>>, vector<16xf32>,
          %add3A_315 = arith.constant 2 : i32
          %add3A_316 = arith.addi %mul3A_288, %add3A_315 : i32
          %add3A_317 = vector.broadcast %add3A_316 : i32 to vector<16xi32>
          %add3A_318 = arith.addi %mul3A_94, %add3A_317 : vector<16xi32>
          tpu.vector_store_idx %arg7[%add3A_318], %get3A_314 : memref<16384xf32, #tpu.memory_space<vmem>>[vector<16xi32>], vector<16xf32>,
          %mul3A_319 = arith.constant 16 : i32
          %mul3A_320 = arith.muli %scan3A_286, %mul3A_319 : i32
          %get3A_321 = arith.constant 3 : i32
          %get3A_322 = arith.index_cast %get3A_321 : i32 to index
          %get3A_323 = arith.index_cast %mul3A_320 : i32 to index
          %get3A_324 = tpu.vector_load %arg5[%get3A_322, %get3A_323] {strides = array<i32>} : memref<16x1032xf32, #tpu.memory_space<vmem>>, vector<16xf32>,
          %add3A_325 = arith.constant 3 : i32
          %add3A_326 = arith.addi %mul3A_288, %add3A_325 : i32
          %add3A_327 = vector.broadcast %add3A_326 : i32 to vector<16xi32>
          %add3A_328 = arith.addi %mul3A_94, %add3A_327 : vector<16xi32>
          tpu.vector_store_idx %arg7[%add3A_328], %get3A_324 : memref<16384xf32, #tpu.memory_space<vmem>>[vector<16xi32>], vector<16xf32>,
          %mul3A_329 = arith.constant 16 : i32
          %mul3A_330 = arith.muli %scan3A_286, %mul3A_329 : i32
          %get3A_331 = arith.constant 4 : i32
          %get3A_332 = arith.index_cast %get3A_331 : i32 to index
          %get3A_333 = arith.index_cast %mul3A_330 : i32 to index
          %get3A_334 = tpu.vector_load %arg5[%get3A_332, %get3A_333] {strides = array<i32>} : memref<16x1032xf32, #tpu.memory_space<vmem>>, vector<16xf32>,
          %add3A_335 = arith.constant 4 : i32
          %add3A_336 = arith.addi %mul3A_288, %add3A_335 : i32
          %add3A_337 = vector.broadcast %add3A_336 : i32 to vector<16xi32>
          %add3A_338 = arith.addi %mul3A_94, %add3A_337 : vector<16xi32>
          tpu.vector_store_idx %arg7[%add3A_338], %get3A_334 : memref<16384xf32, #tpu.memory_space<vmem>>[vector<16xi32>], vector<16xf32>,
          %mul3A_339 = arith.constant 16 : i32
          %mul3A_340 = arith.muli %scan3A_286, %mul3A_339 : i32
          %get3A_341 = arith.constant 5 : i32
          %get3A_342 = arith.index_cast %get3A_341 : i32 to index
          %get3A_343 = arith.index_cast %mul3A_340 : i32 to index
          %get3A_344 = tpu.vector_load %arg5[%get3A_342, %get3A_343] {strides = array<i32>} : memref<16x1032xf32, #tpu.memory_space<vmem>>, vector<16xf32>,
          %add3A_345 = arith.constant 5 : i32
          %add3A_346 = arith.addi %mul3A_288, %add3A_345 : i32
          %add3A_347 = vector.broadcast %add3A_346 : i32 to vector<16xi32>
          %add3A_348 = arith.addi %mul3A_94, %add3A_347 : vector<16xi32>
          tpu.vector_store_idx %arg7[%add3A_348], %get3A_344 : memref<16384xf32, #tpu.memory_space<vmem>>[vector<16xi32>], vector<16xf32>,
          %mul3A_349 = arith.constant 16 : i32
          %mul3A_350 = arith.muli %scan3A_286, %mul3A_349 : i32
          %get3A_351 = arith.constant 6 : i32
          %get3A_352 = arith.index_cast %get3A_351 : i32 to index
          %get3A_353 = arith.index_cast %mul3A_350 : i32 to index
          %get3A_354 = tpu.vector_load %arg5[%get3A_352, %get3A_353] {strides = array<i32>} : memref<16x1032xf32, #tpu.memory_space<vmem>>, vector<16xf32>,
          %add3A_355 = arith.constant 6 : i32
          %add3A_356 = arith.addi %mul3A_288, %add3A_355 : i32
          %add3A_357 = vector.broadcast %add3A_356 : i32 to vector<16xi32>
          %add3A_358 = arith.addi %mul3A_94, %add3A_357 : vector<16xi32>
          tpu.vector_store_idx %arg7[%add3A_358], %get3A_354 : memref<16384xf32, #tpu.memory_space<vmem>>[vector<16xi32>], vector<16xf32>,
          %mul3A_359 = arith.constant 16 : i32
          %mul3A_360 = arith.muli %scan3A_286, %mul3A_359 : i32
          %get3A_361 = arith.constant 7 : i32
          %get3A_362 = arith.index_cast %get3A_361 : i32 to index
          %get3A_363 = arith.index_cast %mul3A_360 : i32 to index
          %get3A_364 = tpu.vector_load %arg5[%get3A_362, %get3A_363] {strides = array<i32>} : memref<16x1032xf32, #tpu.memory_space<vmem>>, vector<16xf32>,
          %add3A_365 = arith.constant 7 : i32
          %add3A_366 = arith.addi %mul3A_288, %add3A_365 : i32
          %add3A_367 = vector.broadcast %add3A_366 : i32 to vector<16xi32>
          %add3A_368 = arith.addi %mul3A_94, %add3A_367 : vector<16xi32>
          tpu.vector_store_idx %arg7[%add3A_368], %get3A_364 : memref<16384xf32, #tpu.memory_space<vmem>>[vector<16xi32>], vector<16xf32>,
          %mul3A_369 = arith.constant 16 : i32
          %mul3A_370 = arith.muli %scan3A_286, %mul3A_369 : i32
          %get3A_371 = arith.constant 8 : i32
          %get3A_372 = arith.index_cast %get3A_371 : i32 to index
          %get3A_373 = arith.index_cast %mul3A_370 : i32 to index
          %get3A_374 = tpu.vector_load %arg5[%get3A_372, %get3A_373] {strides = array<i32>} : memref<16x1032xf32, #tpu.memory_space<vmem>>, vector<16xf32>,
          %add3A_375 = arith.constant 8 : i32
          %add3A_376 = arith.addi %mul3A_288, %add3A_375 : i32
          %add3A_377 = vector.broadcast %add3A_376 : i32 to vector<16xi32>
          %add3A_378 = arith.addi %mul3A_94, %add3A_377 : vector<16xi32>
          tpu.vector_store_idx %arg7[%add3A_378], %get3A_374 : memref<16384xf32, #tpu.memory_space<vmem>>[vector<16xi32>], vector<16xf32>,
          %mul3A_379 = arith.constant 16 : i32
          %mul3A_380 = arith.muli %scan3A_286, %mul3A_379 : i32
          %get3A_381 = arith.constant 9 : i32
          %get3A_382 = arith.index_cast %get3A_381 : i32 to index
          %get3A_383 = arith.index_cast %mul3A_380 : i32 to index
          %get3A_384 = tpu.vector_load %arg5[%get3A_382, %get3A_383] {strides = array<i32>} : memref<16x1032xf32, #tpu.memory_space<vmem>>, vector<16xf32>,
          %add3A_385 = arith.constant 9 : i32
          %add3A_386 = arith.addi %mul3A_288, %add3A_385 : i32
          %add3A_387 = vector.broadcast %add3A_386 : i32 to vector<16xi32>
          %add3A_388 = arith.addi %mul3A_94, %add3A_387 : vector<16xi32>
          tpu.vector_store_idx %arg7[%add3A_388], %get3A_384 : memref<16384xf32, #tpu.memory_space<vmem>>[vector<16xi32>], vector<16xf32>,
          %mul3A_389 = arith.constant 16 : i32
          %mul3A_390 = arith.muli %scan3A_286, %mul3A_389 : i32
          %get3A_391 = arith.constant 10 : i32
          %get3A_392 = arith.index_cast %get3A_391 : i32 to index
          %get3A_393 = arith.index_cast %mul3A_390 : i32 to index
          %get3A_394 = tpu.vector_load %arg5[%get3A_392, %get3A_393] {strides = array<i32>} : memref<16x1032xf32, #tpu.memory_space<vmem>>, vector<16xf32>,
          %add3A_395 = arith.constant 10 : i32
          %add3A_396 = arith.addi %mul3A_288, %add3A_395 : i32
          %add3A_397 = vector.broadcast %add3A_396 : i32 to vector<16xi32>
          %add3A_398 = arith.addi %mul3A_94, %add3A_397 : vector<16xi32>
          tpu.vector_store_idx %arg7[%add3A_398], %get3A_394 : memref<16384xf32, #tpu.memory_space<vmem>>[vector<16xi32>], vector<16xf32>,
          %mul3A_399 = arith.constant 16 : i32
          %mul3A_400 = arith.muli %scan3A_286, %mul3A_399 : i32
          %get3A_401 = arith.constant 11 : i32
          %get3A_402 = arith.index_cast %get3A_401 : i32 to index
          %get3A_403 = arith.index_cast %mul3A_400 : i32 to index
          %get3A_404 = tpu.vector_load %arg5[%get3A_402, %get3A_403] {strides = array<i32>} : memref<16x1032xf32, #tpu.memory_space<vmem>>, vector<16xf32>,
          %add3A_405 = arith.constant 11 : i32
          %add3A_406 = arith.addi %mul3A_288, %add3A_405 : i32
          %add3A_407 = vector.broadcast %add3A_406 : i32 to vector<16xi32>
          %add3A_408 = arith.addi %mul3A_94, %add3A_407 : vector<16xi32>
          tpu.vector_store_idx %arg7[%add3A_408], %get3A_404 : memref<16384xf32, #tpu.memory_space<vmem>>[vector<16xi32>], vector<16xf32>,
          %mul3A_409 = arith.constant 16 : i32
          %mul3A_410 = arith.muli %scan3A_286, %mul3A_409 : i32
          %get3A_411 = arith.constant 12 : i32
          %get3A_412 = arith.index_cast %get3A_411 : i32 to index
          %get3A_413 = arith.index_cast %mul3A_410 : i32 to index
          %get3A_414 = tpu.vector_load %arg5[%get3A_412, %get3A_413] {strides = array<i32>} : memref<16x1032xf32, #tpu.memory_space<vmem>>, vector<16xf32>,
          %add3A_415 = arith.constant 12 : i32
          %add3A_416 = arith.addi %mul3A_288, %add3A_415 : i32
          %add3A_417 = vector.broadcast %add3A_416 : i32 to vector<16xi32>
          %add3A_418 = arith.addi %mul3A_94, %add3A_417 : vector<16xi32>
          tpu.vector_store_idx %arg7[%add3A_418], %get3A_414 : memref<16384xf32, #tpu.memory_space<vmem>>[vector<16xi32>], vector<16xf32>,
          %mul3A_419 = arith.constant 16 : i32
          %mul3A_420 = arith.muli %scan3A_286, %mul3A_419 : i32
          %get3A_421 = arith.constant 13 : i32
          %get3A_422 = arith.index_cast %get3A_421 : i32 to index
          %get3A_423 = arith.index_cast %mul3A_420 : i32 to index
          %get3A_424 = tpu.vector_load %arg5[%get3A_422, %get3A_423] {strides = array<i32>} : memref<16x1032xf32, #tpu.memory_space<vmem>>, vector<16xf32>,
          %add3A_425 = arith.constant 13 : i32
          %add3A_426 = arith.addi %mul3A_288, %add3A_425 : i32
          %add3A_427 = vector.broadcast %add3A_426 : i32 to vector<16xi32>
          %add3A_428 = arith.addi %mul3A_94, %add3A_427 : vector<16xi32>
          tpu.vector_store_idx %arg7[%add3A_428], %get3A_424 : memref<16384xf32, #tpu.memory_space<vmem>>[vector<16xi32>], vector<16xf32>,
          %mul3A_429 = arith.constant 16 : i32
          %mul3A_430 = arith.muli %scan3A_286, %mul3A_429 : i32
          %get3A_431 = arith.constant 14 : i32
          %get3A_432 = arith.index_cast %get3A_431 : i32 to index
          %get3A_433 = arith.index_cast %mul3A_430 : i32 to index
          %get3A_434 = tpu.vector_load %arg5[%get3A_432, %get3A_433] {strides = array<i32>} : memref<16x1032xf32, #tpu.memory_space<vmem>>, vector<16xf32>,
          %add3A_435 = arith.constant 14 : i32
          %add3A_436 = arith.addi %mul3A_288, %add3A_435 : i32
          %add3A_437 = vector.broadcast %add3A_436 : i32 to vector<16xi32>
          %add3A_438 = arith.addi %mul3A_94, %add3A_437 : vector<16xi32>
          tpu.vector_store_idx %arg7[%add3A_438], %get3A_434 : memref<16384xf32, #tpu.memory_space<vmem>>[vector<16xi32>], vector<16xf32>,
          %mul3A_439 = arith.constant 16 : i32
          %mul3A_440 = arith.muli %scan3A_286, %mul3A_439 : i32
          %get3A_441 = arith.constant 15 : i32
          %get3A_442 = arith.index_cast %get3A_441 : i32 to index
          %get3A_443 = arith.index_cast %mul3A_440 : i32 to index
          %get3A_444 = tpu.vector_load %arg5[%get3A_442, %get3A_443] {strides = array<i32>} : memref<16x1032xf32, #tpu.memory_space<vmem>>, vector<16xf32>,
          %add3A_445 = arith.constant 15 : i32
          %add3A_446 = arith.addi %mul3A_288, %add3A_445 : i32
          %add3A_447 = vector.broadcast %add3A_446 : i32 to vector<16xi32>
          %add3A_448 = arith.addi %mul3A_94, %add3A_447 : vector<16xi32>
          tpu.vector_store_idx %arg7[%add3A_448], %get3A_444 : memref<16384xf32, #tpu.memory_space<vmem>>[vector<16xi32>], vector<16xf32>,
          %scan3A_449 = arith.constant 0 : i32
          scf.yield %scan3A_449 : i32
        }
        %scan3A_101 = arith.constant 64 : i32
        %mul3A_102 = arith.constant 32 : i32
        %mul3A_103 = arith.muli %mul3A_45, %mul3A_102 : i32
        %add3A_104 = arith.addi %add3A, %mul3A_103 : i32
        %mul3A_105 = arith.constant 1024 : i32
        %mul3A_106 = arith.muli %add3A_104, %mul3A_105 : i32
        %mul3A_107 = arith.constant 16 : i32
        %mul3A_108 = arith.muli %mul3A_106, %mul3A_107 : i32
        %dma_start3A_109 = arith.constant 0 : i32
        %dma_start3A_110 = tpu.memref_slice %arg7[%dma_start3A_109] : memref<16384xf32, #tpu.memory_space<vmem>> -> memref<16384xf32, #tpu.memory_space<vmem>>
        %dma_start3A_111 = tpu.memref_slice %arg4[%mul3A_108] : memref<16000000xf32, #tpu.memory_space<hbm>> -> memref<16384xf32, #tpu.memory_space<hbm>>
        %dma_start3A_112 = tpu.memref_slice %arg4[%mul3A_108] : memref<16000000xf32, #tpu.memory_space<hbm>> -> memref<16384xf32, #tpu.memory_space<hbm>>
        %dma_start3A_113 = arith.constant 0 : i32
        %dma_start3A_114 = tpu.memref_slice %arg7[%dma_start3A_113] : memref<16384xf32, #tpu.memory_space<vmem>> -> memref<16384xf32, #tpu.memory_space<vmem>>
        tpu.enqueue_dma source(%dma_start3A_114 : memref<16384xf32, #tpu.memory_space<vmem>>) target(%dma_start3A_112 : memref<16384xf32, #tpu.memory_space<hbm>>) target_semaphore(%arg11 : memref<!tpu.dma_semaphore, #tpu.memory_space<semaphore_mem>>)
        %dma_wait3A_115 = arith.constant 0 : i32
        %dma_wait3A_116 = tpu.memref_slice %arg7[%dma_wait3A_115] : memref<16384xf32, #tpu.memory_space<vmem>> -> memref<16384xf32, #tpu.memory_space<vmem>>
        %dma_wait3A_117 = tpu.memref_slice %arg4[%mul3A_108] : memref<16000000xf32, #tpu.memory_space<hbm>> -> memref<16384xf32, #tpu.memory_space<hbm>>
        %dma_wait3A_118 = tpu.memref_slice %arg4[%mul3A_108] : memref<16000000xf32, #tpu.memory_space<hbm>> -> memref<16384xf32, #tpu.memory_space<hbm>>
        %dma_wait3A_119 = arith.constant 0 : i32
        %dma_wait3A_120 = tpu.memref_slice %arg7[%dma_wait3A_119] : memref<16384xf32, #tpu.memory_space<vmem>> -> memref<16384xf32, #tpu.memory_space<vmem>>
        tpu.wait_dma2 semaphore(%arg11 : memref<!tpu.dma_semaphore, #tpu.memory_space<semaphore_mem>>) src(%dma_wait3A_120 : memref<16384xf32, #tpu.memory_space<vmem>>) dst(%dma_wait3A_118 : memref<16384xf32, #tpu.memory_space<hbm>>)
      } else {
      }
      %add3A_56 = arith.constant 1 : i32
      %add3A_57 = arith.addi %mul3A_45, %add3A_56 : i32
      %add3A_58 = arith.constant 1 : i32
      %add3A_59 = arith.addi %add3A_57, %add3A_58 : i32
      %lt3A_60 = arith.cmpi slt, %add3A_59, %select_n3A : i32
      %convert_element_type3A_61 = arith.extui %lt3A_60 : i1 to i32
      %cond3A_62 = arith.constant 0 : i32
      %cond3A_63 = arith.cmpi ne, %convert_element_type3A_61, %cond3A_62 : i32
      scf.if %cond3A_63 {
        %add3A_69 = arith.constant 1 : i32
        %add3A_70 = arith.addi %add3A_57, %add3A_69 : i32
        %mul3A_71 = arith.constant 32 : i32
        %mul3A_72 = arith.muli %add3A_70, %mul3A_71 : i32
        %add3A_73 = arith.addi %add3A, %mul3A_72 : i32
        %mul3A_74 = arith.constant 1024 : i32
        %mul3A_75 = arith.muli %add3A_73, %mul3A_74 : i32
        %dma_start3A_76 = arith.constant 0 : i32
        %dma_start3A_77 = arith.constant 0 : i32
        %dma_start3A_78 = tpu.memref_slice %arg5[%dma_start3A_76, %dma_start3A_77] : memref<16x1032xf32, #tpu.memory_space<vmem>> -> memref<8x1024xf32, #tpu.memory_space<vmem>>
        %dma_start3A_79 = arith.constant 0 : i32
        %dma_start3A_80 = tpu.memref_slice %arg2[%dma_start3A_79, %mul3A_75] : memref<16x1000000xf32, #tpu.memory_space<hbm>> -> memref<8x1024xf32, #tpu.memory_space<hbm>>
        %dma_start3A_81 = arith.constant 0 : i32
        %dma_start3A_82 = arith.constant 0 : i32
        %dma_start3A_83 = tpu.memref_slice %arg5[%dma_start3A_81, %dma_start3A_82] : memref<16x1032xf32, #tpu.memory_space<vmem>> -> memref<8x1024xf32, #tpu.memory_space<vmem>>
        %dma_start3A_84 = arith.constant 0 : i32
        %dma_start3A_85 = tpu.memref_slice %arg2[%dma_start3A_84, %mul3A_75] : memref<16x1000000xf32, #tpu.memory_space<hbm>> -> memref<8x1024xf32, #tpu.memory_space<hbm>>
        tpu.enqueue_dma source(%dma_start3A_85 : memref<8x1024xf32, #tpu.memory_space<hbm>>) target(%dma_start3A_83 : memref<8x1024xf32, #tpu.memory_space<vmem>>) target_semaphore(%arg9 : memref<!tpu.dma_semaphore, #tpu.memory_space<semaphore_mem>>)
        %dma_start3A_86 = arith.constant 8 : i32
        %dma_start3A_87 = arith.constant 0 : i32
        %dma_start3A_88 = tpu.memref_slice %arg5[%dma_start3A_86, %dma_start3A_87] : memref<16x1032xf32, #tpu.memory_space<vmem>> -> memref<8x1024xf32, #tpu.memory_space<vmem>>
        %dma_start3A_89 = arith.constant 8 : i32
        %dma_start3A_90 = tpu.memref_slice %arg2[%dma_start3A_89, %mul3A_75] : memref<16x1000000xf32, #tpu.memory_space<hbm>> -> memref<8x1024xf32, #tpu.memory_space<hbm>>
        %dma_start3A_91 = arith.constant 8 : i32
        %dma_start3A_92 = arith.constant 0 : i32
        %dma_start3A_93 = tpu.memref_slice %arg5[%dma_start3A_91, %dma_start3A_92] : memref<16x1032xf32, #tpu.memory_space<vmem>> -> memref<8x1024xf32, #tpu.memory_space<vmem>>
        %dma_start3A_94 = arith.constant 8 : i32
        %dma_start3A_95 = tpu.memref_slice %arg2[%dma_start3A_94, %mul3A_75] : memref<16x1000000xf32, #tpu.memory_space<hbm>> -> memref<8x1024xf32, #tpu.memory_space<hbm>>
        tpu.enqueue_dma source(%dma_start3A_95 : memref<8x1024xf32, #tpu.memory_space<hbm>>) target(%dma_start3A_93 : memref<8x1024xf32, #tpu.memory_space<vmem>>) target_semaphore(%arg9 : memref<!tpu.dma_semaphore, #tpu.memory_space<semaphore_mem>>)
      } else {
      }
      %lt3A_64 = arith.cmpi slt, %add3A_57, %select_n3A : i32
      %convert_element_type3A_65 = arith.extui %lt3A_64 : i1 to i32
      %cond3A_66 = arith.constant 0 : i32
      %cond3A_67 = arith.cmpi ne, %convert_element_type3A_65, %cond3A_66 : i32
      scf.if %cond3A_67 {
        %dma_wait3A = arith.constant 0 : i32
        %dma_wait3A_69 = arith.constant 0 : i32
        %dma_wait3A_70 = tpu.memref_slice %arg6[%dma_wait3A, %dma_wait3A_69] : memref<16x1032xf32, #tpu.memory_space<vmem>> -> memref<8x1024xf32, #tpu.memory_space<vmem>>
        %dma_wait3A_71 = arith.constant 0 : i32
        %dma_wait3A_72 = arith.constant 0 : i32
        %dma_wait3A_73 = tpu.memref_slice %arg2[%dma_wait3A_71, %dma_wait3A_72] : memref<16x1000000xf32, #tpu.memory_space<hbm>> -> memref<8x1024xf32, #tpu.memory_space<hbm>>
        %dma_wait3A_74 = arith.constant 0 : i32
        %dma_wait3A_75 = arith.constant 0 : i32
        %dma_wait3A_76 = tpu.memref_slice %arg6[%dma_wait3A_74, %dma_wait3A_75] : memref<16x1032xf32, #tpu.memory_space<vmem>> -> memref<8x1024xf32, #tpu.memory_space<vmem>>
        %dma_wait3A_77 = arith.constant 0 : i32
        %dma_wait3A_78 = arith.constant 0 : i32
        %dma_wait3A_79 = tpu.memref_slice %arg2[%dma_wait3A_77, %dma_wait3A_78] : memref<16x1000000xf32, #tpu.memory_space<hbm>> -> memref<8x1024xf32, #tpu.memory_space<hbm>>
        tpu.wait_dma2 semaphore(%arg10 : memref<!tpu.dma_semaphore, #tpu.memory_space<semaphore_mem>>) src(%dma_wait3A_79 : memref<8x1024xf32, #tpu.memory_space<hbm>>) dst(%dma_wait3A_76 : memref<8x1024xf32, #tpu.memory_space<vmem>>)
        %dma_wait3A_80 = arith.constant 8 : i32
        %dma_wait3A_81 = arith.constant 0 : i32
        %dma_wait3A_82 = tpu.memref_slice %arg6[%dma_wait3A_80, %dma_wait3A_81] : memref<16x1032xf32, #tpu.memory_space<vmem>> -> memref<8x1024xf32, #tpu.memory_space<vmem>>
        %dma_wait3A_83 = arith.constant 8 : i32
        %dma_wait3A_84 = arith.constant 0 : i32
        %dma_wait3A_85 = tpu.memref_slice %arg2[%dma_wait3A_83, %dma_wait3A_84] : memref<16x1000000xf32, #tpu.memory_space<hbm>> -> memref<8x1024xf32, #tpu.memory_space<hbm>>
        %dma_wait3A_86 = arith.constant 8 : i32
        %dma_wait3A_87 = arith.constant 0 : i32
        %dma_wait3A_88 = tpu.memref_slice %arg6[%dma_wait3A_86, %dma_wait3A_87] : memref<16x1032xf32, #tpu.memory_space<vmem>> -> memref<8x1024xf32, #tpu.memory_space<vmem>>
        %dma_wait3A_89 = arith.constant 8 : i32
        %dma_wait3A_90 = arith.constant 0 : i32
        %dma_wait3A_91 = tpu.memref_slice %arg2[%dma_wait3A_89, %dma_wait3A_90] : memref<16x1000000xf32, #tpu.memory_space<hbm>> -> memref<8x1024xf32, #tpu.memory_space<hbm>>
        tpu.wait_dma2 semaphore(%arg10 : memref<!tpu.dma_semaphore, #tpu.memory_space<semaphore_mem>>) src(%dma_wait3A_91 : memref<8x1024xf32, #tpu.memory_space<hbm>>) dst(%dma_wait3A_88 : memref<8x1024xf32, #tpu.memory_space<vmem>>)
        %mul3A_92 = arith.constant 16 : i32
        %mul3A_93 = vector.broadcast %mul3A_92 : i32 to vector<16xi32>
        %mul3A_94 = arith.muli %iota3A, %mul3A_93 : vector<16xi32>
        %scan3A_95 = arith.constant 0 : i32
        %scan3A_96 = arith.constant 0 : i32
        %scan3A_97 = arith.constant 64 : i32
        %scan3A_98 = arith.addi %scan3A_96, %scan3A_97 : i32
        %scan3A_99 = arith.constant 2 : i32
        %scan3A_100 = scf.for %scan3A_121 = %scan3A_96 to %scan3A_98 step %scan3A_99 iter_args(%scan3A_122 = %scan3A_95) -> (i32)  : i32 {
          %mul3A_123 = arith.constant 256 : i32
          %mul3A_124 = arith.muli %scan3A_121, %mul3A_123 : i32
          %mul3A_125 = arith.constant 16 : i32
          %mul3A_126 = arith.muli %scan3A_121, %mul3A_125 : i32
          %get3A = arith.constant 0 : i32
          %get3A_127 = arith.index_cast %get3A : i32 to index
          %get3A_128 = arith.index_cast %mul3A_126 : i32 to index
          %get3A_129 = tpu.vector_load %arg6[%get3A_127, %get3A_128] {strides = array<i32>} : memref<16x1032xf32, #tpu.memory_space<vmem>>, vector<16xf32>,
          %add3A_130 = arith.constant 0 : i32
          %add3A_131 = arith.addi %mul3A_124, %add3A_130 : i32
          %add3A_132 = vector.broadcast %add3A_131 : i32 to vector<16xi32>
          %add3A_133 = arith.addi %mul3A_94, %add3A_132 : vector<16xi32>
          tpu.vector_store_idx %arg8[%add3A_133], %get3A_129 : memref<16384xf32, #tpu.memory_space<vmem>>[vector<16xi32>], vector<16xf32>,
          %mul3A_134 = arith.constant 16 : i32
          %mul3A_135 = arith.muli %scan3A_121, %mul3A_134 : i32
          %get3A_136 = arith.constant 1 : i32
          %get3A_137 = arith.index_cast %get3A_136 : i32 to index
          %get3A_138 = arith.index_cast %mul3A_135 : i32 to index
          %get3A_139 = tpu.vector_load %arg6[%get3A_137, %get3A_138] {strides = array<i32>} : memref<16x1032xf32, #tpu.memory_space<vmem>>, vector<16xf32>,
          %add3A_140 = arith.constant 1 : i32
          %add3A_141 = arith.addi %mul3A_124, %add3A_140 : i32
          %add3A_142 = vector.broadcast %add3A_141 : i32 to vector<16xi32>
          %add3A_143 = arith.addi %mul3A_94, %add3A_142 : vector<16xi32>
          tpu.vector_store_idx %arg8[%add3A_143], %get3A_139 : memref<16384xf32, #tpu.memory_space<vmem>>[vector<16xi32>], vector<16xf32>,
          %mul3A_144 = arith.constant 16 : i32
          %mul3A_145 = arith.muli %scan3A_121, %mul3A_144 : i32
          %get3A_146 = arith.constant 2 : i32
          %get3A_147 = arith.index_cast %get3A_146 : i32 to index
          %get3A_148 = arith.index_cast %mul3A_145 : i32 to index
          %get3A_149 = tpu.vector_load %arg6[%get3A_147, %get3A_148] {strides = array<i32>} : memref<16x1032xf32, #tpu.memory_space<vmem>>, vector<16xf32>,
          %add3A_150 = arith.constant 2 : i32
          %add3A_151 = arith.addi %mul3A_124, %add3A_150 : i32
          %add3A_152 = vector.broadcast %add3A_151 : i32 to vector<16xi32>
          %add3A_153 = arith.addi %mul3A_94, %add3A_152 : vector<16xi32>
          tpu.vector_store_idx %arg8[%add3A_153], %get3A_149 : memref<16384xf32, #tpu.memory_space<vmem>>[vector<16xi32>], vector<16xf32>,
          %mul3A_154 = arith.constant 16 : i32
          %mul3A_155 = arith.muli %scan3A_121, %mul3A_154 : i32
          %get3A_156 = arith.constant 3 : i32
          %get3A_157 = arith.index_cast %get3A_156 : i32 to index
          %get3A_158 = arith.index_cast %mul3A_155 : i32 to index
          %get3A_159 = tpu.vector_load %arg6[%get3A_157, %get3A_158] {strides = array<i32>} : memref<16x1032xf32, #tpu.memory_space<vmem>>, vector<16xf32>,
          %add3A_160 = arith.constant 3 : i32
          %add3A_161 = arith.addi %mul3A_124, %add3A_160 : i32
          %add3A_162 = vector.broadcast %add3A_161 : i32 to vector<16xi32>
          %add3A_163 = arith.addi %mul3A_94, %add3A_162 : vector<16xi32>
          tpu.vector_store_idx %arg8[%add3A_163], %get3A_159 : memref<16384xf32, #tpu.memory_space<vmem>>[vector<16xi32>], vector<16xf32>,
          %mul3A_164 = arith.constant 16 : i32
          %mul3A_165 = arith.muli %scan3A_121, %mul3A_164 : i32
          %get3A_166 = arith.constant 4 : i32
          %get3A_167 = arith.index_cast %get3A_166 : i32 to index
          %get3A_168 = arith.index_cast %mul3A_165 : i32 to index
          %get3A_169 = tpu.vector_load %arg6[%get3A_167, %get3A_168] {strides = array<i32>} : memref<16x1032xf32, #tpu.memory_space<vmem>>, vector<16xf32>,
          %add3A_170 = arith.constant 4 : i32
          %add3A_171 = arith.addi %mul3A_124, %add3A_170 : i32
          %add3A_172 = vector.broadcast %add3A_171 : i32 to vector<16xi32>
          %add3A_173 = arith.addi %mul3A_94, %add3A_172 : vector<16xi32>
          tpu.vector_store_idx %arg8[%add3A_173], %get3A_169 : memref<16384xf32, #tpu.memory_space<vmem>>[vector<16xi32>], vector<16xf32>,
          %mul3A_174 = arith.constant 16 : i32
          %mul3A_175 = arith.muli %scan3A_121, %mul3A_174 : i32
          %get3A_176 = arith.constant 5 : i32
          %get3A_177 = arith.index_cast %get3A_176 : i32 to index
          %get3A_178 = arith.index_cast %mul3A_175 : i32 to index
          %get3A_179 = tpu.vector_load %arg6[%get3A_177, %get3A_178] {strides = array<i32>} : memref<16x1032xf32, #tpu.memory_space<vmem>>, vector<16xf32>,
          %add3A_180 = arith.constant 5 : i32
          %add3A_181 = arith.addi %mul3A_124, %add3A_180 : i32
          %add3A_182 = vector.broadcast %add3A_181 : i32 to vector<16xi32>
          %add3A_183 = arith.addi %mul3A_94, %add3A_182 : vector<16xi32>
          tpu.vector_store_idx %arg8[%add3A_183], %get3A_179 : memref<16384xf32, #tpu.memory_space<vmem>>[vector<16xi32>], vector<16xf32>,
          %mul3A_184 = arith.constant 16 : i32
          %mul3A_185 = arith.muli %scan3A_121, %mul3A_184 : i32
          %get3A_186 = arith.constant 6 : i32
          %get3A_187 = arith.index_cast %get3A_186 : i32 to index
          %get3A_188 = arith.index_cast %mul3A_185 : i32 to index
          %get3A_189 = tpu.vector_load %arg6[%get3A_187, %get3A_188] {strides = array<i32>} : memref<16x1032xf32, #tpu.memory_space<vmem>>, vector<16xf32>,
          %add3A_190 = arith.constant 6 : i32
          %add3A_191 = arith.addi %mul3A_124, %add3A_190 : i32
          %add3A_192 = vector.broadcast %add3A_191 : i32 to vector<16xi32>
          %add3A_193 = arith.addi %mul3A_94, %add3A_192 : vector<16xi32>
          tpu.vector_store_idx %arg8[%add3A_193], %get3A_189 : memref<16384xf32, #tpu.memory_space<vmem>>[vector<16xi32>], vector<16xf32>,
          %mul3A_194 = arith.constant 16 : i32
          %mul3A_195 = arith.muli %scan3A_121, %mul3A_194 : i32
          %get3A_196 = arith.constant 7 : i32
          %get3A_197 = arith.index_cast %get3A_196 : i32 to index
          %get3A_198 = arith.index_cast %mul3A_195 : i32 to index
          %get3A_199 = tpu.vector_load %arg6[%get3A_197, %get3A_198] {strides = array<i32>} : memref<16x1032xf32, #tpu.memory_space<vmem>>, vector<16xf32>,
          %add3A_200 = arith.constant 7 : i32
          %add3A_201 = arith.addi %mul3A_124, %add3A_200 : i32
          %add3A_202 = vector.broadcast %add3A_201 : i32 to vector<16xi32>
          %add3A_203 = arith.addi %mul3A_94, %add3A_202 : vector<16xi32>
          tpu.vector_store_idx %arg8[%add3A_203], %get3A_199 : memref<16384xf32, #tpu.memory_space<vmem>>[vector<16xi32>], vector<16xf32>,
          %mul3A_204 = arith.constant 16 : i32
          %mul3A_205 = arith.muli %scan3A_121, %mul3A_204 : i32
          %get3A_206 = arith.constant 8 : i32
          %get3A_207 = arith.index_cast %get3A_206 : i32 to index
          %get3A_208 = arith.index_cast %mul3A_205 : i32 to index
          %get3A_209 = tpu.vector_load %arg6[%get3A_207, %get3A_208] {strides = array<i32>} : memref<16x1032xf32, #tpu.memory_space<vmem>>, vector<16xf32>,
          %add3A_210 = arith.constant 8 : i32
          %add3A_211 = arith.addi %mul3A_124, %add3A_210 : i32
          %add3A_212 = vector.broadcast %add3A_211 : i32 to vector<16xi32>
          %add3A_213 = arith.addi %mul3A_94, %add3A_212 : vector<16xi32>
          tpu.vector_store_idx %arg8[%add3A_213], %get3A_209 : memref<16384xf32, #tpu.memory_space<vmem>>[vector<16xi32>], vector<16xf32>,
          %mul3A_214 = arith.constant 16 : i32
          %mul3A_215 = arith.muli %scan3A_121, %mul3A_214 : i32
          %get3A_216 = arith.constant 9 : i32
          %get3A_217 = arith.index_cast %get3A_216 : i32 to index
          %get3A_218 = arith.index_cast %mul3A_215 : i32 to index
          %get3A_219 = tpu.vector_load %arg6[%get3A_217, %get3A_218] {strides = array<i32>} : memref<16x1032xf32, #tpu.memory_space<vmem>>, vector<16xf32>,
          %add3A_220 = arith.constant 9 : i32
          %add3A_221 = arith.addi %mul3A_124, %add3A_220 : i32
          %add3A_222 = vector.broadcast %add3A_221 : i32 to vector<16xi32>
          %add3A_223 = arith.addi %mul3A_94, %add3A_222 : vector<16xi32>
          tpu.vector_store_idx %arg8[%add3A_223], %get3A_219 : memref<16384xf32, #tpu.memory_space<vmem>>[vector<16xi32>], vector<16xf32>,
          %mul3A_224 = arith.constant 16 : i32
          %mul3A_225 = arith.muli %scan3A_121, %mul3A_224 : i32
          %get3A_226 = arith.constant 10 : i32
          %get3A_227 = arith.index_cast %get3A_226 : i32 to index
          %get3A_228 = arith.index_cast %mul3A_225 : i32 to index
          %get3A_229 = tpu.vector_load %arg6[%get3A_227, %get3A_228] {strides = array<i32>} : memref<16x1032xf32, #tpu.memory_space<vmem>>, vector<16xf32>,
          %add3A_230 = arith.constant 10 : i32
          %add3A_231 = arith.addi %mul3A_124, %add3A_230 : i32
          %add3A_232 = vector.broadcast %add3A_231 : i32 to vector<16xi32>
          %add3A_233 = arith.addi %mul3A_94, %add3A_232 : vector<16xi32>
          tpu.vector_store_idx %arg8[%add3A_233], %get3A_229 : memref<16384xf32, #tpu.memory_space<vmem>>[vector<16xi32>], vector<16xf32>,
          %mul3A_234 = arith.constant 16 : i32
          %mul3A_235 = arith.muli %scan3A_121, %mul3A_234 : i32
          %get3A_236 = arith.constant 11 : i32
          %get3A_237 = arith.index_cast %get3A_236 : i32 to index
          %get3A_238 = arith.index_cast %mul3A_235 : i32 to index
          %get3A_239 = tpu.vector_load %arg6[%get3A_237, %get3A_238] {strides = array<i32>} : memref<16x1032xf32, #tpu.memory_space<vmem>>, vector<16xf32>,
          %add3A_240 = arith.constant 11 : i32
          %add3A_241 = arith.addi %mul3A_124, %add3A_240 : i32
          %add3A_242 = vector.broadcast %add3A_241 : i32 to vector<16xi32>
          %add3A_243 = arith.addi %mul3A_94, %add3A_242 : vector<16xi32>
          tpu.vector_store_idx %arg8[%add3A_243], %get3A_239 : memref<16384xf32, #tpu.memory_space<vmem>>[vector<16xi32>], vector<16xf32>,
          %mul3A_244 = arith.constant 16 : i32
          %mul3A_245 = arith.muli %scan3A_121, %mul3A_244 : i32
          %get3A_246 = arith.constant 12 : i32
          %get3A_247 = arith.index_cast %get3A_246 : i32 to index
          %get3A_248 = arith.index_cast %mul3A_245 : i32 to index
          %get3A_249 = tpu.vector_load %arg6[%get3A_247, %get3A_248] {strides = array<i32>} : memref<16x1032xf32, #tpu.memory_space<vmem>>, vector<16xf32>,
          %add3A_250 = arith.constant 12 : i32
          %add3A_251 = arith.addi %mul3A_124, %add3A_250 : i32
          %add3A_252 = vector.broadcast %add3A_251 : i32 to vector<16xi32>
          %add3A_253 = arith.addi %mul3A_94, %add3A_252 : vector<16xi32>
          tpu.vector_store_idx %arg8[%add3A_253], %get3A_249 : memref<16384xf32, #tpu.memory_space<vmem>>[vector<16xi32>], vector<16xf32>,
          %mul3A_254 = arith.constant 16 : i32
          %mul3A_255 = arith.muli %scan3A_121, %mul3A_254 : i32
          %get3A_256 = arith.constant 13 : i32
          %get3A_257 = arith.index_cast %get3A_256 : i32 to index
          %get3A_258 = arith.index_cast %mul3A_255 : i32 to index
          %get3A_259 = tpu.vector_load %arg6[%get3A_257, %get3A_258] {strides = array<i32>} : memref<16x1032xf32, #tpu.memory_space<vmem>>, vector<16xf32>,
          %add3A_260 = arith.constant 13 : i32
          %add3A_261 = arith.addi %mul3A_124, %add3A_260 : i32
          %add3A_262 = vector.broadcast %add3A_261 : i32 to vector<16xi32>
          %add3A_263 = arith.addi %mul3A_94, %add3A_262 : vector<16xi32>
          tpu.vector_store_idx %arg8[%add3A_263], %get3A_259 : memref<16384xf32, #tpu.memory_space<vmem>>[vector<16xi32>], vector<16xf32>,
          %mul3A_264 = arith.constant 16 : i32
          %mul3A_265 = arith.muli %scan3A_121, %mul3A_264 : i32
          %get3A_266 = arith.constant 14 : i32
          %get3A_267 = arith.index_cast %get3A_266 : i32 to index
          %get3A_268 = arith.index_cast %mul3A_265 : i32 to index
          %get3A_269 = tpu.vector_load %arg6[%get3A_267, %get3A_268] {strides = array<i32>} : memref<16x1032xf32, #tpu.memory_space<vmem>>, vector<16xf32>,
          %add3A_270 = arith.constant 14 : i32
          %add3A_271 = arith.addi %mul3A_124, %add3A_270 : i32
          %add3A_272 = vector.broadcast %add3A_271 : i32 to vector<16xi32>
          %add3A_273 = arith.addi %mul3A_94, %add3A_272 : vector<16xi32>
          tpu.vector_store_idx %arg8[%add3A_273], %get3A_269 : memref<16384xf32, #tpu.memory_space<vmem>>[vector<16xi32>], vector<16xf32>,
          %mul3A_274 = arith.constant 16 : i32
          %mul3A_275 = arith.muli %scan3A_121, %mul3A_274 : i32
          %get3A_276 = arith.constant 15 : i32
          %get3A_277 = arith.index_cast %get3A_276 : i32 to index
          %get3A_278 = arith.index_cast %mul3A_275 : i32 to index
          %get3A_279 = tpu.vector_load %arg6[%get3A_277, %get3A_278] {strides = array<i32>} : memref<16x1032xf32, #tpu.memory_space<vmem>>, vector<16xf32>,
          %add3A_280 = arith.constant 15 : i32
          %add3A_281 = arith.addi %mul3A_124, %add3A_280 : i32
          %add3A_282 = vector.broadcast %add3A_281 : i32 to vector<16xi32>
          %add3A_283 = arith.addi %mul3A_94, %add3A_282 : vector<16xi32>
          tpu.vector_store_idx %arg8[%add3A_283], %get3A_279 : memref<16384xf32, #tpu.memory_space<vmem>>[vector<16xi32>], vector<16xf32>,
          %scan3A_284 = arith.constant 0 : i32
          %scan3A_285 = arith.constant 1 : i32
          %scan3A_286 = arith.addi %scan3A_121, %scan3A_285 : i32
          %mul3A_287 = arith.constant 256 : i32
          %mul3A_288 = arith.muli %scan3A_286, %mul3A_287 : i32
          %mul3A_289 = arith.constant 16 : i32
          %mul3A_290 = arith.muli %scan3A_286, %mul3A_289 : i32
          %get3A_291 = arith.constant 0 : i32
          %get3A_292 = arith.index_cast %get3A_291 : i32 to index
          %get3A_293 = arith.index_cast %mul3A_290 : i32 to index
          %get3A_294 = tpu.vector_load %arg6[%get3A_292, %get3A_293] {strides = array<i32>} : memref<16x1032xf32, #tpu.memory_space<vmem>>, vector<16xf32>,
          %add3A_295 = arith.constant 0 : i32
          %add3A_296 = arith.addi %mul3A_288, %add3A_295 : i32
          %add3A_297 = vector.broadcast %add3A_296 : i32 to vector<16xi32>
          %add3A_298 = arith.addi %mul3A_94, %add3A_297 : vector<16xi32>
          tpu.vector_store_idx %arg8[%add3A_298], %get3A_294 : memref<16384xf32, #tpu.memory_space<vmem>>[vector<16xi32>], vector<16xf32>,
          %mul3A_299 = arith.constant 16 : i32
          %mul3A_300 = arith.muli %scan3A_286, %mul3A_299 : i32
          %get3A_301 = arith.constant 1 : i32
          %get3A_302 = arith.index_cast %get3A_301 : i32 to index
          %get3A_303 = arith.index_cast %mul3A_300 : i32 to index
          %get3A_304 = tpu.vector_load %arg6[%get3A_302, %get3A_303] {strides = array<i32>} : memref<16x1032xf32, #tpu.memory_space<vmem>>, vector<16xf32>,
          %add3A_305 = arith.constant 1 : i32
          %add3A_306 = arith.addi %mul3A_288, %add3A_305 : i32
          %add3A_307 = vector.broadcast %add3A_306 : i32 to vector<16xi32>
          %add3A_308 = arith.addi %mul3A_94, %add3A_307 : vector<16xi32>
          tpu.vector_store_idx %arg8[%add3A_308], %get3A_304 : memref<16384xf32, #tpu.memory_space<vmem>>[vector<16xi32>], vector<16xf32>,
          %mul3A_309 = arith.constant 16 : i32
          %mul3A_310 = arith.muli %scan3A_286, %mul3A_309 : i32
          %get3A_311 = arith.constant 2 : i32
          %get3A_312 = arith.index_cast %get3A_311 : i32 to index
          %get3A_313 = arith.index_cast %mul3A_310 : i32 to index
          %get3A_314 = tpu.vector_load %arg6[%get3A_312, %get3A_313] {strides = array<i32>} : memref<16x1032xf32, #tpu.memory_space<vmem>>, vector<16xf32>,
          %add3A_315 = arith.constant 2 : i32
          %add3A_316 = arith.addi %mul3A_288, %add3A_315 : i32
          %add3A_317 = vector.broadcast %add3A_316 : i32 to vector<16xi32>
          %add3A_318 = arith.addi %mul3A_94, %add3A_317 : vector<16xi32>
          tpu.vector_store_idx %arg8[%add3A_318], %get3A_314 : memref<16384xf32, #tpu.memory_space<vmem>>[vector<16xi32>], vector<16xf32>,
          %mul3A_319 = arith.constant 16 : i32
          %mul3A_320 = arith.muli %scan3A_286, %mul3A_319 : i32
          %get3A_321 = arith.constant 3 : i32
          %get3A_322 = arith.index_cast %get3A_321 : i32 to index
          %get3A_323 = arith.index_cast %mul3A_320 : i32 to index
          %get3A_324 = tpu.vector_load %arg6[%get3A_322, %get3A_323] {strides = array<i32>} : memref<16x1032xf32, #tpu.memory_space<vmem>>, vector<16xf32>,
          %add3A_325 = arith.constant 3 : i32
          %add3A_326 = arith.addi %mul3A_288, %add3A_325 : i32
          %add3A_327 = vector.broadcast %add3A_326 : i32 to vector<16xi32>
          %add3A_328 = arith.addi %mul3A_94, %add3A_327 : vector<16xi32>
          tpu.vector_store_idx %arg8[%add3A_328], %get3A_324 : memref<16384xf32, #tpu.memory_space<vmem>>[vector<16xi32>], vector<16xf32>,
          %mul3A_329 = arith.constant 16 : i32
          %mul3A_330 = arith.muli %scan3A_286, %mul3A_329 : i32
          %get3A_331 = arith.constant 4 : i32
          %get3A_332 = arith.index_cast %get3A_331 : i32 to index
          %get3A_333 = arith.index_cast %mul3A_330 : i32 to index
          %get3A_334 = tpu.vector_load %arg6[%get3A_332, %get3A_333] {strides = array<i32>} : memref<16x1032xf32, #tpu.memory_space<vmem>>, vector<16xf32>,
          %add3A_335 = arith.constant 4 : i32
          %add3A_336 = arith.addi %mul3A_288, %add3A_335 : i32
          %add3A_337 = vector.broadcast %add3A_336 : i32 to vector<16xi32>
          %add3A_338 = arith.addi %mul3A_94, %add3A_337 : vector<16xi32>
          tpu.vector_store_idx %arg8[%add3A_338], %get3A_334 : memref<16384xf32, #tpu.memory_space<vmem>>[vector<16xi32>], vector<16xf32>,
          %mul3A_339 = arith.constant 16 : i32
          %mul3A_340 = arith.muli %scan3A_286, %mul3A_339 : i32
          %get3A_341 = arith.constant 5 : i32
          %get3A_342 = arith.index_cast %get3A_341 : i32 to index
          %get3A_343 = arith.index_cast %mul3A_340 : i32 to index
          %get3A_344 = tpu.vector_load %arg6[%get3A_342, %get3A_343] {strides = array<i32>} : memref<16x1032xf32, #tpu.memory_space<vmem>>, vector<16xf32>,
          %add3A_345 = arith.constant 5 : i32
          %add3A_346 = arith.addi %mul3A_288, %add3A_345 : i32
          %add3A_347 = vector.broadcast %add3A_346 : i32 to vector<16xi32>
          %add3A_348 = arith.addi %mul3A_94, %add3A_347 : vector<16xi32>
          tpu.vector_store_idx %arg8[%add3A_348], %get3A_344 : memref<16384xf32, #tpu.memory_space<vmem>>[vector<16xi32>], vector<16xf32>,
          %mul3A_349 = arith.constant 16 : i32
          %mul3A_350 = arith.muli %scan3A_286, %mul3A_349 : i32
          %get3A_351 = arith.constant 6 : i32
          %get3A_352 = arith.index_cast %get3A_351 : i32 to index
          %get3A_353 = arith.index_cast %mul3A_350 : i32 to index
          %get3A_354 = tpu.vector_load %arg6[%get3A_352, %get3A_353] {strides = array<i32>} : memref<16x1032xf32, #tpu.memory_space<vmem>>, vector<16xf32>,
          %add3A_355 = arith.constant 6 : i32
          %add3A_356 = arith.addi %mul3A_288, %add3A_355 : i32
          %add3A_357 = vector.broadcast %add3A_356 : i32 to vector<16xi32>
          %add3A_358 = arith.addi %mul3A_94, %add3A_357 : vector<16xi32>
          tpu.vector_store_idx %arg8[%add3A_358], %get3A_354 : memref<16384xf32, #tpu.memory_space<vmem>>[vector<16xi32>], vector<16xf32>,
          %mul3A_359 = arith.constant 16 : i32
          %mul3A_360 = arith.muli %scan3A_286, %mul3A_359 : i32
          %get3A_361 = arith.constant 7 : i32
          %get3A_362 = arith.index_cast %get3A_361 : i32 to index
          %get3A_363 = arith.index_cast %mul3A_360 : i32 to index
          %get3A_364 = tpu.vector_load %arg6[%get3A_362, %get3A_363] {strides = array<i32>} : memref<16x1032xf32, #tpu.memory_space<vmem>>, vector<16xf32>,
          %add3A_365 = arith.constant 7 : i32
          %add3A_366 = arith.addi %mul3A_288, %add3A_365 : i32
          %add3A_367 = vector.broadcast %add3A_366 : i32 to vector<16xi32>
          %add3A_368 = arith.addi %mul3A_94, %add3A_367 : vector<16xi32>
          tpu.vector_store_idx %arg8[%add3A_368], %get3A_364 : memref<16384xf32, #tpu.memory_space<vmem>>[vector<16xi32>], vector<16xf32>,
          %mul3A_369 = arith.constant 16 : i32
          %mul3A_370 = arith.muli %scan3A_286, %mul3A_369 : i32
          %get3A_371 = arith.constant 8 : i32
          %get3A_372 = arith.index_cast %get3A_371 : i32 to index
          %get3A_373 = arith.index_cast %mul3A_370 : i32 to index
          %get3A_374 = tpu.vector_load %arg6[%get3A_372, %get3A_373] {strides = array<i32>} : memref<16x1032xf32, #tpu.memory_space<vmem>>, vector<16xf32>,
          %add3A_375 = arith.constant 8 : i32
          %add3A_376 = arith.addi %mul3A_288, %add3A_375 : i32
          %add3A_377 = vector.broadcast %add3A_376 : i32 to vector<16xi32>
          %add3A_378 = arith.addi %mul3A_94, %add3A_377 : vector<16xi32>
          tpu.vector_store_idx %arg8[%add3A_378], %get3A_374 : memref<16384xf32, #tpu.memory_space<vmem>>[vector<16xi32>], vector<16xf32>,
          %mul3A_379 = arith.constant 16 : i32
          %mul3A_380 = arith.muli %scan3A_286, %mul3A_379 : i32
          %get3A_381 = arith.constant 9 : i32
          %get3A_382 = arith.index_cast %get3A_381 : i32 to index
          %get3A_383 = arith.index_cast %mul3A_380 : i32 to index
          %get3A_384 = tpu.vector_load %arg6[%get3A_382, %get3A_383] {strides = array<i32>} : memref<16x1032xf32, #tpu.memory_space<vmem>>, vector<16xf32>,
          %add3A_385 = arith.constant 9 : i32
          %add3A_386 = arith.addi %mul3A_288, %add3A_385 : i32
          %add3A_387 = vector.broadcast %add3A_386 : i32 to vector<16xi32>
          %add3A_388 = arith.addi %mul3A_94, %add3A_387 : vector<16xi32>
          tpu.vector_store_idx %arg8[%add3A_388], %get3A_384 : memref<16384xf32, #tpu.memory_space<vmem>>[vector<16xi32>], vector<16xf32>,
          %mul3A_389 = arith.constant 16 : i32
          %mul3A_390 = arith.muli %scan3A_286, %mul3A_389 : i32
          %get3A_391 = arith.constant 10 : i32
          %get3A_392 = arith.index_cast %get3A_391 : i32 to index
          %get3A_393 = arith.index_cast %mul3A_390 : i32 to index
          %get3A_394 = tpu.vector_load %arg6[%get3A_392, %get3A_393] {strides = array<i32>} : memref<16x1032xf32, #tpu.memory_space<vmem>>, vector<16xf32>,
          %add3A_395 = arith.constant 10 : i32
          %add3A_396 = arith.addi %mul3A_288, %add3A_395 : i32
          %add3A_397 = vector.broadcast %add3A_396 : i32 to vector<16xi32>
          %add3A_398 = arith.addi %mul3A_94, %add3A_397 : vector<16xi32>
          tpu.vector_store_idx %arg8[%add3A_398], %get3A_394 : memref<16384xf32, #tpu.memory_space<vmem>>[vector<16xi32>], vector<16xf32>,
          %mul3A_399 = arith.constant 16 : i32
          %mul3A_400 = arith.muli %scan3A_286, %mul3A_399 : i32
          %get3A_401 = arith.constant 11 : i32
          %get3A_402 = arith.index_cast %get3A_401 : i32 to index
          %get3A_403 = arith.index_cast %mul3A_400 : i32 to index
          %get3A_404 = tpu.vector_load %arg6[%get3A_402, %get3A_403] {strides = array<i32>} : memref<16x1032xf32, #tpu.memory_space<vmem>>, vector<16xf32>,
          %add3A_405 = arith.constant 11 : i32
          %add3A_406 = arith.addi %mul3A_288, %add3A_405 : i32
          %add3A_407 = vector.broadcast %add3A_406 : i32 to vector<16xi32>
          %add3A_408 = arith.addi %mul3A_94, %add3A_407 : vector<16xi32>
          tpu.vector_store_idx %arg8[%add3A_408], %get3A_404 : memref<16384xf32, #tpu.memory_space<vmem>>[vector<16xi32>], vector<16xf32>,
          %mul3A_409 = arith.constant 16 : i32
          %mul3A_410 = arith.muli %scan3A_286, %mul3A_409 : i32
          %get3A_411 = arith.constant 12 : i32
          %get3A_412 = arith.index_cast %get3A_411 : i32 to index
          %get3A_413 = arith.index_cast %mul3A_410 : i32 to index
          %get3A_414 = tpu.vector_load %arg6[%get3A_412, %get3A_413] {strides = array<i32>} : memref<16x1032xf32, #tpu.memory_space<vmem>>, vector<16xf32>,
          %add3A_415 = arith.constant 12 : i32
          %add3A_416 = arith.addi %mul3A_288, %add3A_415 : i32
          %add3A_417 = vector.broadcast %add3A_416 : i32 to vector<16xi32>
          %add3A_418 = arith.addi %mul3A_94, %add3A_417 : vector<16xi32>
          tpu.vector_store_idx %arg8[%add3A_418], %get3A_414 : memref<16384xf32, #tpu.memory_space<vmem>>[vector<16xi32>], vector<16xf32>,
          %mul3A_419 = arith.constant 16 : i32
          %mul3A_420 = arith.muli %scan3A_286, %mul3A_419 : i32
          %get3A_421 = arith.constant 13 : i32
          %get3A_422 = arith.index_cast %get3A_421 : i32 to index
          %get3A_423 = arith.index_cast %mul3A_420 : i32 to index
          %get3A_424 = tpu.vector_load %arg6[%get3A_422, %get3A_423] {strides = array<i32>} : memref<16x1032xf32, #tpu.memory_space<vmem>>, vector<16xf32>,
          %add3A_425 = arith.constant 13 : i32
          %add3A_426 = arith.addi %mul3A_288, %add3A_425 : i32
          %add3A_427 = vector.broadcast %add3A_426 : i32 to vector<16xi32>
          %add3A_428 = arith.addi %mul3A_94, %add3A_427 : vector<16xi32>
          tpu.vector_store_idx %arg8[%add3A_428], %get3A_424 : memref<16384xf32, #tpu.memory_space<vmem>>[vector<16xi32>], vector<16xf32>,
          %mul3A_429 = arith.constant 16 : i32
          %mul3A_430 = arith.muli %scan3A_286, %mul3A_429 : i32
          %get3A_431 = arith.constant 14 : i32
          %get3A_432 = arith.index_cast %get3A_431 : i32 to index
          %get3A_433 = arith.index_cast %mul3A_430 : i32 to index
          %get3A_434 = tpu.vector_load %arg6[%get3A_432, %get3A_433] {strides = array<i32>} : memref<16x1032xf32, #tpu.memory_space<vmem>>, vector<16xf32>,
          %add3A_435 = arith.constant 14 : i32
          %add3A_436 = arith.addi %mul3A_288, %add3A_435 : i32
          %add3A_437 = vector.broadcast %add3A_436 : i32 to vector<16xi32>
          %add3A_438 = arith.addi %mul3A_94, %add3A_437 : vector<16xi32>
          tpu.vector_store_idx %arg8[%add3A_438], %get3A_434 : memref<16384xf32, #tpu.memory_space<vmem>>[vector<16xi32>], vector<16xf32>,
          %mul3A_439 = arith.constant 16 : i32
          %mul3A_440 = arith.muli %scan3A_286, %mul3A_439 : i32
          %get3A_441 = arith.constant 15 : i32
          %get3A_442 = arith.index_cast %get3A_441 : i32 to index
          %get3A_443 = arith.index_cast %mul3A_440 : i32 to index
          %get3A_444 = tpu.vector_load %arg6[%get3A_442, %get3A_443] {strides = array<i32>} : memref<16x1032xf32, #tpu.memory_space<vmem>>, vector<16xf32>,
          %add3A_445 = arith.constant 15 : i32
          %add3A_446 = arith.addi %mul3A_288, %add3A_445 : i32
          %add3A_447 = vector.broadcast %add3A_446 : i32 to vector<16xi32>
          %add3A_448 = arith.addi %mul3A_94, %add3A_447 : vector<16xi32>
          tpu.vector_store_idx %arg8[%add3A_448], %get3A_444 : memref<16384xf32, #tpu.memory_space<vmem>>[vector<16xi32>], vector<16xf32>,
          %scan3A_449 = arith.constant 0 : i32
          scf.yield %scan3A_449 : i32
        }
        %scan3A_101 = arith.constant 64 : i32
        %mul3A_102 = arith.constant 32 : i32
        %mul3A_103 = arith.muli %add3A_57, %mul3A_102 : i32
        %add3A_104 = arith.addi %add3A, %mul3A_103 : i32
        %mul3A_105 = arith.constant 1024 : i32
        %mul3A_106 = arith.muli %add3A_104, %mul3A_105 : i32
        %mul3A_107 = arith.constant 16 : i32
        %mul3A_108 = arith.muli %mul3A_106, %mul3A_107 : i32
        %dma_start3A_109 = arith.constant 0 : i32
        %dma_start3A_110 = tpu.memref_slice %arg8[%dma_start3A_109] : memref<16384xf32, #tpu.memory_space<vmem>> -> memref<16384xf32, #tpu.memory_space<vmem>>
        %dma_start3A_111 = tpu.memref_slice %arg4[%mul3A_108] : memref<16000000xf32, #tpu.memory_space<hbm>> -> memref<16384xf32, #tpu.memory_space<hbm>>
        %dma_start3A_112 = tpu.memref_slice %arg4[%mul3A_108] : memref<16000000xf32, #tpu.memory_space<hbm>> -> memref<16384xf32, #tpu.memory_space<hbm>>
        %dma_start3A_113 = arith.constant 0 : i32
        %dma_start3A_114 = tpu.memref_slice %arg8[%dma_start3A_113] : memref<16384xf32, #tpu.memory_space<vmem>> -> memref<16384xf32, #tpu.memory_space<vmem>>
        tpu.enqueue_dma source(%dma_start3A_114 : memref<16384xf32, #tpu.memory_space<vmem>>) target(%dma_start3A_112 : memref<16384xf32, #tpu.memory_space<hbm>>) target_semaphore(%arg11 : memref<!tpu.dma_semaphore, #tpu.memory_space<semaphore_mem>>)
        %dma_wait3A_115 = arith.constant 0 : i32
        %dma_wait3A_116 = tpu.memref_slice %arg8[%dma_wait3A_115] : memref<16384xf32, #tpu.memory_space<vmem>> -> memref<16384xf32, #tpu.memory_space<vmem>>
        %dma_wait3A_117 = tpu.memref_slice %arg4[%mul3A_108] : memref<16000000xf32, #tpu.memory_space<hbm>> -> memref<16384xf32, #tpu.memory_space<hbm>>
        %dma_wait3A_118 = tpu.memref_slice %arg4[%mul3A_108] : memref<16000000xf32, #tpu.memory_space<hbm>> -> memref<16384xf32, #tpu.memory_space<hbm>>
        %dma_wait3A_119 = arith.constant 0 : i32
        %dma_wait3A_120 = tpu.memref_slice %arg8[%dma_wait3A_119] : memref<16384xf32, #tpu.memory_space<vmem>> -> memref<16384xf32, #tpu.memory_space<vmem>>
        tpu.wait_dma2 semaphore(%arg11 : memref<!tpu.dma_semaphore, #tpu.memory_space<semaphore_mem>>) src(%dma_wait3A_120 : memref<16384xf32, #tpu.memory_space<vmem>>) dst(%dma_wait3A_118 : memref<16384xf32, #tpu.memory_space<hbm>>)
      } else {
      }
      %scan3A_68 = arith.constant 0 : i32
      scf.yield %scan3A_68 : i32
    }
    %scan3A_39 = arith.constant 16 : i32
    %eq3A = arith.constant 31 : i32
    %eq3A_40 = arith.cmpi eq, %add3A, %eq3A : i32
    %convert_element_type3A = arith.extui %eq3A_40 : i1 to i32
    %cond3A = arith.constant 0 : i32
    %cond3A_41 = arith.cmpi ne, %convert_element_type3A, %cond3A : i32
    scf.if %cond3A_41 {
      %dma_start3A_42 = arith.constant 0 : i32
      %dma_start3A_43 = arith.constant 0 : i32
      %dma_start3A_44 = tpu.memref_slice %arg5[%dma_start3A_42, %dma_start3A_43] : memref<16x1032xf32, #tpu.memory_space<vmem>> -> memref<8x512xf32, #tpu.memory_space<vmem>>
      %dma_start3A_45 = arith.constant 0 : i32
      %dma_start3A_46 = arith.constant 999424 : i32
      %dma_start3A_47 = tpu.memref_slice %arg2[%dma_start3A_45, %dma_start3A_46] : memref<16x1000000xf32, #tpu.memory_space<hbm>> -> memref<8x512xf32, #tpu.memory_space<hbm>>
      %dma_start3A_48 = arith.constant 0 : i32
      %dma_start3A_49 = arith.constant 0 : i32
      %dma_start3A_50 = tpu.memref_slice %arg5[%dma_start3A_48, %dma_start3A_49] : memref<16x1032xf32, #tpu.memory_space<vmem>> -> memref<8x512xf32, #tpu.memory_space<vmem>>
      %dma_start3A_51 = arith.constant 0 : i32
      %dma_start3A_52 = arith.constant 999424 : i32
      %dma_start3A_53 = tpu.memref_slice %arg2[%dma_start3A_51, %dma_start3A_52] : memref<16x1000000xf32, #tpu.memory_space<hbm>> -> memref<8x512xf32, #tpu.memory_space<hbm>>
      tpu.enqueue_dma source(%dma_start3A_53 : memref<8x512xf32, #tpu.memory_space<hbm>>) target(%dma_start3A_50 : memref<8x512xf32, #tpu.memory_space<vmem>>) target_semaphore(%arg9 : memref<!tpu.dma_semaphore, #tpu.memory_space<semaphore_mem>>)
      %dma_start3A_54 = arith.constant 8 : i32
      %dma_start3A_55 = arith.constant 0 : i32
      %dma_start3A_56 = tpu.memref_slice %arg5[%dma_start3A_54, %dma_start3A_55] : memref<16x1032xf32, #tpu.memory_space<vmem>> -> memref<8x512xf32, #tpu.memory_space<vmem>>
      %dma_start3A_57 = arith.constant 8 : i32
      %dma_start3A_58 = arith.constant 999424 : i32
      %dma_start3A_59 = tpu.memref_slice %arg2[%dma_start3A_57, %dma_start3A_58] : memref<16x1000000xf32, #tpu.memory_space<hbm>> -> memref<8x512xf32, #tpu.memory_space<hbm>>
      %dma_start3A_60 = arith.constant 8 : i32
      %dma_start3A_61 = arith.constant 0 : i32
      %dma_start3A_62 = tpu.memref_slice %arg5[%dma_start3A_60, %dma_start3A_61] : memref<16x1032xf32, #tpu.memory_space<vmem>> -> memref<8x512xf32, #tpu.memory_space<vmem>>
      %dma_start3A_63 = arith.constant 8 : i32
      %dma_start3A_64 = arith.constant 999424 : i32
      %dma_start3A_65 = tpu.memref_slice %arg2[%dma_start3A_63, %dma_start3A_64] : memref<16x1000000xf32, #tpu.memory_space<hbm>> -> memref<8x512xf32, #tpu.memory_space<hbm>>
      tpu.enqueue_dma source(%dma_start3A_65 : memref<8x512xf32, #tpu.memory_space<hbm>>) target(%dma_start3A_62 : memref<8x512xf32, #tpu.memory_space<vmem>>) target_semaphore(%arg9 : memref<!tpu.dma_semaphore, #tpu.memory_space<semaphore_mem>>)
      %dma_wait3A = arith.constant 0 : i32
      %dma_wait3A_66 = arith.constant 0 : i32
      %dma_wait3A_67 = tpu.memref_slice %arg5[%dma_wait3A, %dma_wait3A_66] : memref<16x1032xf32, #tpu.memory_space<vmem>> -> memref<8x512xf32, #tpu.memory_space<vmem>>
      %dma_wait3A_68 = arith.constant 0 : i32
      %dma_wait3A_69 = arith.constant 999424 : i32
      %dma_wait3A_70 = tpu.memref_slice %arg2[%dma_wait3A_68, %dma_wait3A_69] : memref<16x1000000xf32, #tpu.memory_space<hbm>> -> memref<8x512xf32, #tpu.memory_space<hbm>>
      %dma_wait3A_71 = arith.constant 0 : i32
      %dma_wait3A_72 = arith.constant 0 : i32
      %dma_wait3A_73 = tpu.memref_slice %arg5[%dma_wait3A_71, %dma_wait3A_72] : memref<16x1032xf32, #tpu.memory_space<vmem>> -> memref<8x512xf32, #tpu.memory_space<vmem>>
      %dma_wait3A_74 = arith.constant 0 : i32
      %dma_wait3A_75 = arith.constant 999424 : i32
      %dma_wait3A_76 = tpu.memref_slice %arg2[%dma_wait3A_74, %dma_wait3A_75] : memref<16x1000000xf32, #tpu.memory_space<hbm>> -> memref<8x512xf32, #tpu.memory_space<hbm>>
      tpu.wait_dma2 semaphore(%arg9 : memref<!tpu.dma_semaphore, #tpu.memory_space<semaphore_mem>>) src(%dma_wait3A_76 : memref<8x512xf32, #tpu.memory_space<hbm>>) dst(%dma_wait3A_73 : memref<8x512xf32, #tpu.memory_space<vmem>>)
      %dma_wait3A_77 = arith.constant 8 : i32
      %dma_wait3A_78 = arith.constant 0 : i32
      %dma_wait3A_79 = tpu.memref_slice %arg5[%dma_wait3A_77, %dma_wait3A_78] : memref<16x1032xf32, #tpu.memory_space<vmem>> -> memref<8x512xf32, #tpu.memory_space<vmem>>
      %dma_wait3A_80 = arith.constant 8 : i32
      %dma_wait3A_81 = arith.constant 999424 : i32
      %dma_wait3A_82 = tpu.memref_slice %arg2[%dma_wait3A_80, %dma_wait3A_81] : memref<16x1000000xf32, #tpu.memory_space<hbm>> -> memref<8x512xf32, #tpu.memory_space<hbm>>
      %dma_wait3A_83 = arith.constant 8 : i32
      %dma_wait3A_84 = arith.constant 0 : i32
      %dma_wait3A_85 = tpu.memref_slice %arg5[%dma_wait3A_83, %dma_wait3A_84] : memref<16x1032xf32, #tpu.memory_space<vmem>> -> memref<8x512xf32, #tpu.memory_space<vmem>>
      %dma_wait3A_86 = arith.constant 8 : i32
      %dma_wait3A_87 = arith.constant 999424 : i32
      %dma_wait3A_88 = tpu.memref_slice %arg2[%dma_wait3A_86, %dma_wait3A_87] : memref<16x1000000xf32, #tpu.memory_space<hbm>> -> memref<8x512xf32, #tpu.memory_space<hbm>>
      tpu.wait_dma2 semaphore(%arg9 : memref<!tpu.dma_semaphore, #tpu.memory_space<semaphore_mem>>) src(%dma_wait3A_88 : memref<8x512xf32, #tpu.memory_space<hbm>>) dst(%dma_wait3A_85 : memref<8x512xf32, #tpu.memory_space<vmem>>)
      %mul3A_89 = arith.constant 16 : i32
      %mul3A_90 = vector.broadcast %mul3A_89 : i32 to vector<16xi32>
      %mul3A_91 = arith.muli %iota3A, %mul3A_90 : vector<16xi32>
      %scan3A_92 = arith.constant 0 : i32
      %scan3A_93 = arith.constant 0 : i32
      %scan3A_94 = arith.constant 32 : i32
      %scan3A_95 = arith.addi %scan3A_93, %scan3A_94 : i32
      %scan3A_96 = arith.constant 2 : i32
      %scan3A_97 = scf.for %scan3A_115 = %scan3A_93 to %scan3A_95 step %scan3A_96 iter_args(%scan3A_116 = %scan3A_92) -> (i32)  : i32 {
        %mul3A_117 = arith.constant 256 : i32
        %mul3A_118 = arith.muli %scan3A_115, %mul3A_117 : i32
        %mul3A_119 = arith.constant 16 : i32
        %mul3A_120 = arith.muli %scan3A_115, %mul3A_119 : i32
        %get3A = arith.constant 0 : i32
        %get3A_121 = arith.index_cast %get3A : i32 to index
        %get3A_122 = arith.index_cast %mul3A_120 : i32 to index
        %get3A_123 = tpu.vector_load %arg5[%get3A_121, %get3A_122] {strides = array<i32>} : memref<16x1032xf32, #tpu.memory_space<vmem>>, vector<16xf32>,
        %add3A_124 = arith.constant 0 : i32
        %add3A_125 = arith.addi %mul3A_118, %add3A_124 : i32
        %add3A_126 = vector.broadcast %add3A_125 : i32 to vector<16xi32>
        %add3A_127 = arith.addi %mul3A_91, %add3A_126 : vector<16xi32>
        tpu.vector_store_idx %arg7[%add3A_127], %get3A_123 : memref<16384xf32, #tpu.memory_space<vmem>>[vector<16xi32>], vector<16xf32>,
        %mul3A_128 = arith.constant 16 : i32
        %mul3A_129 = arith.muli %scan3A_115, %mul3A_128 : i32
        %get3A_130 = arith.constant 1 : i32
        %get3A_131 = arith.index_cast %get3A_130 : i32 to index
        %get3A_132 = arith.index_cast %mul3A_129 : i32 to index
        %get3A_133 = tpu.vector_load %arg5[%get3A_131, %get3A_132] {strides = array<i32>} : memref<16x1032xf32, #tpu.memory_space<vmem>>, vector<16xf32>,
        %add3A_134 = arith.constant 1 : i32
        %add3A_135 = arith.addi %mul3A_118, %add3A_134 : i32
        %add3A_136 = vector.broadcast %add3A_135 : i32 to vector<16xi32>
        %add3A_137 = arith.addi %mul3A_91, %add3A_136 : vector<16xi32>
        tpu.vector_store_idx %arg7[%add3A_137], %get3A_133 : memref<16384xf32, #tpu.memory_space<vmem>>[vector<16xi32>], vector<16xf32>,
        %mul3A_138 = arith.constant 16 : i32
        %mul3A_139 = arith.muli %scan3A_115, %mul3A_138 : i32
        %get3A_140 = arith.constant 2 : i32
        %get3A_141 = arith.index_cast %get3A_140 : i32 to index
        %get3A_142 = arith.index_cast %mul3A_139 : i32 to index
        %get3A_143 = tpu.vector_load %arg5[%get3A_141, %get3A_142] {strides = array<i32>} : memref<16x1032xf32, #tpu.memory_space<vmem>>, vector<16xf32>,
        %add3A_144 = arith.constant 2 : i32
        %add3A_145 = arith.addi %mul3A_118, %add3A_144 : i32
        %add3A_146 = vector.broadcast %add3A_145 : i32 to vector<16xi32>
        %add3A_147 = arith.addi %mul3A_91, %add3A_146 : vector<16xi32>
        tpu.vector_store_idx %arg7[%add3A_147], %get3A_143 : memref<16384xf32, #tpu.memory_space<vmem>>[vector<16xi32>], vector<16xf32>,
        %mul3A_148 = arith.constant 16 : i32
        %mul3A_149 = arith.muli %scan3A_115, %mul3A_148 : i32
        %get3A_150 = arith.constant 3 : i32
        %get3A_151 = arith.index_cast %get3A_150 : i32 to index
        %get3A_152 = arith.index_cast %mul3A_149 : i32 to index
        %get3A_153 = tpu.vector_load %arg5[%get3A_151, %get3A_152] {strides = array<i32>} : memref<16x1032xf32, #tpu.memory_space<vmem>>, vector<16xf32>,
        %add3A_154 = arith.constant 3 : i32
        %add3A_155 = arith.addi %mul3A_118, %add3A_154 : i32
        %add3A_156 = vector.broadcast %add3A_155 : i32 to vector<16xi32>
        %add3A_157 = arith.addi %mul3A_91, %add3A_156 : vector<16xi32>
        tpu.vector_store_idx %arg7[%add3A_157], %get3A_153 : memref<16384xf32, #tpu.memory_space<vmem>>[vector<16xi32>], vector<16xf32>,
        %mul3A_158 = arith.constant 16 : i32
        %mul3A_159 = arith.muli %scan3A_115, %mul3A_158 : i32
        %get3A_160 = arith.constant 4 : i32
        %get3A_161 = arith.index_cast %get3A_160 : i32 to index
        %get3A_162 = arith.index_cast %mul3A_159 : i32 to index
        %get3A_163 = tpu.vector_load %arg5[%get3A_161, %get3A_162] {strides = array<i32>} : memref<16x1032xf32, #tpu.memory_space<vmem>>, vector<16xf32>,
        %add3A_164 = arith.constant 4 : i32
        %add3A_165 = arith.addi %mul3A_118, %add3A_164 : i32
        %add3A_166 = vector.broadcast %add3A_165 : i32 to vector<16xi32>
        %add3A_167 = arith.addi %mul3A_91, %add3A_166 : vector<16xi32>
        tpu.vector_store_idx %arg7[%add3A_167], %get3A_163 : memref<16384xf32, #tpu.memory_space<vmem>>[vector<16xi32>], vector<16xf32>,
        %mul3A_168 = arith.constant 16 : i32
        %mul3A_169 = arith.muli %scan3A_115, %mul3A_168 : i32
        %get3A_170 = arith.constant 5 : i32
        %get3A_171 = arith.index_cast %get3A_170 : i32 to index
        %get3A_172 = arith.index_cast %mul3A_169 : i32 to index
        %get3A_173 = tpu.vector_load %arg5[%get3A_171, %get3A_172] {strides = array<i32>} : memref<16x1032xf32, #tpu.memory_space<vmem>>, vector<16xf32>,
        %add3A_174 = arith.constant 5 : i32
        %add3A_175 = arith.addi %mul3A_118, %add3A_174 : i32
        %add3A_176 = vector.broadcast %add3A_175 : i32 to vector<16xi32>
        %add3A_177 = arith.addi %mul3A_91, %add3A_176 : vector<16xi32>
        tpu.vector_store_idx %arg7[%add3A_177], %get3A_173 : memref<16384xf32, #tpu.memory_space<vmem>>[vector<16xi32>], vector<16xf32>,
        %mul3A_178 = arith.constant 16 : i32
        %mul3A_179 = arith.muli %scan3A_115, %mul3A_178 : i32
        %get3A_180 = arith.constant 6 : i32
        %get3A_181 = arith.index_cast %get3A_180 : i32 to index
        %get3A_182 = arith.index_cast %mul3A_179 : i32 to index
        %get3A_183 = tpu.vector_load %arg5[%get3A_181, %get3A_182] {strides = array<i32>} : memref<16x1032xf32, #tpu.memory_space<vmem>>, vector<16xf32>,
        %add3A_184 = arith.constant 6 : i32
        %add3A_185 = arith.addi %mul3A_118, %add3A_184 : i32
        %add3A_186 = vector.broadcast %add3A_185 : i32 to vector<16xi32>
        %add3A_187 = arith.addi %mul3A_91, %add3A_186 : vector<16xi32>
        tpu.vector_store_idx %arg7[%add3A_187], %get3A_183 : memref<16384xf32, #tpu.memory_space<vmem>>[vector<16xi32>], vector<16xf32>,
        %mul3A_188 = arith.constant 16 : i32
        %mul3A_189 = arith.muli %scan3A_115, %mul3A_188 : i32
        %get3A_190 = arith.constant 7 : i32
        %get3A_191 = arith.index_cast %get3A_190 : i32 to index
        %get3A_192 = arith.index_cast %mul3A_189 : i32 to index
        %get3A_193 = tpu.vector_load %arg5[%get3A_191, %get3A_192] {strides = array<i32>} : memref<16x1032xf32, #tpu.memory_space<vmem>>, vector<16xf32>,
        %add3A_194 = arith.constant 7 : i32
        %add3A_195 = arith.addi %mul3A_118, %add3A_194 : i32
        %add3A_196 = vector.broadcast %add3A_195 : i32 to vector<16xi32>
        %add3A_197 = arith.addi %mul3A_91, %add3A_196 : vector<16xi32>
        tpu.vector_store_idx %arg7[%add3A_197], %get3A_193 : memref<16384xf32, #tpu.memory_space<vmem>>[vector<16xi32>], vector<16xf32>,
        %mul3A_198 = arith.constant 16 : i32
        %mul3A_199 = arith.muli %scan3A_115, %mul3A_198 : i32
        %get3A_200 = arith.constant 8 : i32
        %get3A_201 = arith.index_cast %get3A_200 : i32 to index
        %get3A_202 = arith.index_cast %mul3A_199 : i32 to index
        %get3A_203 = tpu.vector_load %arg5[%get3A_201, %get3A_202] {strides = array<i32>} : memref<16x1032xf32, #tpu.memory_space<vmem>>, vector<16xf32>,
        %add3A_204 = arith.constant 8 : i32
        %add3A_205 = arith.addi %mul3A_118, %add3A_204 : i32
        %add3A_206 = vector.broadcast %add3A_205 : i32 to vector<16xi32>
        %add3A_207 = arith.addi %mul3A_91, %add3A_206 : vector<16xi32>
        tpu.vector_store_idx %arg7[%add3A_207], %get3A_203 : memref<16384xf32, #tpu.memory_space<vmem>>[vector<16xi32>], vector<16xf32>,
        %mul3A_208 = arith.constant 16 : i32
        %mul3A_209 = arith.muli %scan3A_115, %mul3A_208 : i32
        %get3A_210 = arith.constant 9 : i32
        %get3A_211 = arith.index_cast %get3A_210 : i32 to index
        %get3A_212 = arith.index_cast %mul3A_209 : i32 to index
        %get3A_213 = tpu.vector_load %arg5[%get3A_211, %get3A_212] {strides = array<i32>} : memref<16x1032xf32, #tpu.memory_space<vmem>>, vector<16xf32>,
        %add3A_214 = arith.constant 9 : i32
        %add3A_215 = arith.addi %mul3A_118, %add3A_214 : i32
        %add3A_216 = vector.broadcast %add3A_215 : i32 to vector<16xi32>
        %add3A_217 = arith.addi %mul3A_91, %add3A_216 : vector<16xi32>
        tpu.vector_store_idx %arg7[%add3A_217], %get3A_213 : memref<16384xf32, #tpu.memory_space<vmem>>[vector<16xi32>], vector<16xf32>,
        %mul3A_218 = arith.constant 16 : i32
        %mul3A_219 = arith.muli %scan3A_115, %mul3A_218 : i32
        %get3A_220 = arith.constant 10 : i32
        %get3A_221 = arith.index_cast %get3A_220 : i32 to index
        %get3A_222 = arith.index_cast %mul3A_219 : i32 to index
        %get3A_223 = tpu.vector_load %arg5[%get3A_221, %get3A_222] {strides = array<i32>} : memref<16x1032xf32, #tpu.memory_space<vmem>>, vector<16xf32>,
        %add3A_224 = arith.constant 10 : i32
        %add3A_225 = arith.addi %mul3A_118, %add3A_224 : i32
        %add3A_226 = vector.broadcast %add3A_225 : i32 to vector<16xi32>
        %add3A_227 = arith.addi %mul3A_91, %add3A_226 : vector<16xi32>
        tpu.vector_store_idx %arg7[%add3A_227], %get3A_223 : memref<16384xf32, #tpu.memory_space<vmem>>[vector<16xi32>], vector<16xf32>,
        %mul3A_228 = arith.constant 16 : i32
        %mul3A_229 = arith.muli %scan3A_115, %mul3A_228 : i32
        %get3A_230 = arith.constant 11 : i32
        %get3A_231 = arith.index_cast %get3A_230 : i32 to index
        %get3A_232 = arith.index_cast %mul3A_229 : i32 to index
        %get3A_233 = tpu.vector_load %arg5[%get3A_231, %get3A_232] {strides = array<i32>} : memref<16x1032xf32, #tpu.memory_space<vmem>>, vector<16xf32>,
        %add3A_234 = arith.constant 11 : i32
        %add3A_235 = arith.addi %mul3A_118, %add3A_234 : i32
        %add3A_236 = vector.broadcast %add3A_235 : i32 to vector<16xi32>
        %add3A_237 = arith.addi %mul3A_91, %add3A_236 : vector<16xi32>
        tpu.vector_store_idx %arg7[%add3A_237], %get3A_233 : memref<16384xf32, #tpu.memory_space<vmem>>[vector<16xi32>], vector<16xf32>,
        %mul3A_238 = arith.constant 16 : i32
        %mul3A_239 = arith.muli %scan3A_115, %mul3A_238 : i32
        %get3A_240 = arith.constant 12 : i32
        %get3A_241 = arith.index_cast %get3A_240 : i32 to index
        %get3A_242 = arith.index_cast %mul3A_239 : i32 to index
        %get3A_243 = tpu.vector_load %arg5[%get3A_241, %get3A_242] {strides = array<i32>} : memref<16x1032xf32, #tpu.memory_space<vmem>>, vector<16xf32>,
        %add3A_244 = arith.constant 12 : i32
        %add3A_245 = arith.addi %mul3A_118, %add3A_244 : i32
        %add3A_246 = vector.broadcast %add3A_245 : i32 to vector<16xi32>
        %add3A_247 = arith.addi %mul3A_91, %add3A_246 : vector<16xi32>
        tpu.vector_store_idx %arg7[%add3A_247], %get3A_243 : memref<16384xf32, #tpu.memory_space<vmem>>[vector<16xi32>], vector<16xf32>,
        %mul3A_248 = arith.constant 16 : i32
        %mul3A_249 = arith.muli %scan3A_115, %mul3A_248 : i32
        %get3A_250 = arith.constant 13 : i32
        %get3A_251 = arith.index_cast %get3A_250 : i32 to index
        %get3A_252 = arith.index_cast %mul3A_249 : i32 to index
        %get3A_253 = tpu.vector_load %arg5[%get3A_251, %get3A_252] {strides = array<i32>} : memref<16x1032xf32, #tpu.memory_space<vmem>>, vector<16xf32>,
        %add3A_254 = arith.constant 13 : i32
        %add3A_255 = arith.addi %mul3A_118, %add3A_254 : i32
        %add3A_256 = vector.broadcast %add3A_255 : i32 to vector<16xi32>
        %add3A_257 = arith.addi %mul3A_91, %add3A_256 : vector<16xi32>
        tpu.vector_store_idx %arg7[%add3A_257], %get3A_253 : memref<16384xf32, #tpu.memory_space<vmem>>[vector<16xi32>], vector<16xf32>,
        %mul3A_258 = arith.constant 16 : i32
        %mul3A_259 = arith.muli %scan3A_115, %mul3A_258 : i32
        %get3A_260 = arith.constant 14 : i32
        %get3A_261 = arith.index_cast %get3A_260 : i32 to index
        %get3A_262 = arith.index_cast %mul3A_259 : i32 to index
        %get3A_263 = tpu.vector_load %arg5[%get3A_261, %get3A_262] {strides = array<i32>} : memref<16x1032xf32, #tpu.memory_space<vmem>>, vector<16xf32>,
        %add3A_264 = arith.constant 14 : i32
        %add3A_265 = arith.addi %mul3A_118, %add3A_264 : i32
        %add3A_266 = vector.broadcast %add3A_265 : i32 to vector<16xi32>
        %add3A_267 = arith.addi %mul3A_91, %add3A_266 : vector<16xi32>
        tpu.vector_store_idx %arg7[%add3A_267], %get3A_263 : memref<16384xf32, #tpu.memory_space<vmem>>[vector<16xi32>], vector<16xf32>,
        %mul3A_268 = arith.constant 16 : i32
        %mul3A_269 = arith.muli %scan3A_115, %mul3A_268 : i32
        %get3A_270 = arith.constant 15 : i32
        %get3A_271 = arith.index_cast %get3A_270 : i32 to index
        %get3A_272 = arith.index_cast %mul3A_269 : i32 to index
        %get3A_273 = tpu.vector_load %arg5[%get3A_271, %get3A_272] {strides = array<i32>} : memref<16x1032xf32, #tpu.memory_space<vmem>>, vector<16xf32>,
        %add3A_274 = arith.constant 15 : i32
        %add3A_275 = arith.addi %mul3A_118, %add3A_274 : i32
        %add3A_276 = vector.broadcast %add3A_275 : i32 to vector<16xi32>
        %add3A_277 = arith.addi %mul3A_91, %add3A_276 : vector<16xi32>
        tpu.vector_store_idx %arg7[%add3A_277], %get3A_273 : memref<16384xf32, #tpu.memory_space<vmem>>[vector<16xi32>], vector<16xf32>,
        %scan3A_278 = arith.constant 0 : i32
        %scan3A_279 = arith.constant 1 : i32
        %scan3A_280 = arith.addi %scan3A_115, %scan3A_279 : i32
        %mul3A_281 = arith.constant 256 : i32
        %mul3A_282 = arith.muli %scan3A_280, %mul3A_281 : i32
        %mul3A_283 = arith.constant 16 : i32
        %mul3A_284 = arith.muli %scan3A_280, %mul3A_283 : i32
        %get3A_285 = arith.constant 0 : i32
        %get3A_286 = arith.index_cast %get3A_285 : i32 to index
        %get3A_287 = arith.index_cast %mul3A_284 : i32 to index
        %get3A_288 = tpu.vector_load %arg5[%get3A_286, %get3A_287] {strides = array<i32>} : memref<16x1032xf32, #tpu.memory_space<vmem>>, vector<16xf32>,
        %add3A_289 = arith.constant 0 : i32
        %add3A_290 = arith.addi %mul3A_282, %add3A_289 : i32
        %add3A_291 = vector.broadcast %add3A_290 : i32 to vector<16xi32>
        %add3A_292 = arith.addi %mul3A_91, %add3A_291 : vector<16xi32>
        tpu.vector_store_idx %arg7[%add3A_292], %get3A_288 : memref<16384xf32, #tpu.memory_space<vmem>>[vector<16xi32>], vector<16xf32>,
        %mul3A_293 = arith.constant 16 : i32
        %mul3A_294 = arith.muli %scan3A_280, %mul3A_293 : i32
        %get3A_295 = arith.constant 1 : i32
        %get3A_296 = arith.index_cast %get3A_295 : i32 to index
        %get3A_297 = arith.index_cast %mul3A_294 : i32 to index
        %get3A_298 = tpu.vector_load %arg5[%get3A_296, %get3A_297] {strides = array<i32>} : memref<16x1032xf32, #tpu.memory_space<vmem>>, vector<16xf32>,
        %add3A_299 = arith.constant 1 : i32
        %add3A_300 = arith.addi %mul3A_282, %add3A_299 : i32
        %add3A_301 = vector.broadcast %add3A_300 : i32 to vector<16xi32>
        %add3A_302 = arith.addi %mul3A_91, %add3A_301 : vector<16xi32>
        tpu.vector_store_idx %arg7[%add3A_302], %get3A_298 : memref<16384xf32, #tpu.memory_space<vmem>>[vector<16xi32>], vector<16xf32>,
        %mul3A_303 = arith.constant 16 : i32
        %mul3A_304 = arith.muli %scan3A_280, %mul3A_303 : i32
        %get3A_305 = arith.constant 2 : i32
        %get3A_306 = arith.index_cast %get3A_305 : i32 to index
        %get3A_307 = arith.index_cast %mul3A_304 : i32 to index
        %get3A_308 = tpu.vector_load %arg5[%get3A_306, %get3A_307] {strides = array<i32>} : memref<16x1032xf32, #tpu.memory_space<vmem>>, vector<16xf32>,
        %add3A_309 = arith.constant 2 : i32
        %add3A_310 = arith.addi %mul3A_282, %add3A_309 : i32
        %add3A_311 = vector.broadcast %add3A_310 : i32 to vector<16xi32>
        %add3A_312 = arith.addi %mul3A_91, %add3A_311 : vector<16xi32>
        tpu.vector_store_idx %arg7[%add3A_312], %get3A_308 : memref<16384xf32, #tpu.memory_space<vmem>>[vector<16xi32>], vector<16xf32>,
        %mul3A_313 = arith.constant 16 : i32
        %mul3A_314 = arith.muli %scan3A_280, %mul3A_313 : i32
        %get3A_315 = arith.constant 3 : i32
        %get3A_316 = arith.index_cast %get3A_315 : i32 to index
        %get3A_317 = arith.index_cast %mul3A_314 : i32 to index
        %get3A_318 = tpu.vector_load %arg5[%get3A_316, %get3A_317] {strides = array<i32>} : memref<16x1032xf32, #tpu.memory_space<vmem>>, vector<16xf32>,
        %add3A_319 = arith.constant 3 : i32
        %add3A_320 = arith.addi %mul3A_282, %add3A_319 : i32
        %add3A_321 = vector.broadcast %add3A_320 : i32 to vector<16xi32>
        %add3A_322 = arith.addi %mul3A_91, %add3A_321 : vector<16xi32>
        tpu.vector_store_idx %arg7[%add3A_322], %get3A_318 : memref<16384xf32, #tpu.memory_space<vmem>>[vector<16xi32>], vector<16xf32>,
        %mul3A_323 = arith.constant 16 : i32
        %mul3A_324 = arith.muli %scan3A_280, %mul3A_323 : i32
        %get3A_325 = arith.constant 4 : i32
        %get3A_326 = arith.index_cast %get3A_325 : i32 to index
        %get3A_327 = arith.index_cast %mul3A_324 : i32 to index
        %get3A_328 = tpu.vector_load %arg5[%get3A_326, %get3A_327] {strides = array<i32>} : memref<16x1032xf32, #tpu.memory_space<vmem>>, vector<16xf32>,
        %add3A_329 = arith.constant 4 : i32
        %add3A_330 = arith.addi %mul3A_282, %add3A_329 : i32
        %add3A_331 = vector.broadcast %add3A_330 : i32 to vector<16xi32>
        %add3A_332 = arith.addi %mul3A_91, %add3A_331 : vector<16xi32>
        tpu.vector_store_idx %arg7[%add3A_332], %get3A_328 : memref<16384xf32, #tpu.memory_space<vmem>>[vector<16xi32>], vector<16xf32>,
        %mul3A_333 = arith.constant 16 : i32
        %mul3A_334 = arith.muli %scan3A_280, %mul3A_333 : i32
        %get3A_335 = arith.constant 5 : i32
        %get3A_336 = arith.index_cast %get3A_335 : i32 to index
        %get3A_337 = arith.index_cast %mul3A_334 : i32 to index
        %get3A_338 = tpu.vector_load %arg5[%get3A_336, %get3A_337] {strides = array<i32>} : memref<16x1032xf32, #tpu.memory_space<vmem>>, vector<16xf32>,
        %add3A_339 = arith.constant 5 : i32
        %add3A_340 = arith.addi %mul3A_282, %add3A_339 : i32
        %add3A_341 = vector.broadcast %add3A_340 : i32 to vector<16xi32>
        %add3A_342 = arith.addi %mul3A_91, %add3A_341 : vector<16xi32>
        tpu.vector_store_idx %arg7[%add3A_342], %get3A_338 : memref<16384xf32, #tpu.memory_space<vmem>>[vector<16xi32>], vector<16xf32>,
        %mul3A_343 = arith.constant 16 : i32
        %mul3A_344 = arith.muli %scan3A_280, %mul3A_343 : i32
        %get3A_345 = arith.constant 6 : i32
        %get3A_346 = arith.index_cast %get3A_345 : i32 to index
        %get3A_347 = arith.index_cast %mul3A_344 : i32 to index
        %get3A_348 = tpu.vector_load %arg5[%get3A_346, %get3A_347] {strides = array<i32>} : memref<16x1032xf32, #tpu.memory_space<vmem>>, vector<16xf32>,
        %add3A_349 = arith.constant 6 : i32
        %add3A_350 = arith.addi %mul3A_282, %add3A_349 : i32
        %add3A_351 = vector.broadcast %add3A_350 : i32 to vector<16xi32>
        %add3A_352 = arith.addi %mul3A_91, %add3A_351 : vector<16xi32>
        tpu.vector_store_idx %arg7[%add3A_352], %get3A_348 : memref<16384xf32, #tpu.memory_space<vmem>>[vector<16xi32>], vector<16xf32>,
        %mul3A_353 = arith.constant 16 : i32
        %mul3A_354 = arith.muli %scan3A_280, %mul3A_353 : i32
        %get3A_355 = arith.constant 7 : i32
        %get3A_356 = arith.index_cast %get3A_355 : i32 to index
        %get3A_357 = arith.index_cast %mul3A_354 : i32 to index
        %get3A_358 = tpu.vector_load %arg5[%get3A_356, %get3A_357] {strides = array<i32>} : memref<16x1032xf32, #tpu.memory_space<vmem>>, vector<16xf32>,
        %add3A_359 = arith.constant 7 : i32
        %add3A_360 = arith.addi %mul3A_282, %add3A_359 : i32
        %add3A_361 = vector.broadcast %add3A_360 : i32 to vector<16xi32>
        %add3A_362 = arith.addi %mul3A_91, %add3A_361 : vector<16xi32>
        tpu.vector_store_idx %arg7[%add3A_362], %get3A_358 : memref<16384xf32, #tpu.memory_space<vmem>>[vector<16xi32>], vector<16xf32>,
        %mul3A_363 = arith.constant 16 : i32
        %mul3A_364 = arith.muli %scan3A_280, %mul3A_363 : i32
        %get3A_365 = arith.constant 8 : i32
        %get3A_366 = arith.index_cast %get3A_365 : i32 to index
        %get3A_367 = arith.index_cast %mul3A_364 : i32 to index
        %get3A_368 = tpu.vector_load %arg5[%get3A_366, %get3A_367] {strides = array<i32>} : memref<16x1032xf32, #tpu.memory_space<vmem>>, vector<16xf32>,
        %add3A_369 = arith.constant 8 : i32
        %add3A_370 = arith.addi %mul3A_282, %add3A_369 : i32
        %add3A_371 = vector.broadcast %add3A_370 : i32 to vector<16xi32>
        %add3A_372 = arith.addi %mul3A_91, %add3A_371 : vector<16xi32>
        tpu.vector_store_idx %arg7[%add3A_372], %get3A_368 : memref<16384xf32, #tpu.memory_space<vmem>>[vector<16xi32>], vector<16xf32>,
        %mul3A_373 = arith.constant 16 : i32
        %mul3A_374 = arith.muli %scan3A_280, %mul3A_373 : i32
        %get3A_375 = arith.constant 9 : i32
        %get3A_376 = arith.index_cast %get3A_375 : i32 to index
        %get3A_377 = arith.index_cast %mul3A_374 : i32 to index
        %get3A_378 = tpu.vector_load %arg5[%get3A_376, %get3A_377] {strides = array<i32>} : memref<16x1032xf32, #tpu.memory_space<vmem>>, vector<16xf32>,
        %add3A_379 = arith.constant 9 : i32
        %add3A_380 = arith.addi %mul3A_282, %add3A_379 : i32
        %add3A_381 = vector.broadcast %add3A_380 : i32 to vector<16xi32>
        %add3A_382 = arith.addi %mul3A_91, %add3A_381 : vector<16xi32>
        tpu.vector_store_idx %arg7[%add3A_382], %get3A_378 : memref<16384xf32, #tpu.memory_space<vmem>>[vector<16xi32>], vector<16xf32>,
        %mul3A_383 = arith.constant 16 : i32
        %mul3A_384 = arith.muli %scan3A_280, %mul3A_383 : i32
        %get3A_385 = arith.constant 10 : i32
        %get3A_386 = arith.index_cast %get3A_385 : i32 to index
        %get3A_387 = arith.index_cast %mul3A_384 : i32 to index
        %get3A_388 = tpu.vector_load %arg5[%get3A_386, %get3A_387] {strides = array<i32>} : memref<16x1032xf32, #tpu.memory_space<vmem>>, vector<16xf32>,
        %add3A_389 = arith.constant 10 : i32
        %add3A_390 = arith.addi %mul3A_282, %add3A_389 : i32
        %add3A_391 = vector.broadcast %add3A_390 : i32 to vector<16xi32>
        %add3A_392 = arith.addi %mul3A_91, %add3A_391 : vector<16xi32>
        tpu.vector_store_idx %arg7[%add3A_392], %get3A_388 : memref<16384xf32, #tpu.memory_space<vmem>>[vector<16xi32>], vector<16xf32>,
        %mul3A_393 = arith.constant 16 : i32
        %mul3A_394 = arith.muli %scan3A_280, %mul3A_393 : i32
        %get3A_395 = arith.constant 11 : i32
        %get3A_396 = arith.index_cast %get3A_395 : i32 to index
        %get3A_397 = arith.index_cast %mul3A_394 : i32 to index
        %get3A_398 = tpu.vector_load %arg5[%get3A_396, %get3A_397] {strides = array<i32>} : memref<16x1032xf32, #tpu.memory_space<vmem>>, vector<16xf32>,
        %add3A_399 = arith.constant 11 : i32
        %add3A_400 = arith.addi %mul3A_282, %add3A_399 : i32
        %add3A_401 = vector.broadcast %add3A_400 : i32 to vector<16xi32>
        %add3A_402 = arith.addi %mul3A_91, %add3A_401 : vector<16xi32>
        tpu.vector_store_idx %arg7[%add3A_402], %get3A_398 : memref<16384xf32, #tpu.memory_space<vmem>>[vector<16xi32>], vector<16xf32>,
        %mul3A_403 = arith.constant 16 : i32
        %mul3A_404 = arith.muli %scan3A_280, %mul3A_403 : i32
        %get3A_405 = arith.constant 12 : i32
        %get3A_406 = arith.index_cast %get3A_405 : i32 to index
        %get3A_407 = arith.index_cast %mul3A_404 : i32 to index
        %get3A_408 = tpu.vector_load %arg5[%get3A_406, %get3A_407] {strides = array<i32>} : memref<16x1032xf32, #tpu.memory_space<vmem>>, vector<16xf32>,
        %add3A_409 = arith.constant 12 : i32
        %add3A_410 = arith.addi %mul3A_282, %add3A_409 : i32
        %add3A_411 = vector.broadcast %add3A_410 : i32 to vector<16xi32>
        %add3A_412 = arith.addi %mul3A_91, %add3A_411 : vector<16xi32>
        tpu.vector_store_idx %arg7[%add3A_412], %get3A_408 : memref<16384xf32, #tpu.memory_space<vmem>>[vector<16xi32>], vector<16xf32>,
        %mul3A_413 = arith.constant 16 : i32
        %mul3A_414 = arith.muli %scan3A_280, %mul3A_413 : i32
        %get3A_415 = arith.constant 13 : i32
        %get3A_416 = arith.index_cast %get3A_415 : i32 to index
        %get3A_417 = arith.index_cast %mul3A_414 : i32 to index
        %get3A_418 = tpu.vector_load %arg5[%get3A_416, %get3A_417] {strides = array<i32>} : memref<16x1032xf32, #tpu.memory_space<vmem>>, vector<16xf32>,
        %add3A_419 = arith.constant 13 : i32
        %add3A_420 = arith.addi %mul3A_282, %add3A_419 : i32
        %add3A_421 = vector.broadcast %add3A_420 : i32 to vector<16xi32>
        %add3A_422 = arith.addi %mul3A_91, %add3A_421 : vector<16xi32>
        tpu.vector_store_idx %arg7[%add3A_422], %get3A_418 : memref<16384xf32, #tpu.memory_space<vmem>>[vector<16xi32>], vector<16xf32>,
        %mul3A_423 = arith.constant 16 : i32
        %mul3A_424 = arith.muli %scan3A_280, %mul3A_423 : i32
        %get3A_425 = arith.constant 14 : i32
        %get3A_426 = arith.index_cast %get3A_425 : i32 to index
        %get3A_427 = arith.index_cast %mul3A_424 : i32 to index
        %get3A_428 = tpu.vector_load %arg5[%get3A_426, %get3A_427] {strides = array<i32>} : memref<16x1032xf32, #tpu.memory_space<vmem>>, vector<16xf32>,
        %add3A_429 = arith.constant 14 : i32
        %add3A_430 = arith.addi %mul3A_282, %add3A_429 : i32
        %add3A_431 = vector.broadcast %add3A_430 : i32 to vector<16xi32>
        %add3A_432 = arith.addi %mul3A_91, %add3A_431 : vector<16xi32>
        tpu.vector_store_idx %arg7[%add3A_432], %get3A_428 : memref<16384xf32, #tpu.memory_space<vmem>>[vector<16xi32>], vector<16xf32>,
        %mul3A_433 = arith.constant 16 : i32
        %mul3A_434 = arith.muli %scan3A_280, %mul3A_433 : i32
        %get3A_435 = arith.constant 15 : i32
        %get3A_436 = arith.index_cast %get3A_435 : i32 to index
        %get3A_437 = arith.index_cast %mul3A_434 : i32 to index
        %get3A_438 = tpu.vector_load %arg5[%get3A_436, %get3A_437] {strides = array<i32>} : memref<16x1032xf32, #tpu.memory_space<vmem>>, vector<16xf32>,
        %add3A_439 = arith.constant 15 : i32
        %add3A_440 = arith.addi %mul3A_282, %add3A_439 : i32
        %add3A_441 = vector.broadcast %add3A_440 : i32 to vector<16xi32>
        %add3A_442 = arith.addi %mul3A_91, %add3A_441 : vector<16xi32>
        tpu.vector_store_idx %arg7[%add3A_442], %get3A_438 : memref<16384xf32, #tpu.memory_space<vmem>>[vector<16xi32>], vector<16xf32>,
        %scan3A_443 = arith.constant 0 : i32
        scf.yield %scan3A_443 : i32
      }
      %scan3A_98 = arith.constant 32 : i32
      %dma_start3A_99 = arith.constant 0 : i32
      %dma_start3A_100 = tpu.memref_slice %arg7[%dma_start3A_99] : memref<16384xf32, #tpu.memory_space<vmem>> -> memref<8192xf32, #tpu.memory_space<vmem>>
      %dma_start3A_101 = arith.constant 15990784 : i32
      %dma_start3A_102 = tpu.memref_slice %arg4[%dma_start3A_101] : memref<16000000xf32, #tpu.memory_space<hbm>> -> memref<8192xf32, #tpu.memory_space<hbm>>
      %dma_start3A_103 = arith.constant 15990784 : i32
      %dma_start3A_104 = tpu.memref_slice %arg4[%dma_start3A_103] : memref<16000000xf32, #tpu.memory_space<hbm>> -> memref<8192xf32, #tpu.memory_space<hbm>>
      %dma_start3A_105 = arith.constant 0 : i32
      %dma_start3A_106 = tpu.memref_slice %arg7[%dma_start3A_105] : memref<16384xf32, #tpu.memory_space<vmem>> -> memref<8192xf32, #tpu.memory_space<vmem>>
      tpu.enqueue_dma source(%dma_start3A_106 : memref<8192xf32, #tpu.memory_space<vmem>>) target(%dma_start3A_104 : memref<8192xf32, #tpu.memory_space<hbm>>) target_semaphore(%arg11 : memref<!tpu.dma_semaphore, #tpu.memory_space<semaphore_mem>>)
      %dma_wait3A_107 = arith.constant 0 : i32
      %dma_wait3A_108 = tpu.memref_slice %arg7[%dma_wait3A_107] : memref<16384xf32, #tpu.memory_space<vmem>> -> memref<8192xf32, #tpu.memory_space<vmem>>
      %dma_wait3A_109 = arith.constant 15990784 : i32
      %dma_wait3A_110 = tpu.memref_slice %arg4[%dma_wait3A_109] : memref<16000000xf32, #tpu.memory_space<hbm>> -> memref<8192xf32, #tpu.memory_space<hbm>>
      %dma_wait3A_111 = arith.constant 15990784 : i32
      %dma_wait3A_112 = tpu.memref_slice %arg4[%dma_wait3A_111] : memref<16000000xf32, #tpu.memory_space<hbm>> -> memref<8192xf32, #tpu.memory_space<hbm>>
      %dma_wait3A_113 = arith.constant 0 : i32
      %dma_wait3A_114 = tpu.memref_slice %arg7[%dma_wait3A_113] : memref<16384xf32, #tpu.memory_space<vmem>> -> memref<8192xf32, #tpu.memory_space<vmem>>
      tpu.wait_dma2 semaphore(%arg11 : memref<!tpu.dma_semaphore, #tpu.memory_space<semaphore_mem>>) src(%dma_wait3A_114 : memref<8192xf32, #tpu.memory_space<vmem>>) dst(%dma_wait3A_112 : memref<8192xf32, #tpu.memory_space<hbm>>)
      "tpu.region"() ({
        %run_scoped3A = tpu.sem_alloc : memref<!tpu.dma_semaphore, #tpu.memory_space<semaphore_mem>>
        %dma_start3A_115 = arith.constant 0 : i32
        %dma_start3A_116 = tpu.memref_slice %arg8[%dma_start3A_115] : memref<16384xf32, #tpu.memory_space<vmem>> -> memref<1024xf32, #tpu.memory_space<vmem>>
        %dma_start3A_117 = arith.constant 0 : i32
        %dma_start3A_118 = tpu.memref_slice %arg8[%dma_start3A_117] : memref<16384xf32, #tpu.memory_space<vmem>> -> memref<1024xf32, #tpu.memory_space<vmem>>
        tpu.enqueue_dma source(%arg3 : memref<1024xf32, #tpu.memory_space<hbm>>) target(%dma_start3A_118 : memref<1024xf32, #tpu.memory_space<vmem>>) target_semaphore(%run_scoped3A : memref<!tpu.dma_semaphore, #tpu.memory_space<semaphore_mem>>)
        %dma_wait3A_119 = arith.constant 0 : i32
        %dma_wait3A_120 = tpu.memref_slice %arg8[%dma_wait3A_119] : memref<16384xf32, #tpu.memory_space<vmem>> -> memref<1024xf32, #tpu.memory_space<vmem>>
        %dma_wait3A_121 = arith.constant 0 : i32
        %dma_wait3A_122 = tpu.memref_slice %arg8[%dma_wait3A_121] : memref<16384xf32, #tpu.memory_space<vmem>> -> memref<1024xf32, #tpu.memory_space<vmem>>
        tpu.wait_dma2 semaphore(%run_scoped3A : memref<!tpu.dma_semaphore, #tpu.memory_space<semaphore_mem>>) src(%arg3 : memref<1024xf32, #tpu.memory_space<hbm>>) dst(%dma_wait3A_122 : memref<1024xf32, #tpu.memory_space<vmem>>)
        tpu.yield
      }) : () -> ()
      "tpu.region"() ({
        %run_scoped3A = tpu.sem_alloc : memref<!tpu.dma_semaphore, #tpu.memory_space<semaphore_mem>>
        %dma_start3A_115 = arith.constant 0 : i32
        %dma_start3A_116 = tpu.memref_slice %arg8[%dma_start3A_115] : memref<16384xf32, #tpu.memory_space<vmem>> -> memref<1024xf32, #tpu.memory_space<vmem>>
        %dma_start3A_117 = arith.constant 15998976 : i32
        %dma_start3A_118 = tpu.memref_slice %arg4[%dma_start3A_117] : memref<16000000xf32, #tpu.memory_space<hbm>> -> memref<1024xf32, #tpu.memory_space<hbm>>
        %dma_start3A_119 = arith.constant 15998976 : i32
        %dma_start3A_120 = tpu.memref_slice %arg4[%dma_start3A_119] : memref<16000000xf32, #tpu.memory_space<hbm>> -> memref<1024xf32, #tpu.memory_space<hbm>>
        %dma_start3A_121 = arith.constant 0 : i32
        %dma_start3A_122 = tpu.memref_slice %arg8[%dma_start3A_121] : memref<16384xf32, #tpu.memory_space<vmem>> -> memref<1024xf32, #tpu.memory_space<vmem>>
        tpu.enqueue_dma source(%dma_start3A_122 : memref<1024xf32, #tpu.memory_space<vmem>>) target(%dma_start3A_120 : memref<1024xf32, #tpu.memory_space<hbm>>) target_semaphore(%run_scoped3A : memref<!tpu.dma_semaphore, #tpu.memory_space<semaphore_mem>>)
        %dma_wait3A_123 = arith.constant 0 : i32
        %dma_wait3A_124 = tpu.memref_slice %arg8[%dma_wait3A_123] : memref<16384xf32, #tpu.memory_space<vmem>> -> memref<1024xf32, #tpu.memory_space<vmem>>
        %dma_wait3A_125 = arith.constant 15998976 : i32
        %dma_wait3A_126 = tpu.memref_slice %arg4[%dma_wait3A_125] : memref<16000000xf32, #tpu.memory_space<hbm>> -> memref<1024xf32, #tpu.memory_space<hbm>>
        %dma_wait3A_127 = arith.constant 15998976 : i32
        %dma_wait3A_128 = tpu.memref_slice %arg4[%dma_wait3A_127] : memref<16000000xf32, #tpu.memory_space<hbm>> -> memref<1024xf32, #tpu.memory_space<hbm>>
        %dma_wait3A_129 = arith.constant 0 : i32
        %dma_wait3A_130 = tpu.memref_slice %arg8[%dma_wait3A_129] : memref<16384xf32, #tpu.memory_space<vmem>> -> memref<1024xf32, #tpu.memory_space<vmem>>
        tpu.wait_dma2 semaphore(%run_scoped3A : memref<!tpu.dma_semaphore, #tpu.memory_space<semaphore_mem>>) src(%dma_wait3A_130 : memref<1024xf32, #tpu.memory_space<vmem>>) dst(%dma_wait3A_128 : memref<1024xf32, #tpu.memory_space<hbm>>)
        tpu.yield
      }) : () -> ()
    } else {
    }
    return
  }
}

</mosaic_0001>

<sc_bundles>
// kernel: kernel.4.cloned.1.call-start
scs
__scs_entry_jumppad:
0x0: {  	(pc) =	sbr.rel $0x88, $3  }
0x1: {  	(tag) =	ssettag $0x0;
	lr =	simm.s32 $0x1  }
0x2: {  	[smem:$0x3F9F] =	sst lr;
	_ =	strace $0xD0000000  }
0x3: {  	_ = 	snop  }
0x4: {  	_ = 	snop  }
0x5: {  	_ = 	snop  }
0x6: {  	_ = 	snop  }
0x7: {  	_ = 	snop  }
__scs_overlays_trampoline_lowered:
0x8: {  	[smem:$0x3FAE] =	sst s0  }
0x9: {  	[smem:$0x3FAF] =	sst s1  }
0xa: {  	[smem:$0x3FB0] =	sst s2  }
0xb: {  	[smem:$0x3FB1] =	sst s3  }
0xc: {  	[smem:$0x3FB2] =	sst s4  }
0xd: {  	[smem:$0x3FB3] =	sst s5  }
0xe: {  	[smem:$0x3FB4] =	sst s6  }
0xf: {  	[smem:$0x3FB5] =	sst s7  }
0x10: {  	[smem:$0x3FB6] =	sst s8  }
0x11: {  	[smem:$0x3FB7] =	sst s9;
	s0 =	simm.s32 @!p0 $0x0  }
0x12: {  	s1 =	sld [smem:$0x3F9D];
	s0 =	simm.s32 @p0 $0x1  }
0x13: {  	[smem:$0x3FB8] =	sst s0;
	s0 =	simm.s32 @!p1 $0x0  }
0x14: {  	s2 =	sld [smem:$0x3F9C];
	s0 =	simm.s32 @p1 $0x1  }
0x15: {  	[smem:$0x3FB9] =	sst s0;
	s0 =	simm.s32 @!p2 $0x0  }
0x16: {  	s3 =	sld [smem:$0x3FDB];
	s0 =	simm.s32 @p2 $0x1  }
0x17: {  	s4 =	simm.s32 $0x1BF5;
	[smem:$0x3FBB] =	sst s0  }
0x18: {  	s0 =	sld [smem:$0x3F9E];
	_ =	swait.ge [sflag:s4], $0x0  }
0x19: {  	s7 =	sld [smem:$0x3F9F]  }
0x1a: {  	s8 =	sadd.s32 $0xFFFFE003, lr  }
0x1b: {  	s9 =	sadd.s32 $0xFFFFFEF7, lr;
	s5 =	simm.s32 $0xFFFFFFFF;
	p2 =	slt.u32 s8, $0xFFFFF086  }
0x1c: {  	p1 =	slt.u32 s9, $0xF7A;
	s5 =	simm.s32 @!p2 $0x0  }
0x1d: {  	s5 =	simm.s32 @p1 $0x1;
	p0 =	seq.s32 s7, s2  }
0x1e: {  	s7 =	smul.u32 @!p0 $0xF7A, s2;
	p2 =	seq.s32 @!p0 s5, $0x0  }
0x1f: {  	s9 =	smul.u32 $0xF7A, s1;
	s8 =	simm.s32 @!p0 $0x1BF5;
	p2 =	por !p2, p0  }
0x20: {  	[sflag:s8] =	ssyncset.s32 @!p0 $0xFFFFF086;
	s6 =	sadd.s32 @!p0 s3, s7;
	s7 =	simm.s32 @!p0 $0x108  }
0x21: {  	s3 =	sadd.s32 s3, s9;
	s6 =	sadd.s32 @!p0 $0x88, s6;
	s7 =	simm.s32 @p2 $0x1082  }
0x22: {  	[simem:s7], [sflag:s8] =	dma.local @!p0 [hbm:s6], $0xF7A  }
0x23: {  	s9 =	sor.u32 $0xD0000000, s2;
	s6 =	simm.s32 $0x108;
	_ =	swait.ge @!p0 [sflag:s8], $0x0  }
0x24: {  	s3 =	sadd.s32 $0x88, s3;
	s6 =	simm.s32 @!p1 $0x1082;
	[sflag:s4] =	ssyncset.s32 $0xFFFFF086  }
0x25: {  	[simem:s6], [sflag:s4] =	dma.local [hbm:s3], $0xF7A  }
0x26: {  	[smem:$0x3F9F] =	sst s1;
	(tag) =	ssettag s2;
	_ =	strace s9  }
0x27: {  	s1 =	sld [smem:$0x3FAF]  }
0x28: {  	s2 =	sld [smem:$0x3FB0]  }
0x29: {  	s4 =	sld [smem:$0x3FB2]  }
0x2a: {  	p0 =	seq.s32 s5, $0x0;
	s5 =	sld [smem:$0x3FB3]  }
0x2b: {  	s6 =	sld [smem:$0x3FB4]  }
0x2c: {  	s7 =	sld [smem:$0x3FB5]  }
0x2d: {  	s3 =	simm.s32 $0x108;
	s8 =	sld [smem:$0x3FB6]  }
0x2e: {  	s3 =	simm.s32 @!p0 $0x1082;
	s9 =	sld [smem:$0x3FB7]  }
0x2f: {  	lr =	sadd.s32 s0, s3;
	s0 =	sld [smem:$0x3FAE]  }
0x30: {  	s3 =	sld [smem:$0x3FB1]  }
0x31: {  	[smem:$0x3FBA] =	sst s10  }
0x32: {  	s10 =	sld [smem:$0x3FB8];
	_ =	sdelay $0x3  }
0x33: {  	p0 =	seq.s32 s10, $0x1;
	s10 =	sld [smem:$0x3FBA];
	_ =	sdelay $0x3  }
0x34: {  	[smem:$0x3FBA] =	sst s10  }
0x35: {  	s10 =	sld [smem:$0x3FB9];
	_ =	sdelay $0x3  }
0x36: {  	p1 =	seq.s32 s10, $0x1;
	s10 =	sld [smem:$0x3FBA];
	_ =	sdelay $0x3  }
0x37: {  	[smem:$0x3FBA] =	sst s10  }
0x38: {  	s10 =	sld [smem:$0x3FBB]  }
0x39: {  	_ = 	snop;
	(pc) =	sbr.ind lr, $3  }
0x3a: {  	_ = 	snop  }
0x3b: {  	_ = 	snop  }
0x3c: {  	p2 =	seq.s32 s10, $0x1;
	s10 =	sld [smem:$0x3FBA]  }
0x3d: {  	_ =	shalt  }
0x3e: {  	_ =	shalt  }
0x3f: {  	_ =	shalt  }
0x40: {  	_ =	shalt  }
0x41: {  	_ =	shalt  }
0x42: {  	_ =	shalt  }
0x43: {  	_ =	shalt  }
0x44: {  	_ =	shalt  }
0x45: {  	_ =	shalt  }
0x46: {  	_ =	shalt  }
0x47: {  	_ =	shalt  }
0x48: {  	_ =	shalt  }
0x49: {  	_ =	shalt  }
0x4a: {  	_ =	shalt  }
0x4b: {  	_ =	shalt  }
0x4c: {  	_ =	shalt  }
0x4d: {  	_ =	shalt  }
0x4e: {  	_ =	shalt  }
0x4f: {  	_ =	shalt  }
0x50: {  	_ =	shalt  }
0x51: {  	_ =	shalt  }
0x52: {  	_ =	shalt  }
0x53: {  	_ =	shalt  }
0x54: {  	_ =	shalt  }
0x55: {  	_ =	shalt  }
0x56: {  	_ =	shalt  }
0x57: {  	_ =	shalt  }
0x58: {  	_ =	shalt  }
0x59: {  	_ =	shalt  }
0x5a: {  	_ =	shalt  }
0x5b: {  	_ =	shalt  }
0x5c: {  	_ =	shalt  }
0x5d: {  	_ =	shalt  }
0x5e: {  	_ =	shalt  }
0x5f: {  	_ =	shalt  }
0x60: {  	_ =	shalt  }
0x61: {  	_ =	shalt  }
0x62: {  	_ =	shalt  }
0x63: {  	_ =	shalt  }
0x64: {  	_ =	shalt  }
0x65: {  	_ =	shalt  }
0x66: {  	_ =	shalt  }
0x67: {  	_ =	shalt  }
0x68: {  	_ =	shalt  }
0x69: {  	_ =	shalt  }
0x6a: {  	_ =	shalt  }
0x6b: {  	_ =	shalt  }
0x6c: {  	_ =	shalt  }
0x6d: {  	_ =	shalt  }
0x6e: {  	_ =	shalt  }
0x6f: {  	_ =	shalt  }
0x70: {  	_ =	shalt  }
0x71: {  	_ =	shalt  }
0x72: {  	_ =	shalt  }
0x73: {  	_ =	shalt  }
0x74: {  	_ =	shalt  }
0x75: {  	_ =	shalt  }
0x76: {  	_ =	shalt  }
0x77: {  	_ =	shalt  }
0x78: {  	_ =	shalt  }
0x79: {  	_ =	shalt  }
0x7a: {  	_ =	shalt  }
0x7b: {  	_ =	shalt  }
0x7c: {  	_ =	shalt  }
0x7d: {  	_ =	shalt  }
0x7e: {  	_ =	shalt  }
0x7f: {  	_ =	shalt  }
0x80: {  	_ =	shalt  }
0x81: {  	_ =	shalt  }
0x82: {  	_ =	shalt  }
0x83: {  	_ =	shalt  }
0x84: {  	_ =	shalt  }
0x85: {  	_ =	shalt  }
0x86: {  	_ =	shalt  }
0x87: {  	_ =	shalt  }
.Lfunc_end0:
.L_simem_size_0:
called_computation_lowered:
.L_overlay_start_0:
0x88: {  	s2 =	sld [smem:$0x3FD9]  }
0x89: {  	s3 =	sld [smem:$0x3FFE];
	_ =	sdelay $0x1  }
0x8a: {  	s1 =	srdreg.scid  }
0x8b: {  	s0 =	sand.u32 $0x1, s1  }
0x8c: {  	s17 =	sshll.u32 s0, $0xA;
	s2 =	sadd.s32 s3, s2  }
0x8d: {  	s2 =	sadd.s32 s2, s17  }
0x8e: {  	[smem:$0x3FC6] =	sst s2  }
0x8f: {  	_ = 	snop  }
0x90: {  	s2 =	sld [smem:$0x3FC8]  }
0x91: {  	s18 =	sld [smem:$0x3FD0];
	(tm) =	ssettm $0x1  }
0x92: {  	s4 =	sld [smem:$0x3FFB];
	_ =	sdelay $0x3  }
0x93: {  	_ =	strace s4  }
0x94: {  	s4 =	sld [smem:$0x3FFC];
	_ =	sdelay $0x3  }
0x95: {  	_ =	strace s4  }
0x96: {  	s4 =	sld [smem:$0x3FFD];
	_ =	sdelay $0x3  }
0x97: {  	_ =	strace s4  }
0x98: {  	_ =	strace $0x8FFFFFFF  }
0x99: {  	s19 =	sld [smem:$0x3FDB];
	_ =	sdelay $0x1  }
0x9a: {  	s5 =	simm.s32 $_scs_section_size  }
0x9b: {  	s6 =	simm.s32 $_size__tile_overlayer_lowered;
	s7 =	simm.s32 $_tile_overlayer_lowered  }
0x9c: {  	s22 =	simm.s32 $0x1BFF;
	s21 =	sshll.u32 s7, $0x1;
	s4 =	sadd.s32 s5, s19  }
0x9d: {  	s8 =	simm.s32 $0x0;
	s20 =	sshll.u32 s6, $0x1;
	s6 =	sadd.s32 s21, s4  }
0x9e: {  	[timem:s8], [sflag:s22] =	dma.local [hbm:s6], s20  }
0x9f: {  	_ =	swait.ge [sflag:s22], s20  }
0xa0: {  	s5 =	ssub.s32 $0x0, s20;
	[sflag:s22] =	ssyncset.done $0x0  }
0xa1: {  	[sflag:s22] =	ssyncadd.s32 s5;
	_ =	sdelay $0x1  }
0xa2: {  	s23 =	simm.s32 $0x1B8B  }
0xa3: {  	_ =	swait.ge [sflag:s23], $0x1  }
0xa4: {  	[sflag:s23] =	ssyncset.done $0x0  }
0xa5: {  	s25 =	simm.s32 $0x1B8E;
	s24 =	sld [smem:$0x3FFE];
	[sflag:s23] =	ssyncadd.s32 $0xFFFFFFFF  }
0xa6: {  	s26 =	simm.s32 $execute0_lowered;
	[smem:$0x3FD2] =	sst s25  }
0xa7: {  	s6 =	sshll.u32 s26, $0x1;
	_ =	strace $0x80000046;
	[dreg:$0x1] =	wrdreg $0xFFFFFFFF  }
0xa8: {  	s28 =	simm.s32 $_size_execute0_lowered;
	s4 =	sadd.s32 s4, s6;
	[dreg:$0x0] =	wrdreg $0x0  }
0xa9: {  	s6 =	sshll.u32 s28, $0x1;
	[dreg:$0x2] =	wrdreg s4  }
0xaa: {  	[dreg:$0x3] =	wrdreg s6  }
0xab: {  	[dreg:$0x4] =	wrdreg $0xC0  }
0xac: {  	_ =	task [dreg:s8], $0x5FFFF  }
0xad: {  	[dreg:$0x1] =	wrdreg $0xFFFFFFFF  }
0xae: {  	[dreg:$0x0] =	wrdreg $0x60  }
0xaf: {  	[dreg:$0x2] =	wrdreg s2  }
0xb0: {  	[dreg:$0x3] =	wrdreg s18  }
0xb1: {  	[dreg:$0x4] =	wrdreg s24  }
0xb2: {  	[dreg:$0x5] =	wrdreg $0x9  }
0xb3: {  	_ =	task.clear_ibuf [dreg:s8], $0x6FFFF;
	_ =	strace $0x90000046  }
0xb4: {  	s29 =	simm.s32 $0x9;
	_ =	strace $0x80000048  }
0xb5: {  	_ =	swait.ge [sflag:s29], $0x1  }
0xb6: {  	[sflag:s29] =	ssyncadd.s32 $0xFFFFFFFF  }
0xb7: {  	_ =	strace $0x90000048  }
0xb8: {  	_ =	sfence  }
0xb9: {  	s30 =	sld [smem:$0x0];
	_ =	sdelay $0x2  }
0xba: {  	s31 =	sshll.u32 s1, $0xD;
	s1 =	sshrl.u32 s1, $0x2  }
0xbb: {  	s3 =	sand.u32 $0x4000, s31;
	s1 =	sadd.s32 s1, s30  }
0xbc: {  	s0 =	sor.u32 s3, s0;
	s1 =	sshll.u32 s1, $0x11  }
0xbd: {  	s0 =	sor.u32 s1, s0  }
0xbe: {  	s0 =	sadd.s32 $0x8F2B, s0  }
0xbf: {  	[sflag:s0] =	ssyncadd.remote.s32 $0x1  }
0xc0: {  	_ =	sfence.sel $0xFFFF  }
0xc1: {  	[dreg:$0x0] =	wrdreg $0xFFFFFFFF;
	(pc) =	sbr.abs _section_cstart, $3  }
0xc2: {  	[dreg:$0x1] =	wrdreg $0xFFFFFFFF  }
0xc3: {  	_ =	task.clear_ibuf [dreg:s8], $0x2FFFF;
	_ =	strace $0x9FFFFFFF  }
0xc4: {  	(tm) =	ssettm $0x7FFFFFFF  }
0xc5: {  	_ =	shalt  }
tec
execute0_lowered:
.L_overlay_start_1:
0x0: {  	(tag) =	ssettag $0x1  }
0x1: {  	s1 =	rddreg [dreg:$0x0]  }
0x2: {  	s0 =	rddreg [dreg:$0x2];
	s2 =	srdreg.scid  }
0x3: {  	s4 =	stileid.u32;
	s5 =	simm.s32 $0x0;
	s16 =	simm.s32 $0x1  }
0x4: {  	s17 =	simm.s32 $0x9000;
	s18 =	simm.s32 $0x3;
	s19 =	simm.s32 $0x2  }
0x5: {  	s20 =	simm.s32 $0xD000;
	s2 =	sand.u32 $0x1, s2;
	s3 =	sshll.u32 s4, $0x1  }
0x6: {  	[smem:$0x7FF] =	sst s5;
	p0 =	slt.u32 s4, $0x8;
	s28 =	sadd.s32 $0xF4000, s1  }
0x7: {  	s29 =	sadd.s32 $0x1E8280, s1;
	_ =	strace $0x80000047;
	[dreg:$0x6] =	wrdreg s28  }
0x8: {  	s30 =	sadd.s32 $0x1E8A00, s0;
	s3 =	sor.u32 s2, s3;
	[dreg:$0x7] =	wrdreg s29  }
0x9: {  	s2 =	ssub.s32 $0x2, s2;
	[dreg:$0x8] =	wrdreg s30;
	s24 =	sshll.u32 s3, $0xB  }
0xa: {  	s6 =	sshrl.u32 s2, $0x1;
	s5 =	sshll.u32 s3, $0xD;
	s9 =	sshll.u32 s3, $0xA  }
0xb: {  	s7 =	sadd.s32 s24, s0;
	s2 =	ssub.s32 s2, s6;
	s8 =	sshrl.u32 s5, $0x3  }
.Ltmp0:
0xc: {  	s6 =	simm.s32 $0x1F;
	s25 =	sadd.s32 s1, s9;
	(pc) =	sbr.rel .LBB2_1-.Ltmp0, $4  }
0xd: {  	s0 =	sadd.s32 $0x1E8E00, s0;
	s8 =	sadd.s32 s1, s8;
	[dreg:$0x4] =	wrdreg s25  }
0xe: {  	s6 =	simm.s32 @!p0 $0x1E;
	[dreg:$0x9] =	wrdreg s0;
	s31 =	smax.u32 s2, $0x1  }
0xf: {  	v0 =	vlaneseq.u32;
	s9 =	sadd.s32 $0xA00, s7;
	s26 =	sadd.s32 $0xF4280, s8;
	[dreg:$0xa] =	wrdreg s31  }
0x10: {  	v0 =	vmul.u32 $0x10, v0;
	p0 =	sne.s32 s3, $0x1F;
	s2 =	simm.s32 $0x0;
	[dreg:$0x5] =	wrdreg s26  }
.LBB2_15:
0x11: {  	s2 =	sadd.s32 $0x1, s2;
	s0 =	rddreg [dreg:$0xa]  }
0x12: {  	p1 =	sne.s32 s2, s0  }
.Ltmp1:
0x13: {  	_ = 	snop;
	(pc) =	sbr.rel @!p1 .LBB2_16-.Ltmp1, $1  }
0x14: {  	_ =	sdelay $0x3  }
.LBB2_1:
.Ltmp2:
0x15: {  	[dreg:$0xb] =	wrdreg s2;
	(pc) =	sbr.rel .LBB2_2-.Ltmp2, $4  }
0x16: {  	s0 =	simm.s32 $0x0;
	s30 =	rddreg [dreg:$0x4]  }
0x17: {  	[tilespmem:s0], [sflag:$0x1] =	stream.linear.gather [hbm4b:s30+s0], $0x2000, $0x38;
	[tilespmem:$0x11000] =	vst v63  }
0x18: {  	s31 =	rddreg [dreg:$0x5];
	s3 =	simm.s32 $0x2400;
	s23 =	simm.s32 $0x0  }
0x19: {  	[tilespmem:s3], [sflag:$0x1] =	stream.linear.gather [hbm4b:s31+s0], $0x2000, $0x38;
	[tilespmem:$0x11000] =	vst v63  }
.LBB2_10:
0x1a: {  	s23 =	sadd.s32 $0x1, s23  }
0x1b: {  	p1 =	sne.s32 s23, $0x10  }
.Ltmp3:
0x1c: {  	_ = 	snop;
	(pc) =	sbr.rel @!p1 .LBB2_11-.Ltmp3, $1  }
0x1d: {  	_ =	sdelay $0x3  }
.LBB2_2:
0x1e: {  	s24 =	sshllo.u32 s23, $0x1  }
0x1f: {  	p1 =	sge.u32 s24, s6  }
0x20: {  	s25 =	sshll.u32 s23, $0x1;
	s0 =	sshll.u32 @!p1 s24, $0x12  }
0x21: {  	p2 =	sge.u32 s25, s6;
	s0 =	sor.u32 @!p1 s5, s0  }
.Ltmp4:
0x22: {  	s0 =	sshrl.u32 @!p1 s0, $0x3;
	(pc) =	sbr.rel @p2 .LBB2_6-.Ltmp4, $4  }
0x23: {  	s2 =	simm.s32 @!p1 $0x0;
	s3 =	simm.s32 @!p1 $0x4800;
	s0 =	sadd.s32 @!p1 s1, s0  }
0x24: {  	[tilespmem:s3], [sflag:$0x2] =	stream.linear.gather @!p1 [hbm4b:s0+s2], $0x2000, $0x38;
	[tilespmem:$0x11000] =	vst v63  }
0x25: {  	s0 =	sadd.s32 @!p1 $0xF4280, s0;
	s3 =	simm.s32 @!p1 $0x6C00  }
0x26: {  	[tilespmem:s3], [sflag:$0x2] =	stream.linear.gather @!p1 [hbm4b:s0+s2], $0x2000, $0x38;
	[tilespmem:$0x11000] =	vst v63  }
0x27: {  	_ =	swait.ge [sflag:s16], $0x2000  }
0x28: {  	[sflag:s16] =	ssyncset.done $0x0  }
0x29: {  	[sflag:s16] =	ssyncadd.s32 $0xFFFFE000  }
0x2a: {  	s0 =	simm.s32 $0x0;
	_ =	swait.ge [sflag:s16], $0x2000  }
0x2b: {  	s12 =	sand.u32 $0x60, s0;
	s2 =	sand.u32 $0x1C00, s0;
	[sflag:s16] =	ssyncset.done $0x0  }
0x2c: {  	s3 =	simm.s32 $0x0;
	s7 =	sor.u32 s12, s2;
	[sflag:s16] =	ssyncadd.s32 $0xFFFFE000  }
0x2d: {  	v2 =	vor.u32 s3, v0;
	v1 =	vld [tilespmem:s7+$0x0];
	_ =	sdelay $0x4  }
0x2e: {  	s11 =	simm.s32 $0x1;
	[tilespmem:v2+s17+$0x0] =	vst.idx.msk $0xffff, v1  }
0x2f: {  	v2 =	vor.u32 s11, v0;
	v1 =	vld [tilespmem:s7+$0x80];
	_ =	sdelay $0x4  }
0x30: {  	s13 =	simm.s32 $0x2;
	[tilespmem:v2+s17+$0x0] =	vst.idx.msk $0xffff, v1  }
0x31: {  	v2 =	vor.u32 s13, v0;
	v1 =	vld [tilespmem:s7+$0x100];
	_ =	sdelay $0x4  }
0x32: {  	s14 =	simm.s32 $0x3;
	[tilespmem:v2+s17+$0x0] =	vst.idx.msk $0xffff, v1  }
0x33: {  	v2 =	vor.u32 s14, v0;
	v1 =	vld [tilespmem:s7+$0x180];
	_ =	sdelay $0x4  }
0x34: {  	s15 =	simm.s32 $0x4;
	[tilespmem:v2+s17+$0x0] =	vst.idx.msk $0xffff, v1  }
0x35: {  	v2 =	vor.u32 s15, v0;
	v1 =	vld [tilespmem:s7+$0x200];
	_ =	sdelay $0x4  }
0x36: {  	s21 =	simm.s32 $0x5;
	[tilespmem:v2+s17+$0x0] =	vst.idx.msk $0xffff, v1  }
0x37: {  	v2 =	vor.u32 s21, v0;
	v1 =	vld [tilespmem:s7+$0x280]  }
0x38: {  	s26 =	simm.s32 $0x0  }
0x39: {  	s22 =	sand.u32 $0x3, s26  }
0x3a: {  	s3 =	sshll.u32 s22, $0x5  }
0x3b: {  	s3 =	sadd.s32 $0x0, s3  }
0x3c: {  	s4 =	simm.s32 $0x6;
	s3 =	sor.u32 $0x300, s3;
	[tilespmem:v2+s17+$0x0] =	vst.idx.msk $0xffff, v1  }
0x3d: {  	v2 =	vor.u32 s4, v0;
	v1 =	vld [tilespmem:s3+$0x0];
	_ =	sdelay $0x3  }
0x3e: {  	s8 =	sor.u32 s0, s0  }
0x3f: {  	s10 =	simm.s32 $0x7;
	s3 =	sor.u32 $0x380, s8;
	[tilespmem:v2+s17+$0x0] =	vst.idx.msk $0xffff, v1  }
0x40: {  	v2 =	vor.u32 s10, v0;
	v1 =	vld [tilespmem:s3+$0x0];
	_ =	sdelay $0x3  }
0x41: {  	s3 =	sadd.s32 $0x2400, s2  }
0x42: {  	s8 =	simm.s32 $0x8;
	s11 =	sor.u32 s12, s3;
	[tilespmem:v2+s17+$0x0] =	vst.idx.msk $0xffff, v1  }
0x43: {  	v2 =	vor.u32 s8, v0;
	v1 =	vld [tilespmem:s11+$0x0];
	_ =	sdelay $0x3  }
0x44: {  	s7 =	sadd.s32 $0x2480, s2  }
0x45: {  	s13 =	sor.u32 s12, s7;
	s10 =	simm.s32 $0x9;
	[tilespmem:v2+s17+$0x0] =	vst.idx.msk $0xffff, v1  }
0x46: {  	v2 =	vor.u32 s10, v0;
	v1 =	vld [tilespmem:s13+$0x0];
	_ =	sdelay $0x3  }
0x47: {  	s8 =	sadd.s32 $0x2500, s2  }
0x48: {  	s14 =	sor.u32 s12, s8;
	s11 =	simm.s32 $0xA;
	[tilespmem:v2+s17+$0x0] =	vst.idx.msk $0xffff, v1  }
0x49: {  	v2 =	vor.u32 s11, v0;
	v1 =	vld [tilespmem:s14+$0x0];
	_ =	sdelay $0x3  }
0x4a: {  	s10 =	sadd.s32 $0x2580, s2  }
0x4b: {  	s15 =	sor.u32 s12, s10;
	s13 =	simm.s32 $0xB;
	[tilespmem:v2+s17+$0x0] =	vst.idx.msk $0xffff, v1  }
0x4c: {  	v2 =	vor.u32 s13, v0;
	v1 =	vld [tilespmem:s15+$0x0];
	_ =	sdelay $0x3  }
0x4d: {  	s11 =	sadd.s32 $0x2600, s2  }
0x4e: {  	s21 =	sor.u32 s12, s11;
	s14 =	simm.s32 $0xC;
	[tilespmem:v2+s17+$0x0] =	vst.idx.msk $0xffff, v1  }
0x4f: {  	v2 =	vor.u32 s14, v0;
	v1 =	vld [tilespmem:s21+$0x0];
	_ =	sdelay $0x3  }
0x50: {  	s13 =	sadd.s32 $0x2680, s2  }
0x51: {  	s22 =	sor.u32 s12, s13;
	s15 =	simm.s32 $0xD;
	[tilespmem:v2+s17+$0x0] =	vst.idx.msk $0xffff, v1  }
0x52: {  	v2 =	vor.u32 s15, v0;
	v1 =	vld [tilespmem:s22+$0x0];
	_ =	sdelay $0x3  }
0x53: {  	s15 =	sadd.s32 $0x2700, s2  }
0x54: {  	s21 =	simm.s32 $0xE;
	s4 =	sor.u32 s12, s15;
	[tilespmem:v2+s17+$0x0] =	vst.idx.msk $0xffff, v1  }
0x55: {  	v2 =	vor.u32 s21, v0;
	v1 =	vld [tilespmem:s4+$0x0];
	_ =	sdelay $0x3  }
0x56: {  	s14 =	sadd.s32 $0x2780, s2  }
0x57: {  	s12 =	sor.u32 s12, s14;
	s22 =	simm.s32 $0xF;
	[tilespmem:v2+s17+$0x0] =	vst.idx.msk $0xffff, v1  }
0x58: {  	v2 =	vor.u32 s22, v0;
	v1 =	vld [tilespmem:s12+$0x0];
	_ =	sdelay $0x2  }
0x59: {  	s21 =	simm.s32 $0x10  }
0x5a: {  	s12 =	sand.u32 $0x70, s21  }
0x5b: {  	s22 =	simm.s32 $0x100;
	s2 =	sor.u32 s12, s2;
	[tilespmem:v2+s17+$0x0] =	vst.idx.msk $0xffff, v1  }
0x5c: {  	v2 =	vor.u32 s22, v0;
	v1 =	vld [tilespmem:s2+$0x0];
	_ =	sdelay $0x4  }
0x5d: {  	s4 =	simm.s32 $0x101;
	[tilespmem:v2+s17+$0x0] =	vst.idx.msk $0xffff, v1  }
0x5e: {  	v2 =	vor.u32 s4, v0;
	v1 =	vld [tilespmem:s2+$0x80];
	_ =	sdelay $0x4  }
0x5f: {  	s4 =	simm.s32 $0x102;
	[tilespmem:v2+s17+$0x0] =	vst.idx.msk $0xffff, v1  }
0x60: {  	v2 =	vor.u32 s4, v0;
	v1 =	vld [tilespmem:s2+$0x100];
	_ =	sdelay $0x4  }
0x61: {  	s4 =	simm.s32 $0x103;
	[tilespmem:v2+s17+$0x0] =	vst.idx.msk $0xffff, v1  }
0x62: {  	v2 =	vor.u32 s4, v0;
	v1 =	vld [tilespmem:s2+$0x180];
	_ =	sdelay $0x4  }
0x63: {  	s4 =	simm.s32 $0x104;
	[tilespmem:v2+s17+$0x0] =	vst.idx.msk $0xffff, v1  }
0x64: {  	v2 =	vor.u32 s4, v0;
	v1 =	vld [tilespmem:s2+$0x200];
	_ =	sdelay $0x4  }
0x65: {  	s4 =	simm.s32 $0x105;
	[tilespmem:v2+s17+$0x0] =	vst.idx.msk $0xffff, v1  }
0x66: {  	v2 =	vor.u32 s4, v0;
	v1 =	vld [tilespmem:s2+$0x280]  }
0x67: {  	s22 =	sand.u32 $0x7, s26  }
0x68: {  	s2 =	sshll.u32 s22, $0x4  }
0x69: {  	s2 =	sadd.s32 $0x0, s2  }
0x6a: {  	s2 =	sadd.s32 $0x10, s2  }
0x6b: {  	s4 =	simm.s32 $0x106;
	s2 =	sor.u32 $0x300, s2;
	[tilespmem:v2+s17+$0x0] =	vst.idx.msk $0xffff, v1  }
0x6c: {  	v2 =	vor.u32 s4, v0;
	v1 =	vld [tilespmem:s2+$0x0];
	_ =	sdelay $0x3  }
0x6d: {  	s0 =	sor.u32 s21, s0  }
0x6e: {  	s0 =	sor.u32 $0x380, s0;
	s22 =	simm.s32 $0x107;
	[tilespmem:v2+s17+$0x0] =	vst.idx.msk $0xffff, v1  }
0x6f: {  	v2 =	vor.u32 s22, v0;
	v1 =	vld [tilespmem:s0+$0x0];
	_ =	sdelay $0x4  }
0x70: {  	s2 =	sor.u32 s12, s3;
	s3 =	simm.s32 $0x108;
	[tilespmem:v2+s17+$0x0] =	vst.idx.msk $0xffff, v1  }
0x71: {  	v2 =	vor.u32 s3, v0;
	v1 =	vld [tilespmem:s2+$0x0];
	_ =	sdelay $0x4  }
0x72: {  	s4 =	sor.u32 s12, s7;
	s7 =	simm.s32 $0x109;
	[tilespmem:v2+s17+$0x0] =	vst.idx.msk $0xffff, v1  }
0x73: {  	v2 =	vor.u32 s7, v0;
	v1 =	vld [tilespmem:s4+$0x0];
	_ =	sdelay $0x4  }
0x74: {  	s21 =	sor.u32 s12, s8;
	s22 =	simm.s32 $0x10A;
	[tilespmem:v2+s17+$0x0] =	vst.idx.msk $0xffff, v1  }
0x75: {  	v2 =	vor.u32 s22, v0;
	v1 =	vld [tilespmem:s21+$0x0];
	_ =	sdelay $0x4  }
0x76: {  	s3 =	sor.u32 s12, s10;
	s4 =	simm.s32 $0x10B;
	[tilespmem:v2+s17+$0x0] =	vst.idx.msk $0xffff, v1  }
0x77: {  	v2 =	vor.u32 s4, v0;
	v1 =	vld [tilespmem:s3+$0x0];
	_ =	sdelay $0x4  }
0x78: {  	s8 =	simm.s32 $0x10C;
	s7 =	sor.u32 s12, s11;
	[tilespmem:v2+s17+$0x0] =	vst.idx.msk $0xffff, v1  }
0x79: {  	v2 =	vor.u32 s8, v0;
	v1 =	vld [tilespmem:s7+$0x0];
	_ =	sdelay $0x4  }
0x7a: {  	s10 =	sor.u32 s12, s13;
	s11 =	simm.s32 $0x10D;
	[tilespmem:v2+s17+$0x0] =	vst.idx.msk $0xffff, v1  }
0x7b: {  	v2 =	vor.u32 s11, v0;
	v1 =	vld [tilespmem:s10+$0x0];
	_ =	sdelay $0x4  }
0x7c: {  	s13 =	sor.u32 s12, s15;
	s15 =	simm.s32 $0x10E;
	[tilespmem:v2+s17+$0x0] =	vst.idx.msk $0xffff, v1  }
0x7d: {  	v2 =	vor.u32 s15, v0;
	v1 =	vld [tilespmem:s13+$0x0];
	_ =	sdelay $0x4  }
0x7e: {  	s22 =	sor.u32 s12, s14;
	s21 =	simm.s32 $0x10F;
	[tilespmem:v2+s17+$0x0] =	vst.idx.msk $0xffff, v1  }
0x7f: {  	v2 =	vor.u32 s21, v0;
	v1 =	vld [tilespmem:s22+$0x0]  }
0x80: {  	s28 =	simm.s32 $0x0;
	s29 =	simm.s32 $0x30;
	s30 =	simm.s32 $0x30F  }
0x81: {  	s31 =	simm.s32 $0x110;
	s0 =	simm.s32 $0x0;
	s2 =	simm.s32 $0x0  }
.LBB2_4:
0x82: {  	s3 =	sadd.s32 $0xFFFFFFF0, s31;
	s7 =	sadd.s32 $0xFFFFFFF0, s29;
	s28 =	sadd.s32 $0x2, s28  }
0x83: {  	s22 =	sand.u32 $0x60, s7;
	s10 =	sand.u32 $0x1C00, s3;
	p2 =	slt.u32 s28, $0x3E  }
0x84: {  	s8 =	sadd.s32 $0xFFFFFEF1, s30;
	s11 =	sor.u32 s22, s10;
	[tilespmem:v2+s17+$0x0] =	vst.idx.msk $0xffff, v1  }
0x85: {  	v2 =	vor.u32 s8, v0;
	v1 =	vld [tilespmem:s11+$0x0];
	_ =	sdelay $0x4  }
0x86: {  	s8 =	sadd.s32 $0xFFFFFEF2, s30;
	[tilespmem:v2+s17+$0x0] =	vst.idx.msk $0xffff, v1  }
0x87: {  	v2 =	vor.u32 s8, v0;
	v1 =	vld [tilespmem:s11+$0x80];
	_ =	sdelay $0x4  }
0x88: {  	s8 =	sadd.s32 $0xFFFFFEF3, s30;
	[tilespmem:v2+s17+$0x0] =	vst.idx.msk $0xffff, v1  }
0x89: {  	v2 =	vor.u32 s8, v0;
	v1 =	vld [tilespmem:s11+$0x100];
	_ =	sdelay $0x4  }
0x8a: {  	s8 =	sadd.s32 $0xFFFFFEF4, s30;
	[tilespmem:v2+s17+$0x0] =	vst.idx.msk $0xffff, v1  }
0x8b: {  	v2 =	vor.u32 s8, v0;
	v1 =	vld [tilespmem:s11+$0x180];
	_ =	sdelay $0x4  }
0x8c: {  	s8 =	sadd.s32 $0xFFFFFEF5, s30;
	[tilespmem:v2+s17+$0x0] =	vst.idx.msk $0xffff, v1  }
0x8d: {  	v2 =	vor.u32 s8, v0;
	v1 =	vld [tilespmem:s11+$0x200];
	_ =	sdelay $0x4  }
0x8e: {  	s8 =	sadd.s32 $0xFFFFFEF6, s30;
	[tilespmem:v2+s17+$0x0] =	vst.idx.msk $0xffff, v1  }
0x8f: {  	v2 =	vor.u32 s8, v0;
	v1 =	vld [tilespmem:s11+$0x280]  }
0x90: {  	s26 =	sadd.s32 $0x1, s26  }
0x91: {  	s8 =	sand.u32 $0x3, s26  }
0x92: {  	s0 =	sadd.s32 $0x100, s0;
	s8 =	sshll.u32 s8, $0x5  }
0x93: {  	s8 =	sadd.s32 s8, s0  }
0x94: {  	s11 =	sadd.s32 $0xFFFFFEF7, s30;
	s8 =	sor.u32 $0x300, s8;
	[tilespmem:v2+s17+$0x0] =	vst.idx.msk $0xffff, v1  }
0x95: {  	v2 =	vor.u32 s11, v0;
	v1 =	vld [tilespmem:s8+$0x0];
	_ =	sdelay $0x3  }
0x96: {  	s7 =	sor.u32 s7, s3  }
0x97: {  	s7 =	sor.u32 $0x380, s7;
	s8 =	sadd.s32 $0xFFFFFEF8, s30;
	[tilespmem:v2+s17+$0x0] =	vst.idx.msk $0xffff, v1  }
0x98: {  	v2 =	vor.u32 s8, v0;
	v1 =	vld [tilespmem:s7+$0x0];
	_ =	sdelay $0x3  }
0x99: {  	s11 =	sadd.s32 $0x2400, s10  }
0x9a: {  	s8 =	sadd.s32 $0xFFFFFEF9, s30;
	s7 =	sor.u32 s22, s11;
	[tilespmem:v2+s17+$0x0] =	vst.idx.msk $0xffff, v1  }
0x9b: {  	v2 =	vor.u32 s8, v0;
	v1 =	vld [tilespmem:s7+$0x0];
	_ =	sdelay $0x3  }
0x9c: {  	s12 =	sadd.s32 $0x2480, s10  }
0x9d: {  	s8 =	sadd.s32 $0xFFFFFEFA, s30;
	s7 =	sor.u32 s22, s12;
	[tilespmem:v2+s17+$0x0] =	vst.idx.msk $0xffff, v1  }
0x9e: {  	v2 =	vor.u32 s8, v0;
	v1 =	vld [tilespmem:s7+$0x0];
	_ =	sdelay $0x3  }
0x9f: {  	s13 =	sadd.s32 $0x2500, s10  }
0xa0: {  	s8 =	sadd.s32 $0xFFFFFEFB, s30;
	s7 =	sor.u32 s22, s13;
	[tilespmem:v2+s17+$0x0] =	vst.idx.msk $0xffff, v1  }
0xa1: {  	v2 =	vor.u32 s8, v0;
	v1 =	vld [tilespmem:s7+$0x0];
	_ =	sdelay $0x3  }
0xa2: {  	s15 =	sadd.s32 $0x2580, s10  }
0xa3: {  	s8 =	sadd.s32 $0xFFFFFEFC, s30;
	s7 =	sor.u32 s22, s15;
	[tilespmem:v2+s17+$0x0] =	vst.idx.msk $0xffff, v1  }
0xa4: {  	v2 =	vor.u32 s8, v0;
	v1 =	vld [tilespmem:s7+$0x0];
	_ =	sdelay $0x3  }
0xa5: {  	s7 =	sadd.s32 $0x2600, s10  }
0xa6: {  	s14 =	sadd.s32 $0xFFFFFEFD, s30;
	s8 =	sor.u32 s22, s7;
	[tilespmem:v2+s17+$0x0] =	vst.idx.msk $0xffff, v1  }
0xa7: {  	v2 =	vor.u32 s14, v0;
	v1 =	vld [tilespmem:s8+$0x0];
	_ =	sdelay $0x3  }
0xa8: {  	s8 =	sadd.s32 $0x2680, s10  }
0xa9: {  	s21 =	sadd.s32 $0xFFFFFEFE, s30;
	s14 =	sor.u32 s22, s8;
	[tilespmem:v2+s17+$0x0] =	vst.idx.msk $0xffff, v1  }
0xaa: {  	v2 =	vor.u32 s21, v0;
	v1 =	vld [tilespmem:s14+$0x0];
	_ =	sdelay $0x3  }
0xab: {  	s14 =	sadd.s32 $0x2700, s10  }
0xac: {  	s4 =	sadd.s32 $0xFFFFFEFF, s30;
	s21 =	sor.u32 s22, s14;
	[tilespmem:v2+s17+$0x0] =	vst.idx.msk $0xffff, v1  }
0xad: {  	v2 =	vor.u32 s4, v0;
	v1 =	vld [tilespmem:s21+$0x0];
	_ =	sdelay $0x3  }
0xae: {  	s21 =	sadd.s32 $0x2780, s10  }
0xaf: {  	s4 =	sor.u32 s22, s21;
	s22 =	sadd.s32 $0xFFFFFF00, s30;
	[tilespmem:v2+s17+$0x0] =	vst.idx.msk $0xffff, v1  }
0xb0: {  	v2 =	vor.u32 s22, v0;
	v1 =	vld [tilespmem:s4+$0x0];
	_ =	sdelay $0x3  }
0xb1: {  	s22 =	sand.u32 $0x70, s29  }
0xb2: {  	s4 =	sadd.s32 $0xFFFFFFF1, s30;
	s10 =	sor.u32 s22, s10;
	[tilespmem:v2+s17+$0x0] =	vst.idx.msk $0xffff, v1  }
0xb3: {  	v2 =	vor.u32 s4, v0;
	v1 =	vld [tilespmem:s10+$0x0];
	_ =	sdelay $0x4  }
0xb4: {  	s4 =	sadd.s32 $0xFFFFFFF2, s30;
	[tilespmem:v2+s17+$0x0] =	vst.idx.msk $0xffff, v1  }
0xb5: {  	v2 =	vor.u32 s4, v0;
	v1 =	vld [tilespmem:s10+$0x80];
	_ =	sdelay $0x4  }
0xb6: {  	s4 =	sadd.s32 $0xFFFFFFF3, s30;
	[tilespmem:v2+s17+$0x0] =	vst.idx.msk $0xffff, v1  }
0xb7: {  	v2 =	vor.u32 s4, v0;
	v1 =	vld [tilespmem:s10+$0x100];
	_ =	sdelay $0x4  }
0xb8: {  	s4 =	sadd.s32 $0xFFFFFFF4, s30;
	[tilespmem:v2+s17+$0x0] =	vst.idx.msk $0xffff, v1  }
0xb9: {  	v2 =	vor.u32 s4, v0;
	v1 =	vld [tilespmem:s10+$0x180];
	_ =	sdelay $0x4  }
0xba: {  	s4 =	sadd.s32 $0xFFFFFFF5, s30;
	[tilespmem:v2+s17+$0x0] =	vst.idx.msk $0xffff, v1  }
0xbb: {  	v2 =	vor.u32 s4, v0;
	v1 =	vld [tilespmem:s10+$0x200];
	_ =	sdelay $0x4  }
0xbc: {  	s4 =	sadd.s32 $0xFFFFFFF6, s30;
	[tilespmem:v2+s17+$0x0] =	vst.idx.msk $0xffff, v1  }
0xbd: {  	s2 =	sadd.s32 $0x2, s2;
	v2 =	vor.u32 s4, v0;
	v1 =	vld [tilespmem:s10+$0x280]  }
0xbe: {  	s4 =	sand.u32 $0x7, s2  }
0xbf: {  	s4 =	sshll.u32 s4, $0x4  }
0xc0: {  	s4 =	sadd.s32 s3, s4  }
0xc1: {  	s4 =	sadd.s32 $0x10, s4  }
0xc2: {  	s10 =	sadd.s32 $0xFFFFFFF7, s30;
	s4 =	sor.u32 $0x300, s4;
	[tilespmem:v2+s17+$0x0] =	vst.idx.msk $0xffff, v1  }
0xc3: {  	v2 =	vor.u32 s10, v0;
	v1 =	vld [tilespmem:s4+$0x0];
	_ =	sdelay $0x3  }
0xc4: {  	s3 =	sor.u32 s29, s3  }
0xc5: {  	s3 =	sor.u32 $0x380, s3;
	s4 =	sadd.s32 $0xFFFFFFF8, s30;
	[tilespmem:v2+s17+$0x0] =	vst.idx.msk $0xffff, v1  }
0xc6: {  	v2 =	vor.u32 s4, v0;
	v1 =	vld [tilespmem:s3+$0x0];
	_ =	sdelay $0x4  }
0xc7: {  	s4 =	sadd.s32 $0xFFFFFFF9, s30;
	s3 =	sor.u32 s22, s11;
	[tilespmem:v2+s17+$0x0] =	vst.idx.msk $0xffff, v1  }
0xc8: {  	v2 =	vor.u32 s4, v0;
	v1 =	vld [tilespmem:s3+$0x0];
	_ =	sdelay $0x4  }
0xc9: {  	s4 =	sadd.s32 $0xFFFFFFFA, s30;
	s3 =	sor.u32 s22, s12;
	[tilespmem:v2+s17+$0x0] =	vst.idx.msk $0xffff, v1  }
0xca: {  	v2 =	vor.u32 s4, v0;
	v1 =	vld [tilespmem:s3+$0x0];
	_ =	sdelay $0x4  }
0xcb: {  	s4 =	sadd.s32 $0xFFFFFFFB, s30;
	s3 =	sor.u32 s22, s13;
	[tilespmem:v2+s17+$0x0] =	vst.idx.msk $0xffff, v1  }
0xcc: {  	v2 =	vor.u32 s4, v0;
	v1 =	vld [tilespmem:s3+$0x0];
	_ =	sdelay $0x4  }
0xcd: {  	s4 =	sadd.s32 $0xFFFFFFFC, s30;
	s3 =	sor.u32 s22, s15;
	[tilespmem:v2+s17+$0x0] =	vst.idx.msk $0xffff, v1  }
0xce: {  	v2 =	vor.u32 s4, v0;
	v1 =	vld [tilespmem:s3+$0x0];
	_ =	sdelay $0x4  }
0xcf: {  	s4 =	sadd.s32 $0xFFFFFFFD, s30;
	s3 =	sor.u32 s22, s7;
	[tilespmem:v2+s17+$0x0] =	vst.idx.msk $0xffff, v1  }
0xd0: {  	v2 =	vor.u32 s4, v0;
	v1 =	vld [tilespmem:s3+$0x0];
	_ =	sdelay $0x4  }
0xd1: {  	s4 =	sadd.s32 $0xFFFFFFFE, s30;
	s3 =	sor.u32 s22, s8;
	[tilespmem:v2+s17+$0x0] =	vst.idx.msk $0xffff, v1  }
0xd2: {  	v2 =	vor.u32 s4, v0;
	v1 =	vld [tilespmem:s3+$0x0];
	_ =	sdelay $0x4  }
0xd3: {  	s4 =	sadd.s32 $0xFFFFFFFF, s30;
	s3 =	sor.u32 s22, s14;
	[tilespmem:v2+s17+$0x0] =	vst.idx.msk $0xffff, v1  }
0xd4: {  	v2 =	vor.u32 s4, v0;
	v1 =	vld [tilespmem:s3+$0x0];
	_ =	sdelay $0x3  }
.Ltmp5:
0xd5: {  	(pc) =	sbr.rel @p2 .LBB2_4-.Ltmp5, $3  }
0xd6: {  	s3 =	sor.u32 s22, s21;
	[tilespmem:v2+s17+$0x0] =	vst.idx.msk $0xffff, v1  }
0xd7: {  	v2 =	vor.u32 s30, v0;
	v1 =	vld [tilespmem:s3+$0x0];
	_ =	sdelay $0x1  }
0xd8: {  	s31 =	sadd.s32 $0x100, s31;
	s29 =	sadd.s32 $0x20, s29;
	s30 =	sadd.s32 $0x200, s30  }
0xd9: {  	_ =	sdelay $0x2  }
0xda: {  	s0 =	sshll.u32 s23, $0x11  }
0xdb: {  	s2 =	simm.s32 $0x0;
	s0 =	sadd.s32 s0, s9;
	[tilespmem:v2+s17+$0x0] =	vst.idx.msk $0xffff, v1  }
0xdc: {  	[hbm4b:s0+s2] =	stream.linear.scatter [tilespmem:s17], [sflag:$0x3], $0x4000, $0x38;
	[tilespmem:$0x11000] =	vst v63  }
0xdd: {  	_ =	swait.ge [sflag:s18], $0x4000  }
0xde: {  	[sflag:s18] =	ssyncset.done $0x0  }
0xdf: {  	[sflag:s18] =	ssyncadd.s32 $0xFFFFC000  }
.LBB2_6:
0xe0: {  	s0 =	sadd.s32 $0x2, s25  }
0xe1: {  	p2 =	sge.u32 s0, s6  }
0xe2: {  	s0 =	sshll.u32 @!p2 s0, $0x12  }
0xe3: {  	s0 =	sor.u32 @!p2 s5, s0  }
.Ltmp6:
0xe4: {  	s0 =	sshrl.u32 @!p2 s0, $0x3;
	(pc) =	sbr.rel @p1 .LBB2_10-.Ltmp6, $4  }
0xe5: {  	s2 =	simm.s32 @!p2 $0x0;
	s0 =	sadd.s32 @!p2 s1, s0  }
0xe6: {  	[tilespmem:s2], [sflag:$0x1] =	stream.linear.gather @!p2 [hbm4b:s0+s2], $0x2000, $0x38;
	[tilespmem:$0x11000] =	vst v63  }
0xe7: {  	s3 =	simm.s32 @!p2 $0x2400;
	s0 =	sadd.s32 @!p2 $0xF4280, s0  }
0xe8: {  	[tilespmem:s3], [sflag:$0x1] =	stream.linear.gather @!p2 [hbm4b:s0+s2], $0x2000, $0x38;
	[tilespmem:$0x11000] =	vst v63  }
0xe9: {  	_ =	swait.ge [sflag:s19], $0x2000  }
0xea: {  	[sflag:s19] =	ssyncset.done $0x0  }
0xeb: {  	s0 =	simm.s32 $0x0;
	[sflag:s19] =	ssyncadd.s32 $0xFFFFE000  }
0xec: {  	s12 =	sand.u32 $0x1C00, s0;
	_ =	swait.ge [sflag:s19], $0x2000  }
0xed: {  	s13 =	sand.u32 $0x60, s0;
	s2 =	sadd.s32 $0x4800, s12;
	[sflag:s19] =	ssyncset.done $0x0  }
0xee: {  	s3 =	simm.s32 $0x0;
	s4 =	sor.u32 s13, s2;
	[sflag:s19] =	ssyncadd.s32 $0xFFFFE000  }
0xef: {  	v2 =	vor.u32 s3, v0;
	v1 =	vld [tilespmem:s4+$0x0];
	_ =	sdelay $0x4  }
0xf0: {  	s10 =	simm.s32 $0x1;
	[tilespmem:v2+s20+$0x0] =	vst.idx.msk $0xffff, v1  }
0xf1: {  	v2 =	vor.u32 s10, v0;
	v1 =	vld [tilespmem:s4+$0x80];
	_ =	sdelay $0x4  }
0xf2: {  	s11 =	simm.s32 $0x2;
	[tilespmem:v2+s20+$0x0] =	vst.idx.msk $0xffff, v1  }
0xf3: {  	v2 =	vor.u32 s11, v0;
	v1 =	vld [tilespmem:s4+$0x100];
	_ =	sdelay $0x4  }
0xf4: {  	s14 =	simm.s32 $0x3;
	[tilespmem:v2+s20+$0x0] =	vst.idx.msk $0xffff, v1  }
0xf5: {  	v2 =	vor.u32 s14, v0;
	v1 =	vld [tilespmem:s4+$0x180];
	_ =	sdelay $0x4  }
0xf6: {  	s15 =	simm.s32 $0x4;
	[tilespmem:v2+s20+$0x0] =	vst.idx.msk $0xffff, v1  }
0xf7: {  	v2 =	vor.u32 s15, v0;
	v1 =	vld [tilespmem:s4+$0x200];
	_ =	sdelay $0x4  }
0xf8: {  	s21 =	simm.s32 $0x5;
	[tilespmem:v2+s20+$0x0] =	vst.idx.msk $0xffff, v1  }
0xf9: {  	v2 =	vor.u32 s21, v0;
	v1 =	vld [tilespmem:s4+$0x280]  }
0xfa: {  	s25 =	simm.s32 $0x0  }
0xfb: {  	s22 =	sand.u32 $0x3, s25  }
0xfc: {  	s3 =	sshll.u32 s22, $0x5  }
0xfd: {  	s3 =	sadd.s32 $0x0, s3  }
0xfe: {  	s26 =	simm.s32 $0x6;
	s3 =	sor.u32 $0x300, s3;
	[tilespmem:v2+s20+$0x0] =	vst.idx.msk $0xffff, v1  }
0xff: {  	v2 =	vor.u32 s26, v0;
	v1 =	vld [tilespmem:s3+$0x4800];
	_ =	sdelay $0x3  }
0x100: {  	s7 =	sor.u32 s0, s0  }
0x101: {  	s8 =	simm.s32 $0x7;
	s3 =	sor.u32 $0x380, s7;
	[tilespmem:v2+s20+$0x0] =	vst.idx.msk $0xffff, v1  }
0x102: {  	v2 =	vor.u32 s8, v0;
	v1 =	vld [tilespmem:s3+$0x4800];
	_ =	sdelay $0x3  }
0x103: {  	s3 =	sadd.s32 $0x6C00, s12  }
0x104: {  	s7 =	simm.s32 $0x8;
	s10 =	sor.u32 s13, s3;
	[tilespmem:v2+s20+$0x0] =	vst.idx.msk $0xffff, v1  }
0x105: {  	v2 =	vor.u32 s7, v0;
	v1 =	vld [tilespmem:s10+$0x0];
	_ =	sdelay $0x3  }
0x106: {  	s7 =	sadd.s32 $0x6C80, s12  }
0x107: {  	s8 =	simm.s32 $0x9;
	s11 =	sor.u32 s13, s7;
	[tilespmem:v2+s20+$0x0] =	vst.idx.msk $0xffff, v1  }
0x108: {  	v2 =	vor.u32 s8, v0;
	v1 =	vld [tilespmem:s11+$0x0];
	_ =	sdelay $0x3  }
0x109: {  	s8 =	sadd.s32 $0x6D00, s12  }
0x10a: {  	s10 =	simm.s32 $0xA;
	s14 =	sor.u32 s13, s8;
	[tilespmem:v2+s20+$0x0] =	vst.idx.msk $0xffff, v1  }
0x10b: {  	v2 =	vor.u32 s10, v0;
	v1 =	vld [tilespmem:s14+$0x0];
	_ =	sdelay $0x3  }
0x10c: {  	s10 =	sadd.s32 $0x6D80, s12  }
0x10d: {  	s11 =	simm.s32 $0xB;
	s15 =	sor.u32 s13, s10;
	[tilespmem:v2+s20+$0x0] =	vst.idx.msk $0xffff, v1  }
0x10e: {  	v2 =	vor.u32 s11, v0;
	v1 =	vld [tilespmem:s15+$0x0];
	_ =	sdelay $0x3  }
0x10f: {  	s11 =	sadd.s32 $0x6E00, s12  }
0x110: {  	s14 =	simm.s32 $0xC;
	s21 =	sor.u32 s13, s11;
	[tilespmem:v2+s20+$0x0] =	vst.idx.msk $0xffff, v1  }
0x111: {  	v2 =	vor.u32 s14, v0;
	v1 =	vld [tilespmem:s21+$0x0];
	_ =	sdelay $0x3  }
0x112: {  	s14 =	sadd.s32 $0x6E80, s12  }
0x113: {  	s15 =	simm.s32 $0xD;
	s22 =	sor.u32 s13, s14;
	[tilespmem:v2+s20+$0x0] =	vst.idx.msk $0xffff, v1  }
0x114: {  	v2 =	vor.u32 s15, v0;
	v1 =	vld [tilespmem:s22+$0x0];
	_ =	sdelay $0x3  }
0x115: {  	s15 =	sadd.s32 $0x6F00, s12  }
0x116: {  	s21 =	simm.s32 $0xE;
	s26 =	sor.u32 s13, s15;
	[tilespmem:v2+s20+$0x0] =	vst.idx.msk $0xffff, v1  }
0x117: {  	v2 =	vor.u32 s21, v0;
	v1 =	vld [tilespmem:s26+$0x0];
	_ =	sdelay $0x3  }
0x118: {  	s12 =	sadd.s32 $0x6F80, s12  }
0x119: {  	s22 =	sor.u32 s13, s12;
	s26 =	simm.s32 $0xF;
	[tilespmem:v2+s20+$0x0] =	vst.idx.msk $0xffff, v1  }
0x11a: {  	v2 =	vor.u32 s26, v0;
	v1 =	vld [tilespmem:s22+$0x0];
	_ =	sdelay $0x2  }
0x11b: {  	s26 =	simm.s32 $0x10  }
0x11c: {  	s13 =	sand.u32 $0x70, s26  }
0x11d: {  	s21 =	simm.s32 $0x100;
	s2 =	sor.u32 s13, s2;
	[tilespmem:v2+s20+$0x0] =	vst.idx.msk $0xffff, v1  }
0x11e: {  	v2 =	vor.u32 s21, v0;
	v1 =	vld [tilespmem:s2+$0x0];
	_ =	sdelay $0x4  }
0x11f: {  	s22 =	simm.s32 $0x101;
	[tilespmem:v2+s20+$0x0] =	vst.idx.msk $0xffff, v1  }
0x120: {  	v2 =	vor.u32 s22, v0;
	v1 =	vld [tilespmem:s2+$0x80];
	_ =	sdelay $0x4  }
0x121: {  	s21 =	simm.s32 $0x102;
	[tilespmem:v2+s20+$0x0] =	vst.idx.msk $0xffff, v1  }
0x122: {  	v2 =	vor.u32 s21, v0;
	v1 =	vld [tilespmem:s2+$0x100];
	_ =	sdelay $0x4  }
0x123: {  	s22 =	simm.s32 $0x103;
	[tilespmem:v2+s20+$0x0] =	vst.idx.msk $0xffff, v1  }
0x124: {  	v2 =	vor.u32 s22, v0;
	v1 =	vld [tilespmem:s2+$0x180];
	_ =	sdelay $0x4  }
0x125: {  	s21 =	simm.s32 $0x104;
	[tilespmem:v2+s20+$0x0] =	vst.idx.msk $0xffff, v1  }
0x126: {  	v2 =	vor.u32 s21, v0;
	v1 =	vld [tilespmem:s2+$0x200];
	_ =	sdelay $0x4  }
0x127: {  	s22 =	simm.s32 $0x105;
	[tilespmem:v2+s20+$0x0] =	vst.idx.msk $0xffff, v1  }
0x128: {  	v2 =	vor.u32 s22, v0;
	v1 =	vld [tilespmem:s2+$0x280]  }
0x129: {  	s4 =	sand.u32 $0x7, s25  }
0x12a: {  	s2 =	sshll.u32 s4, $0x4  }
0x12b: {  	s2 =	sadd.s32 $0x0, s2  }
0x12c: {  	s2 =	sadd.s32 $0x10, s2  }
0x12d: {  	s21 =	simm.s32 $0x106;
	s2 =	sor.u32 $0x300, s2;
	[tilespmem:v2+s20+$0x0] =	vst.idx.msk $0xffff, v1  }
0x12e: {  	v2 =	vor.u32 s21, v0;
	v1 =	vld [tilespmem:s2+$0x4800];
	_ =	sdelay $0x3  }
0x12f: {  	s0 =	sor.u32 s26, s0  }
0x130: {  	s0 =	sor.u32 $0x380, s0;
	s22 =	simm.s32 $0x107;
	[tilespmem:v2+s20+$0x0] =	vst.idx.msk $0xffff, v1  }
0x131: {  	v2 =	vor.u32 s22, v0;
	v1 =	vld [tilespmem:s0+$0x4800];
	_ =	sdelay $0x4  }
0x132: {  	s3 =	sor.u32 s13, s3;
	s4 =	simm.s32 $0x108;
	[tilespmem:v2+s20+$0x0] =	vst.idx.msk $0xffff, v1  }
0x133: {  	v2 =	vor.u32 s4, v0;
	v1 =	vld [tilespmem:s3+$0x0];
	_ =	sdelay $0x4  }
0x134: {  	s21 =	sor.u32 s13, s7;
	s22 =	simm.s32 $0x109;
	[tilespmem:v2+s20+$0x0] =	vst.idx.msk $0xffff, v1  }
0x135: {  	v2 =	vor.u32 s22, v0;
	v1 =	vld [tilespmem:s21+$0x0];
	_ =	sdelay $0x4  }
0x136: {  	s2 =	sor.u32 s13, s8;
	s3 =	simm.s32 $0x10A;
	[tilespmem:v2+s20+$0x0] =	vst.idx.msk $0xffff, v1  }
0x137: {  	v2 =	vor.u32 s3, v0;
	v1 =	vld [tilespmem:s2+$0x0];
	_ =	sdelay $0x4  }
0x138: {  	s7 =	simm.s32 $0x10B;
	s4 =	sor.u32 s13, s10;
	[tilespmem:v2+s20+$0x0] =	vst.idx.msk $0xffff, v1  }
0x139: {  	v2 =	vor.u32 s7, v0;
	v1 =	vld [tilespmem:s4+$0x0];
	_ =	sdelay $0x4  }
0x13a: {  	s8 =	sor.u32 s13, s11;
	s10 =	simm.s32 $0x10C;
	[tilespmem:v2+s20+$0x0] =	vst.idx.msk $0xffff, v1  }
0x13b: {  	v2 =	vor.u32 s10, v0;
	v1 =	vld [tilespmem:s8+$0x0];
	_ =	sdelay $0x4  }
0x13c: {  	s11 =	sor.u32 s13, s14;
	s14 =	simm.s32 $0x10D;
	[tilespmem:v2+s20+$0x0] =	vst.idx.msk $0xffff, v1  }
0x13d: {  	v2 =	vor.u32 s14, v0;
	v1 =	vld [tilespmem:s11+$0x0];
	_ =	sdelay $0x4  }
0x13e: {  	s15 =	sor.u32 s13, s15;
	s21 =	simm.s32 $0x10E;
	[tilespmem:v2+s20+$0x0] =	vst.idx.msk $0xffff, v1  }
0x13f: {  	v2 =	vor.u32 s21, v0;
	v1 =	vld [tilespmem:s15+$0x0];
	_ =	sdelay $0x4  }
0x140: {  	s28 =	simm.s32 $0x10F;
	s22 =	sor.u32 s13, s12;
	[tilespmem:v2+s20+$0x0] =	vst.idx.msk $0xffff, v1  }
0x141: {  	s29 =	simm.s32 $0x0;
	v2 =	vor.u32 s28, v0;
	v1 =	vld [tilespmem:s22+$0x0]  }
0x142: {  	s30 =	simm.s32 $0x110;
	s31 =	simm.s32 $0x0;
	s0 =	simm.s32 $0x0  }
.LBB2_8:
0x143: {  	s2 =	sadd.s32 $0xFFFFFFF0, s30;
	s29 =	sadd.s32 $0x2, s29;
	s26 =	sadd.s32 $0x20, s26  }
0x144: {  	s7 =	sadd.s32 $0xFFFFFFF0, s26;
	s15 =	sand.u32 $0x1C00, s2;
	p1 =	slt.u32 s29, $0x3E  }
0x145: {  	s28 =	sadd.s32 $0x200, s28;
	s21 =	sand.u32 $0x60, s7;
	s3 =	sadd.s32 $0x4800, s15  }
0x146: {  	s4 =	sadd.s32 $0xFFFFFEF1, s28;
	s8 =	sor.u32 s21, s3;
	[tilespmem:v2+s20+$0x0] =	vst.idx.msk $0xffff, v1  }
0x147: {  	v2 =	vor.u32 s4, v0;
	v1 =	vld [tilespmem:s8+$0x0];
	_ =	sdelay $0x4  }
0x148: {  	s4 =	sadd.s32 $0xFFFFFEF2, s28;
	[tilespmem:v2+s20+$0x0] =	vst.idx.msk $0xffff, v1  }
0x149: {  	v2 =	vor.u32 s4, v0;
	v1 =	vld [tilespmem:s8+$0x80];
	_ =	sdelay $0x4  }
0x14a: {  	s4 =	sadd.s32 $0xFFFFFEF3, s28;
	[tilespmem:v2+s20+$0x0] =	vst.idx.msk $0xffff, v1  }
0x14b: {  	v2 =	vor.u32 s4, v0;
	v1 =	vld [tilespmem:s8+$0x100];
	_ =	sdelay $0x4  }
0x14c: {  	s4 =	sadd.s32 $0xFFFFFEF4, s28;
	[tilespmem:v2+s20+$0x0] =	vst.idx.msk $0xffff, v1  }
0x14d: {  	v2 =	vor.u32 s4, v0;
	v1 =	vld [tilespmem:s8+$0x180];
	_ =	sdelay $0x4  }
0x14e: {  	s4 =	sadd.s32 $0xFFFFFEF5, s28;
	[tilespmem:v2+s20+$0x0] =	vst.idx.msk $0xffff, v1  }
0x14f: {  	v2 =	vor.u32 s4, v0;
	v1 =	vld [tilespmem:s8+$0x200];
	_ =	sdelay $0x4  }
0x150: {  	s4 =	sadd.s32 $0xFFFFFEF6, s28;
	[tilespmem:v2+s20+$0x0] =	vst.idx.msk $0xffff, v1  }
0x151: {  	v2 =	vor.u32 s4, v0;
	v1 =	vld [tilespmem:s8+$0x280]  }
0x152: {  	s25 =	sadd.s32 $0x1, s25  }
0x153: {  	s4 =	sand.u32 $0x3, s25  }
0x154: {  	s31 =	sadd.s32 $0x100, s31;
	s4 =	sshll.u32 s4, $0x5  }
0x155: {  	s4 =	sadd.s32 s4, s31  }
0x156: {  	s8 =	sadd.s32 $0xFFFFFEF7, s28;
	s4 =	sor.u32 $0x300, s4;
	[tilespmem:v2+s20+$0x0] =	vst.idx.msk $0xffff, v1  }
0x157: {  	v2 =	vor.u32 s8, v0;
	v1 =	vld [tilespmem:s4+$0x4800];
	_ =	sdelay $0x3  }
0x158: {  	s4 =	sor.u32 s7, s2  }
0x159: {  	s7 =	sadd.s32 $0xFFFFFEF8, s28;
	s4 =	sor.u32 $0x380, s4;
	[tilespmem:v2+s20+$0x0] =	vst.idx.msk $0xffff, v1  }
0x15a: {  	v2 =	vor.u32 s7, v0;
	v1 =	vld [tilespmem:s4+$0x4800];
	_ =	sdelay $0x3  }
0x15b: {  	s10 =	sadd.s32 $0x6C00, s15  }
0x15c: {  	s7 =	sadd.s32 $0xFFFFFEF9, s28;
	s4 =	sor.u32 s21, s10;
	[tilespmem:v2+s20+$0x0] =	vst.idx.msk $0xffff, v1  }
0x15d: {  	v2 =	vor.u32 s7, v0;
	v1 =	vld [tilespmem:s4+$0x0];
	_ =	sdelay $0x3  }
0x15e: {  	s11 =	sadd.s32 $0x6C80, s15  }
0x15f: {  	s7 =	sadd.s32 $0xFFFFFEFA, s28;
	s4 =	sor.u32 s21, s11;
	[tilespmem:v2+s20+$0x0] =	vst.idx.msk $0xffff, v1  }
0x160: {  	v2 =	vor.u32 s7, v0;
	v1 =	vld [tilespmem:s4+$0x0];
	_ =	sdelay $0x3  }
0x161: {  	s12 =	sadd.s32 $0x6D00, s15  }
0x162: {  	s7 =	sadd.s32 $0xFFFFFEFB, s28;
	s4 =	sor.u32 s21, s12;
	[tilespmem:v2+s20+$0x0] =	vst.idx.msk $0xffff, v1  }
0x163: {  	v2 =	vor.u32 s7, v0;
	v1 =	vld [tilespmem:s4+$0x0];
	_ =	sdelay $0x3  }
0x164: {  	s13 =	sadd.s32 $0x6D80, s15  }
0x165: {  	s7 =	sadd.s32 $0xFFFFFEFC, s28;
	s4 =	sor.u32 s21, s13;
	[tilespmem:v2+s20+$0x0] =	vst.idx.msk $0xffff, v1  }
0x166: {  	v2 =	vor.u32 s7, v0;
	v1 =	vld [tilespmem:s4+$0x0];
	_ =	sdelay $0x3  }
0x167: {  	s7 =	sadd.s32 $0x6E00, s15  }
0x168: {  	s8 =	sadd.s32 $0xFFFFFEFD, s28;
	s4 =	sor.u32 s21, s7;
	[tilespmem:v2+s20+$0x0] =	vst.idx.msk $0xffff, v1  }
0x169: {  	v2 =	vor.u32 s8, v0;
	v1 =	vld [tilespmem:s4+$0x0];
	_ =	sdelay $0x3  }
0x16a: {  	s8 =	sadd.s32 $0x6E80, s15  }
0x16b: {  	s14 =	sadd.s32 $0xFFFFFEFE, s28;
	s4 =	sor.u32 s21, s8;
	[tilespmem:v2+s20+$0x0] =	vst.idx.msk $0xffff, v1  }
0x16c: {  	v2 =	vor.u32 s14, v0;
	v1 =	vld [tilespmem:s4+$0x0];
	_ =	sdelay $0x3  }
0x16d: {  	s14 =	sadd.s32 $0x6F00, s15  }
0x16e: {  	s22 =	sadd.s32 $0xFFFFFEFF, s28;
	s4 =	sor.u32 s21, s14;
	[tilespmem:v2+s20+$0x0] =	vst.idx.msk $0xffff, v1  }
0x16f: {  	v2 =	vor.u32 s22, v0;
	v1 =	vld [tilespmem:s4+$0x0];
	_ =	sdelay $0x3  }
0x170: {  	s15 =	sadd.s32 $0x6F80, s15  }
0x171: {  	s4 =	sor.u32 s21, s15;
	s21 =	sadd.s32 $0xFFFFFF00, s28;
	[tilespmem:v2+s20+$0x0] =	vst.idx.msk $0xffff, v1  }
0x172: {  	v2 =	vor.u32 s21, v0;
	v1 =	vld [tilespmem:s4+$0x0];
	_ =	sdelay $0x3  }
0x173: {  	s21 =	sand.u32 $0x70, s26  }
0x174: {  	s4 =	sadd.s32 $0xFFFFFFF1, s28;
	s3 =	sor.u32 s21, s3;
	[tilespmem:v2+s20+$0x0] =	vst.idx.msk $0xffff, v1  }
0x175: {  	v2 =	vor.u32 s4, v0;
	v1 =	vld [tilespmem:s3+$0x0];
	_ =	sdelay $0x4  }
0x176: {  	s4 =	sadd.s32 $0xFFFFFFF2, s28;
	[tilespmem:v2+s20+$0x0] =	vst.idx.msk $0xffff, v1  }
0x177: {  	v2 =	vor.u32 s4, v0;
	v1 =	vld [tilespmem:s3+$0x80];
	_ =	sdelay $0x4  }
0x178: {  	s4 =	sadd.s32 $0xFFFFFFF3, s28;
	[tilespmem:v2+s20+$0x0] =	vst.idx.msk $0xffff, v1  }
0x179: {  	v2 =	vor.u32 s4, v0;
	v1 =	vld [tilespmem:s3+$0x100];
	_ =	sdelay $0x4  }
0x17a: {  	s4 =	sadd.s32 $0xFFFFFFF4, s28;
	[tilespmem:v2+s20+$0x0] =	vst.idx.msk $0xffff, v1  }
0x17b: {  	v2 =	vor.u32 s4, v0;
	v1 =	vld [tilespmem:s3+$0x180];
	_ =	sdelay $0x4  }
0x17c: {  	s4 =	sadd.s32 $0xFFFFFFF5, s28;
	[tilespmem:v2+s20+$0x0] =	vst.idx.msk $0xffff, v1  }
0x17d: {  	v2 =	vor.u32 s4, v0;
	v1 =	vld [tilespmem:s3+$0x200];
	_ =	sdelay $0x4  }
0x17e: {  	s4 =	sadd.s32 $0xFFFFFFF6, s28;
	[tilespmem:v2+s20+$0x0] =	vst.idx.msk $0xffff, v1  }
0x17f: {  	s0 =	sadd.s32 $0x2, s0;
	v2 =	vor.u32 s4, v0;
	v1 =	vld [tilespmem:s3+$0x280]  }
0x180: {  	s3 =	sand.u32 $0x7, s0  }
0x181: {  	s3 =	sshll.u32 s3, $0x4  }
0x182: {  	s3 =	sadd.s32 s2, s3  }
0x183: {  	s3 =	sadd.s32 $0x10, s3  }
0x184: {  	s4 =	sadd.s32 $0xFFFFFFF7, s28;
	s3 =	sor.u32 $0x300, s3;
	[tilespmem:v2+s20+$0x0] =	vst.idx.msk $0xffff, v1  }
0x185: {  	v2 =	vor.u32 s4, v0;
	v1 =	vld [tilespmem:s3+$0x4800];
	_ =	sdelay $0x3  }
0x186: {  	s2 =	sor.u32 s26, s2  }
0x187: {  	s2 =	sor.u32 $0x380, s2;
	s3 =	sadd.s32 $0xFFFFFFF8, s28;
	[tilespmem:v2+s20+$0x0] =	vst.idx.msk $0xffff, v1  }
0x188: {  	v2 =	vor.u32 s3, v0;
	v1 =	vld [tilespmem:s2+$0x4800];
	_ =	sdelay $0x4  }
0x189: {  	s3 =	sadd.s32 $0xFFFFFFF9, s28;
	s2 =	sor.u32 s21, s10;
	[tilespmem:v2+s20+$0x0] =	vst.idx.msk $0xffff, v1  }
0x18a: {  	v2 =	vor.u32 s3, v0;
	v1 =	vld [tilespmem:s2+$0x0];
	_ =	sdelay $0x4  }
0x18b: {  	s3 =	sadd.s32 $0xFFFFFFFA, s28;
	s2 =	sor.u32 s21, s11;
	[tilespmem:v2+s20+$0x0] =	vst.idx.msk $0xffff, v1  }
0x18c: {  	v2 =	vor.u32 s3, v0;
	v1 =	vld [tilespmem:s2+$0x0];
	_ =	sdelay $0x4  }
0x18d: {  	s3 =	sadd.s32 $0xFFFFFFFB, s28;
	s2 =	sor.u32 s21, s12;
	[tilespmem:v2+s20+$0x0] =	vst.idx.msk $0xffff, v1  }
0x18e: {  	v2 =	vor.u32 s3, v0;
	v1 =	vld [tilespmem:s2+$0x0];
	_ =	sdelay $0x4  }
0x18f: {  	s3 =	sadd.s32 $0xFFFFFFFC, s28;
	s2 =	sor.u32 s21, s13;
	[tilespmem:v2+s20+$0x0] =	vst.idx.msk $0xffff, v1  }
0x190: {  	v2 =	vor.u32 s3, v0;
	v1 =	vld [tilespmem:s2+$0x0];
	_ =	sdelay $0x4  }
0x191: {  	s3 =	sadd.s32 $0xFFFFFFFD, s28;
	s2 =	sor.u32 s21, s7;
	[tilespmem:v2+s20+$0x0] =	vst.idx.msk $0xffff, v1  }
0x192: {  	v2 =	vor.u32 s3, v0;
	v1 =	vld [tilespmem:s2+$0x0];
	_ =	sdelay $0x4  }
0x193: {  	s3 =	sadd.s32 $0xFFFFFFFE, s28;
	s2 =	sor.u32 s21, s8;
	[tilespmem:v2+s20+$0x0] =	vst.idx.msk $0xffff, v1  }
0x194: {  	v2 =	vor.u32 s3, v0;
	v1 =	vld [tilespmem:s2+$0x0];
	_ =	sdelay $0x4  }
0x195: {  	s3 =	sadd.s32 $0xFFFFFFFF, s28;
	s2 =	sor.u32 s21, s14;
	[tilespmem:v2+s20+$0x0] =	vst.idx.msk $0xffff, v1  }
0x196: {  	v2 =	vor.u32 s3, v0;
	v1 =	vld [tilespmem:s2+$0x0];
	_ =	sdelay $0x2  }
.Ltmp7:
0x197: {  	(pc) =	sbr.rel @p1 .LBB2_8-.Ltmp7, $4  }
0x198: {  	_ = 	snop  }
0x199: {  	s2 =	sor.u32 s21, s15;
	[tilespmem:v2+s20+$0x0] =	vst.idx.msk $0xffff, v1  }
0x19a: {  	v2 =	vor.u32 s28, v0;
	v1 =	vld [tilespmem:s2+$0x0]  }
0x19b: {  	s30 =	sadd.s32 $0x100, s30  }
0x19c: {  	_ =	sdelay $0x2  }
0x19d: {  	s0 =	sshll.u32 s24, $0x10  }
.Ltmp8:
0x19e: {  	s2 =	simm.s32 $0x0;
	s0 =	sadd.s32 s0, s9;
	[tilespmem:v2+s20+$0x0] =	vst.idx.msk $0xffff, v1;
	(pc) =	sbr.rel .LBB2_10-.Ltmp8, $4  }
0x19f: {  	[hbm4b:s0+s2] =	stream.linear.scatter [tilespmem:s20], [sflag:$0x3], $0x4000, $0x38;
	[tilespmem:$0x11000] =	vst v63  }
0x1a0: {  	_ =	swait.ge [sflag:s18], $0x4000  }
0x1a1: {  	[sflag:s18] =	ssyncset.done $0x0  }
0x1a2: {  	[sflag:s18] =	ssyncadd.s32 $0xFFFFC000  }
.LBB2_11:
.Ltmp9:
0x1a3: {  	(pc) =	sbr.rel @p0 .LBB2_15-.Ltmp9, $2  }
0x1a4: {  	_ =	sdelay $0x2  }
0x1a5: {  	s2 =	rddreg [dreg:$0xb]  }
0x1a6: {  	s23 =	simm.s32 $0x0;
	s0 =	rddreg [dreg:$0x6]  }
0x1a7: {  	[tilespmem:s23], [sflag:$0x1] =	stream.linear.gather [hbm4b:s0+s23], $0x1000, $0x38;
	[tilespmem:$0x11000] =	vst v63  }
0x1a8: {  	s21 =	rddreg [dreg:$0x7];
	s2 =	simm.s32 $0x2400  }
0x1a9: {  	[tilespmem:s2], [sflag:$0x1] =	stream.linear.gather [hbm4b:s21+s23], $0x1000, $0x38;
	[tilespmem:$0x11000] =	vst v63  }
0x1aa: {  	_ =	swait.ge [sflag:s16], $0x1000  }
0x1ab: {  	[sflag:s16] =	ssyncset.done $0x0  }
0x1ac: {  	[sflag:s16] =	ssyncadd.s32 $0xFFFFF000  }
0x1ad: {  	s0 =	simm.s32 $0x0;
	_ =	swait.ge [sflag:s16], $0x1000  }
0x1ae: {  	s14 =	sand.u32 $0x60, s0;
	s2 =	sand.u32 $0xC00, s0;
	[sflag:s16] =	ssyncset.done $0x0  }
0x1af: {  	s3 =	simm.s32 $0x0;
	s4 =	sor.u32 s14, s2;
	[sflag:s16] =	ssyncadd.s32 $0xFFFFF000  }
0x1b0: {  	v2 =	vor.u32 s3, v0;
	v1 =	vld [tilespmem:s4+$0x0];
	_ =	sdelay $0x4  }
0x1b1: {  	s22 =	simm.s32 $0x1;
	[tilespmem:v2+s17+$0x0] =	vst.idx.msk $0xffff, v1  }
0x1b2: {  	v2 =	vor.u32 s22, v0;
	v1 =	vld [tilespmem:s4+$0x80];
	_ =	sdelay $0x4  }
0x1b3: {  	s24 =	simm.s32 $0x2;
	[tilespmem:v2+s17+$0x0] =	vst.idx.msk $0xffff, v1  }
0x1b4: {  	v2 =	vor.u32 s24, v0;
	v1 =	vld [tilespmem:s4+$0x100];
	_ =	sdelay $0x4  }
0x1b5: {  	s25 =	simm.s32 $0x3;
	[tilespmem:v2+s17+$0x0] =	vst.idx.msk $0xffff, v1  }
0x1b6: {  	v2 =	vor.u32 s25, v0;
	v1 =	vld [tilespmem:s4+$0x180];
	_ =	sdelay $0x4  }
0x1b7: {  	s26 =	simm.s32 $0x4;
	[tilespmem:v2+s17+$0x0] =	vst.idx.msk $0xffff, v1  }
0x1b8: {  	v2 =	vor.u32 s26, v0;
	v1 =	vld [tilespmem:s4+$0x200];
	_ =	sdelay $0x4  }
0x1b9: {  	s29 =	simm.s32 $0x5;
	[tilespmem:v2+s17+$0x0] =	vst.idx.msk $0xffff, v1  }
0x1ba: {  	v2 =	vor.u32 s29, v0;
	v1 =	vld [tilespmem:s4+$0x280];
	_ =	sdelay $0x1  }
0x1bb: {  	s30 =	sand.u32 $0x3, s23  }
0x1bc: {  	s3 =	sshll.u32 s30, $0x5  }
0x1bd: {  	s3 =	sadd.s32 $0x0, s3  }
0x1be: {  	s31 =	simm.s32 $0x6;
	s3 =	sor.u32 $0x300, s3;
	[tilespmem:v2+s17+$0x0] =	vst.idx.msk $0xffff, v1  }
0x1bf: {  	v2 =	vor.u32 s31, v0;
	v1 =	vld [tilespmem:s3+$0x0];
	_ =	sdelay $0x3  }
0x1c0: {  	s7 =	sor.u32 s0, s0  }
0x1c1: {  	s8 =	simm.s32 $0x7;
	s3 =	sor.u32 $0x380, s7;
	[tilespmem:v2+s17+$0x0] =	vst.idx.msk $0xffff, v1  }
0x1c2: {  	v2 =	vor.u32 s8, v0;
	v1 =	vld [tilespmem:s3+$0x0];
	_ =	sdelay $0x3  }
0x1c3: {  	s3 =	sadd.s32 $0x2400, s2  }
0x1c4: {  	s7 =	simm.s32 $0x8;
	s10 =	sor.u32 s14, s3;
	[tilespmem:v2+s17+$0x0] =	vst.idx.msk $0xffff, v1  }
0x1c5: {  	v2 =	vor.u32 s7, v0;
	v1 =	vld [tilespmem:s10+$0x0];
	_ =	sdelay $0x3  }
0x1c6: {  	s7 =	sadd.s32 $0x2480, s2  }
0x1c7: {  	s8 =	simm.s32 $0x9;
	s11 =	sor.u32 s14, s7;
	[tilespmem:v2+s17+$0x0] =	vst.idx.msk $0xffff, v1  }
0x1c8: {  	v2 =	vor.u32 s8, v0;
	v1 =	vld [tilespmem:s11+$0x0];
	_ =	sdelay $0x3  }
0x1c9: {  	s8 =	sadd.s32 $0x2500, s2  }
0x1ca: {  	s10 =	simm.s32 $0xA;
	s12 =	sor.u32 s14, s8;
	[tilespmem:v2+s17+$0x0] =	vst.idx.msk $0xffff, v1  }
0x1cb: {  	v2 =	vor.u32 s10, v0;
	v1 =	vld [tilespmem:s12+$0x0];
	_ =	sdelay $0x3  }
0x1cc: {  	s10 =	sadd.s32 $0x2580, s2  }
0x1cd: {  	s11 =	simm.s32 $0xB;
	s13 =	sor.u32 s14, s10;
	[tilespmem:v2+s17+$0x0] =	vst.idx.msk $0xffff, v1  }
0x1ce: {  	v2 =	vor.u32 s11, v0;
	v1 =	vld [tilespmem:s13+$0x0];
	_ =	sdelay $0x3  }
0x1cf: {  	s11 =	sadd.s32 $0x2600, s2  }
0x1d0: {  	s12 =	simm.s32 $0xC;
	s15 =	sor.u32 s14, s11;
	[tilespmem:v2+s17+$0x0] =	vst.idx.msk $0xffff, v1  }
0x1d1: {  	v2 =	vor.u32 s12, v0;
	v1 =	vld [tilespmem:s15+$0x0];
	_ =	sdelay $0x3  }
0x1d2: {  	s12 =	sadd.s32 $0x2680, s2  }
0x1d3: {  	s13 =	simm.s32 $0xD;
	s21 =	sor.u32 s14, s12;
	[tilespmem:v2+s17+$0x0] =	vst.idx.msk $0xffff, v1  }
0x1d4: {  	v2 =	vor.u32 s13, v0;
	v1 =	vld [tilespmem:s21+$0x0];
	_ =	sdelay $0x3  }
0x1d5: {  	s15 =	sadd.s32 $0x2700, s2  }
0x1d6: {  	s24 =	simm.s32 $0xE;
	s22 =	sor.u32 s14, s15;
	[tilespmem:v2+s17+$0x0] =	vst.idx.msk $0xffff, v1  }
0x1d7: {  	v2 =	vor.u32 s24, v0;
	v1 =	vld [tilespmem:s22+$0x0];
	_ =	sdelay $0x3  }
0x1d8: {  	s13 =	sadd.s32 $0x2780, s2  }
0x1d9: {  	s26 =	simm.s32 $0xF;
	s25 =	sor.u32 s14, s13;
	[tilespmem:v2+s17+$0x0] =	vst.idx.msk $0xffff, v1  }
0x1da: {  	v2 =	vor.u32 s26, v0;
	v1 =	vld [tilespmem:s25+$0x0];
	_ =	sdelay $0x2  }
0x1db: {  	s4 =	simm.s32 $0x10  }
0x1dc: {  	s14 =	sand.u32 $0x70, s4  }
0x1dd: {  	s21 =	simm.s32 $0x100;
	s2 =	sor.u32 s14, s2;
	[tilespmem:v2+s17+$0x0] =	vst.idx.msk $0xffff, v1  }
0x1de: {  	v2 =	vor.u32 s21, v0;
	v1 =	vld [tilespmem:s2+$0x0];
	_ =	sdelay $0x4  }
0x1df: {  	s29 =	simm.s32 $0x101;
	[tilespmem:v2+s17+$0x0] =	vst.idx.msk $0xffff, v1  }
0x1e0: {  	v2 =	vor.u32 s29, v0;
	v1 =	vld [tilespmem:s2+$0x80];
	_ =	sdelay $0x4  }
0x1e1: {  	s30 =	simm.s32 $0x102;
	[tilespmem:v2+s17+$0x0] =	vst.idx.msk $0xffff, v1  }
0x1e2: {  	v2 =	vor.u32 s30, v0;
	v1 =	vld [tilespmem:s2+$0x100];
	_ =	sdelay $0x4  }
0x1e3: {  	s31 =	simm.s32 $0x103;
	[tilespmem:v2+s17+$0x0] =	vst.idx.msk $0xffff, v1  }
0x1e4: {  	v2 =	vor.u32 s31, v0;
	v1 =	vld [tilespmem:s2+$0x180];
	_ =	sdelay $0x4  }
0x1e5: {  	s22 =	simm.s32 $0x104;
	[tilespmem:v2+s17+$0x0] =	vst.idx.msk $0xffff, v1  }
0x1e6: {  	v2 =	vor.u32 s22, v0;
	v1 =	vld [tilespmem:s2+$0x200];
	_ =	sdelay $0x4  }
0x1e7: {  	s24 =	simm.s32 $0x105;
	[tilespmem:v2+s17+$0x0] =	vst.idx.msk $0xffff, v1  }
0x1e8: {  	v2 =	vor.u32 s24, v0;
	v1 =	vld [tilespmem:s2+$0x280]  }
0x1e9: {  	s25 =	sand.u32 $0x7, s23  }
0x1ea: {  	s2 =	sshll.u32 s25, $0x4  }
0x1eb: {  	s2 =	sadd.s32 $0x0, s2  }
0x1ec: {  	s2 =	sadd.s32 $0x10, s2  }
0x1ed: {  	s26 =	simm.s32 $0x106;
	s2 =	sor.u32 $0x300, s2;
	[tilespmem:v2+s17+$0x0] =	vst.idx.msk $0xffff, v1  }
0x1ee: {  	v2 =	vor.u32 s26, v0;
	v1 =	vld [tilespmem:s2+$0x0];
	_ =	sdelay $0x3  }
0x1ef: {  	s0 =	sor.u32 s4, s0  }
0x1f0: {  	s0 =	sor.u32 $0x380, s0;
	s29 =	simm.s32 $0x107;
	[tilespmem:v2+s17+$0x0] =	vst.idx.msk $0xffff, v1  }
0x1f1: {  	v2 =	vor.u32 s29, v0;
	v1 =	vld [tilespmem:s0+$0x0];
	_ =	sdelay $0x4  }
0x1f2: {  	s30 =	sor.u32 s14, s3;
	s31 =	simm.s32 $0x108;
	[tilespmem:v2+s17+$0x0] =	vst.idx.msk $0xffff, v1  }
0x1f3: {  	v2 =	vor.u32 s31, v0;
	v1 =	vld [tilespmem:s30+$0x0];
	_ =	sdelay $0x4  }
0x1f4: {  	s3 =	simm.s32 $0x109;
	s2 =	sor.u32 s14, s7;
	[tilespmem:v2+s17+$0x0] =	vst.idx.msk $0xffff, v1  }
0x1f5: {  	v2 =	vor.u32 s3, v0;
	v1 =	vld [tilespmem:s2+$0x0];
	_ =	sdelay $0x4  }
0x1f6: {  	s4 =	sor.u32 s14, s8;
	s7 =	simm.s32 $0x10A;
	[tilespmem:v2+s17+$0x0] =	vst.idx.msk $0xffff, v1  }
0x1f7: {  	v2 =	vor.u32 s7, v0;
	v1 =	vld [tilespmem:s4+$0x0];
	_ =	sdelay $0x4  }
0x1f8: {  	s8 =	sor.u32 s14, s10;
	s10 =	simm.s32 $0x10B;
	[tilespmem:v2+s17+$0x0] =	vst.idx.msk $0xffff, v1  }
0x1f9: {  	v2 =	vor.u32 s10, v0;
	v1 =	vld [tilespmem:s8+$0x0];
	_ =	sdelay $0x4  }
0x1fa: {  	s21 =	sor.u32 s14, s11;
	s22 =	simm.s32 $0x10C;
	[tilespmem:v2+s17+$0x0] =	vst.idx.msk $0xffff, v1  }
0x1fb: {  	v2 =	vor.u32 s22, v0;
	v1 =	vld [tilespmem:s21+$0x0];
	_ =	sdelay $0x4  }
0x1fc: {  	s24 =	sor.u32 s14, s12;
	s25 =	simm.s32 $0x10D;
	[tilespmem:v2+s17+$0x0] =	vst.idx.msk $0xffff, v1  }
0x1fd: {  	v2 =	vor.u32 s25, v0;
	v1 =	vld [tilespmem:s24+$0x0];
	_ =	sdelay $0x4  }
0x1fe: {  	s26 =	sor.u32 s14, s15;
	s29 =	simm.s32 $0x10E;
	[tilespmem:v2+s17+$0x0] =	vst.idx.msk $0xffff, v1  }
0x1ff: {  	v2 =	vor.u32 s29, v0;
	v1 =	vld [tilespmem:s26+$0x0];
	_ =	sdelay $0x4  }
0x200: {  	s31 =	sor.u32 s14, s13;
	s30 =	simm.s32 $0x10F;
	[tilespmem:v2+s17+$0x0] =	vst.idx.msk $0xffff, v1  }
0x201: {  	v2 =	vor.u32 s30, v0;
	v1 =	vld [tilespmem:s31+$0x0]  }
0x202: {  	s28 =	simm.s32 $0x110;
	s0 =	simm.s32 $0x0;
	s2 =	simm.s32 $0x0  }
0x203: {  	s25 =	simm.s32 $0x30;
	s24 =	simm.s32 $0x0;
	s26 =	simm.s32 $0x30F  }
.LBB2_13:
0x204: {  	s3 =	sadd.s32 $0xFFFFFFF0, s28;
	s7 =	sadd.s32 $0xFFFFFFF0, s25;
	s24 =	sadd.s32 $0x2, s24  }
0x205: {  	s22 =	sand.u32 $0x60, s7;
	s10 =	sand.u32 $0xC00, s3;
	p1 =	slt.u32 s24, $0x1E  }
0x206: {  	s4 =	sadd.s32 $0xFFFFFEF1, s26;
	s8 =	sor.u32 s22, s10;
	[tilespmem:v2+s17+$0x0] =	vst.idx.msk $0xffff, v1  }
0x207: {  	v2 =	vor.u32 s4, v0;
	v1 =	vld [tilespmem:s8+$0x0];
	_ =	sdelay $0x4  }
0x208: {  	s4 =	sadd.s32 $0xFFFFFEF2, s26;
	[tilespmem:v2+s17+$0x0] =	vst.idx.msk $0xffff, v1  }
0x209: {  	v2 =	vor.u32 s4, v0;
	v1 =	vld [tilespmem:s8+$0x80];
	_ =	sdelay $0x4  }
0x20a: {  	s4 =	sadd.s32 $0xFFFFFEF3, s26;
	[tilespmem:v2+s17+$0x0] =	vst.idx.msk $0xffff, v1  }
0x20b: {  	v2 =	vor.u32 s4, v0;
	v1 =	vld [tilespmem:s8+$0x100];
	_ =	sdelay $0x4  }
0x20c: {  	s4 =	sadd.s32 $0xFFFFFEF4, s26;
	[tilespmem:v2+s17+$0x0] =	vst.idx.msk $0xffff, v1  }
0x20d: {  	v2 =	vor.u32 s4, v0;
	v1 =	vld [tilespmem:s8+$0x180];
	_ =	sdelay $0x4  }
0x20e: {  	s4 =	sadd.s32 $0xFFFFFEF5, s26;
	[tilespmem:v2+s17+$0x0] =	vst.idx.msk $0xffff, v1  }
0x20f: {  	v2 =	vor.u32 s4, v0;
	v1 =	vld [tilespmem:s8+$0x200];
	_ =	sdelay $0x4  }
0x210: {  	s4 =	sadd.s32 $0xFFFFFEF6, s26;
	[tilespmem:v2+s17+$0x0] =	vst.idx.msk $0xffff, v1  }
0x211: {  	v2 =	vor.u32 s4, v0;
	v1 =	vld [tilespmem:s8+$0x280]  }
0x212: {  	s23 =	sadd.s32 $0x1, s23  }
0x213: {  	s4 =	sand.u32 $0x3, s23  }
0x214: {  	s0 =	sadd.s32 $0x100, s0;
	s4 =	sshll.u32 s4, $0x5  }
0x215: {  	s4 =	sadd.s32 s4, s0  }
0x216: {  	s8 =	sadd.s32 $0xFFFFFEF7, s26;
	s4 =	sor.u32 $0x300, s4;
	[tilespmem:v2+s17+$0x0] =	vst.idx.msk $0xffff, v1  }
0x217: {  	v2 =	vor.u32 s8, v0;
	v1 =	vld [tilespmem:s4+$0x0];
	_ =	sdelay $0x3  }
0x218: {  	s4 =	sor.u32 s7, s3  }
0x219: {  	s7 =	sadd.s32 $0xFFFFFEF8, s26;
	s4 =	sor.u32 $0x380, s4;
	[tilespmem:v2+s17+$0x0] =	vst.idx.msk $0xffff, v1  }
0x21a: {  	v2 =	vor.u32 s7, v0;
	v1 =	vld [tilespmem:s4+$0x0];
	_ =	sdelay $0x3  }
0x21b: {  	s11 =	sadd.s32 $0x2400, s10  }
0x21c: {  	s7 =	sadd.s32 $0xFFFFFEF9, s26;
	s4 =	sor.u32 s22, s11;
	[tilespmem:v2+s17+$0x0] =	vst.idx.msk $0xffff, v1  }
0x21d: {  	v2 =	vor.u32 s7, v0;
	v1 =	vld [tilespmem:s4+$0x0];
	_ =	sdelay $0x3  }
0x21e: {  	s12 =	sadd.s32 $0x2480, s10  }
0x21f: {  	s7 =	sadd.s32 $0xFFFFFEFA, s26;
	s4 =	sor.u32 s22, s12;
	[tilespmem:v2+s17+$0x0] =	vst.idx.msk $0xffff, v1  }
0x220: {  	v2 =	vor.u32 s7, v0;
	v1 =	vld [tilespmem:s4+$0x0];
	_ =	sdelay $0x3  }
0x221: {  	s13 =	sadd.s32 $0x2500, s10  }
0x222: {  	s7 =	sadd.s32 $0xFFFFFEFB, s26;
	s4 =	sor.u32 s22, s13;
	[tilespmem:v2+s17+$0x0] =	vst.idx.msk $0xffff, v1  }
0x223: {  	v2 =	vor.u32 s7, v0;
	v1 =	vld [tilespmem:s4+$0x0];
	_ =	sdelay $0x3  }
0x224: {  	s15 =	sadd.s32 $0x2580, s10  }
0x225: {  	s7 =	sadd.s32 $0xFFFFFEFC, s26;
	s4 =	sor.u32 s22, s15;
	[tilespmem:v2+s17+$0x0] =	vst.idx.msk $0xffff, v1  }
0x226: {  	v2 =	vor.u32 s7, v0;
	v1 =	vld [tilespmem:s4+$0x0];
	_ =	sdelay $0x3  }
0x227: {  	s7 =	sadd.s32 $0x2600, s10  }
0x228: {  	s8 =	sadd.s32 $0xFFFFFEFD, s26;
	s4 =	sor.u32 s22, s7;
	[tilespmem:v2+s17+$0x0] =	vst.idx.msk $0xffff, v1  }
0x229: {  	v2 =	vor.u32 s8, v0;
	v1 =	vld [tilespmem:s4+$0x0];
	_ =	sdelay $0x3  }
0x22a: {  	s8 =	sadd.s32 $0x2680, s10  }
0x22b: {  	s14 =	sadd.s32 $0xFFFFFEFE, s26;
	s4 =	sor.u32 s22, s8;
	[tilespmem:v2+s17+$0x0] =	vst.idx.msk $0xffff, v1  }
0x22c: {  	v2 =	vor.u32 s14, v0;
	v1 =	vld [tilespmem:s4+$0x0];
	_ =	sdelay $0x3  }
0x22d: {  	s14 =	sadd.s32 $0x2700, s10  }
0x22e: {  	s21 =	sadd.s32 $0xFFFFFEFF, s26;
	s4 =	sor.u32 s22, s14;
	[tilespmem:v2+s17+$0x0] =	vst.idx.msk $0xffff, v1  }
0x22f: {  	v2 =	vor.u32 s21, v0;
	v1 =	vld [tilespmem:s4+$0x0];
	_ =	sdelay $0x3  }
0x230: {  	s21 =	sadd.s32 $0x2780, s10  }
0x231: {  	s4 =	sor.u32 s22, s21;
	s22 =	sadd.s32 $0xFFFFFF00, s26;
	[tilespmem:v2+s17+$0x0] =	vst.idx.msk $0xffff, v1  }
0x232: {  	v2 =	vor.u32 s22, v0;
	v1 =	vld [tilespmem:s4+$0x0];
	_ =	sdelay $0x3  }
0x233: {  	s22 =	sand.u32 $0x70, s25  }
0x234: {  	s4 =	sadd.s32 $0xFFFFFFF1, s26;
	s10 =	sor.u32 s22, s10;
	[tilespmem:v2+s17+$0x0] =	vst.idx.msk $0xffff, v1  }
0x235: {  	v2 =	vor.u32 s4, v0;
	v1 =	vld [tilespmem:s10+$0x0];
	_ =	sdelay $0x4  }
0x236: {  	s4 =	sadd.s32 $0xFFFFFFF2, s26;
	[tilespmem:v2+s17+$0x0] =	vst.idx.msk $0xffff, v1  }
0x237: {  	v2 =	vor.u32 s4, v0;
	v1 =	vld [tilespmem:s10+$0x80];
	_ =	sdelay $0x4  }
0x238: {  	s4 =	sadd.s32 $0xFFFFFFF3, s26;
	[tilespmem:v2+s17+$0x0] =	vst.idx.msk $0xffff, v1  }
0x239: {  	v2 =	vor.u32 s4, v0;
	v1 =	vld [tilespmem:s10+$0x100];
	_ =	sdelay $0x4  }
0x23a: {  	s4 =	sadd.s32 $0xFFFFFFF4, s26;
	[tilespmem:v2+s17+$0x0] =	vst.idx.msk $0xffff, v1  }
0x23b: {  	v2 =	vor.u32 s4, v0;
	v1 =	vld [tilespmem:s10+$0x180];
	_ =	sdelay $0x4  }
0x23c: {  	s4 =	sadd.s32 $0xFFFFFFF5, s26;
	[tilespmem:v2+s17+$0x0] =	vst.idx.msk $0xffff, v1  }
0x23d: {  	v2 =	vor.u32 s4, v0;
	v1 =	vld [tilespmem:s10+$0x200];
	_ =	sdelay $0x4  }
0x23e: {  	s4 =	sadd.s32 $0xFFFFFFF6, s26;
	[tilespmem:v2+s17+$0x0] =	vst.idx.msk $0xffff, v1  }
0x23f: {  	s2 =	sadd.s32 $0x2, s2;
	v2 =	vor.u32 s4, v0;
	v1 =	vld [tilespmem:s10+$0x280]  }
0x240: {  	s4 =	sand.u32 $0x7, s2  }
0x241: {  	s4 =	sshll.u32 s4, $0x4  }
0x242: {  	s4 =	sadd.s32 s3, s4  }
0x243: {  	s4 =	sadd.s32 $0x10, s4  }
0x244: {  	s10 =	sadd.s32 $0xFFFFFFF7, s26;
	s4 =	sor.u32 $0x300, s4;
	[tilespmem:v2+s17+$0x0] =	vst.idx.msk $0xffff, v1  }
0x245: {  	v2 =	vor.u32 s10, v0;
	v1 =	vld [tilespmem:s4+$0x0];
	_ =	sdelay $0x3  }
0x246: {  	s3 =	sor.u32 s25, s3  }
0x247: {  	s3 =	sor.u32 $0x380, s3;
	s4 =	sadd.s32 $0xFFFFFFF8, s26;
	[tilespmem:v2+s17+$0x0] =	vst.idx.msk $0xffff, v1  }
0x248: {  	v2 =	vor.u32 s4, v0;
	v1 =	vld [tilespmem:s3+$0x0];
	_ =	sdelay $0x4  }
0x249: {  	s4 =	sadd.s32 $0xFFFFFFF9, s26;
	s3 =	sor.u32 s22, s11;
	[tilespmem:v2+s17+$0x0] =	vst.idx.msk $0xffff, v1  }
0x24a: {  	v2 =	vor.u32 s4, v0;
	v1 =	vld [tilespmem:s3+$0x0];
	_ =	sdelay $0x4  }
0x24b: {  	s4 =	sadd.s32 $0xFFFFFFFA, s26;
	s3 =	sor.u32 s22, s12;
	[tilespmem:v2+s17+$0x0] =	vst.idx.msk $0xffff, v1  }
0x24c: {  	v2 =	vor.u32 s4, v0;
	v1 =	vld [tilespmem:s3+$0x0];
	_ =	sdelay $0x4  }
0x24d: {  	s4 =	sadd.s32 $0xFFFFFFFB, s26;
	s3 =	sor.u32 s22, s13;
	[tilespmem:v2+s17+$0x0] =	vst.idx.msk $0xffff, v1  }
0x24e: {  	v2 =	vor.u32 s4, v0;
	v1 =	vld [tilespmem:s3+$0x0];
	_ =	sdelay $0x4  }
0x24f: {  	s4 =	sadd.s32 $0xFFFFFFFC, s26;
	s3 =	sor.u32 s22, s15;
	[tilespmem:v2+s17+$0x0] =	vst.idx.msk $0xffff, v1  }
0x250: {  	v2 =	vor.u32 s4, v0;
	v1 =	vld [tilespmem:s3+$0x0];
	_ =	sdelay $0x4  }
0x251: {  	s4 =	sadd.s32 $0xFFFFFFFD, s26;
	s3 =	sor.u32 s22, s7;
	[tilespmem:v2+s17+$0x0] =	vst.idx.msk $0xffff, v1  }
0x252: {  	v2 =	vor.u32 s4, v0;
	v1 =	vld [tilespmem:s3+$0x0];
	_ =	sdelay $0x4  }
0x253: {  	s4 =	sadd.s32 $0xFFFFFFFE, s26;
	s3 =	sor.u32 s22, s8;
	[tilespmem:v2+s17+$0x0] =	vst.idx.msk $0xffff, v1  }
0x254: {  	v2 =	vor.u32 s4, v0;
	v1 =	vld [tilespmem:s3+$0x0];
	_ =	sdelay $0x4  }
0x255: {  	s4 =	sadd.s32 $0xFFFFFFFF, s26;
	s3 =	sor.u32 s22, s14;
	[tilespmem:v2+s17+$0x0] =	vst.idx.msk $0xffff, v1  }
0x256: {  	v2 =	vor.u32 s4, v0;
	v1 =	vld [tilespmem:s3+$0x0];
	_ =	sdelay $0x3  }
.Ltmp10:
0x257: {  	(pc) =	sbr.rel @p1 .LBB2_13-.Ltmp10, $3  }
0x258: {  	s3 =	sor.u32 s22, s21;
	[tilespmem:v2+s17+$0x0] =	vst.idx.msk $0xffff, v1  }
0x259: {  	v2 =	vor.u32 s26, v0;
	v1 =	vld [tilespmem:s3+$0x0];
	_ =	sdelay $0x1  }
0x25a: {  	s28 =	sadd.s32 $0x100, s28;
	s25 =	sadd.s32 $0x20, s25;
	s26 =	sadd.s32 $0x200, s26  }
0x25b: {  	_ =	sdelay $0x3  }
0x25c: {  	s2 =	simm.s32 $0x0;
	s0 =	rddreg [dreg:$0x8];
	[tilespmem:v2+s17+$0x0] =	vst.idx.msk $0xffff, v1  }
0x25d: {  	[hbm4b:s0+s2] =	stream.linear.scatter [tilespmem:s17], [sflag:$0x3], $0x2000, $0x38;
	[tilespmem:$0x11000] =	vst v63  }
0x25e: {  	_ =	swait.ge [sflag:s18], $0x2000  }
0x25f: {  	[sflag:s18] =	ssyncset.done $0x0  }
0x260: {  	[sflag:s18] =	ssyncadd.s32 $0xFFFFE000  }
0x261: {  	s3 =	simm.s32 $0x4;
	s30 =	rddreg [dreg:$0x1]  }
0x262: {  	[tilespmem:s20], [sflag:$0x4] =	stream.linear.gather [hbm4b:s30+s2], $0x400, $0x38;
	[tilespmem:$0x11000] =	vst v63  }
0x263: {  	_ =	swait.ge [sflag:s3], $0x400  }
0x264: {  	[sflag:s3] =	ssyncset.done $0x0  }
.Ltmp11:
0x265: {  	s31 =	rddreg [dreg:$0x9];
	[sflag:s3] =	ssyncadd.s32 $0xFFFFFC00;
	(pc) =	sbr.rel .LBB2_15-.Ltmp11, $4  }
0x266: {  	[hbm4b:s31+s2] =	stream.linear.scatter [tilespmem:s20], [sflag:$0x4], $0x400, $0x38;
	[tilespmem:$0x11000] =	vst v63  }
0x267: {  	_ =	swait.ge [sflag:s3], $0x400  }
0x268: {  	[sflag:s3] =	ssyncset.done $0x0  }
0x269: {  	s2 =	rddreg [dreg:$0xb];
	[sflag:s3] =	ssyncadd.s32 $0xFFFFFC00  }
.LBB2_16:
0x26a: {  	_ =	sfence.sel $0x180000  }
0x26b: {  	[bflag:$0x0] =	sbarrier.arrive $0xFFFF  }
0x26c: {  	_ =	strace $0x90000047  }
0x26d: {  	s0 =	stileid.u32;
	[bflag:$0x2] =	sbarrier.arrive $0xFFFF  }
0x26e: {  	p0 =	sne.s32 s0, $0x0;
	s0 =	rddreg [dreg:$0x3]  }
0x26f: {  	s0 =	sadd.s32 @!p0 $0x100000, s0  }
0x270: {  	[sflag:s0] =	ssyncadd.tile.s32 @!p0 $0x1;
	_ =	shalt  }
.Lfunc_end2:
_tile_overlayer_lowered:
.L_overlay_start_2:
0x271: {  	(tag) =	ssettag $0x2  }
0x272: {  	s0 =	rddreg [dreg:$0x0];
	s2 =	stileid.u32  }
0x273: {  	s1 =	rddreg [dreg:$0x1];
	p0 =	sne.s32 s2, $0x0  }
0x274: {  	s3 =	rddreg [dreg:$0x2];
	[bflag:$0x3] =	sbarrier.arrive $0xFFFF;
	s2 =	simm.s32 @!p0 $0x1C04  }
0x275: {  	[timem:s3], [sflag:s2] =	dma.local @!p0 [hbm:s0], s1  }
0x276: {  	s0 =	simm.s32 @!p0 $0x4  }
0x277: {  	_ =	swait.ge @!p0 [sflag:s0], s1  }
0x278: {  	s1 =	ssub.s32 @!p0 $0x0, s1;
	[sflag:s0] =	ssyncset.done @!p0 $0x0  }
0x279: {  	[sflag:s0] =	ssyncadd.s32 @!p0 s1  }
0x27a: {  	[bflag:$0x3] =	sbarrier.arrive $0xFFFF  }
0x27b: {  	_ =	shalt  }

// kernel: kernel.7.cloned.1.call-start
scs
__scs_entry_jumppad:
0x0: {  	(pc) =	sbr.rel $0x88, $3  }
0x1: {  	(tag) =	ssettag $0x0;
	lr =	simm.s32 $0x1  }
0x2: {  	[smem:$0x3F9F] =	sst lr;
	_ =	strace $0xD0000000  }
0x3: {  	_ = 	snop  }
0x4: {  	_ = 	snop  }
0x5: {  	_ = 	snop  }
0x6: {  	_ = 	snop  }
0x7: {  	_ = 	snop  }
__scs_overlays_trampoline_lowered:
0x8: {  	[smem:$0x3FAE] =	sst s0  }
0x9: {  	[smem:$0x3FAF] =	sst s1  }
0xa: {  	[smem:$0x3FB0] =	sst s2  }
0xb: {  	[smem:$0x3FB1] =	sst s3  }
0xc: {  	[smem:$0x3FB2] =	sst s4  }
0xd: {  	[smem:$0x3FB3] =	sst s5  }
0xe: {  	[smem:$0x3FB4] =	sst s6  }
0xf: {  	[smem:$0x3FB5] =	sst s7  }
0x10: {  	[smem:$0x3FB6] =	sst s8  }
0x11: {  	[smem:$0x3FB7] =	sst s9;
	s0 =	simm.s32 @!p0 $0x0  }
0x12: {  	s1 =	sld [smem:$0x3F9D];
	s0 =	simm.s32 @p0 $0x1  }
0x13: {  	[smem:$0x3FB8] =	sst s0;
	s0 =	simm.s32 @!p1 $0x0  }
0x14: {  	s2 =	sld [smem:$0x3F9C];
	s0 =	simm.s32 @p1 $0x1  }
0x15: {  	[smem:$0x3FB9] =	sst s0;
	s0 =	simm.s32 @!p2 $0x0  }
0x16: {  	s3 =	sld [smem:$0x3FDB];
	s0 =	simm.s32 @p2 $0x1  }
0x17: {  	s4 =	simm.s32 $0x1BF5;
	[smem:$0x3FBB] =	sst s0  }
0x18: {  	s0 =	sld [smem:$0x3F9E];
	_ =	swait.ge [sflag:s4], $0x0  }
0x19: {  	s7 =	sld [smem:$0x3F9F]  }
0x1a: {  	s8 =	sadd.s32 $0xFFFFE003, lr  }
0x1b: {  	s9 =	sadd.s32 $0xFFFFFEF7, lr;
	s5 =	simm.s32 $0xFFFFFFFF;
	p2 =	slt.u32 s8, $0xFFFFF086  }
0x1c: {  	p1 =	slt.u32 s9, $0xF7A;
	s5 =	simm.s32 @!p2 $0x0  }
0x1d: {  	s5 =	simm.s32 @p1 $0x1;
	p0 =	seq.s32 s7, s2  }
0x1e: {  	s7 =	smul.u32 @!p0 $0xF7A, s2;
	p2 =	seq.s32 @!p0 s5, $0x0  }
0x1f: {  	s9 =	smul.u32 $0xF7A, s1;
	s8 =	simm.s32 @!p0 $0x1BF5;
	p2 =	por !p2, p0  }
0x20: {  	[sflag:s8] =	ssyncset.s32 @!p0 $0xFFFFF086;
	s6 =	sadd.s32 @!p0 s3, s7;
	s7 =	simm.s32 @!p0 $0x108  }
0x21: {  	s3 =	sadd.s32 s3, s9;
	s6 =	sadd.s32 @!p0 $0x88, s6;
	s7 =	simm.s32 @p2 $0x1082  }
0x22: {  	[simem:s7], [sflag:s8] =	dma.local @!p0 [hbm:s6], $0xF7A  }
0x23: {  	s9 =	sor.u32 $0xD0000000, s2;
	s6 =	simm.s32 $0x108;
	_ =	swait.ge @!p0 [sflag:s8], $0x0  }
0x24: {  	s3 =	sadd.s32 $0x88, s3;
	s6 =	simm.s32 @!p1 $0x1082;
	[sflag:s4] =	ssyncset.s32 $0xFFFFF086  }
0x25: {  	[simem:s6], [sflag:s4] =	dma.local [hbm:s3], $0xF7A  }
0x26: {  	[smem:$0x3F9F] =	sst s1;
	(tag) =	ssettag s2;
	_ =	strace s9  }
0x27: {  	s1 =	sld [smem:$0x3FAF]  }
0x28: {  	s2 =	sld [smem:$0x3FB0]  }
0x29: {  	s4 =	sld [smem:$0x3FB2]  }
0x2a: {  	p0 =	seq.s32 s5, $0x0;
	s5 =	sld [smem:$0x3FB3]  }
0x2b: {  	s6 =	sld [smem:$0x3FB4]  }
0x2c: {  	s7 =	sld [smem:$0x3FB5]  }
0x2d: {  	s3 =	simm.s32 $0x108;
	s8 =	sld [smem:$0x3FB6]  }
0x2e: {  	s3 =	simm.s32 @!p0 $0x1082;
	s9 =	sld [smem:$0x3FB7]  }
0x2f: {  	lr =	sadd.s32 s0, s3;
	s0 =	sld [smem:$0x3FAE]  }
0x30: {  	s3 =	sld [smem:$0x3FB1]  }
0x31: {  	[smem:$0x3FBA] =	sst s10  }
0x32: {  	s10 =	sld [smem:$0x3FB8];
	_ =	sdelay $0x3  }
0x33: {  	p0 =	seq.s32 s10, $0x1;
	s10 =	sld [smem:$0x3FBA];
	_ =	sdelay $0x3  }
0x34: {  	[smem:$0x3FBA] =	sst s10  }
0x35: {  	s10 =	sld [smem:$0x3FB9];
	_ =	sdelay $0x3  }
0x36: {  	p1 =	seq.s32 s10, $0x1;
	s10 =	sld [smem:$0x3FBA];
	_ =	sdelay $0x3  }
0x37: {  	[smem:$0x3FBA] =	sst s10  }
0x38: {  	s10 =	sld [smem:$0x3FBB]  }
0x39: {  	_ = 	snop;
	(pc) =	sbr.ind lr, $3  }
0x3a: {  	_ = 	snop  }
0x3b: {  	_ = 	snop  }
0x3c: {  	p2 =	seq.s32 s10, $0x1;
	s10 =	sld [smem:$0x3FBA]  }
0x3d: {  	_ =	shalt  }
0x3e: {  	_ =	shalt  }
0x3f: {  	_ =	shalt  }
0x40: {  	_ =	shalt  }
0x41: {  	_ =	shalt  }
0x42: {  	_ =	shalt  }
0x43: {  	_ =	shalt  }
0x44: {  	_ =	shalt  }
0x45: {  	_ =	shalt  }
0x46: {  	_ =	shalt  }
0x47: {  	_ =	shalt  }
0x48: {  	_ =	shalt  }
0x49: {  	_ =	shalt  }
0x4a: {  	_ =	shalt  }
0x4b: {  	_ =	shalt  }
0x4c: {  	_ =	shalt  }
0x4d: {  	_ =	shalt  }
0x4e: {  	_ =	shalt  }
0x4f: {  	_ =	shalt  }
0x50: {  	_ =	shalt  }
0x51: {  	_ =	shalt  }
0x52: {  	_ =	shalt  }
0x53: {  	_ =	shalt  }
0x54: {  	_ =	shalt  }
0x55: {  	_ =	shalt  }
0x56: {  	_ =	shalt  }
0x57: {  	_ =	shalt  }
0x58: {  	_ =	shalt  }
0x59: {  	_ =	shalt  }
0x5a: {  	_ =	shalt  }
0x5b: {  	_ =	shalt  }
0x5c: {  	_ =	shalt  }
0x5d: {  	_ =	shalt  }
0x5e: {  	_ =	shalt  }
0x5f: {  	_ =	shalt  }
0x60: {  	_ =	shalt  }
0x61: {  	_ =	shalt  }
0x62: {  	_ =	shalt  }
0x63: {  	_ =	shalt  }
0x64: {  	_ =	shalt  }
0x65: {  	_ =	shalt  }
0x66: {  	_ =	shalt  }
0x67: {  	_ =	shalt  }
0x68: {  	_ =	shalt  }
0x69: {  	_ =	shalt  }
0x6a: {  	_ =	shalt  }
0x6b: {  	_ =	shalt  }
0x6c: {  	_ =	shalt  }
0x6d: {  	_ =	shalt  }
0x6e: {  	_ =	shalt  }
0x6f: {  	_ =	shalt  }
0x70: {  	_ =	shalt  }
0x71: {  	_ =	shalt  }
0x72: {  	_ =	shalt  }
0x73: {  	_ =	shalt  }
0x74: {  	_ =	shalt  }
0x75: {  	_ =	shalt  }
0x76: {  	_ =	shalt  }
0x77: {  	_ =	shalt  }
0x78: {  	_ =	shalt  }
0x79: {  	_ =	shalt  }
0x7a: {  	_ =	shalt  }
0x7b: {  	_ =	shalt  }
0x7c: {  	_ =	shalt  }
0x7d: {  	_ =	shalt  }
0x7e: {  	_ =	shalt  }
0x7f: {  	_ =	shalt  }
0x80: {  	_ =	shalt  }
0x81: {  	_ =	shalt  }
0x82: {  	_ =	shalt  }
0x83: {  	_ =	shalt  }
0x84: {  	_ =	shalt  }
0x85: {  	_ =	shalt  }
0x86: {  	_ =	shalt  }
0x87: {  	_ =	shalt  }
.Lfunc_end0:
.L_simem_size_0:
called_computation.1_lowered:
.L_overlay_start_0:
0x88: {  	s2 =	sld [smem:$0x3FD9]  }
0x89: {  	s3 =	sld [smem:$0x3FFE];
	_ =	sdelay $0x1  }
0x8a: {  	s1 =	srdreg.scid  }
0x8b: {  	s0 =	sand.u32 $0x1, s1  }
0x8c: {  	s17 =	sshll.u32 s0, $0xA;
	s2 =	sadd.s32 s3, s2  }
0x8d: {  	s2 =	sadd.s32 s2, s17  }
0x8e: {  	[smem:$0x3FC6] =	sst s2  }
0x8f: {  	_ = 	snop  }
0x90: {  	s2 =	sld [smem:$0x3FD0];
	(tm) =	ssettm $0x1  }
0x91: {  	s18 =	sld [smem:$0x3FFB];
	_ =	sdelay $0x3  }
0x92: {  	_ =	strace s18  }
0x93: {  	s3 =	sld [smem:$0x3FFC];
	_ =	sdelay $0x3  }
0x94: {  	_ =	strace s3  }
0x95: {  	s3 =	sld [smem:$0x3FFD];
	_ =	sdelay $0x3  }
0x96: {  	_ =	strace s3  }
0x97: {  	_ =	strace $0x8FFFFFFF  }
0x98: {  	s19 =	sld [smem:$0x3FDB];
	_ =	sdelay $0x1  }
0x99: {  	s4 =	simm.s32 $_scs_section_size  }
0x9a: {  	s5 =	simm.s32 $_size__tile_overlayer_lowered;
	s6 =	simm.s32 $_tile_overlayer_lowered  }
0x9b: {  	s22 =	simm.s32 $0x1BFF;
	s21 =	sshll.u32 s6, $0x1;
	s3 =	sadd.s32 s4, s19  }
0x9c: {  	s7 =	simm.s32 $0x0;
	s20 =	sshll.u32 s5, $0x1;
	s5 =	sadd.s32 s21, s3  }
0x9d: {  	[timem:s7], [sflag:s22] =	dma.local [hbm:s5], s20  }
0x9e: {  	_ =	swait.ge [sflag:s22], s20  }
0x9f: {  	s4 =	ssub.s32 $0x0, s20;
	[sflag:s22] =	ssyncset.done $0x0  }
0xa0: {  	[sflag:s22] =	ssyncadd.s32 s4;
	_ =	sdelay $0x1  }
0xa1: {  	s23 =	simm.s32 $0x1B8B  }
0xa2: {  	_ =	swait.ge [sflag:s23], $0x1  }
0xa3: {  	[sflag:s23] =	ssyncset.done $0x0  }
0xa4: {  	s25 =	simm.s32 $0x1B8E;
	s24 =	sld [smem:$0x3FFE];
	[sflag:s23] =	ssyncadd.s32 $0xFFFFFFFF  }
0xa5: {  	s26 =	simm.s32 $execute0_lowered;
	[smem:$0x3FD2] =	sst s25  }
0xa6: {  	s5 =	sshll.u32 s26, $0x1;
	_ =	strace $0x80000049;
	[dreg:$0x1] =	wrdreg $0xFFFFFFFF  }
0xa7: {  	s28 =	simm.s32 $_size_execute0_lowered;
	s3 =	sadd.s32 s3, s5;
	[dreg:$0x0] =	wrdreg $0x0  }
0xa8: {  	s5 =	sshll.u32 s28, $0x1;
	[dreg:$0x2] =	wrdreg s3  }
0xa9: {  	[dreg:$0x3] =	wrdreg s5  }
0xaa: {  	[dreg:$0x4] =	wrdreg $0xC0  }
0xab: {  	_ =	task [dreg:s7], $0x5FFFF  }
0xac: {  	[dreg:$0x1] =	wrdreg $0xFFFFFFFF  }
0xad: {  	[dreg:$0x0] =	wrdreg $0x60  }
0xae: {  	[dreg:$0x2] =	wrdreg s24  }
0xaf: {  	[dreg:$0x3] =	wrdreg s2  }
0xb0: {  	[dreg:$0x4] =	wrdreg $0x9  }
0xb1: {  	_ =	task.clear_ibuf [dreg:s7], $0x5FFFF;
	_ =	strace $0x90000049  }
0xb2: {  	s29 =	simm.s32 $0x9;
	_ =	strace $0x8000004B  }
0xb3: {  	_ =	swait.ge [sflag:s29], $0x1  }
0xb4: {  	[sflag:s29] =	ssyncadd.s32 $0xFFFFFFFF  }
0xb5: {  	_ =	strace $0x9000004B  }
0xb6: {  	_ =	sfence  }
0xb7: {  	s30 =	sld [smem:$0x0];
	_ =	sdelay $0x2  }
0xb8: {  	s31 =	sshll.u32 s1, $0xD;
	s1 =	sshrl.u32 s1, $0x2  }
0xb9: {  	s3 =	sand.u32 $0x4000, s31;
	s1 =	sadd.s32 s1, s30  }
0xba: {  	s0 =	sor.u32 s3, s0;
	s1 =	sshll.u32 s1, $0x11  }
0xbb: {  	s0 =	sor.u32 s1, s0  }
0xbc: {  	s0 =	sadd.s32 $0x8F2B, s0  }
0xbd: {  	[sflag:s0] =	ssyncadd.remote.s32 $0x1  }
0xbe: {  	_ =	sfence.sel $0xFFFF  }
0xbf: {  	[dreg:$0x0] =	wrdreg $0xFFFFFFFF;
	(pc) =	sbr.abs _section_cstart, $3  }
0xc0: {  	[dreg:$0x1] =	wrdreg $0xFFFFFFFF  }
0xc1: {  	_ =	task.clear_ibuf [dreg:s7], $0x2FFFF;
	_ =	strace $0x9FFFFFFF  }
0xc2: {  	(tm) =	ssettm $0x7FFFFFFF  }
0xc3: {  	_ =	shalt  }
tec
execute0_lowered:
.L_overlay_start_1:
0x0: {  	(tag) =	ssettag $0x1  }
0x1: {  	s1 =	srdreg.scid;
	s3 =	stileid.u32  }
0x2: {  	s1 =	sand.u32 $0x1, s1;
	s4 =	sshll.u32 s3, $0x1  }
0x3: {  	s5 =	sor.u32 s1, s4  }
0x4: {  	s0 =	rddreg [dreg:$0x0];
	s4 =	sshll.u32 s5, $0x4  }
0x5: {  	s2 =	rddreg [dreg:$0x1];
	s3 =	simm.s32 $0x0;
	s6 =	sadd.s32 s4, s0  }
0x6: {  	[smem:$0x7FF] =	sst s3;
	s20 =	sadd.s32 $0x1E9200, s6  }
0x7: {  	_ =	strace $0x8000004A;
	s21 =	sadd.s32 $0x1E9400, s6;
	[dreg:$0x3] =	wrdreg s20  }
0x8: {  	s22 =	sadd.s32 $0x1E9600, s6;
	[dreg:$0x4] =	wrdreg s21  }
0x9: {  	s23 =	sadd.s32 $0x1E9800, s6;
	[dreg:$0x5] =	wrdreg s22  }
0xa: {  	s24 =	sadd.s32 $0x1E9A00, s6;
	[dreg:$0x6] =	wrdreg s23  }
0xb: {  	s25 =	sadd.s32 $0x1E9C00, s6;
	[dreg:$0x7] =	wrdreg s24  }
0xc: {  	s26 =	sadd.s32 $0x1E9000, s6;
	[dreg:$0x8] =	wrdreg s25  }
0xd: {  	s7 =	sadd.s32 $0x1E9E00, s6;
	[dreg:$0x9] =	wrdreg s26  }
0xe: {  	s8 =	sadd.s32 $0x1EA000, s6;
	[dreg:$0xa] =	wrdreg s7  }
0xf: {  	s9 =	sadd.s32 $0x1EA200, s6;
	[dreg:$0xb] =	wrdreg s8  }
0x10: {  	s10 =	sadd.s32 $0x1EA400, s6;
	[dreg:$0xc] =	wrdreg s9  }
0x11: {  	s11 =	sadd.s32 $0x1EA600, s6;
	[dreg:$0xd] =	wrdreg s10  }
0x12: {  	s12 =	sadd.s32 $0x1EA800, s6;
	[dreg:$0xe] =	wrdreg s11  }
0x13: {  	s30 =	simm.s32 $0x1;
	s13 =	sadd.s32 $0x1EAA00, s6;
	[dreg:$0xf] =	wrdreg s12  }
0x14: {  	s31 =	simm.s32 $0xDD00;
	s14 =	sadd.s32 $0x1EAC00, s6;
	[dreg:$0x10] =	wrdreg s13  }
0x15: {  	s28 =	simm.s32 $0x800;
	s15 =	sadd.s32 $0x1EAE00, s6;
	[dreg:$0x11] =	wrdreg s14  }
0x16: {  	s29 =	simm.s32 $0x900;
	s16 =	sadd.s32 $0x1EB200, s6;
	[dreg:$0x12] =	wrdreg s15  }
0x17: {  	s17 =	ssub.s32 $0x2, s1;
	s18 =	sadd.s32 $0x1EB400, s6;
	[dreg:$0x13] =	wrdreg s16  }
0x18: {  	s1 =	sshll.u32 s5, $0x7;
	s19 =	sadd.s32 $0x1EB600, s6;
	[dreg:$0x14] =	wrdreg s18  }
0x19: {  	s5 =	sadd.s32 $0x1000, s2;
	s4 =	sadd.s32 $0xA00, s0;
	[dreg:$0x15] =	wrdreg s19  }
0x1a: {  	s20 =	sshrl.u32 s17, $0x1;
	s7 =	sadd.s32 $0x1EB800, s6;
	s21 =	sadd.s32 $0x1EBA00, s6  }
0x1b: {  	s22 =	sadd.s32 $0x1EBC00, s6;
	s23 =	sadd.s32 $0x1EBE00, s6;
	[dreg:$0x16] =	wrdreg s7  }
0x1c: {  	s24 =	sadd.s32 $0x1EB000, s6;
	s25 =	sadd.s32 $0x1EC000, s6;
	[dreg:$0x17] =	wrdreg s21  }
0x1d: {  	s26 =	sadd.s32 $0x1EC200, s6;
	s6 =	simm.s32 $0x80;
	[dreg:$0x18] =	wrdreg s22  }
0x1e: {  	s9 =	simm.s32 $0x2;
	s10 =	simm.s32 $0x3;
	[dreg:$0x19] =	wrdreg s23  }
0x1f: {  	v0 =	vlaneseq.u32;
	s11 =	simm.s32 $0xE100;
	s18 =	simm.s32 $0x380;
	[dreg:$0x1a] =	wrdreg s24  }
0x20: {  	v0 =	vmul.u32 $0x10, v0;
	s19 =	simm.s32 $0x400;
	s0 =	ssub.s32 s17, s20;
	[dreg:$0x1b] =	wrdreg s25  }
0x21: {  	[dreg:$0x1c] =	wrdreg s26;
	s17 =	simm.s32 $0x300;
	s20 =	simm.s32 $0x480  }
0x22: {  	v1 =	vor.u32 $0x100, v0;
	s21 =	simm.s32 $0x500;
	s22 =	simm.s32 $0x580;
	s23 =	simm.s32 $0x600  }
0x23: {  	v2 =	vor.u32 $0x200, v0;
	v3 =	vor.u32 $0x300, v0;
	v4 =	vor.u32 $0x400, v0;
	s24 =	simm.s32 $0x680;
	s25 =	simm.s32 $0x700;
	s0 =	smax.u32 s0, $0x1  }
0x24: {  	v5 =	vor.u32 $0x500, v0;
	v6 =	vor.u32 $0x600, v0;
	v7 =	vor.u32 $0x700, v0;
	s26 =	simm.s32 $0x780;
	[dreg:$0x1d] =	wrdreg s0;
	s0 =	simm.s32 $0x0  }
.LBB2_1:
0x25: {  	s12 =	rddreg [dreg:$0x9]  }
0x26: {  	[tilespmem:s3], [sflag:$0x1] =	stream.linear.gather [hbm4b:s12+s3], $0x80, $0x38;
	[tilespmem:$0xE500] =	vst v63  }
0x27: {  	s14 =	rddreg [dreg:$0x3]  }
0x28: {  	[tilespmem:s6], [sflag:$0x1] =	stream.linear.gather [hbm4b:s14+s3], $0x80, $0x38;
	[tilespmem:$0xE500] =	vst v63  }
0x29: {  	s15 =	rddreg [dreg:$0x4];
	s13 =	simm.s32 $0x100  }
0x2a: {  	[tilespmem:s13], [sflag:$0x1] =	stream.linear.gather [hbm4b:s15+s3], $0x80, $0x38;
	[tilespmem:$0xE500] =	vst v63  }
0x2b: {  	s16 =	rddreg [dreg:$0x5];
	s14 =	simm.s32 $0x180  }
0x2c: {  	[tilespmem:s14], [sflag:$0x1] =	stream.linear.gather [hbm4b:s16+s3], $0x80, $0x38;
	[tilespmem:$0xE500] =	vst v63  }
0x2d: {  	s7 =	rddreg [dreg:$0x6];
	s15 =	simm.s32 $0x200  }
0x2e: {  	[tilespmem:s15], [sflag:$0x1] =	stream.linear.gather [hbm4b:s7+s3], $0x80, $0x38;
	[tilespmem:$0xE500] =	vst v63  }
0x2f: {  	s8 =	rddreg [dreg:$0x7];
	s16 =	simm.s32 $0x280  }
0x30: {  	[tilespmem:s16], [sflag:$0x1] =	stream.linear.gather [hbm4b:s8+s3], $0x80, $0x38;
	[tilespmem:$0xE500] =	vst v63  }
0x31: {  	s7 =	rddreg [dreg:$0x8]  }
0x32: {  	[tilespmem:s17], [sflag:$0x1] =	stream.linear.gather [hbm4b:s7+s3], $0x80, $0x38;
	[tilespmem:$0xE500] =	vst v63  }
0x33: {  	s8 =	rddreg [dreg:$0xa]  }
0x34: {  	[tilespmem:s18], [sflag:$0x1] =	stream.linear.gather [hbm4b:s8+s3], $0x80, $0x38;
	[tilespmem:$0xE500] =	vst v63  }
0x35: {  	s7 =	rddreg [dreg:$0xb]  }
0x36: {  	[tilespmem:s19], [sflag:$0x1] =	stream.linear.gather [hbm4b:s7+s3], $0x80, $0x38;
	[tilespmem:$0xE500] =	vst v63  }
0x37: {  	s8 =	rddreg [dreg:$0xc]  }
0x38: {  	[tilespmem:s20], [sflag:$0x1] =	stream.linear.gather [hbm4b:s8+s3], $0x80, $0x38;
	[tilespmem:$0xE500] =	vst v63  }
0x39: {  	s7 =	rddreg [dreg:$0xd]  }
0x3a: {  	[tilespmem:s21], [sflag:$0x1] =	stream.linear.gather [hbm4b:s7+s3], $0x80, $0x38;
	[tilespmem:$0xE500] =	vst v63  }
0x3b: {  	s8 =	rddreg [dreg:$0xe]  }
0x3c: {  	[tilespmem:s22], [sflag:$0x1] =	stream.linear.gather [hbm4b:s8+s3], $0x80, $0x38;
	[tilespmem:$0xE500] =	vst v63  }
0x3d: {  	s7 =	rddreg [dreg:$0xf]  }
0x3e: {  	[tilespmem:s23], [sflag:$0x1] =	stream.linear.gather [hbm4b:s7+s3], $0x80, $0x38;
	[tilespmem:$0xE500] =	vst v63  }
0x3f: {  	s8 =	rddreg [dreg:$0x10]  }
0x40: {  	[tilespmem:s24], [sflag:$0x1] =	stream.linear.gather [hbm4b:s8+s3], $0x80, $0x38;
	[tilespmem:$0xE500] =	vst v63  }
0x41: {  	s7 =	rddreg [dreg:$0x11]  }
0x42: {  	[tilespmem:s25], [sflag:$0x1] =	stream.linear.gather [hbm4b:s7+s3], $0x80, $0x38;
	[tilespmem:$0xE500] =	vst v63  }
0x43: {  	s8 =	rddreg [dreg:$0x12]  }
0x44: {  	[tilespmem:s26], [sflag:$0x1] =	stream.linear.gather [hbm4b:s8+s3], $0x80, $0x38;
	[tilespmem:$0xE500] =	vst v63  }
0x45: {  	s7 =	rddreg [dreg:$0x1a]  }
0x46: {  	[tilespmem:s28], [sflag:$0x1] =	stream.linear.gather [hbm4b:s7+s3], $0x80, $0x38;
	[tilespmem:$0xE500] =	vst v63  }
0x47: {  	s8 =	rddreg [dreg:$0x13];
	s7 =	simm.s32 $0x880  }
0x48: {  	[tilespmem:s7], [sflag:$0x1] =	stream.linear.gather [hbm4b:s8+s3], $0x80, $0x38;
	[tilespmem:$0xE500] =	vst v63  }
0x49: {  	s8 =	rddreg [dreg:$0x14]  }
0x4a: {  	[tilespmem:s29], [sflag:$0x1] =	stream.linear.gather [hbm4b:s8+s3], $0x80, $0x38;
	[tilespmem:$0xE500] =	vst v63  }
0x4b: {  	s7 =	rddreg [dreg:$0x15];
	s8 =	simm.s32 $0x980  }
0x4c: {  	[tilespmem:s8], [sflag:$0x1] =	stream.linear.gather [hbm4b:s7+s3], $0x80, $0x38;
	[tilespmem:$0xE500] =	vst v63  }
0x4d: {  	s12 =	rddreg [dreg:$0x16];
	s7 =	simm.s32 $0xA00  }
0x4e: {  	[tilespmem:s7], [sflag:$0x1] =	stream.linear.gather [hbm4b:s12+s3], $0x80, $0x38;
	[tilespmem:$0xE500] =	vst v63  }
0x4f: {  	s12 =	rddreg [dreg:$0x17];
	s7 =	simm.s32 $0xA80  }
0x50: {  	[tilespmem:s7], [sflag:$0x1] =	stream.linear.gather [hbm4b:s12+s3], $0x80, $0x38;
	[tilespmem:$0xE500] =	vst v63  }
0x51: {  	s12 =	rddreg [dreg:$0x18];
	s7 =	simm.s32 $0xB00  }
0x52: {  	[tilespmem:s7], [sflag:$0x1] =	stream.linear.gather [hbm4b:s12+s3], $0x80, $0x38;
	[tilespmem:$0xE500] =	vst v63  }
0x53: {  	s12 =	rddreg [dreg:$0x19];
	s7 =	simm.s32 $0xB80  }
0x54: {  	[tilespmem:s7], [sflag:$0x1] =	stream.linear.gather [hbm4b:s12+s3], $0x80, $0x38;
	[tilespmem:$0xE500] =	vst v63  }
0x55: {  	s12 =	rddreg [dreg:$0x1b];
	s7 =	simm.s32 $0xC00  }
0x56: {  	[tilespmem:s7], [sflag:$0x1] =	stream.linear.gather [hbm4b:s12+s3], $0x80, $0x38;
	[tilespmem:$0xE500] =	vst v63  }
0x57: {  	s12 =	rddreg [dreg:$0x1c];
	s7 =	simm.s32 $0xC80  }
0x58: {  	[tilespmem:s7], [sflag:$0x1] =	stream.linear.gather [hbm4b:s12+s3], $0x80, $0x38;
	[tilespmem:$0xE500] =	vst v63  }
0x59: {  	_ =	swait.ge [sflag:s30], $0x80  }
0x5a: {  	[sflag:s30] =	ssyncset.done $0x0  }
0x5b: {  	[sflag:s30] =	ssyncadd.s32 $0xFFFFFF80  }
0x5c: {  	_ =	swait.ge [sflag:s30], $0x80  }
0x5d: {  	[sflag:s30] =	ssyncset.done $0x0  }
0x5e: {  	[sflag:s30] =	ssyncadd.s32 $0xFFFFFF80  }
0x5f: {  	_ =	swait.ge [sflag:s30], $0x80  }
0x60: {  	[sflag:s30] =	ssyncset.done $0x0  }
0x61: {  	[sflag:s30] =	ssyncadd.s32 $0xFFFFFF80  }
0x62: {  	_ =	swait.ge [sflag:s30], $0x80  }
0x63: {  	[sflag:s30] =	ssyncset.done $0x0  }
0x64: {  	[sflag:s30] =	ssyncadd.s32 $0xFFFFFF80  }
0x65: {  	_ =	swait.ge [sflag:s30], $0x80  }
0x66: {  	[sflag:s30] =	ssyncset.done $0x0  }
0x67: {  	[sflag:s30] =	ssyncadd.s32 $0xFFFFFF80  }
0x68: {  	_ =	swait.ge [sflag:s30], $0x80  }
0x69: {  	[sflag:s30] =	ssyncset.done $0x0  }
0x6a: {  	[sflag:s30] =	ssyncadd.s32 $0xFFFFFF80  }
0x6b: {  	_ =	swait.ge [sflag:s30], $0x80  }
0x6c: {  	[sflag:s30] =	ssyncset.done $0x0  }
0x6d: {  	[sflag:s30] =	ssyncadd.s32 $0xFFFFFF80  }
0x6e: {  	_ =	swait.ge [sflag:s30], $0x80  }
0x6f: {  	[sflag:s30] =	ssyncset.done $0x0  }
0x70: {  	[sflag:s30] =	ssyncadd.s32 $0xFFFFFF80  }
0x71: {  	_ =	swait.ge [sflag:s30], $0x80  }
0x72: {  	[sflag:s30] =	ssyncset.done $0x0  }
0x73: {  	[sflag:s30] =	ssyncadd.s32 $0xFFFFFF80  }
0x74: {  	_ =	swait.ge [sflag:s30], $0x80  }
0x75: {  	[sflag:s30] =	ssyncset.done $0x0  }
0x76: {  	[sflag:s30] =	ssyncadd.s32 $0xFFFFFF80  }
0x77: {  	_ =	swait.ge [sflag:s30], $0x80  }
0x78: {  	[sflag:s30] =	ssyncset.done $0x0  }
0x79: {  	[sflag:s30] =	ssyncadd.s32 $0xFFFFFF80  }
0x7a: {  	_ =	swait.ge [sflag:s30], $0x80  }
0x7b: {  	[sflag:s30] =	ssyncset.done $0x0  }
0x7c: {  	[sflag:s30] =	ssyncadd.s32 $0xFFFFFF80  }
0x7d: {  	_ =	swait.ge [sflag:s30], $0x80  }
0x7e: {  	[sflag:s30] =	ssyncset.done $0x0  }
0x7f: {  	[sflag:s30] =	ssyncadd.s32 $0xFFFFFF80  }
0x80: {  	_ =	swait.ge [sflag:s30], $0x80  }
0x81: {  	[sflag:s30] =	ssyncset.done $0x0  }
0x82: {  	[sflag:s30] =	ssyncadd.s32 $0xFFFFFF80  }
0x83: {  	_ =	swait.ge [sflag:s30], $0x80  }
0x84: {  	[sflag:s30] =	ssyncset.done $0x0  }
0x85: {  	[sflag:s30] =	ssyncadd.s32 $0xFFFFFF80  }
0x86: {  	_ =	swait.ge [sflag:s30], $0x80  }
0x87: {  	[sflag:s30] =	ssyncset.done $0x0  }
0x88: {  	[sflag:s30] =	ssyncadd.s32 $0xFFFFFF80  }
0x89: {  	_ =	swait.ge [sflag:s30], $0x80  }
0x8a: {  	[sflag:s30] =	ssyncset.done $0x0  }
0x8b: {  	[sflag:s30] =	ssyncadd.s32 $0xFFFFFF80  }
0x8c: {  	_ =	swait.ge [sflag:s30], $0x80  }
0x8d: {  	[sflag:s30] =	ssyncset.done $0x0  }
0x8e: {  	[sflag:s30] =	ssyncadd.s32 $0xFFFFFF80  }
0x8f: {  	_ =	swait.ge [sflag:s30], $0x80  }
0x90: {  	[sflag:s30] =	ssyncset.done $0x0  }
0x91: {  	[sflag:s30] =	ssyncadd.s32 $0xFFFFFF80  }
0x92: {  	_ =	swait.ge [sflag:s30], $0x80  }
0x93: {  	[sflag:s30] =	ssyncset.done $0x0  }
0x94: {  	[sflag:s30] =	ssyncadd.s32 $0xFFFFFF80  }
0x95: {  	_ =	swait.ge [sflag:s30], $0x80  }
0x96: {  	[sflag:s30] =	ssyncset.done $0x0  }
0x97: {  	[sflag:s30] =	ssyncadd.s32 $0xFFFFFF80  }
0x98: {  	_ =	swait.ge [sflag:s30], $0x80  }
0x99: {  	[sflag:s30] =	ssyncset.done $0x0  }
0x9a: {  	[sflag:s30] =	ssyncadd.s32 $0xFFFFFF80  }
0x9b: {  	_ =	swait.ge [sflag:s30], $0x80  }
0x9c: {  	[sflag:s30] =	ssyncset.done $0x0  }
0x9d: {  	[sflag:s30] =	ssyncadd.s32 $0xFFFFFF80  }
0x9e: {  	_ =	swait.ge [sflag:s30], $0x80  }
0x9f: {  	[sflag:s30] =	ssyncset.done $0x0  }
0xa0: {  	[sflag:s30] =	ssyncadd.s32 $0xFFFFFF80  }
0xa1: {  	_ =	swait.ge [sflag:s30], $0x80  }
0xa2: {  	[sflag:s30] =	ssyncset.done $0x0  }
0xa3: {  	[sflag:s30] =	ssyncadd.s32 $0xFFFFFF80  }
0xa4: {  	_ =	swait.ge [sflag:s30], $0x80  }
0xa5: {  	[sflag:s30] =	ssyncset.done $0x0  }
0xa6: {  	s7 =	simm.s32 $0xD00;
	[sflag:s30] =	ssyncadd.s32 $0xFFFFFF80  }
0xa7: {  	[tilespmem:s7], [sflag:$0x2] =	stream.indirect.gather [hbm4b:s4+s6], $0x10, s3, s6, $0xb8;
	[tilespmem:$0xE500] =	vst v63  }
0xa8: {  	s7 =	simm.s32 $0x1500  }
0xa9: {  	[tilespmem:s7], [sflag:$0x2] =	stream.indirect.gather [hbm4b:s4+s6], $0x10, s6, s6, $0xb8;
	[tilespmem:$0xE500] =	vst v63  }
0xaa: {  	s7 =	simm.s32 $0x1D00  }
0xab: {  	[tilespmem:s7], [sflag:$0x2] =	stream.indirect.gather [hbm4b:s4+s6], $0x10, s13, s6, $0xb8;
	[tilespmem:$0xE500] =	vst v63  }
0xac: {  	s13 =	simm.s32 $0x2500  }
0xad: {  	[tilespmem:s13], [sflag:$0x2] =	stream.indirect.gather [hbm4b:s4+s6], $0x10, s14, s6, $0xb8;
	[tilespmem:$0xE500] =	vst v63  }
0xae: {  	s14 =	simm.s32 $0x2D00  }
0xaf: {  	[tilespmem:s14], [sflag:$0x2] =	stream.indirect.gather [hbm4b:s4+s6], $0x10, s15, s6, $0xb8;
	[tilespmem:$0xE500] =	vst v63  }
0xb0: {  	s15 =	simm.s32 $0x3500  }
0xb1: {  	[tilespmem:s15], [sflag:$0x2] =	stream.indirect.gather [hbm4b:s4+s6], $0x10, s16, s6, $0xb8;
	[tilespmem:$0xE500] =	vst v63  }
0xb2: {  	s7 =	simm.s32 $0x3D00  }
0xb3: {  	[tilespmem:s7], [sflag:$0x2] =	stream.indirect.gather [hbm4b:s4+s6], $0x10, s17, s6, $0xb8;
	[tilespmem:$0xE500] =	vst v63  }
0xb4: {  	s13 =	simm.s32 $0x4500  }
0xb5: {  	[tilespmem:s13], [sflag:$0x2] =	stream.indirect.gather [hbm4b:s4+s6], $0x10, s18, s6, $0xb8;
	[tilespmem:$0xE500] =	vst v63  }
0xb6: {  	s14 =	simm.s32 $0x4D00  }
0xb7: {  	[tilespmem:s14], [sflag:$0x2] =	stream.indirect.gather [hbm4b:s4+s6], $0x10, s19, s6, $0xb8;
	[tilespmem:$0xE500] =	vst v63  }
0xb8: {  	s15 =	simm.s32 $0x5500  }
0xb9: {  	[tilespmem:s15], [sflag:$0x2] =	stream.indirect.gather [hbm4b:s4+s6], $0x10, s20, s6, $0xb8;
	[tilespmem:$0xE500] =	vst v63  }
0xba: {  	s16 =	simm.s32 $0x5D00  }
0xbb: {  	[tilespmem:s16], [sflag:$0x2] =	stream.indirect.gather [hbm4b:s4+s6], $0x10, s21, s6, $0xb8;
	[tilespmem:$0xE500] =	vst v63  }
0xbc: {  	s7 =	simm.s32 $0x6500  }
0xbd: {  	[tilespmem:s7], [sflag:$0x2] =	stream.indirect.gather [hbm4b:s4+s6], $0x10, s22, s6, $0xb8;
	[tilespmem:$0xE500] =	vst v63  }
0xbe: {  	s13 =	simm.s32 $0x6D00  }
0xbf: {  	[tilespmem:s13], [sflag:$0x2] =	stream.indirect.gather [hbm4b:s4+s6], $0x10, s23, s6, $0xb8;
	[tilespmem:$0xE500] =	vst v63  }
0xc0: {  	s14 =	simm.s32 $0x7500  }
0xc1: {  	[tilespmem:s14], [sflag:$0x2] =	stream.indirect.gather [hbm4b:s4+s6], $0x10, s24, s6, $0xb8;
	[tilespmem:$0xE500] =	vst v63  }
0xc2: {  	s15 =	simm.s32 $0x7D00  }
0xc3: {  	[tilespmem:s15], [sflag:$0x2] =	stream.indirect.gather [hbm4b:s4+s6], $0x10, s25, s6, $0xb8;
	[tilespmem:$0xE500] =	vst v63  }
0xc4: {  	s16 =	simm.s32 $0x8500  }
0xc5: {  	[tilespmem:s16], [sflag:$0x2] =	stream.indirect.gather [hbm4b:s4+s6], $0x10, s26, s6, $0xb8;
	[tilespmem:$0xE500] =	vst v63  }
0xc6: {  	s7 =	simm.s32 $0x8D00  }
0xc7: {  	[tilespmem:s7], [sflag:$0x2] =	stream.indirect.gather [hbm4b:s4+s6], $0x10, s28, s6, $0xb8;
	[tilespmem:$0xE500] =	vst v63  }
0xc8: {  	s13 =	simm.s32 $0x9500;
	s14 =	simm.s32 $0x880  }
0xc9: {  	[tilespmem:s13], [sflag:$0x2] =	stream.indirect.gather [hbm4b:s4+s6], $0x10, s14, s6, $0xb8;
	[tilespmem:$0xE500] =	vst v63  }
0xca: {  	s15 =	simm.s32 $0x9D00  }
0xcb: {  	[tilespmem:s15], [sflag:$0x2] =	stream.indirect.gather [hbm4b:s4+s6], $0x10, s29, s6, $0xb8;
	[tilespmem:$0xE500] =	vst v63  }
0xcc: {  	s16 =	simm.s32 $0xA500  }
0xcd: {  	[tilespmem:s16], [sflag:$0x2] =	stream.indirect.gather [hbm4b:s4+s6], $0x10, s8, s6, $0xb8;
	[tilespmem:$0xE500] =	vst v63  }
0xce: {  	s12 =	simm.s32 $0xA00;
	s8 =	simm.s32 $0xAD00  }
0xcf: {  	[tilespmem:s8], [sflag:$0x2] =	stream.indirect.gather [hbm4b:s4+s6], $0x10, s12, s6, $0xb8;
	[tilespmem:$0xE500] =	vst v63  }
0xd0: {  	s13 =	simm.s32 $0xB500;
	s14 =	simm.s32 $0xA80  }
0xd1: {  	[tilespmem:s13], [sflag:$0x2] =	stream.indirect.gather [hbm4b:s4+s6], $0x10, s14, s6, $0xb8;
	[tilespmem:$0xE500] =	vst v63  }
0xd2: {  	s15 =	simm.s32 $0xBD00;
	s16 =	simm.s32 $0xB00  }
0xd3: {  	[tilespmem:s15], [sflag:$0x2] =	stream.indirect.gather [hbm4b:s4+s6], $0x10, s16, s6, $0xb8;
	[tilespmem:$0xE500] =	vst v63  }
0xd4: {  	s8 =	simm.s32 $0xC500;
	s12 =	simm.s32 $0xB80  }
0xd5: {  	[tilespmem:s8], [sflag:$0x2] =	stream.indirect.gather [hbm4b:s4+s6], $0x10, s12, s6, $0xb8;
	[tilespmem:$0xE500] =	vst v63  }
0xd6: {  	s13 =	simm.s32 $0xCD00;
	s14 =	simm.s32 $0xC00  }
0xd7: {  	[tilespmem:s13], [sflag:$0x2] =	stream.indirect.gather [hbm4b:s4+s6], $0x10, s14, s6, $0xb8;
	[tilespmem:$0xE500] =	vst v63  }
0xd8: {  	s15 =	simm.s32 $0xD500;
	s16 =	simm.s32 $0xC80  }
0xd9: {  	[tilespmem:s15], [sflag:$0x2] =	stream.indirect.gather [hbm4b:s4+s6], $0x10, s16, s6, $0xb8;
	[tilespmem:$0xE500] =	vst v63  }
0xda: {  	_ =	swait.ge [sflag:s9], $0x800  }
0xdb: {  	[sflag:s9] =	ssyncset.done $0x0  }
0xdc: {  	[sflag:s9] =	ssyncadd.s32 $0xFFFFF800  }
0xdd: {  	_ =	swait.ge [sflag:s9], $0x800  }
0xde: {  	[sflag:s9] =	ssyncset.done $0x0  }
0xdf: {  	[sflag:s9] =	ssyncadd.s32 $0xFFFFF800  }
0xe0: {  	_ =	swait.ge [sflag:s9], $0x800  }
0xe1: {  	[sflag:s9] =	ssyncset.done $0x0  }
0xe2: {  	[sflag:s9] =	ssyncadd.s32 $0xFFFFF800  }
0xe3: {  	_ =	swait.ge [sflag:s9], $0x800  }
0xe4: {  	[sflag:s9] =	ssyncset.done $0x0  }
0xe5: {  	[sflag:s9] =	ssyncadd.s32 $0xFFFFF800  }
0xe6: {  	_ =	swait.ge [sflag:s9], $0x800  }
0xe7: {  	[sflag:s9] =	ssyncset.done $0x0  }
0xe8: {  	[sflag:s9] =	ssyncadd.s32 $0xFFFFF800  }
0xe9: {  	_ =	swait.ge [sflag:s9], $0x800  }
0xea: {  	[sflag:s9] =	ssyncset.done $0x0  }
0xeb: {  	[sflag:s9] =	ssyncadd.s32 $0xFFFFF800  }
0xec: {  	_ =	swait.ge [sflag:s9], $0x800  }
0xed: {  	[sflag:s9] =	ssyncset.done $0x0  }
0xee: {  	[sflag:s9] =	ssyncadd.s32 $0xFFFFF800  }
0xef: {  	_ =	swait.ge [sflag:s9], $0x800  }
0xf0: {  	[sflag:s9] =	ssyncset.done $0x0  }
0xf1: {  	[sflag:s9] =	ssyncadd.s32 $0xFFFFF800  }
0xf2: {  	_ =	swait.ge [sflag:s9], $0x800  }
0xf3: {  	[sflag:s9] =	ssyncset.done $0x0  }
0xf4: {  	[sflag:s9] =	ssyncadd.s32 $0xFFFFF800  }
0xf5: {  	_ =	swait.ge [sflag:s9], $0x800  }
0xf6: {  	[sflag:s9] =	ssyncset.done $0x0  }
0xf7: {  	[sflag:s9] =	ssyncadd.s32 $0xFFFFF800  }
0xf8: {  	_ =	swait.ge [sflag:s9], $0x800  }
0xf9: {  	[sflag:s9] =	ssyncset.done $0x0  }
0xfa: {  	[sflag:s9] =	ssyncadd.s32 $0xFFFFF800  }
0xfb: {  	_ =	swait.ge [sflag:s9], $0x800  }
0xfc: {  	[sflag:s9] =	ssyncset.done $0x0  }
0xfd: {  	[sflag:s9] =	ssyncadd.s32 $0xFFFFF800  }
0xfe: {  	_ =	swait.ge [sflag:s9], $0x800  }
0xff: {  	[sflag:s9] =	ssyncset.done $0x0  }
0x100: {  	[sflag:s9] =	ssyncadd.s32 $0xFFFFF800  }
0x101: {  	_ =	swait.ge [sflag:s9], $0x800  }
0x102: {  	[sflag:s9] =	ssyncset.done $0x0  }
0x103: {  	[sflag:s9] =	ssyncadd.s32 $0xFFFFF800  }
0x104: {  	_ =	swait.ge [sflag:s9], $0x800  }
0x105: {  	[sflag:s9] =	ssyncset.done $0x0  }
0x106: {  	[sflag:s9] =	ssyncadd.s32 $0xFFFFF800  }
0x107: {  	_ =	swait.ge [sflag:s9], $0x800  }
0x108: {  	[sflag:s9] =	ssyncset.done $0x0  }
0x109: {  	[sflag:s9] =	ssyncadd.s32 $0xFFFFF800  }
0x10a: {  	_ =	swait.ge [sflag:s9], $0x800  }
0x10b: {  	[sflag:s9] =	ssyncset.done $0x0  }
0x10c: {  	[sflag:s9] =	ssyncadd.s32 $0xFFFFF800  }
0x10d: {  	_ =	swait.ge [sflag:s9], $0x800  }
0x10e: {  	[sflag:s9] =	ssyncset.done $0x0  }
0x10f: {  	[sflag:s9] =	ssyncadd.s32 $0xFFFFF800  }
0x110: {  	_ =	swait.ge [sflag:s9], $0x800  }
0x111: {  	[sflag:s9] =	ssyncset.done $0x0  }
0x112: {  	[sflag:s9] =	ssyncadd.s32 $0xFFFFF800  }
0x113: {  	_ =	swait.ge [sflag:s9], $0x800  }
0x114: {  	[sflag:s9] =	ssyncset.done $0x0  }
0x115: {  	[sflag:s9] =	ssyncadd.s32 $0xFFFFF800  }
0x116: {  	_ =	swait.ge [sflag:s9], $0x800  }
0x117: {  	[sflag:s9] =	ssyncset.done $0x0  }
0x118: {  	[sflag:s9] =	ssyncadd.s32 $0xFFFFF800  }
0x119: {  	_ =	swait.ge [sflag:s9], $0x800  }
0x11a: {  	[sflag:s9] =	ssyncset.done $0x0  }
0x11b: {  	[sflag:s9] =	ssyncadd.s32 $0xFFFFF800  }
0x11c: {  	_ =	swait.ge [sflag:s9], $0x800  }
0x11d: {  	[sflag:s9] =	ssyncset.done $0x0  }
0x11e: {  	[sflag:s9] =	ssyncadd.s32 $0xFFFFF800  }
0x11f: {  	_ =	swait.ge [sflag:s9], $0x800  }
0x120: {  	[sflag:s9] =	ssyncset.done $0x0  }
0x121: {  	[sflag:s9] =	ssyncadd.s32 $0xFFFFF800  }
0x122: {  	_ =	swait.ge [sflag:s9], $0x800  }
0x123: {  	[sflag:s9] =	ssyncset.done $0x0  }
0x124: {  	[sflag:s9] =	ssyncadd.s32 $0xFFFFF800  }
0x125: {  	_ =	swait.ge [sflag:s9], $0x800  }
0x126: {  	[sflag:s9] =	ssyncset.done $0x0  }
0x127: {  	s12 =	simm.s32 $0x0;
	[sflag:s9] =	ssyncadd.s32 $0xFFFFF800  }
.LBB2_2:
0x128: {  	s13 =	simm.s32 $0x0  }
0x129: {  	v8 =	vmov s13  }
0x12a: {  	v8 =	vand.u32 $0xF, v8  }
0x12b: {  	v8 =	vbroadcast v8, $0x0;
	_ =	sdelay $0x1  }
0x12c: {  	v9 =	vor.u32 v0, v8;
	_ =	sdelay $0x1  }
0x12d: {  	s13 =	sshll.u32 s12, $0xD  }
0x12e: {  	s14 =	sshrl.u32 s13, $0x2  }
0x12f: {  	s14 =	sadd.s32 $0xD00, s14  }
0x130: {  	v9 =	vld.idx.msk [tilespmem:v9+s14+$0x0], $0xffff  }
0x131: {  	v10 =	vor.u32 v1, v8;
	_ =	sdelay $0x2  }
0x132: {  	s15 =	simm.s32 $0xDD40  }
0x133: {  	[tilespmem:s15+$0xFFFFFFC0] =	vst v9  }
0x134: {  	v9 =	vld.idx.msk [tilespmem:v10+s14+$0x0], $0xffff  }
0x135: {  	v10 =	vor.u32 v2, v8;
	_ =	sdelay $0x3  }
0x136: {  	[tilespmem:s15+$0xFFFFFFD0] =	vst v9  }
0x137: {  	v9 =	vld.idx.msk [tilespmem:v10+s14+$0x0], $0xffff  }
0x138: {  	v10 =	vor.u32 v3, v8;
	_ =	sdelay $0x3  }
0x139: {  	[tilespmem:s15+$0xFFFFFFE0] =	vst v9  }
0x13a: {  	v9 =	vld.idx.msk [tilespmem:v10+s14+$0x0], $0xffff  }
0x13b: {  	v10 =	vor.u32 v4, v8;
	_ =	sdelay $0x3  }
0x13c: {  	[tilespmem:s15+$0xFFFFFFF0] =	vst v9  }
0x13d: {  	v9 =	vld.idx.msk [tilespmem:v10+s14+$0x0], $0xffff  }
0x13e: {  	v10 =	vor.u32 v5, v8;
	_ =	sdelay $0x3  }
0x13f: {  	[tilespmem:s15+$0x0] =	vst v9  }
0x140: {  	v9 =	vld.idx.msk [tilespmem:v10+s14+$0x0], $0xffff  }
0x141: {  	v10 =	vor.u32 v6, v8;
	_ =	sdelay $0x3  }
0x142: {  	[tilespmem:s15+$0x10] =	vst v9  }
0x143: {  	v9 =	vld.idx.msk [tilespmem:v10+s14+$0x0], $0xffff  }
0x144: {  	v8 =	vor.u32 v7, v8;
	_ =	sdelay $0x1  }
0x145: {  	s16 =	simm.s32 $0x1  }
0x146: {  	v10 =	vmov s16;
	s16 =	simm.s32 $0x2  }
.LBB2_3:
0x147: {  	p0 =	sne.s32 s16, $0xF;
	v10 =	vand.u32 $0xF, v10;
	[tilespmem:s15+$0x20] =	vst v9  }
0x148: {  	v10 =	vbroadcast v10, $0x0;
	v8 =	vld.idx.msk [tilespmem:v8+s14+$0x0], $0xffff;
	_ =	sdelay $0x1  }
0x149: {  	v9 =	vor.u32 v0, v10;
	_ =	sdelay $0x3  }
0x14a: {  	[tilespmem:s15+$0x30] =	vst v8  }
0x14b: {  	v8 =	vld.idx.msk [tilespmem:v9+s14+$0x0], $0xffff;
	_ =	sdelay $0x1  }
0x14c: {  	v9 =	vor.u32 v1, v10;
	_ =	sdelay $0x2  }
0x14d: {  	s15 =	sadd.s32 $0x80, s15  }
0x14e: {  	[tilespmem:s15+$0xFFFFFFC0] =	vst v8  }
0x14f: {  	v8 =	vld.idx.msk [tilespmem:v9+s14+$0x0], $0xffff;
	_ =	sdelay $0x1  }
0x150: {  	v9 =	vor.u32 v2, v10;
	_ =	sdelay $0x3  }
0x151: {  	[tilespmem:s15+$0xFFFFFFD0] =	vst v8  }
0x152: {  	v8 =	vld.idx.msk [tilespmem:v9+s14+$0x0], $0xffff;
	_ =	sdelay $0x1  }
0x153: {  	v9 =	vor.u32 v3, v10;
	_ =	sdelay $0x3  }
0x154: {  	[tilespmem:s15+$0xFFFFFFE0] =	vst v8  }
0x155: {  	v8 =	vld.idx.msk [tilespmem:v9+s14+$0x0], $0xffff;
	_ =	sdelay $0x1  }
0x156: {  	v9 =	vor.u32 v4, v10;
	_ =	sdelay $0x3  }
0x157: {  	[tilespmem:s15+$0xFFFFFFF0] =	vst v8  }
0x158: {  	v8 =	vld.idx.msk [tilespmem:v9+s14+$0x0], $0xffff;
	_ =	sdelay $0x1  }
0x159: {  	v9 =	vor.u32 v5, v10;
	_ =	sdelay $0x3  }
0x15a: {  	[tilespmem:s15+$0x0] =	vst v8  }
0x15b: {  	v8 =	vld.idx.msk [tilespmem:v9+s14+$0x0], $0xffff;
	_ =	sdelay $0x1  }
0x15c: {  	v9 =	vor.u32 v6, v10;
	_ =	sdelay $0x3  }
0x15d: {  	[tilespmem:s15+$0x10] =	vst v8  }
0x15e: {  	v9 =	vld.idx.msk [tilespmem:v9+s14+$0x0], $0xffff  }
.Ltmp0:
0x15f: {  	(pc) =	sbr.rel @p0 .LBB2_3-.Ltmp0, $2  }
0x160: {  	v8 =	vor.u32 v7, v10;
	_ =	sdelay $0x2  }
0x161: {  	v10 =	vmov s16;
	s16 =	sadd.s32 $0x1, s16  }
0x162: {  	_ =	sdelay $0x1  }
0x163: {  	v10 =	vand.u32 $0xF, v10  }
0x164: {  	[tilespmem:s15+$0x20] =	vst v9;
	v57 =	vbroadcast v10, $0x0  }
0x165: {  	v8 =	vld.idx.msk [tilespmem:v8+s14+$0x0], $0xffff  }
0x166: {  	v10 =	vor.u32 v0, v57;
	_ =	sdelay $0x3  }
0x167: {  	[tilespmem:s15+$0x30] =	vst v8  }
0x168: {  	v8 =	vld.idx.msk [tilespmem:v10+s14+$0x0], $0xffff  }
0x169: {  	v58 =	vor.u32 v1, v57;
	_ =	sdelay $0x2  }
0x16a: {  	s8 =	sadd.s32 $0x80, s15  }
0x16b: {  	[tilespmem:s8+$0xFFFFFFC0] =	vst v8  }
0x16c: {  	v8 =	vld.idx.msk [tilespmem:v58+s14+$0x0], $0xffff  }
0x16d: {  	v59 =	vor.u32 v2, v57;
	_ =	sdelay $0x3  }
0x16e: {  	[tilespmem:s8+$0xFFFFFFD0] =	vst v8  }
0x16f: {  	v8 =	vld.idx.msk [tilespmem:v59+s14+$0x0], $0xffff  }
0x170: {  	v60 =	vor.u32 v3, v57;
	_ =	sdelay $0x3  }
0x171: {  	[tilespmem:s8+$0xFFFFFFE0] =	vst v8  }
0x172: {  	v8 =	vld.idx.msk [tilespmem:v60+s14+$0x0], $0xffff  }
0x173: {  	v61 =	vor.u32 v4, v57;
	_ =	sdelay $0x3  }
0x174: {  	[tilespmem:s8+$0xFFFFFFF0] =	vst v8  }
0x175: {  	v8 =	vld.idx.msk [tilespmem:v61+s14+$0x0], $0xffff  }
0x176: {  	v62 =	vor.u32 v5, v57;
	_ =	sdelay $0x3  }
0x177: {  	[tilespmem:s8+$0x0] =	vst v8  }
0x178: {  	v8 =	vld.idx.msk [tilespmem:v62+s14+$0x0], $0xffff  }
0x179: {  	v63 =	vor.u32 v6, v57;
	_ =	sdelay $0x3  }
0x17a: {  	[tilespmem:s8+$0x10] =	vst v8  }
0x17b: {  	v8 =	vld.idx.msk [tilespmem:v63+s14+$0x0], $0xffff  }
0x17c: {  	v9 =	vor.u32 v7, v57;
	_ =	sdelay $0x3  }
0x17d: {  	[tilespmem:s8+$0x20] =	vst v8  }
0x17e: {  	v8 =	vld.idx.msk [tilespmem:v9+s14+$0x0], $0xffff;
	_ =	sdelay $0x3  }
0x17f: {  	s13 =	sor.u32 s1, s13  }
0x180: {  	s16 =	sadd.s32 s2, s13;
	[tilespmem:s8+$0x30] =	vst v8  }
0x181: {  	[hbm4b:s16+s3] =	stream.linear.scatter [tilespmem:s31], [sflag:$0x3], $0x400, $0x38;
	[tilespmem:$0xE500] =	vst v63  }
0x182: {  	s12 =	sadd.s32 $0x1, s12;
	_ =	swait.ge [sflag:s10], $0x400  }
0x183: {  	p0 =	sne.s32 s12, $0x1A;
	[sflag:s10] =	ssyncset.done $0x0  }
.Ltmp1:
0x184: {  	s13 =	sadd.s32 s13, s5;
	[sflag:s10] =	ssyncadd.s32 $0xFFFFFC00;
	(pc) =	sbr.rel @p0 .LBB2_2-.Ltmp1, $4  }
0x185: {  	[hbm4b:s13+s3] =	stream.linear.scatter [tilespmem:s11], [sflag:$0x3], $0x400, $0x38;
	[tilespmem:$0xE500] =	vst v63  }
0x186: {  	_ =	swait.ge [sflag:s10], $0x400  }
0x187: {  	[sflag:s10] =	ssyncset.done $0x0  }
0x188: {  	[sflag:s10] =	ssyncadd.s32 $0xFFFFFC00  }
0x189: {  	s0 =	sadd.s32 $0x1, s0;
	s12 =	rddreg [dreg:$0x1d]  }
0x18a: {  	p0 =	sne.s32 s0, s12  }
.Ltmp2:
0x18b: {  	_ = 	snop;
	(pc) =	sbr.rel @p0 .LBB2_1-.Ltmp2, $1  }
0x18c: {  	_ =	sdelay $0x3  }
0x18d: {  	_ =	sfence.sel $0x180000  }
0x18e: {  	[bflag:$0x0] =	sbarrier.arrive $0xFFFF  }
0x18f: {  	_ =	strace $0x9000004A  }
0x190: {  	s0 =	stileid.u32;
	[bflag:$0x2] =	sbarrier.arrive $0xFFFF  }
0x191: {  	p0 =	sne.s32 s0, $0x0;
	s0 =	rddreg [dreg:$0x2]  }
0x192: {  	s0 =	sadd.s32 @!p0 $0x100000, s0  }
0x193: {  	[sflag:s0] =	ssyncadd.tile.s32 @!p0 $0x1;
	_ =	shalt  }
.Lfunc_end2:
_tile_overlayer_lowered:
.L_overlay_start_2:
0x194: {  	(tag) =	ssettag $0x2  }
0x195: {  	s0 =	rddreg [dreg:$0x0];
	s2 =	stileid.u32  }
0x196: {  	s1 =	rddreg [dreg:$0x1];
	p0 =	sne.s32 s2, $0x0  }
0x197: {  	s3 =	rddreg [dreg:$0x2];
	[bflag:$0x3] =	sbarrier.arrive $0xFFFF;
	s2 =	simm.s32 @!p0 $0x1C03  }
0x198: {  	[timem:s3], [sflag:s2] =	dma.local @!p0 [hbm:s0], s1  }
0x199: {  	s0 =	simm.s32 @!p0 $0x3  }
0x19a: {  	_ =	swait.ge @!p0 [sflag:s0], s1  }
0x19b: {  	s1 =	ssub.s32 @!p0 $0x0, s1;
	[sflag:s0] =	ssyncset.done @!p0 $0x0  }
0x19c: {  	[sflag:s0] =	ssyncadd.s32 @!p0 s1  }
0x19d: {  	[bflag:$0x3] =	sbarrier.arrive $0xFFFF  }
0x19e: {  	_ =	shalt  }

</sc_bundles>
